<compile_context>
chip_gen: v7x
topology: tpu7x:2x2x1
jax: 0.10.2.dev20260603
libtpu: 0.0.44.dev20260713+nightly
codegen_flags: <defaults>
</compile_context>

<pallas_src>
import functools

import jax
import jax.numpy as jnp
from jax import lax
from jax.experimental import pallas as pl
from jax.experimental.pallas import tpu as pltpu
from jax.experimental.pallas import tpu_sc as plsc

_N = 10000
_E = 160000
_G = 64
_DIN = 256
_DH = 512
_DOUT = 128

_F = 128
_NT = 16
_NC = 2
_S0 = 624
_SL = _N - (_NT - 1) * _S0
_K = 125
_RPT = (_E // _K) // _NT
_WIN = _RPT // 2
_KH = 125
_RPW = (_E // _KH) // (_NC * _NT)
_BN = 1000

_mesh = plsc.VectorSubcoreMesh(core_axis_name="c", subcore_axis_name="s")


def _striped(t, fn):
    @pl.when(t < _NT - 1)
    def _main():
        fn(t * _S0, _S0)

    @pl.when(t == _NT - 1)
    def _last():
        fn((_NT - 1) * _S0, _SL)


def _hist_body(dst2_hbm, out0_hbm, out1_hbm, hist, zbuf, obuf, hidx):
    c = lax.axis_index("c")
    t = lax.axis_index("s")

    def _zb(i, carry):
        zbuf[pl.ds(i * 16, 16)] = jnp.zeros((16,), jnp.float32)
        return carry

    lax.fori_loop(0, _SL // 16, _zb, 0)

    def _ob(i, carry):
        obuf[pl.ds(i * 16, 16)] = jnp.ones((16,), jnp.float32)
        return carry

    lax.fori_loop(0, 8, _ob, 0)

    def _zero(row0, nrows):
        pltpu.sync_copy(zbuf.at[pl.ds(0, nrows)], hist.at[pl.ds(row0, nrows)])

    _striped(t, _zero)
    plsc.subcore_barrier()

    w = c * _NT + t
    pltpu.sync_copy(dst2_hbm.at[pl.ds(w * _RPW, _RPW)], hidx)

    def _body(j, carry):
        pltpu.sync_copy(obuf.at[pl.ds(0, _KH)], hist.at[hidx.at[j]], add=True)
        return carry

    lax.fori_loop(0, _RPW, _body, 0)
    plsc.subcore_barrier()

    @pl.when(c == 0)
    def _d0():
        def _drain(row0, nrows):
            pltpu.sync_copy(hist.at[pl.ds(row0, nrows)],
                            zbuf.at[pl.ds(0, nrows)])
            pltpu.sync_copy(zbuf.at[pl.ds(0, nrows)],
                            out0_hbm.at[pl.ds(row0, nrows)])
        _striped(t, _drain)

    @pl.when(c == 1)
    def _d1():
        def _drain(row0, nrows):
            pltpu.sync_copy(hist.at[pl.ds(row0, nrows)],
                            zbuf.at[pl.ds(0, nrows)])
            pltpu.sync_copy(zbuf.at[pl.ds(0, nrows)],
                            out1_hbm.at[pl.ds(row0, nrows)])
        _striped(t, _drain)


_hist = functools.partial(
    pl.kernel,
    out_type=[jax.ShapeDtypeStruct((_N,), jnp.float32),
              jax.ShapeDtypeStruct((_N,), jnp.float32)],
    mesh=_mesh,
    scratch_types=[
        pltpu.VMEM_SHARED((_N,), jnp.float32),
        pltpu.VMEM((_SL,), jnp.float32),
        pltpu.VMEM((128,), jnp.float32),
        pltpu.VMEM((_RPW, _KH), jnp.int32),
    ],
)(_hist_body)


def _make_agg(num_slices, dtype):
    spc = num_slices // _NC

    def body(xs_hbm, src2_hbm, dst2_hbm, out_hbm,
             acc, sidx, didx, rb0, rb1, sem0, sem1):
        c = lax.axis_index("c")
        t = lax.axis_index("s")
        bufs = (rb0, rb1)
        sems = (sem0, sem1)

        for cv in range(_NC):
            @pl.when(c == cv)
            def _core():
                for j in range(spc):
                    s = cv * spc + j
                    tbl = xs_hbm.at[s]

                    def _init(row0, nrows):
                        pltpu.sync_copy(tbl.at[pl.ds(row0, nrows)],
                                        acc.at[pl.ds(row0, nrows)])
                    _striped(t, _init)
                    plsc.subcore_barrier()

                    def _gstart(r, b):
                        pltpu.make_async_copy(tbl.at[sidx.at[r]],
                                              bufs[b], sems[b]).start()

                    def _gwait(b):
                        pltpu.make_async_copy(tbl.at[sidx.at[0]],
                                              bufs[b], sems[b]).wait()

                    for g in range(_RPT // _WIN):
                        base = t * _RPT + g * _WIN
                        pltpu.sync_copy(src2_hbm.at[pl.ds(base, _WIN)], sidx)
                        pltpu.sync_copy(dst2_hbm.at[pl.ds(base, _WIN)], didx)
                        _gstart(0, 0)

                        def _pair(p, carry):
                            r0 = 2 * p
                            r1 = r0 + 1

                            _gstart(r1, 1)
                            _gwait(0)
                            pltpu.sync_copy(rb0, acc.at[didx.at[r0]],
                                            add=True)

                            @pl.when(r0 + 2 < _WIN)
                            def _g0():
                                _gstart(r0 + 2, 0)

                            _gwait(1)
                            pltpu.sync_copy(rb1, acc.at[didx.at[r1]],
                                            add=True)
                            return carry

                        lax.fori_loop(0, _WIN // 2, _pair, 0)

                    plsc.subcore_barrier()

                    def _drain(row0, nrows):
                        pltpu.sync_copy(acc.at[pl.ds(row0, nrows)],
                                        out_hbm.at[s].at[pl.ds(row0, nrows)])
                    _striped(t, _drain)

    return functools.partial(
        pl.kernel,
        out_type=jax.ShapeDtypeStruct((num_slices, _N, _F), dtype),
        mesh=_mesh,
        scratch_types=[
            pltpu.VMEM_SHARED((_N, _F), dtype),
            pltpu.VMEM((_WIN, _K), jnp.int32),
            pltpu.VMEM((_WIN, _K), jnp.int32),
            pltpu.VMEM((_K, _F), dtype),
            pltpu.VMEM((_K, _F), dtype),
            pltpu.SemaphoreType.DMA,
            pltpu.SemaphoreType.DMA,
        ],
    )(body)


_agg_k2 = _make_agg(2, jnp.float32)
_agg_k4 = _make_agg(4, jnp.float32)


def _prep_body(x_ref, d0_ref, d1_ref, dinv_ref, xs_ref):
    deg = (d0_ref[...] + d1_ref[...]).reshape(_BN) + 1.0
    di = lax.rsqrt(deg)
    dinv_ref[...] = di.reshape(1, 1, _BN)
    xsb = x_ref[...] * di[:, None]
    xs_ref[0] = xsb[:, :_F]
    xs_ref[1] = xsb[:, _F:]


def _prep(x, d0, d1):
    return pl.pallas_call(
        _prep_body,
        grid=(_N // _BN,),
        in_specs=[
            pl.BlockSpec((_BN, _DIN), lambda i: (i, 0)),
            pl.BlockSpec((1, 1, _BN), lambda i: (i, 0, 0)),
            pl.BlockSpec((1, 1, _BN), lambda i: (i, 0, 0)),
        ],
        out_specs=[
            pl.BlockSpec((1, 1, _BN), lambda i: (i, 0, 0)),
            pl.BlockSpec((2, _BN, _F), lambda i: (0, i, 0)),
        ],
        out_shape=[
            jax.ShapeDtypeStruct((_N // _BN, 1, _BN), jnp.float32),
            jax.ShapeDtypeStruct((2, _N, _F), jnp.float32),
        ],
    )(x, d0, d1)


def _layer_body(agg_ref, dinv_ref, w_ref, b_ref, out_ref):
    di = dinv_ref[...].reshape(_BN)
    h = jnp.zeros((_BN, _DH), jnp.float32)
    for s in range(2):
        a = (agg_ref[s] * di[:, None]).astype(jnp.bfloat16)
        h = h + jnp.dot(a, w_ref[s], preferred_element_type=jnp.float32)
    h = jnp.maximum(h + b_ref[...][None, :], 0.0)
    h = h * di[:, None]
    for s in range(_DH // _F):
        out_ref[s] = h[:, s * _F:(s + 1) * _F]


def _layer(agg, dinv, w, b):
    return pl.pallas_call(
        _layer_body,
        grid=(_N // _BN,),
        in_specs=[
            pl.BlockSpec((2, _BN, _F), lambda i: (0, i, 0)),
            pl.BlockSpec((1, 1, _BN), lambda i: (i, 0, 0)),
            pl.BlockSpec((2, _F, _DH), lambda i: (0, 0, 0)),
            pl.BlockSpec((_DH,), lambda i: (0,)),
        ],
        out_specs=pl.BlockSpec((_DH // _F, _BN, _F), lambda i: (0, i, 0)),
        out_shape=jax.ShapeDtypeStruct((_DH // _F, _N, _F), jnp.float32),
    )(agg, dinv, w, b)


def _l2pool_body(agg_ref, dinv_ref, batch_ref, w_ref, b_ref, wout_ref,
                 bout_ref, out_ref, acc, cnt):
    i = pl.program_id(0)

    @pl.when(i == 0)
    def _init():
        acc[...] = jnp.zeros_like(acc)
        cnt[...] = jnp.zeros_like(cnt)

    di = dinv_ref[...].reshape(_BN)
    h = jnp.zeros((_BN, _DH), jnp.float32)
    for s in range(4):
        a = (agg_ref[s] * di[:, None]).astype(jnp.bfloat16)
        h = h + jnp.dot(a, w_ref[s], preferred_element_type=jnp.float32)
    h = jnp.maximum(h + b_ref[...][None, :], 0.0)

    bt = batch_ref[...].reshape(_BN)
    gid = lax.broadcasted_iota(jnp.int32, (_G, _BN), 0)
    oh = (bt[None, :] == gid).astype(jnp.bfloat16)
    acc[...] += jnp.dot(oh, h.astype(jnp.bfloat16),
                        preferred_element_type=jnp.float32)
    cnt[...] += jnp.sum(oh.astype(jnp.float32), axis=1, keepdims=True)

    @pl.when(i == _N // _BN - 1)
    def _fin():
        pooled = (acc[...] / jnp.maximum(cnt[...], 1.0)).astype(jnp.bfloat16)
        out_ref[...] = (jnp.dot(pooled, wout_ref[...],
                                preferred_element_type=jnp.float32)
                        + bout_ref[...][None, :])


def _l2pool(agg, dinv, batch3, w, b, wout, bout):
    return pl.pallas_call(
        _l2pool_body,
        grid=(_N // _BN,),
        in_specs=[
            pl.BlockSpec((4, _BN, _F), lambda i: (0, i, 0)),
            pl.BlockSpec((1, 1, _BN), lambda i: (i, 0, 0)),
            pl.BlockSpec((1, 1, _BN), lambda i: (i, 0, 0)),
            pl.BlockSpec((4, _F, _DH), lambda i: (0, 0, 0)),
            pl.BlockSpec((_DH,), lambda i: (0,)),
            pl.BlockSpec((_DH, _DOUT), lambda i: (0, 0)),
            pl.BlockSpec((_DOUT,), lambda i: (0,)),
        ],
        out_specs=pl.BlockSpec((_G, _DOUT), lambda i: (0, 0)),
        out_shape=jax.ShapeDtypeStruct((_G, _DOUT), jnp.float32),
        scratch_shapes=[
            pltpu.VMEM((_G, _DH), jnp.float32),
            pltpu.VMEM((_G, 1), jnp.float32),
        ],
    )(agg, dinv, batch3, w, b, wout, bout)


def kernel(x, edge_index, batch, W1, b1, W2, b2, Wout, bout):
    src = edge_index[0]
    dst = edge_index[1]
    src2 = src.reshape(_E // _K, _K)
    dst2 = dst.reshape(_E // _K, _K)
    batch3 = batch.reshape(_N // _BN, 1, _BN)

    deg0, deg1 = _hist(dst2)
    d0 = deg0.reshape(_N // _BN, 1, _BN)
    d1 = deg1.reshape(_N // _BN, 1, _BN)
    dinv, xs = _prep(x, d0, d1)
    agg1 = _agg_k2(xs, src2, dst2)
    h1s = _layer(agg1, dinv, W1.reshape(2, _F, _DH).astype(jnp.bfloat16), b1)
    agg2 = _agg_k4(h1s, src2, dst2)
    return _l2pool(agg2, dinv, batch3,
                   W2.reshape(4, _F, _DH).astype(jnp.bfloat16), b2,
                   Wout.astype(jnp.bfloat16), bout)

# --- scband reference (transcript-rebuilt; emitter-appended) ---
"""Pipeline reference for scband-gcnmodel-11063835754670 (READ-ONLY COPY).

The authoritative reference and input builder live on the scoring server;
editing this copy changes nothing except your own understanding.
"""

import jax, jax.numpy as jnp
import numpy as np

N = 10000
E = 160000
G = 64
D_IN = 256
D_H = 512
D_OUT = 128


def setup_inputs(seed: int = 0) -> dict:
    key = jax.random.key(seed)
    ks = jax.random.split(key, 10)
    x = jax.random.normal(ks[0], (N, D_IN), dtype=jnp.float32)
    edge_index = jax.random.randint(ks[1], (2, E), 0, N, dtype=jnp.int32)
    batch = jnp.sort(jax.random.randint(ks[2], (N,), 0, G, dtype=jnp.int32))
    W1 = jax.random.normal(ks[3], (D_IN, D_H), dtype=jnp.float32) * 0.05
    b1 = jnp.zeros((D_H,), dtype=jnp.float32)
    W2 = jax.random.normal(ks[4], (D_H, D_H), dtype=jnp.float32) * 0.05
    b2 = jnp.zeros((D_H,), dtype=jnp.float32)
    Wout = jax.random.normal(ks[5], (D_H, D_OUT), dtype=jnp.float32) * 0.05
    bout = jnp.zeros((D_OUT,), dtype=jnp.float32)
    return {"x": x, "edge_index": edge_index, "batch": batch,
            "W1": W1, "b1": b1, "W2": W2, "b2": b2, "Wout": Wout, "bout": bout}


def _gcn_conv(h, edge_index, W, b):
    # GCNConv: add self-loops, symmetric deg normalization, then aggregate
    src = edge_index[0]
    dst = edge_index[1]
    loop = jnp.arange(N, dtype=edge_index.dtype)
    s = jnp.concatenate([src, loop])
    d = jnp.concatenate([dst, loop])
    deg = jnp.zeros((N,), dtype=jnp.float32).at[d].add(1.0)
    dinv = jnp.where(deg > 0, 1.0 / jnp.sqrt(deg), 0.0)
    norm = dinv[s] * dinv[d]
    hw = h @ W
    msg = hw[s] * norm[:, None]
    out = jnp.zeros((N, W.shape[1]), dtype=jnp.float32).at[d].add(msg)
    return out + b


def reference(x, edge_index, batch, W1, b1, W2, b2, Wout, bout):
    h = jax.nn.relu(_gcn_conv(x, edge_index, W1, b1))
    h = jax.nn.relu(_gcn_conv(h, edge_index, W2, b2))
    # global_mean_pool over graph ids
    cnt = jnp.zeros((G,), dtype=jnp.float32).at[batch].add(1.0)
    summed = jnp.zeros((G, h.shape[1]), dtype=jnp.float32).at[batch].add(h)
    pooled = summed / jnp.clip(cnt, 1.0)[:, None]
    out = pooled @ Wout + bout  # output_act=None -> identity
    return out

if __name__ == "__main__":
    import jax
    _d = setup_inputs()
    print(jax.jit(kernel)(*tuple(_d.values())))

</pallas_src>

<mosaic_0001>
#map = affine_map<(d0, d1) -> (0, 0)>
#map1 = affine_map<(d0, d1) -> (0)>
module attributes {stable_mosaic.version = 14 : i64} {
  func.func @_hist_body(%arg0: i32, %arg1: i32, %arg2: memref<1280x125xi32, #tpu.memory_space<hbm>>, %arg3: memref<10000xf32, #tpu.memory_space<hbm>>, %arg4: memref<10000xf32, #tpu.memory_space<hbm>>, %arg5: memref<10000xf32, #tpu.memory_space<vmem_shared>>, %arg6: memref<640xf32, #tpu.memory_space<vmem>>, %arg7: memref<128xf32, #tpu.memory_space<vmem>>, %arg8: memref<40x125xi32, #tpu.memory_space<vmem>>) attributes {dimension_semantics = [#tpu.dimension_semantics<core_parallel>, #tpu.dimension_semantics<subcore_parallel>], iteration_bounds = array<i64: 2, 16>, scalar_prefetch = 0 : i64, scratch_operands = 4 : i64, tpu.core_type = #tpu.core_type<sc_vector_subcore>, window_params = [{transform_indices = #map}, {transform_indices = #map1}, {transform_indices = #map1}]} {
    %scan3A = arith.constant 0 : i32
    %scan3A_0 = arith.constant 0 : i32
    %scan3A_1 = arith.constant 40 : i32
    %scan3A_2 = arith.addi %scan3A_0, %scan3A_1 : i32
    %scan3A_3 = arith.constant 1 : i32
    scf.for %scan3A_37 = %scan3A_0 to %scan3A_2 step %scan3A_3  : i32 {
      %broadcast_in_dim3A = arith.constant 0.000000e+00 : f32
      %broadcast_in_dim3A_38 = vector.broadcast %broadcast_in_dim3A : f32 to vector<16xf32>
      %mul3A_39 = arith.constant 16 : i32
      %mul3A_40 = arith.muli %scan3A_37, %mul3A_39 : i32
      %swap3A = arith.index_cast %mul3A_40 : i32 to index
      %swap3A_41 = tpu.vector_load %arg6[%swap3A] {strides = array<i32>} : memref<640xf32, #tpu.memory_space<vmem>>, vector<16xf32>,
      %swap3A_42 = vector.shape_cast %swap3A_41 : vector<16xf32> to vector<16xf32>
      %swap3A_43 = vector.shape_cast %broadcast_in_dim3A_38 : vector<16xf32> to vector<16xf32>
      tpu.vector_store %arg6[%swap3A], %swap3A_43 {strides = array<i32>} : memref<640xf32, #tpu.memory_space<vmem>>, vector<16xf32>,
    }
    %scan3A_4 = arith.constant 40 : i32
    %scan3A_5 = arith.constant 0 : i32
    %scan3A_6 = arith.constant 0 : i32
    %scan3A_7 = arith.constant 8 : i32
    %scan3A_8 = arith.addi %scan3A_6, %scan3A_7 : i32
    %scan3A_9 = arith.constant 1 : i32
    scf.for %scan3A_37 = %scan3A_6 to %scan3A_8 step %scan3A_9  : i32 {
      %broadcast_in_dim3A = arith.constant 1.000000e+00 : f32
      %broadcast_in_dim3A_38 = vector.broadcast %broadcast_in_dim3A : f32 to vector<16xf32>
      %mul3A_39 = arith.constant 16 : i32
      %mul3A_40 = arith.muli %scan3A_37, %mul3A_39 : i32
      %swap3A = arith.index_cast %mul3A_40 : i32 to index
      %swap3A_41 = tpu.vector_load %arg7[%swap3A] {strides = array<i32>} : memref<128xf32, #tpu.memory_space<vmem>>, vector<16xf32>,
      %swap3A_42 = vector.shape_cast %swap3A_41 : vector<16xf32> to vector<16xf32>
      %swap3A_43 = vector.shape_cast %broadcast_in_dim3A_38 : vector<16xf32> to vector<16xf32>
      tpu.vector_store %arg7[%swap3A], %swap3A_43 {strides = array<i32>} : memref<128xf32, #tpu.memory_space<vmem>>, vector<16xf32>,
    }
    %scan3A_10 = arith.constant 8 : i32
    %lt3A = arith.constant 15 : i32
    %lt3A_11 = arith.cmpi slt, %arg1, %lt3A : i32
    %convert_element_type3A = arith.extui %lt3A_11 : i1 to i32
    %cond3A = arith.constant 0 : i32
    %cond3A_12 = arith.cmpi ne, %convert_element_type3A, %cond3A : i32
    scf.if %cond3A_12 {
      %mul3A_37 = arith.constant 624 : i32
      %mul3A_38 = arith.muli %arg1, %mul3A_37 : i32
      "tpu.region"() ({
        %run_scoped3A = tpu.sem_alloc : memref<!tpu.dma_semaphore, #tpu.memory_space<semaphore_mem>>
        %dma_start3A = arith.constant 0 : i32
        %dma_start3A_39 = tpu.memref_slice %arg6[%dma_start3A] : memref<640xf32, #tpu.memory_space<vmem>> -> memref<624xf32, #tpu.memory_space<vmem>>
        %dma_start3A_40 = tpu.memref_slice %arg5[%mul3A_38] : memref<10000xf32, #tpu.memory_space<vmem_shared>> -> memref<624xf32, #tpu.memory_space<vmem_shared>>
        %dma_start3A_41 = tpu.memref_slice %arg5[%mul3A_38] : memref<10000xf32, #tpu.memory_space<vmem_shared>> -> memref<624xf32, #tpu.memory_space<vmem_shared>>
        %dma_start3A_42 = arith.constant 0 : i32
        %dma_start3A_43 = tpu.memref_slice %arg6[%dma_start3A_42] : memref<640xf32, #tpu.memory_space<vmem>> -> memref<624xf32, #tpu.memory_space<vmem>>
        tpu.enqueue_dma source(%dma_start3A_43 : memref<624xf32, #tpu.memory_space<vmem>>) target(%dma_start3A_41 : memref<624xf32, #tpu.memory_space<vmem_shared>>) target_semaphore(%run_scoped3A : memref<!tpu.dma_semaphore, #tpu.memory_space<semaphore_mem>>)
        %dma_wait3A = arith.constant 0 : i32
        %dma_wait3A_44 = tpu.memref_slice %arg6[%dma_wait3A] : memref<640xf32, #tpu.memory_space<vmem>> -> memref<624xf32, #tpu.memory_space<vmem>>
        %dma_wait3A_45 = tpu.memref_slice %arg5[%mul3A_38] : memref<10000xf32, #tpu.memory_space<vmem_shared>> -> memref<624xf32, #tpu.memory_space<vmem_shared>>
        %dma_wait3A_46 = tpu.memref_slice %arg5[%mul3A_38] : memref<10000xf32, #tpu.memory_space<vmem_shared>> -> memref<624xf32, #tpu.memory_space<vmem_shared>>
        %dma_wait3A_47 = arith.constant 0 : i32
        %dma_wait3A_48 = tpu.memref_slice %arg6[%dma_wait3A_47] : memref<640xf32, #tpu.memory_space<vmem>> -> memref<624xf32, #tpu.memory_space<vmem>>
        tpu.wait_dma2 semaphore(%run_scoped3A : memref<!tpu.dma_semaphore, #tpu.memory_space<semaphore_mem>>) src(%dma_wait3A_48 : memref<624xf32, #tpu.memory_space<vmem>>) dst(%dma_wait3A_46 : memref<624xf32, #tpu.memory_space<vmem_shared>>)
        tpu.yield
      }) : () -> ()
    } else {
    }
    %eq3A = arith.constant 15 : i32
    %eq3A_13 = arith.cmpi eq, %arg1, %eq3A : i32
    %convert_element_type3A_14 = arith.extui %eq3A_13 : i1 to i32
    %cond3A_15 = arith.constant 0 : i32
    %cond3A_16 = arith.cmpi ne, %convert_element_type3A_14, %cond3A_15 : i32
    scf.if %cond3A_16 {
      "tpu.region"() ({
        %run_scoped3A = tpu.sem_alloc : memref<!tpu.dma_semaphore, #tpu.memory_space<semaphore_mem>>
        %dma_start3A = arith.constant 0 : i32
        %dma_start3A_37 = tpu.memref_slice %arg6[%dma_start3A] : memref<640xf32, #tpu.memory_space<vmem>> -> memref<640xf32, #tpu.memory_space<vmem>>
        %dma_start3A_38 = arith.constant 9360 : i32
        %dma_start3A_39 = tpu.memref_slice %arg5[%dma_start3A_38] : memref<10000xf32, #tpu.memory_space<vmem_shared>> -> memref<640xf32, #tpu.memory_space<vmem_shared>>
        %dma_start3A_40 = arith.constant 9360 : i32
        %dma_start3A_41 = tpu.memref_slice %arg5[%dma_start3A_40] : memref<10000xf32, #tpu.memory_space<vmem_shared>> -> memref<640xf32, #tpu.memory_space<vmem_shared>>
        %dma_start3A_42 = arith.constant 0 : i32
        %dma_start3A_43 = tpu.memref_slice %arg6[%dma_start3A_42] : memref<640xf32, #tpu.memory_space<vmem>> -> memref<640xf32, #tpu.memory_space<vmem>>
        tpu.enqueue_dma source(%dma_start3A_43 : memref<640xf32, #tpu.memory_space<vmem>>) target(%dma_start3A_41 : memref<640xf32, #tpu.memory_space<vmem_shared>>) target_semaphore(%run_scoped3A : memref<!tpu.dma_semaphore, #tpu.memory_space<semaphore_mem>>)
        %dma_wait3A = arith.constant 0 : i32
        %dma_wait3A_44 = tpu.memref_slice %arg6[%dma_wait3A] : memref<640xf32, #tpu.memory_space<vmem>> -> memref<640xf32, #tpu.memory_space<vmem>>
        %dma_wait3A_45 = arith.constant 9360 : i32
        %dma_wait3A_46 = tpu.memref_slice %arg5[%dma_wait3A_45] : memref<10000xf32, #tpu.memory_space<vmem_shared>> -> memref<640xf32, #tpu.memory_space<vmem_shared>>
        %dma_wait3A_47 = arith.constant 9360 : i32
        %dma_wait3A_48 = tpu.memref_slice %arg5[%dma_wait3A_47] : memref<10000xf32, #tpu.memory_space<vmem_shared>> -> memref<640xf32, #tpu.memory_space<vmem_shared>>
        %dma_wait3A_49 = arith.constant 0 : i32
        %dma_wait3A_50 = tpu.memref_slice %arg6[%dma_wait3A_49] : memref<640xf32, #tpu.memory_space<vmem>> -> memref<640xf32, #tpu.memory_space<vmem>>
        tpu.wait_dma2 semaphore(%run_scoped3A : memref<!tpu.dma_semaphore, #tpu.memory_space<semaphore_mem>>) src(%dma_wait3A_50 : memref<640xf32, #tpu.memory_space<vmem>>) dst(%dma_wait3A_48 : memref<640xf32, #tpu.memory_space<vmem_shared>>)
        tpu.yield
      }) : () -> ()
    } else {
    }
    %barrier3A = arith.constant 0 : index
    tpu.barrier barrier_id(%barrier3A)
    %mul3A = arith.constant 16 : i32
    %mul3A_17 = arith.muli %arg0, %mul3A : i32
    %add3A = arith.addi %mul3A_17, %arg1 : i32
    %mul3A_18 = arith.constant 40 : i32
    %mul3A_19 = arith.muli %add3A, %mul3A_18 : i32
    "tpu.region"() ({
      %run_scoped3A = tpu.sem_alloc : memref<!tpu.dma_semaphore, #tpu.memory_space<semaphore_mem>>
      %dma_start3A = arith.constant 0 : i32
      %dma_start3A_37 = tpu.memref_slice %arg2[%mul3A_19, %dma_start3A] : memref<1280x125xi32, #tpu.memory_space<hbm>> -> memref<40x125xi32, #tpu.memory_space<hbm>>
      %dma_start3A_38 = arith.constant 0 : i32
      %dma_start3A_39 = tpu.memref_slice %arg2[%mul3A_19, %dma_start3A_38] : memref<1280x125xi32, #tpu.memory_space<hbm>> -> memref<40x125xi32, #tpu.memory_space<hbm>>
      tpu.enqueue_dma source(%dma_start3A_39 : memref<40x125xi32, #tpu.memory_space<hbm>>) target(%arg8 : memref<40x125xi32, #tpu.memory_space<vmem>>) target_semaphore(%run_scoped3A : memref<!tpu.dma_semaphore, #tpu.memory_space<semaphore_mem>>)
      %dma_wait3A = arith.constant 0 : i32
      %dma_wait3A_40 = tpu.memref_slice %arg2[%mul3A_19, %dma_wait3A] : memref<1280x125xi32, #tpu.memory_space<hbm>> -> memref<40x125xi32, #tpu.memory_space<hbm>>
      %dma_wait3A_41 = arith.constant 0 : i32
      %dma_wait3A_42 = tpu.memref_slice %arg2[%mul3A_19, %dma_wait3A_41] : memref<1280x125xi32, #tpu.memory_space<hbm>> -> memref<40x125xi32, #tpu.memory_space<hbm>>
      tpu.wait_dma2 semaphore(%run_scoped3A : memref<!tpu.dma_semaphore, #tpu.memory_space<semaphore_mem>>) src(%dma_wait3A_42 : memref<40x125xi32, #tpu.memory_space<hbm>>) dst(%arg8 : memref<40x125xi32, #tpu.memory_space<vmem>>)
      tpu.yield
    }) : () -> ()
    %scan3A_20 = arith.constant 0 : i32
    %scan3A_21 = arith.constant 0 : i32
    %scan3A_22 = arith.constant 40 : i32
    %scan3A_23 = arith.addi %scan3A_21, %scan3A_22 : i32
    %scan3A_24 = arith.constant 1 : i32
    scf.for %scan3A_37 = %scan3A_21 to %scan3A_23 step %scan3A_24  : i32 {
      "tpu.region"() ({
        %run_scoped3A = tpu.sem_alloc : memref<!tpu.dma_semaphore, #tpu.memory_space<semaphore_mem>>
        %dma_start3A = arith.constant 0 : i32
        %dma_start3A_38 = tpu.memref_slice %arg7[%dma_start3A] : memref<128xf32, #tpu.memory_space<vmem>> -> memref<125xf32, #tpu.memory_space<vmem>>
        %dma_start3A_39 = arith.constant 0 : i32
        %dma_start3A_40 = tpu.memref_slice %arg8[%scan3A_37, %dma_start3A_39] : memref<40x125xi32, #tpu.memory_space<vmem>> -> memref<1x125xi32, #tpu.memory_space<vmem>>
        %dma_start3A_41 = tpu.memref_squeeze %dma_start3A_40 : memref<1x125xi32, #tpu.memory_space<vmem>> -> memref<125xi32, #tpu.memory_space<vmem>>
        %dma_start3A_42 = arith.constant 0 : i32
        %dma_start3A_43 = tpu.memref_slice %arg5[%dma_start3A_42] : memref<10000xf32, #tpu.memory_space<vmem_shared>> -> memref<10000xf32, #tpu.memory_space<vmem_shared>>
        tpu.enqueue_indirect_dma source(%dma_start3A_38 : memref<125xf32, #tpu.memory_space<vmem>>) target(%dma_start3A_43 : memref<10000xf32, #tpu.memory_space<vmem_shared>>) offsets(%dma_start3A_41 : memref<125xi32, #tpu.memory_space<vmem>>) semaphore(%run_scoped3A : memref<!tpu.dma_semaphore, #tpu.memory_space<semaphore_mem>>) {add = true}
        %dma_wait3A = arith.constant 0 : i32
        %dma_wait3A_44 = tpu.memref_slice %arg7[%dma_wait3A] : memref<128xf32, #tpu.memory_space<vmem>> -> memref<125xf32, #tpu.memory_space<vmem>>
        %dma_wait3A_45 = arith.constant 0 : i32
        %dma_wait3A_46 = tpu.memref_slice %arg8[%scan3A_37, %dma_wait3A_45] : memref<40x125xi32, #tpu.memory_space<vmem>> -> memref<1x125xi32, #tpu.memory_space<vmem>>
        %dma_wait3A_47 = tpu.memref_squeeze %dma_wait3A_46 : memref<1x125xi32, #tpu.memory_space<vmem>> -> memref<125xi32, #tpu.memory_space<vmem>>
        %dma_wait3A_48 = arith.constant 0 : i32
        %dma_wait3A_49 = tpu.memref_slice %arg5[%dma_wait3A_48] : memref<10000xf32, #tpu.memory_space<vmem_shared>> -> memref<10000xf32, #tpu.memory_space<vmem_shared>>
        tpu.wait_indirect_dma semaphore(%run_scoped3A : memref<!tpu.dma_semaphore, #tpu.memory_space<semaphore_mem>>) src(%dma_wait3A_44 : memref<125xf32, #tpu.memory_space<vmem>>) dst(%dma_wait3A_49 : memref<10000xf32, #tpu.memory_space<vmem_shared>>)
        tpu.yield
      }) : () -> ()
    }
    %scan3A_25 = arith.constant 40 : i32
    %barrier3A_26 = arith.constant 0 : index
    tpu.barrier barrier_id(%barrier3A_26)
    %eq3A_27 = arith.constant 0 : i32
    %eq3A_28 = arith.cmpi eq, %arg0, %eq3A_27 : i32
    %convert_element_type3A_29 = arith.extui %eq3A_28 : i1 to i32
    %cond3A_30 = arith.constant 0 : i32
    %cond3A_31 = arith.cmpi ne, %convert_element_type3A_29, %cond3A_30 : i32
    scf.if %cond3A_31 {
      %lt3A_37 = arith.constant 15 : i32
      %lt3A_38 = arith.cmpi slt, %arg1, %lt3A_37 : i32
      %convert_element_type3A_39 = arith.extui %lt3A_38 : i1 to i32
      %cond3A_40 = arith.constant 0 : i32
      %cond3A_41 = arith.cmpi ne, %convert_element_type3A_39, %cond3A_40 : i32
      scf.if %cond3A_41 {
        %mul3A_47 = arith.constant 624 : i32
        %mul3A_48 = arith.muli %arg1, %mul3A_47 : i32
        "tpu.region"() ({
          %run_scoped3A = tpu.sem_alloc : memref<!tpu.dma_semaphore, #tpu.memory_space<semaphore_mem>>
          %dma_start3A = arith.constant 0 : i32
          %dma_start3A_49 = tpu.memref_slice %arg6[%dma_start3A] : memref<640xf32, #tpu.memory_space<vmem>> -> memref<624xf32, #tpu.memory_space<vmem>>
          %dma_start3A_50 = tpu.memref_slice %arg5[%mul3A_48] : memref<10000xf32, #tpu.memory_space<vmem_shared>> -> memref<624xf32, #tpu.memory_space<vmem_shared>>
          %dma_start3A_51 = arith.constant 0 : i32
          %dma_start3A_52 = tpu.memref_slice %arg6[%dma_start3A_51] : memref<640xf32, #tpu.memory_space<vmem>> -> memref<624xf32, #tpu.memory_space<vmem>>
          %dma_start3A_53 = tpu.memref_slice %arg5[%mul3A_48] : memref<10000xf32, #tpu.memory_space<vmem_shared>> -> memref<624xf32, #tpu.memory_space<vmem_shared>>
          tpu.enqueue_dma source(%dma_start3A_53 : memref<624xf32, #tpu.memory_space<vmem_shared>>) target(%dma_start3A_52 : memref<624xf32, #tpu.memory_space<vmem>>) target_semaphore(%run_scoped3A : memref<!tpu.dma_semaphore, #tpu.memory_space<semaphore_mem>>)
          %dma_wait3A = arith.constant 0 : i32
          %dma_wait3A_54 = tpu.memref_slice %arg6[%dma_wait3A] : memref<640xf32, #tpu.memory_space<vmem>> -> memref<624xf32, #tpu.memory_space<vmem>>
          %dma_wait3A_55 = tpu.memref_slice %arg5[%mul3A_48] : memref<10000xf32, #tpu.memory_space<vmem_shared>> -> memref<624xf32, #tpu.memory_space<vmem_shared>>
          %dma_wait3A_56 = arith.constant 0 : i32
          %dma_wait3A_57 = tpu.memref_slice %arg6[%dma_wait3A_56] : memref<640xf32, #tpu.memory_space<vmem>> -> memref<624xf32, #tpu.memory_space<vmem>>
          %dma_wait3A_58 = tpu.memref_slice %arg5[%mul3A_48] : memref<10000xf32, #tpu.memory_space<vmem_shared>> -> memref<624xf32, #tpu.memory_space<vmem_shared>>
          tpu.wait_dma2 semaphore(%run_scoped3A : memref<!tpu.dma_semaphore, #tpu.memory_space<semaphore_mem>>) src(%dma_wait3A_58 : memref<624xf32, #tpu.memory_space<vmem_shared>>) dst(%dma_wait3A_57 : memref<624xf32, #tpu.memory_space<vmem>>)
          tpu.yield
        }) : () -> ()
        "tpu.region"() ({
          %run_scoped3A = tpu.sem_alloc : memref<!tpu.dma_semaphore, #tpu.memory_space<semaphore_mem>>
          %dma_start3A = arith.constant 0 : i32
          %dma_start3A_49 = tpu.memref_slice %arg6[%dma_start3A] : memref<640xf32, #tpu.memory_space<vmem>> -> memref<624xf32, #tpu.memory_space<vmem>>
          %dma_start3A_50 = tpu.memref_slice %arg3[%mul3A_48] : memref<10000xf32, #tpu.memory_space<hbm>> -> memref<624xf32, #tpu.memory_space<hbm>>
          %dma_start3A_51 = tpu.memref_slice %arg3[%mul3A_48] : memref<10000xf32, #tpu.memory_space<hbm>> -> memref<624xf32, #tpu.memory_space<hbm>>
          %dma_start3A_52 = arith.constant 0 : i32
          %dma_start3A_53 = tpu.memref_slice %arg6[%dma_start3A_52] : memref<640xf32, #tpu.memory_space<vmem>> -> memref<624xf32, #tpu.memory_space<vmem>>
          tpu.enqueue_dma source(%dma_start3A_53 : memref<624xf32, #tpu.memory_space<vmem>>) target(%dma_start3A_51 : memref<624xf32, #tpu.memory_space<hbm>>) target_semaphore(%run_scoped3A : memref<!tpu.dma_semaphore, #tpu.memory_space<semaphore_mem>>)
          %dma_wait3A = arith.constant 0 : i32
          %dma_wait3A_54 = tpu.memref_slice %arg6[%dma_wait3A] : memref<640xf32, #tpu.memory_space<vmem>> -> memref<624xf32, #tpu.memory_space<vmem>>
          %dma_wait3A_55 = tpu.memref_slice %arg3[%mul3A_48] : memref<10000xf32, #tpu.memory_space<hbm>> -> memref<624xf32, #tpu.memory_space<hbm>>
          %dma_wait3A_56 = tpu.memref_slice %arg3[%mul3A_48] : memref<10000xf32, #tpu.memory_space<hbm>> -> memref<624xf32, #tpu.memory_space<hbm>>
          %dma_wait3A_57 = arith.constant 0 : i32
          %dma_wait3A_58 = tpu.memref_slice %arg6[%dma_wait3A_57] : memref<640xf32, #tpu.memory_space<vmem>> -> memref<624xf32, #tpu.memory_space<vmem>>
          tpu.wait_dma2 semaphore(%run_scoped3A : memref<!tpu.dma_semaphore, #tpu.memory_space<semaphore_mem>>) src(%dma_wait3A_58 : memref<624xf32, #tpu.memory_space<vmem>>) dst(%dma_wait3A_56 : memref<624xf32, #tpu.memory_space<hbm>>)
          tpu.yield
        }) : () -> ()
      } else {
      }
      %eq3A_42 = arith.constant 15 : i32
      %eq3A_43 = arith.cmpi eq, %arg1, %eq3A_42 : i32
      %convert_element_type3A_44 = arith.extui %eq3A_43 : i1 to i32
      %cond3A_45 = arith.constant 0 : i32
      %cond3A_46 = arith.cmpi ne, %convert_element_type3A_44, %cond3A_45 : i32
      scf.if %cond3A_46 {
        "tpu.region"() ({
          %run_scoped3A = tpu.sem_alloc : memref<!tpu.dma_semaphore, #tpu.memory_space<semaphore_mem>>
          %dma_start3A = arith.constant 0 : i32
          %dma_start3A_47 = tpu.memref_slice %arg6[%dma_start3A] : memref<640xf32, #tpu.memory_space<vmem>> -> memref<640xf32, #tpu.memory_space<vmem>>
          %dma_start3A_48 = arith.constant 9360 : i32
          %dma_start3A_49 = tpu.memref_slice %arg5[%dma_start3A_48] : memref<10000xf32, #tpu.memory_space<vmem_shared>> -> memref<640xf32, #tpu.memory_space<vmem_shared>>
          %dma_start3A_50 = arith.constant 0 : i32
          %dma_start3A_51 = tpu.memref_slice %arg6[%dma_start3A_50] : memref<640xf32, #tpu.memory_space<vmem>> -> memref<640xf32, #tpu.memory_space<vmem>>
          %dma_start3A_52 = arith.constant 9360 : i32
          %dma_start3A_53 = tpu.memref_slice %arg5[%dma_start3A_52] : memref<10000xf32, #tpu.memory_space<vmem_shared>> -> memref<640xf32, #tpu.memory_space<vmem_shared>>
          tpu.enqueue_dma source(%dma_start3A_53 : memref<640xf32, #tpu.memory_space<vmem_shared>>) target(%dma_start3A_51 : memref<640xf32, #tpu.memory_space<vmem>>) target_semaphore(%run_scoped3A : memref<!tpu.dma_semaphore, #tpu.memory_space<semaphore_mem>>)
          %dma_wait3A = arith.constant 0 : i32
          %dma_wait3A_54 = tpu.memref_slice %arg6[%dma_wait3A] : memref<640xf32, #tpu.memory_space<vmem>> -> memref<640xf32, #tpu.memory_space<vmem>>
          %dma_wait3A_55 = arith.constant 9360 : i32
          %dma_wait3A_56 = tpu.memref_slice %arg5[%dma_wait3A_55] : memref<10000xf32, #tpu.memory_space<vmem_shared>> -> memref<640xf32, #tpu.memory_space<vmem_shared>>
          %dma_wait3A_57 = arith.constant 0 : i32
          %dma_wait3A_58 = tpu.memref_slice %arg6[%dma_wait3A_57] : memref<640xf32, #tpu.memory_space<vmem>> -> memref<640xf32, #tpu.memory_space<vmem>>
          %dma_wait3A_59 = arith.constant 9360 : i32
          %dma_wait3A_60 = tpu.memref_slice %arg5[%dma_wait3A_59] : memref<10000xf32, #tpu.memory_space<vmem_shared>> -> memref<640xf32, #tpu.memory_space<vmem_shared>>
          tpu.wait_dma2 semaphore(%run_scoped3A : memref<!tpu.dma_semaphore, #tpu.memory_space<semaphore_mem>>) src(%dma_wait3A_60 : memref<640xf32, #tpu.memory_space<vmem_shared>>) dst(%dma_wait3A_58 : memref<640xf32, #tpu.memory_space<vmem>>)
          tpu.yield
        }) : () -> ()
        "tpu.region"() ({
          %run_scoped3A = tpu.sem_alloc : memref<!tpu.dma_semaphore, #tpu.memory_space<semaphore_mem>>
          %dma_start3A = arith.constant 0 : i32
          %dma_start3A_47 = tpu.memref_slice %arg6[%dma_start3A] : memref<640xf32, #tpu.memory_space<vmem>> -> memref<640xf32, #tpu.memory_space<vmem>>
          %dma_start3A_48 = arith.constant 9360 : i32
          %dma_start3A_49 = tpu.memref_slice %arg3[%dma_start3A_48] : memref<10000xf32, #tpu.memory_space<hbm>> -> memref<640xf32, #tpu.memory_space<hbm>>
          %dma_start3A_50 = arith.constant 9360 : i32
          %dma_start3A_51 = tpu.memref_slice %arg3[%dma_start3A_50] : memref<10000xf32, #tpu.memory_space<hbm>> -> memref<640xf32, #tpu.memory_space<hbm>>
          %dma_start3A_52 = arith.constant 0 : i32
          %dma_start3A_53 = tpu.memref_slice %arg6[%dma_start3A_52] : memref<640xf32, #tpu.memory_space<vmem>> -> memref<640xf32, #tpu.memory_space<vmem>>
          tpu.enqueue_dma source(%dma_start3A_53 : memref<640xf32, #tpu.memory_space<vmem>>) target(%dma_start3A_51 : memref<640xf32, #tpu.memory_space<hbm>>) target_semaphore(%run_scoped3A : memref<!tpu.dma_semaphore, #tpu.memory_space<semaphore_mem>>)
          %dma_wait3A = arith.constant 0 : i32
          %dma_wait3A_54 = tpu.memref_slice %arg6[%dma_wait3A] : memref<640xf32, #tpu.memory_space<vmem>> -> memref<640xf32, #tpu.memory_space<vmem>>
          %dma_wait3A_55 = arith.constant 9360 : i32
          %dma_wait3A_56 = tpu.memref_slice %arg3[%dma_wait3A_55] : memref<10000xf32, #tpu.memory_space<hbm>> -> memref<640xf32, #tpu.memory_space<hbm>>
          %dma_wait3A_57 = arith.constant 9360 : i32
          %dma_wait3A_58 = tpu.memref_slice %arg3[%dma_wait3A_57] : memref<10000xf32, #tpu.memory_space<hbm>> -> memref<640xf32, #tpu.memory_space<hbm>>
          %dma_wait3A_59 = arith.constant 0 : i32
          %dma_wait3A_60 = tpu.memref_slice %arg6[%dma_wait3A_59] : memref<640xf32, #tpu.memory_space<vmem>> -> memref<640xf32, #tpu.memory_space<vmem>>
          tpu.wait_dma2 semaphore(%run_scoped3A : memref<!tpu.dma_semaphore, #tpu.memory_space<semaphore_mem>>) src(%dma_wait3A_60 : memref<640xf32, #tpu.memory_space<vmem>>) dst(%dma_wait3A_58 : memref<640xf32, #tpu.memory_space<hbm>>)
          tpu.yield
        }) : () -> ()
      } else {
      }
    } else {
    }
    %eq3A_32 = arith.constant 1 : i32
    %eq3A_33 = arith.cmpi eq, %arg0, %eq3A_32 : i32
    %convert_element_type3A_34 = arith.extui %eq3A_33 : i1 to i32
    %cond3A_35 = arith.constant 0 : i32
    %cond3A_36 = arith.cmpi ne, %convert_element_type3A_34, %cond3A_35 : i32
    scf.if %cond3A_36 {
      %lt3A_37 = arith.constant 15 : i32
      %lt3A_38 = arith.cmpi slt, %arg1, %lt3A_37 : i32
      %convert_element_type3A_39 = arith.extui %lt3A_38 : i1 to i32
      %cond3A_40 = arith.constant 0 : i32
      %cond3A_41 = arith.cmpi ne, %convert_element_type3A_39, %cond3A_40 : i32
      scf.if %cond3A_41 {
        %mul3A_47 = arith.constant 624 : i32
        %mul3A_48 = arith.muli %arg1, %mul3A_47 : i32
        "tpu.region"() ({
          %run_scoped3A = tpu.sem_alloc : memref<!tpu.dma_semaphore, #tpu.memory_space<semaphore_mem>>
          %dma_start3A = arith.constant 0 : i32
          %dma_start3A_49 = tpu.memref_slice %arg6[%dma_start3A] : memref<640xf32, #tpu.memory_space<vmem>> -> memref<624xf32, #tpu.memory_space<vmem>>
          %dma_start3A_50 = tpu.memref_slice %arg5[%mul3A_48] : memref<10000xf32, #tpu.memory_space<vmem_shared>> -> memref<624xf32, #tpu.memory_space<vmem_shared>>
          %dma_start3A_51 = arith.constant 0 : i32
          %dma_start3A_52 = tpu.memref_slice %arg6[%dma_start3A_51] : memref<640xf32, #tpu.memory_space<vmem>> -> memref<624xf32, #tpu.memory_space<vmem>>
          %dma_start3A_53 = tpu.memref_slice %arg5[%mul3A_48] : memref<10000xf32, #tpu.memory_space<vmem_shared>> -> memref<624xf32, #tpu.memory_space<vmem_shared>>
          tpu.enqueue_dma source(%dma_start3A_53 : memref<624xf32, #tpu.memory_space<vmem_shared>>) target(%dma_start3A_52 : memref<624xf32, #tpu.memory_space<vmem>>) target_semaphore(%run_scoped3A : memref<!tpu.dma_semaphore, #tpu.memory_space<semaphore_mem>>)
          %dma_wait3A = arith.constant 0 : i32
          %dma_wait3A_54 = tpu.memref_slice %arg6[%dma_wait3A] : memref<640xf32, #tpu.memory_space<vmem>> -> memref<624xf32, #tpu.memory_space<vmem>>
          %dma_wait3A_55 = tpu.memref_slice %arg5[%mul3A_48] : memref<10000xf32, #tpu.memory_space<vmem_shared>> -> memref<624xf32, #tpu.memory_space<vmem_shared>>
          %dma_wait3A_56 = arith.constant 0 : i32
          %dma_wait3A_57 = tpu.memref_slice %arg6[%dma_wait3A_56] : memref<640xf32, #tpu.memory_space<vmem>> -> memref<624xf32, #tpu.memory_space<vmem>>
          %dma_wait3A_58 = tpu.memref_slice %arg5[%mul3A_48] : memref<10000xf32, #tpu.memory_space<vmem_shared>> -> memref<624xf32, #tpu.memory_space<vmem_shared>>
          tpu.wait_dma2 semaphore(%run_scoped3A : memref<!tpu.dma_semaphore, #tpu.memory_space<semaphore_mem>>) src(%dma_wait3A_58 : memref<624xf32, #tpu.memory_space<vmem_shared>>) dst(%dma_wait3A_57 : memref<624xf32, #tpu.memory_space<vmem>>)
          tpu.yield
        }) : () -> ()
        "tpu.region"() ({
          %run_scoped3A = tpu.sem_alloc : memref<!tpu.dma_semaphore, #tpu.memory_space<semaphore_mem>>
          %dma_start3A = arith.constant 0 : i32
          %dma_start3A_49 = tpu.memref_slice %arg6[%dma_start3A] : memref<640xf32, #tpu.memory_space<vmem>> -> memref<624xf32, #tpu.memory_space<vmem>>
          %dma_start3A_50 = tpu.memref_slice %arg4[%mul3A_48] : memref<10000xf32, #tpu.memory_space<hbm>> -> memref<624xf32, #tpu.memory_space<hbm>>
          %dma_start3A_51 = tpu.memref_slice %arg4[%mul3A_48] : memref<10000xf32, #tpu.memory_space<hbm>> -> memref<624xf32, #tpu.memory_space<hbm>>
          %dma_start3A_52 = arith.constant 0 : i32
          %dma_start3A_53 = tpu.memref_slice %arg6[%dma_start3A_52] : memref<640xf32, #tpu.memory_space<vmem>> -> memref<624xf32, #tpu.memory_space<vmem>>
          tpu.enqueue_dma source(%dma_start3A_53 : memref<624xf32, #tpu.memory_space<vmem>>) target(%dma_start3A_51 : memref<624xf32, #tpu.memory_space<hbm>>) target_semaphore(%run_scoped3A : memref<!tpu.dma_semaphore, #tpu.memory_space<semaphore_mem>>)
          %dma_wait3A = arith.constant 0 : i32
          %dma_wait3A_54 = tpu.memref_slice %arg6[%dma_wait3A] : memref<640xf32, #tpu.memory_space<vmem>> -> memref<624xf32, #tpu.memory_space<vmem>>
          %dma_wait3A_55 = tpu.memref_slice %arg4[%mul3A_48] : memref<10000xf32, #tpu.memory_space<hbm>> -> memref<624xf32, #tpu.memory_space<hbm>>
          %dma_wait3A_56 = tpu.memref_slice %arg4[%mul3A_48] : memref<10000xf32, #tpu.memory_space<hbm>> -> memref<624xf32, #tpu.memory_space<hbm>>
          %dma_wait3A_57 = arith.constant 0 : i32
          %dma_wait3A_58 = tpu.memref_slice %arg6[%dma_wait3A_57] : memref<640xf32, #tpu.memory_space<vmem>> -> memref<624xf32, #tpu.memory_space<vmem>>
          tpu.wait_dma2 semaphore(%run_scoped3A : memref<!tpu.dma_semaphore, #tpu.memory_space<semaphore_mem>>) src(%dma_wait3A_58 : memref<624xf32, #tpu.memory_space<vmem>>) dst(%dma_wait3A_56 : memref<624xf32, #tpu.memory_space<hbm>>)
          tpu.yield
        }) : () -> ()
      } else {
      }
      %eq3A_42 = arith.constant 15 : i32
      %eq3A_43 = arith.cmpi eq, %arg1, %eq3A_42 : i32
      %convert_element_type3A_44 = arith.extui %eq3A_43 : i1 to i32
      %cond3A_45 = arith.constant 0 : i32
      %cond3A_46 = arith.cmpi ne, %convert_element_type3A_44, %cond3A_45 : i32
      scf.if %cond3A_46 {
        "tpu.region"() ({
          %run_scoped3A = tpu.sem_alloc : memref<!tpu.dma_semaphore, #tpu.memory_space<semaphore_mem>>
          %dma_start3A = arith.constant 0 : i32
          %dma_start3A_47 = tpu.memref_slice %arg6[%dma_start3A] : memref<640xf32, #tpu.memory_space<vmem>> -> memref<640xf32, #tpu.memory_space<vmem>>
          %dma_start3A_48 = arith.constant 9360 : i32
          %dma_start3A_49 = tpu.memref_slice %arg5[%dma_start3A_48] : memref<10000xf32, #tpu.memory_space<vmem_shared>> -> memref<640xf32, #tpu.memory_space<vmem_shared>>
          %dma_start3A_50 = arith.constant 0 : i32
          %dma_start3A_51 = tpu.memref_slice %arg6[%dma_start3A_50] : memref<640xf32, #tpu.memory_space<vmem>> -> memref<640xf32, #tpu.memory_space<vmem>>
          %dma_start3A_52 = arith.constant 9360 : i32
          %dma_start3A_53 = tpu.memref_slice %arg5[%dma_start3A_52] : memref<10000xf32, #tpu.memory_space<vmem_shared>> -> memref<640xf32, #tpu.memory_space<vmem_shared>>
          tpu.enqueue_dma source(%dma_start3A_53 : memref<640xf32, #tpu.memory_space<vmem_shared>>) target(%dma_start3A_51 : memref<640xf32, #tpu.memory_space<vmem>>) target_semaphore(%run_scoped3A : memref<!tpu.dma_semaphore, #tpu.memory_space<semaphore_mem>>)
          %dma_wait3A = arith.constant 0 : i32
          %dma_wait3A_54 = tpu.memref_slice %arg6[%dma_wait3A] : memref<640xf32, #tpu.memory_space<vmem>> -> memref<640xf32, #tpu.memory_space<vmem>>
          %dma_wait3A_55 = arith.constant 9360 : i32
          %dma_wait3A_56 = tpu.memref_slice %arg5[%dma_wait3A_55] : memref<10000xf32, #tpu.memory_space<vmem_shared>> -> memref<640xf32, #tpu.memory_space<vmem_shared>>
          %dma_wait3A_57 = arith.constant 0 : i32
          %dma_wait3A_58 = tpu.memref_slice %arg6[%dma_wait3A_57] : memref<640xf32, #tpu.memory_space<vmem>> -> memref<640xf32, #tpu.memory_space<vmem>>
          %dma_wait3A_59 = arith.constant 9360 : i32
          %dma_wait3A_60 = tpu.memref_slice %arg5[%dma_wait3A_59] : memref<10000xf32, #tpu.memory_space<vmem_shared>> -> memref<640xf32, #tpu.memory_space<vmem_shared>>
          tpu.wait_dma2 semaphore(%run_scoped3A : memref<!tpu.dma_semaphore, #tpu.memory_space<semaphore_mem>>) src(%dma_wait3A_60 : memref<640xf32, #tpu.memory_space<vmem_shared>>) dst(%dma_wait3A_58 : memref<640xf32, #tpu.memory_space<vmem>>)
          tpu.yield
        }) : () -> ()
        "tpu.region"() ({
          %run_scoped3A = tpu.sem_alloc : memref<!tpu.dma_semaphore, #tpu.memory_space<semaphore_mem>>
          %dma_start3A = arith.constant 0 : i32
          %dma_start3A_47 = tpu.memref_slice %arg6[%dma_start3A] : memref<640xf32, #tpu.memory_space<vmem>> -> memref<640xf32, #tpu.memory_space<vmem>>
          %dma_start3A_48 = arith.constant 9360 : i32
          %dma_start3A_49 = tpu.memref_slice %arg4[%dma_start3A_48] : memref<10000xf32, #tpu.memory_space<hbm>> -> memref<640xf32, #tpu.memory_space<hbm>>
          %dma_start3A_50 = arith.constant 9360 : i32
          %dma_start3A_51 = tpu.memref_slice %arg4[%dma_start3A_50] : memref<10000xf32, #tpu.memory_space<hbm>> -> memref<640xf32, #tpu.memory_space<hbm>>
          %dma_start3A_52 = arith.constant 0 : i32
          %dma_start3A_53 = tpu.memref_slice %arg6[%dma_start3A_52] : memref<640xf32, #tpu.memory_space<vmem>> -> memref<640xf32, #tpu.memory_space<vmem>>
          tpu.enqueue_dma source(%dma_start3A_53 : memref<640xf32, #tpu.memory_space<vmem>>) target(%dma_start3A_51 : memref<640xf32, #tpu.memory_space<hbm>>) target_semaphore(%run_scoped3A : memref<!tpu.dma_semaphore, #tpu.memory_space<semaphore_mem>>)
          %dma_wait3A = arith.constant 0 : i32
          %dma_wait3A_54 = tpu.memref_slice %arg6[%dma_wait3A] : memref<640xf32, #tpu.memory_space<vmem>> -> memref<640xf32, #tpu.memory_space<vmem>>
          %dma_wait3A_55 = arith.constant 9360 : i32
          %dma_wait3A_56 = tpu.memref_slice %arg4[%dma_wait3A_55] : memref<10000xf32, #tpu.memory_space<hbm>> -> memref<640xf32, #tpu.memory_space<hbm>>
          %dma_wait3A_57 = arith.constant 9360 : i32
          %dma_wait3A_58 = tpu.memref_slice %arg4[%dma_wait3A_57] : memref<10000xf32, #tpu.memory_space<hbm>> -> memref<640xf32, #tpu.memory_space<hbm>>
          %dma_wait3A_59 = arith.constant 0 : i32
          %dma_wait3A_60 = tpu.memref_slice %arg6[%dma_wait3A_59] : memref<640xf32, #tpu.memory_space<vmem>> -> memref<640xf32, #tpu.memory_space<vmem>>
          tpu.wait_dma2 semaphore(%run_scoped3A : memref<!tpu.dma_semaphore, #tpu.memory_space<semaphore_mem>>) src(%dma_wait3A_60 : memref<640xf32, #tpu.memory_space<vmem>>) dst(%dma_wait3A_58 : memref<640xf32, #tpu.memory_space<hbm>>)
          tpu.yield
        }) : () -> ()
      } else {
      }
    } else {
    }
    return
  }
}

#map = affine_map<(d0, d1) -> (0, 0, 0)>
#map1 = affine_map<(d0, d1) -> (0, 0)>
module attributes {stable_mosaic.version = 14 : i64} {
  func.func @body(%arg0: i32, %arg1: i32, %arg2: memref<4x10000x128xf32, #tpu.memory_space<hbm>>, %arg3: memref<1280x125xi32, #tpu.memory_space<hbm>>, %arg4: memref<1280x125xi32, #tpu.memory_space<hbm>>, %arg5: memref<4x10000x128xf32, #tpu.memory_space<hbm>>, %arg6: memref<10000x128xf32, #tpu.memory_space<vmem_shared>>, %arg7: memref<40x125xi32, #tpu.memory_space<vmem>>, %arg8: memref<40x125xi32, #tpu.memory_space<vmem>>, %arg9: memref<125x128xf32, #tpu.memory_space<vmem>>, %arg10: memref<125x128xf32, #tpu.memory_space<vmem>>, %arg11: memref<!tpu.dma_semaphore, #tpu.memory_space<semaphore_mem>>, %arg12: memref<!tpu.dma_semaphore, #tpu.memory_space<semaphore_mem>>) attributes {dimension_semantics = [#tpu.dimension_semantics<core_parallel>, #tpu.dimension_semantics<subcore_parallel>], iteration_bounds = array<i64: 2, 16>, scalar_prefetch = 0 : i64, scratch_operands = 7 : i64, tpu.core_type = #tpu.core_type<sc_vector_subcore>, window_params = [{transform_indices = #map}, {transform_indices = #map1}, {transform_indices = #map1}, {transform_indices = #map}]} {
    %eq3A = arith.constant 0 : i32
    %eq3A_0 = arith.cmpi eq, %arg0, %eq3A : i32
    %convert_element_type3A = arith.extui %eq3A_0 : i1 to i32
    %cond3A = arith.constant 0 : i32
    %cond3A_1 = arith.cmpi ne, %convert_element_type3A, %cond3A : i32
    scf.if %cond3A_1 {
      %lt3A = arith.constant 15 : i32
      %lt3A_7 = arith.cmpi slt, %arg1, %lt3A : i32
      %convert_element_type3A_8 = arith.extui %lt3A_7 : i1 to i32
      %cond3A_9 = arith.constant 0 : i32
      %cond3A_10 = arith.constant 0 : i32
      %cond3A_11 = arith.cmpi ne, %convert_element_type3A_8, %cond3A_10 : i32
      scf.if %cond3A_11 {
        %mul3A_141 = arith.constant 624 : i32
        %mul3A_142 = arith.muli %arg1, %mul3A_141 : i32
        "tpu.region"() ({
          %run_scoped3A = tpu.sem_alloc : memref<!tpu.dma_semaphore, #tpu.memory_space<semaphore_mem>>
          %dma_start3A_143 = arith.constant 0 : i32
          %dma_start3A_144 = tpu.memref_slice %arg6[%mul3A_142, %dma_start3A_143] : memref<10000x128xf32, #tpu.memory_space<vmem_shared>> -> memref<624x128xf32, #tpu.memory_space<vmem_shared>>
          %dma_start3A_145 = arith.constant 0 : i32
          %dma_start3A_146 = arith.constant 0 : i32
          %dma_start3A_147 = tpu.memref_slice %arg2[%cond3A_9, %dma_start3A_145, %dma_start3A_146] : memref<4x10000x128xf32, #tpu.memory_space<hbm>> -> memref<1x10000x128xf32, #tpu.memory_space<hbm>>
          %dma_start3A_148 = tpu.memref_squeeze %dma_start3A_147 : memref<1x10000x128xf32, #tpu.memory_space<hbm>> -> memref<10000x128xf32, #tpu.memory_space<hbm>>
          %dma_start3A_149 = arith.constant 0 : i32
          %dma_start3A_150 = tpu.memref_slice %dma_start3A_148[%mul3A_142, %dma_start3A_149] : memref<10000x128xf32, #tpu.memory_space<hbm>> -> memref<624x128xf32, #tpu.memory_space<hbm>>
          tpu.enqueue_dma source(%dma_start3A_150 : memref<624x128xf32, #tpu.memory_space<hbm>>) target(%dma_start3A_144 : memref<624x128xf32, #tpu.memory_space<vmem_shared>>) target_semaphore(%run_scoped3A : memref<!tpu.dma_semaphore, #tpu.memory_space<semaphore_mem>>)
          %dma_wait3A = arith.constant 0 : i32
          %dma_wait3A_151 = tpu.memref_slice %arg6[%mul3A_142, %dma_wait3A] : memref<10000x128xf32, #tpu.memory_space<vmem_shared>> -> memref<624x128xf32, #tpu.memory_space<vmem_shared>>
          %dma_wait3A_152 = arith.constant 0 : i32
          %dma_wait3A_153 = arith.constant 0 : i32
          %dma_wait3A_154 = tpu.memref_slice %arg2[%cond3A_9, %dma_wait3A_152, %dma_wait3A_153] : memref<4x10000x128xf32, #tpu.memory_space<hbm>> -> memref<1x10000x128xf32, #tpu.memory_space<hbm>>
          %dma_wait3A_155 = tpu.memref_squeeze %dma_wait3A_154 : memref<1x10000x128xf32, #tpu.memory_space<hbm>> -> memref<10000x128xf32, #tpu.memory_space<hbm>>
          %dma_wait3A_156 = arith.constant 0 : i32
          %dma_wait3A_157 = tpu.memref_slice %dma_wait3A_155[%mul3A_142, %dma_wait3A_156] : memref<10000x128xf32, #tpu.memory_space<hbm>> -> memref<624x128xf32, #tpu.memory_space<hbm>>
          tpu.wait_dma2 semaphore(%run_scoped3A : memref<!tpu.dma_semaphore, #tpu.memory_space<semaphore_mem>>) src(%dma_wait3A_157 : memref<624x128xf32, #tpu.memory_space<hbm>>) dst(%dma_wait3A_151 : memref<624x128xf32, #tpu.memory_space<vmem_shared>>)
          tpu.yield
        }) : () -> ()
      } else {
      }
      %eq3A_12 = arith.constant 15 : i32
      %eq3A_13 = arith.cmpi eq, %arg1, %eq3A_12 : i32
      %convert_element_type3A_14 = arith.extui %eq3A_13 : i1 to i32
      %cond3A_15 = arith.constant 0 : i32
      %cond3A_16 = arith.constant 0 : i32
      %cond3A_17 = arith.cmpi ne, %convert_element_type3A_14, %cond3A_16 : i32
      scf.if %cond3A_17 {
        "tpu.region"() ({
          %run_scoped3A = tpu.sem_alloc : memref<!tpu.dma_semaphore, #tpu.memory_space<semaphore_mem>>
          %dma_start3A_141 = arith.constant 9360 : i32
          %dma_start3A_142 = arith.constant 0 : i32
          %dma_start3A_143 = tpu.memref_slice %arg6[%dma_start3A_141, %dma_start3A_142] : memref<10000x128xf32, #tpu.memory_space<vmem_shared>> -> memref<640x128xf32, #tpu.memory_space<vmem_shared>>
          %dma_start3A_144 = arith.constant 0 : i32
          %dma_start3A_145 = arith.constant 0 : i32
          %dma_start3A_146 = tpu.memref_slice %arg2[%cond3A_15, %dma_start3A_144, %dma_start3A_145] : memref<4x10000x128xf32, #tpu.memory_space<hbm>> -> memref<1x10000x128xf32, #tpu.memory_space<hbm>>
          %dma_start3A_147 = tpu.memref_squeeze %dma_start3A_146 : memref<1x10000x128xf32, #tpu.memory_space<hbm>> -> memref<10000x128xf32, #tpu.memory_space<hbm>>
          %dma_start3A_148 = arith.constant 9360 : i32
          %dma_start3A_149 = arith.constant 0 : i32
          %dma_start3A_150 = tpu.memref_slice %dma_start3A_147[%dma_start3A_148, %dma_start3A_149] : memref<10000x128xf32, #tpu.memory_space<hbm>> -> memref<640x128xf32, #tpu.memory_space<hbm>>
          tpu.enqueue_dma source(%dma_start3A_150 : memref<640x128xf32, #tpu.memory_space<hbm>>) target(%dma_start3A_143 : memref<640x128xf32, #tpu.memory_space<vmem_shared>>) target_semaphore(%run_scoped3A : memref<!tpu.dma_semaphore, #tpu.memory_space<semaphore_mem>>)
          %dma_wait3A = arith.constant 9360 : i32
          %dma_wait3A_151 = arith.constant 0 : i32
          %dma_wait3A_152 = tpu.memref_slice %arg6[%dma_wait3A, %dma_wait3A_151] : memref<10000x128xf32, #tpu.memory_space<vmem_shared>> -> memref<640x128xf32, #tpu.memory_space<vmem_shared>>
          %dma_wait3A_153 = arith.constant 0 : i32
          %dma_wait3A_154 = arith.constant 0 : i32
          %dma_wait3A_155 = tpu.memref_slice %arg2[%cond3A_15, %dma_wait3A_153, %dma_wait3A_154] : memref<4x10000x128xf32, #tpu.memory_space<hbm>> -> memref<1x10000x128xf32, #tpu.memory_space<hbm>>
          %dma_wait3A_156 = tpu.memref_squeeze %dma_wait3A_155 : memref<1x10000x128xf32, #tpu.memory_space<hbm>> -> memref<10000x128xf32, #tpu.memory_space<hbm>>
          %dma_wait3A_157 = arith.constant 9360 : i32
          %dma_wait3A_158 = arith.constant 0 : i32
          %dma_wait3A_159 = tpu.memref_slice %dma_wait3A_156[%dma_wait3A_157, %dma_wait3A_158] : memref<10000x128xf32, #tpu.memory_space<hbm>> -> memref<640x128xf32, #tpu.memory_space<hbm>>
          tpu.wait_dma2 semaphore(%run_scoped3A : memref<!tpu.dma_semaphore, #tpu.memory_space<semaphore_mem>>) src(%dma_wait3A_159 : memref<640x128xf32, #tpu.memory_space<hbm>>) dst(%dma_wait3A_152 : memref<640x128xf32, #tpu.memory_space<vmem_shared>>)
          tpu.yield
        }) : () -> ()
      } else {
      }
      %barrier3A = arith.constant 0 : index
      tpu.barrier barrier_id(%barrier3A)
      %mul3A = arith.constant 80 : i32
      %mul3A_18 = arith.muli %arg1, %mul3A : i32
      %add3A = arith.constant 0 : i32
      %add3A_19 = arith.addi %mul3A_18, %add3A : i32
      "tpu.region"() ({
        %run_scoped3A = tpu.sem_alloc : memref<!tpu.dma_semaphore, #tpu.memory_space<semaphore_mem>>
        %dma_start3A_141 = arith.constant 0 : i32
        %dma_start3A_142 = tpu.memref_slice %arg3[%add3A_19, %dma_start3A_141] : memref<1280x125xi32, #tpu.memory_space<hbm>> -> memref<40x125xi32, #tpu.memory_space<hbm>>
        %dma_start3A_143 = arith.constant 0 : i32
        %dma_start3A_144 = tpu.memref_slice %arg3[%add3A_19, %dma_start3A_143] : memref<1280x125xi32, #tpu.memory_space<hbm>> -> memref<40x125xi32, #tpu.memory_space<hbm>>
        tpu.enqueue_dma source(%dma_start3A_144 : memref<40x125xi32, #tpu.memory_space<hbm>>) target(%arg7 : memref<40x125xi32, #tpu.memory_space<vmem>>) target_semaphore(%run_scoped3A : memref<!tpu.dma_semaphore, #tpu.memory_space<semaphore_mem>>)
        %dma_wait3A = arith.constant 0 : i32
        %dma_wait3A_145 = tpu.memref_slice %arg3[%add3A_19, %dma_wait3A] : memref<1280x125xi32, #tpu.memory_space<hbm>> -> memref<40x125xi32, #tpu.memory_space<hbm>>
        %dma_wait3A_146 = arith.constant 0 : i32
        %dma_wait3A_147 = tpu.memref_slice %arg3[%add3A_19, %dma_wait3A_146] : memref<1280x125xi32, #tpu.memory_space<hbm>> -> memref<40x125xi32, #tpu.memory_space<hbm>>
        tpu.wait_dma2 semaphore(%run_scoped3A : memref<!tpu.dma_semaphore, #tpu.memory_space<semaphore_mem>>) src(%dma_wait3A_147 : memref<40x125xi32, #tpu.memory_space<hbm>>) dst(%arg7 : memref<40x125xi32, #tpu.memory_space<vmem>>)
        tpu.yield
      }) : () -> ()
      "tpu.region"() ({
        %run_scoped3A = tpu.sem_alloc : memref<!tpu.dma_semaphore, #tpu.memory_space<semaphore_mem>>
        %dma_start3A_141 = arith.constant 0 : i32
        %dma_start3A_142 = tpu.memref_slice %arg4[%add3A_19, %dma_start3A_141] : memref<1280x125xi32, #tpu.memory_space<hbm>> -> memref<40x125xi32, #tpu.memory_space<hbm>>
        %dma_start3A_143 = arith.constant 0 : i32
        %dma_start3A_144 = tpu.memref_slice %arg4[%add3A_19, %dma_start3A_143] : memref<1280x125xi32, #tpu.memory_space<hbm>> -> memref<40x125xi32, #tpu.memory_space<hbm>>
        tpu.enqueue_dma source(%dma_start3A_144 : memref<40x125xi32, #tpu.memory_space<hbm>>) target(%arg8 : memref<40x125xi32, #tpu.memory_space<vmem>>) target_semaphore(%run_scoped3A : memref<!tpu.dma_semaphore, #tpu.memory_space<semaphore_mem>>)
        %dma_wait3A = arith.constant 0 : i32
        %dma_wait3A_145 = tpu.memref_slice %arg4[%add3A_19, %dma_wait3A] : memref<1280x125xi32, #tpu.memory_space<hbm>> -> memref<40x125xi32, #tpu.memory_space<hbm>>
        %dma_wait3A_146 = arith.constant 0 : i32
        %dma_wait3A_147 = tpu.memref_slice %arg4[%add3A_19, %dma_wait3A_146] : memref<1280x125xi32, #tpu.memory_space<hbm>> -> memref<40x125xi32, #tpu.memory_space<hbm>>
        tpu.wait_dma2 semaphore(%run_scoped3A : memref<!tpu.dma_semaphore, #tpu.memory_space<semaphore_mem>>) src(%dma_wait3A_147 : memref<40x125xi32, #tpu.memory_space<hbm>>) dst(%arg8 : memref<40x125xi32, #tpu.memory_space<vmem>>)
        tpu.yield
      }) : () -> ()
      %dma_start3A = arith.constant 0 : i32
      %dma_start3A_20 = arith.constant 0 : i32
      %dma_start3A_21 = arith.constant 0 : i32
      %dma_start3A_22 = tpu.memref_slice %arg7[%dma_start3A_20, %dma_start3A_21] : memref<40x125xi32, #tpu.memory_space<vmem>> -> memref<1x125xi32, #tpu.memory_space<vmem>>
      %dma_start3A_23 = tpu.memref_squeeze %dma_start3A_22 : memref<1x125xi32, #tpu.memory_space<vmem>> -> memref<125xi32, #tpu.memory_space<vmem>>
      %dma_start3A_24 = arith.constant 0 : i32
      %dma_start3A_25 = arith.constant 0 : i32
      %dma_start3A_26 = tpu.memref_slice %arg2[%dma_start3A, %dma_start3A_24, %dma_start3A_25] : memref<4x10000x128xf32, #tpu.memory_space<hbm>> -> memref<1x10000x128xf32, #tpu.memory_space<hbm>>
      %dma_start3A_27 = tpu.memref_squeeze %dma_start3A_26 : memref<1x10000x128xf32, #tpu.memory_space<hbm>> -> memref<10000x128xf32, #tpu.memory_space<hbm>>
      %dma_start3A_28 = arith.constant 0 : i32
      %dma_start3A_29 = arith.constant 0 : i32
      %dma_start3A_30 = tpu.memref_slice %dma_start3A_27[%dma_start3A_28, %dma_start3A_29] : memref<10000x128xf32, #tpu.memory_space<hbm>> -> memref<10000x128xf32, #tpu.memory_space<hbm>>
      tpu.enqueue_indirect_dma source(%dma_start3A_30 : memref<10000x128xf32, #tpu.memory_space<hbm>>) target(%arg9 : memref<125x128xf32, #tpu.memory_space<vmem>>) offsets(%dma_start3A_23 : memref<125xi32, #tpu.memory_space<vmem>>) semaphore(%arg11 : memref<!tpu.dma_semaphore, #tpu.memory_space<semaphore_mem>>)
      %scan3A = arith.constant 0 : i32
      %scan3A_31 = arith.constant 0 : i32
      %scan3A_32 = arith.constant 0 : i32
      %scan3A_33 = arith.constant 20 : i32
      %scan3A_34 = arith.addi %scan3A_32, %scan3A_33 : i32
      %scan3A_35 = arith.constant 1 : i32
      scf.for %scan3A_141 = %scan3A_32 to %scan3A_34 step %scan3A_35  : i32 {
        %mul3A_142 = arith.constant 2 : i32
        %mul3A_143 = arith.muli %mul3A_142, %scan3A_141 : i32
        %add3A_144 = arith.constant 1 : i32
        %add3A_145 = arith.addi %mul3A_143, %add3A_144 : i32
        %dma_start3A_146 = arith.constant 0 : i32
        %dma_start3A_147 = tpu.memref_slice %arg7[%add3A_145, %dma_start3A_146] : memref<40x125xi32, #tpu.memory_space<vmem>> -> memref<1x125xi32, #tpu.memory_space<vmem>>
        %dma_start3A_148 = tpu.memref_squeeze %dma_start3A_147 : memref<1x125xi32, #tpu.memory_space<vmem>> -> memref<125xi32, #tpu.memory_space<vmem>>
        %dma_start3A_149 = arith.constant 0 : i32
        %dma_start3A_150 = arith.constant 0 : i32
        %dma_start3A_151 = tpu.memref_slice %arg2[%scan3A_31, %dma_start3A_149, %dma_start3A_150] : memref<4x10000x128xf32, #tpu.memory_space<hbm>> -> memref<1x10000x128xf32, #tpu.memory_space<hbm>>
        %dma_start3A_152 = tpu.memref_squeeze %dma_start3A_151 : memref<1x10000x128xf32, #tpu.memory_space<hbm>> -> memref<10000x128xf32, #tpu.memory_space<hbm>>
        %dma_start3A_153 = arith.constant 0 : i32
        %dma_start3A_154 = arith.constant 0 : i32
        %dma_start3A_155 = tpu.memref_slice %dma_start3A_152[%dma_start3A_153, %dma_start3A_154] : memref<10000x128xf32, #tpu.memory_space<hbm>> -> memref<10000x128xf32, #tpu.memory_space<hbm>>
        tpu.enqueue_indirect_dma source(%dma_start3A_155 : memref<10000x128xf32, #tpu.memory_space<hbm>>) target(%arg10 : memref<125x128xf32, #tpu.memory_space<vmem>>) offsets(%dma_start3A_148 : memref<125xi32, #tpu.memory_space<vmem>>) semaphore(%arg12 : memref<!tpu.dma_semaphore, #tpu.memory_space<semaphore_mem>>)
        %dma_wait3A = arith.constant 0 : i32
        %dma_wait3A_156 = arith.constant 0 : i32
        %dma_wait3A_157 = tpu.memref_slice %arg7[%dma_wait3A, %dma_wait3A_156] : memref<40x125xi32, #tpu.memory_space<vmem>> -> memref<1x125xi32, #tpu.memory_space<vmem>>
        %dma_wait3A_158 = tpu.memref_squeeze %dma_wait3A_157 : memref<1x125xi32, #tpu.memory_space<vmem>> -> memref<125xi32, #tpu.memory_space<vmem>>
        %dma_wait3A_159 = arith.constant 0 : i32
        %dma_wait3A_160 = arith.constant 0 : i32
        %dma_wait3A_161 = tpu.memref_slice %arg2[%scan3A_31, %dma_wait3A_159, %dma_wait3A_160] : memref<4x10000x128xf32, #tpu.memory_space<hbm>> -> memref<1x10000x128xf32, #tpu.memory_space<hbm>>
        %dma_wait3A_162 = tpu.memref_squeeze %dma_wait3A_161 : memref<1x10000x128xf32, #tpu.memory_space<hbm>> -> memref<10000x128xf32, #tpu.memory_space<hbm>>
        %dma_wait3A_163 = arith.constant 0 : i32
        %dma_wait3A_164 = arith.constant 0 : i32
        %dma_wait3A_165 = tpu.memref_slice %dma_wait3A_162[%dma_wait3A_163, %dma_wait3A_164] : memref<10000x128xf32, #tpu.memory_space<hbm>> -> memref<10000x128xf32, #tpu.memory_space<hbm>>
        tpu.wait_indirect_dma semaphore(%arg11 : memref<!tpu.dma_semaphore, #tpu.memory_space<semaphore_mem>>) src(%dma_wait3A_165 : memref<10000x128xf32, #tpu.memory_space<hbm>>) dst(%arg9 : memref<125x128xf32, #tpu.memory_space<vmem>>)
        "tpu.region"() ({
          %run_scoped3A = tpu.sem_alloc : memref<!tpu.dma_semaphore, #tpu.memory_space<semaphore_mem>>
          %dma_start3A_184 = arith.constant 0 : i32
          %dma_start3A_185 = tpu.memref_slice %arg8[%mul3A_143, %dma_start3A_184] : memref<40x125xi32, #tpu.memory_space<vmem>> -> memref<1x125xi32, #tpu.memory_space<vmem>>
          %dma_start3A_186 = tpu.memref_squeeze %dma_start3A_185 : memref<1x125xi32, #tpu.memory_space<vmem>> -> memref<125xi32, #tpu.memory_space<vmem>>
          %dma_start3A_187 = arith.constant 0 : i32
          %dma_start3A_188 = arith.constant 0 : i32
          %dma_start3A_189 = tpu.memref_slice %arg6[%dma_start3A_187, %dma_start3A_188] : memref<10000x128xf32, #tpu.memory_space<vmem_shared>> -> memref<10000x128xf32, #tpu.memory_space<vmem_shared>>
          tpu.enqueue_indirect_dma source(%arg9 : memref<125x128xf32, #tpu.memory_space<vmem>>) target(%dma_start3A_189 : memref<10000x128xf32, #tpu.memory_space<vmem_shared>>) offsets(%dma_start3A_186 : memref<125xi32, #tpu.memory_space<vmem>>) semaphore(%run_scoped3A : memref<!tpu.dma_semaphore, #tpu.memory_space<semaphore_mem>>) {add = true}
          %dma_wait3A_190 = arith.constant 0 : i32
          %dma_wait3A_191 = tpu.memref_slice %arg8[%mul3A_143, %dma_wait3A_190] : memref<40x125xi32, #tpu.memory_space<vmem>> -> memref<1x125xi32, #tpu.memory_space<vmem>>
          %dma_wait3A_192 = tpu.memref_squeeze %dma_wait3A_191 : memref<1x125xi32, #tpu.memory_space<vmem>> -> memref<125xi32, #tpu.memory_space<vmem>>
          %dma_wait3A_193 = arith.constant 0 : i32
          %dma_wait3A_194 = arith.constant 0 : i32
          %dma_wait3A_195 = tpu.memref_slice %arg6[%dma_wait3A_193, %dma_wait3A_194] : memref<10000x128xf32, #tpu.memory_space<vmem_shared>> -> memref<10000x128xf32, #tpu.memory_space<vmem_shared>>
          tpu.wait_indirect_dma semaphore(%run_scoped3A : memref<!tpu.dma_semaphore, #tpu.memory_space<semaphore_mem>>) src(%arg9 : memref<125x128xf32, #tpu.memory_space<vmem>>) dst(%dma_wait3A_195 : memref<10000x128xf32, #tpu.memory_space<vmem_shared>>)
          tpu.yield
        }) : () -> ()
        %add3A_166 = arith.constant 2 : i32
        %add3A_167 = arith.addi %mul3A_143, %add3A_166 : i32
        %lt3A_168 = arith.constant 40 : i32
        %lt3A_169 = arith.cmpi slt, %add3A_167, %lt3A_168 : i32
        %convert_element_type3A_170 = arith.extui %lt3A_169 : i1 to i32
        %cond3A_171 = arith.constant 0 : i32
        %cond3A_172 = arith.cmpi ne, %convert_element_type3A_170, %cond3A_171 : i32
        scf.if %cond3A_172 {
          %add3A_184 = arith.constant 2 : i32
          %add3A_185 = arith.addi %mul3A_143, %add3A_184 : i32
          %dma_start3A_186 = arith.constant 0 : i32
          %dma_start3A_187 = tpu.memref_slice %arg7[%add3A_185, %dma_start3A_186] : memref<40x125xi32, #tpu.memory_space<vmem>> -> memref<1x125xi32, #tpu.memory_space<vmem>>
          %dma_start3A_188 = tpu.memref_squeeze %dma_start3A_187 : memref<1x125xi32, #tpu.memory_space<vmem>> -> memref<125xi32, #tpu.memory_space<vmem>>
          %dma_start3A_189 = arith.constant 0 : i32
          %dma_start3A_190 = arith.constant 0 : i32
          %dma_start3A_191 = tpu.memref_slice %arg2[%scan3A_31, %dma_start3A_189, %dma_start3A_190] : memref<4x10000x128xf32, #tpu.memory_space<hbm>> -> memref<1x10000x128xf32, #tpu.memory_space<hbm>>
          %dma_start3A_192 = tpu.memref_squeeze %dma_start3A_191 : memref<1x10000x128xf32, #tpu.memory_space<hbm>> -> memref<10000x128xf32, #tpu.memory_space<hbm>>
          %dma_start3A_193 = arith.constant 0 : i32
          %dma_start3A_194 = arith.constant 0 : i32
          %dma_start3A_195 = tpu.memref_slice %dma_start3A_192[%dma_start3A_193, %dma_start3A_194] : memref<10000x128xf32, #tpu.memory_space<hbm>> -> memref<10000x128xf32, #tpu.memory_space<hbm>>
          tpu.enqueue_indirect_dma source(%dma_start3A_195 : memref<10000x128xf32, #tpu.memory_space<hbm>>) target(%arg9 : memref<125x128xf32, #tpu.memory_space<vmem>>) offsets(%dma_start3A_188 : memref<125xi32, #tpu.memory_space<vmem>>) semaphore(%arg11 : memref<!tpu.dma_semaphore, #tpu.memory_space<semaphore_mem>>)
        } else {
        }
        %dma_wait3A_173 = arith.constant 0 : i32
        %dma_wait3A_174 = arith.constant 0 : i32
        %dma_wait3A_175 = tpu.memref_slice %arg7[%dma_wait3A_173, %dma_wait3A_174] : memref<40x125xi32, #tpu.memory_space<vmem>> -> memref<1x125xi32, #tpu.memory_space<vmem>>
        %dma_wait3A_176 = tpu.memref_squeeze %dma_wait3A_175 : memref<1x125xi32, #tpu.memory_space<vmem>> -> memref<125xi32, #tpu.memory_space<vmem>>
        %dma_wait3A_177 = arith.constant 0 : i32
        %dma_wait3A_178 = arith.constant 0 : i32
        %dma_wait3A_179 = tpu.memref_slice %arg2[%scan3A_31, %dma_wait3A_177, %dma_wait3A_178] : memref<4x10000x128xf32, #tpu.memory_space<hbm>> -> memref<1x10000x128xf32, #tpu.memory_space<hbm>>
        %dma_wait3A_180 = tpu.memref_squeeze %dma_wait3A_179 : memref<1x10000x128xf32, #tpu.memory_space<hbm>> -> memref<10000x128xf32, #tpu.memory_space<hbm>>
        %dma_wait3A_181 = arith.constant 0 : i32
        %dma_wait3A_182 = arith.constant 0 : i32
        %dma_wait3A_183 = tpu.memref_slice %dma_wait3A_180[%dma_wait3A_181, %dma_wait3A_182] : memref<10000x128xf32, #tpu.memory_space<hbm>> -> memref<10000x128xf32, #tpu.memory_space<hbm>>
        tpu.wait_indirect_dma semaphore(%arg12 : memref<!tpu.dma_semaphore, #tpu.memory_space<semaphore_mem>>) src(%dma_wait3A_183 : memref<10000x128xf32, #tpu.memory_space<hbm>>) dst(%arg10 : memref<125x128xf32, #tpu.memory_space<vmem>>)
        "tpu.region"() ({
          %run_scoped3A = tpu.sem_alloc : memref<!tpu.dma_semaphore, #tpu.memory_space<semaphore_mem>>
          %dma_start3A_184 = arith.constant 0 : i32
          %dma_start3A_185 = tpu.memref_slice %arg8[%add3A_145, %dma_start3A_184] : memref<40x125xi32, #tpu.memory_space<vmem>> -> memref<1x125xi32, #tpu.memory_space<vmem>>
          %dma_start3A_186 = tpu.memref_squeeze %dma_start3A_185 : memref<1x125xi32, #tpu.memory_space<vmem>> -> memref<125xi32, #tpu.memory_space<vmem>>
          %dma_start3A_187 = arith.constant 0 : i32
          %dma_start3A_188 = arith.constant 0 : i32
          %dma_start3A_189 = tpu.memref_slice %arg6[%dma_start3A_187, %dma_start3A_188] : memref<10000x128xf32, #tpu.memory_space<vmem_shared>> -> memref<10000x128xf32, #tpu.memory_space<vmem_shared>>
          tpu.enqueue_indirect_dma source(%arg10 : memref<125x128xf32, #tpu.memory_space<vmem>>) target(%dma_start3A_189 : memref<10000x128xf32, #tpu.memory_space<vmem_shared>>) offsets(%dma_start3A_186 : memref<125xi32, #tpu.memory_space<vmem>>) semaphore(%run_scoped3A : memref<!tpu.dma_semaphore, #tpu.memory_space<semaphore_mem>>) {add = true}
          %dma_wait3A_190 = arith.constant 0 : i32
          %dma_wait3A_191 = tpu.memref_slice %arg8[%add3A_145, %dma_wait3A_190] : memref<40x125xi32, #tpu.memory_space<vmem>> -> memref<1x125xi32, #tpu.memory_space<vmem>>
          %dma_wait3A_192 = tpu.memref_squeeze %dma_wait3A_191 : memref<1x125xi32, #tpu.memory_space<vmem>> -> memref<125xi32, #tpu.memory_space<vmem>>
          %dma_wait3A_193 = arith.constant 0 : i32
          %dma_wait3A_194 = arith.constant 0 : i32
          %dma_wait3A_195 = tpu.memref_slice %arg6[%dma_wait3A_193, %dma_wait3A_194] : memref<10000x128xf32, #tpu.memory_space<vmem_shared>> -> memref<10000x128xf32, #tpu.memory_space<vmem_shared>>
          tpu.wait_indirect_dma semaphore(%run_scoped3A : memref<!tpu.dma_semaphore, #tpu.memory_space<semaphore_mem>>) src(%arg10 : memref<125x128xf32, #tpu.memory_space<vmem>>) dst(%dma_wait3A_195 : memref<10000x128xf32, #tpu.memory_space<vmem_shared>>)
          tpu.yield
        }) : () -> ()
      }
      %scan3A_36 = arith.constant 20 : i32
      %mul3A_37 = arith.constant 80 : i32
      %mul3A_38 = arith.muli %arg1, %mul3A_37 : i32
      %add3A_39 = arith.constant 40 : i32
      %add3A_40 = arith.addi %mul3A_38, %add3A_39 : i32
      "tpu.region"() ({
        %run_scoped3A = tpu.sem_alloc : memref<!tpu.dma_semaphore, #tpu.memory_space<semaphore_mem>>
        %dma_start3A_141 = arith.constant 0 : i32
        %dma_start3A_142 = tpu.memref_slice %arg3[%add3A_40, %dma_start3A_141] : memref<1280x125xi32, #tpu.memory_space<hbm>> -> memref<40x125xi32, #tpu.memory_space<hbm>>
        %dma_start3A_143 = arith.constant 0 : i32
        %dma_start3A_144 = tpu.memref_slice %arg3[%add3A_40, %dma_start3A_143] : memref<1280x125xi32, #tpu.memory_space<hbm>> -> memref<40x125xi32, #tpu.memory_space<hbm>>
        tpu.enqueue_dma source(%dma_start3A_144 : memref<40x125xi32, #tpu.memory_space<hbm>>) target(%arg7 : memref<40x125xi32, #tpu.memory_space<vmem>>) target_semaphore(%run_scoped3A : memref<!tpu.dma_semaphore, #tpu.memory_space<semaphore_mem>>)
        %dma_wait3A = arith.constant 0 : i32
        %dma_wait3A_145 = tpu.memref_slice %arg3[%add3A_40, %dma_wait3A] : memref<1280x125xi32, #tpu.memory_space<hbm>> -> memref<40x125xi32, #tpu.memory_space<hbm>>
        %dma_wait3A_146 = arith.constant 0 : i32
        %dma_wait3A_147 = tpu.memref_slice %arg3[%add3A_40, %dma_wait3A_146] : memref<1280x125xi32, #tpu.memory_space<hbm>> -> memref<40x125xi32, #tpu.memory_space<hbm>>
        tpu.wait_dma2 semaphore(%run_scoped3A : memref<!tpu.dma_semaphore, #tpu.memory_space<semaphore_mem>>) src(%dma_wait3A_147 : memref<40x125xi32, #tpu.memory_space<hbm>>) dst(%arg7 : memref<40x125xi32, #tpu.memory_space<vmem>>)
        tpu.yield
      }) : () -> ()
      "tpu.region"() ({
        %run_scoped3A = tpu.sem_alloc : memref<!tpu.dma_semaphore, #tpu.memory_space<semaphore_mem>>
        %dma_start3A_141 = arith.constant 0 : i32
        %dma_start3A_142 = tpu.memref_slice %arg4[%add3A_40, %dma_start3A_141] : memref<1280x125xi32, #tpu.memory_space<hbm>> -> memref<40x125xi32, #tpu.memory_space<hbm>>
        %dma_start3A_143 = arith.constant 0 : i32
        %dma_start3A_144 = tpu.memref_slice %arg4[%add3A_40, %dma_start3A_143] : memref<1280x125xi32, #tpu.memory_space<hbm>> -> memref<40x125xi32, #tpu.memory_space<hbm>>
        tpu.enqueue_dma source(%dma_start3A_144 : memref<40x125xi32, #tpu.memory_space<hbm>>) target(%arg8 : memref<40x125xi32, #tpu.memory_space<vmem>>) target_semaphore(%run_scoped3A : memref<!tpu.dma_semaphore, #tpu.memory_space<semaphore_mem>>)
        %dma_wait3A = arith.constant 0 : i32
        %dma_wait3A_145 = tpu.memref_slice %arg4[%add3A_40, %dma_wait3A] : memref<1280x125xi32, #tpu.memory_space<hbm>> -> memref<40x125xi32, #tpu.memory_space<hbm>>
        %dma_wait3A_146 = arith.constant 0 : i32
        %dma_wait3A_147 = tpu.memref_slice %arg4[%add3A_40, %dma_wait3A_146] : memref<1280x125xi32, #tpu.memory_space<hbm>> -> memref<40x125xi32, #tpu.memory_space<hbm>>
        tpu.wait_dma2 semaphore(%run_scoped3A : memref<!tpu.dma_semaphore, #tpu.memory_space<semaphore_mem>>) src(%dma_wait3A_147 : memref<40x125xi32, #tpu.memory_space<hbm>>) dst(%arg8 : memref<40x125xi32, #tpu.memory_space<vmem>>)
        tpu.yield
      }) : () -> ()
      %dma_start3A_41 = arith.constant 0 : i32
      %dma_start3A_42 = arith.constant 0 : i32
      %dma_start3A_43 = arith.constant 0 : i32
      %dma_start3A_44 = tpu.memref_slice %arg7[%dma_start3A_42, %dma_start3A_43] : memref<40x125xi32, #tpu.memory_space<vmem>> -> memref<1x125xi32, #tpu.memory_space<vmem>>
      %dma_start3A_45 = tpu.memref_squeeze %dma_start3A_44 : memref<1x125xi32, #tpu.memory_space<vmem>> -> memref<125xi32, #tpu.memory_space<vmem>>
      %dma_start3A_46 = arith.constant 0 : i32
      %dma_start3A_47 = arith.constant 0 : i32
      %dma_start3A_48 = tpu.memref_slice %arg2[%dma_start3A_41, %dma_start3A_46, %dma_start3A_47] : memref<4x10000x128xf32, #tpu.memory_space<hbm>> -> memref<1x10000x128xf32, #tpu.memory_space<hbm>>
      %dma_start3A_49 = tpu.memref_squeeze %dma_start3A_48 : memref<1x10000x128xf32, #tpu.memory_space<hbm>> -> memref<10000x128xf32, #tpu.memory_space<hbm>>
      %dma_start3A_50 = arith.constant 0 : i32
      %dma_start3A_51 = arith.constant 0 : i32
      %dma_start3A_52 = tpu.memref_slice %dma_start3A_49[%dma_start3A_50, %dma_start3A_51] : memref<10000x128xf32, #tpu.memory_space<hbm>> -> memref<10000x128xf32, #tpu.memory_space<hbm>>
      tpu.enqueue_indirect_dma source(%dma_start3A_52 : memref<10000x128xf32, #tpu.memory_space<hbm>>) target(%arg9 : memref<125x128xf32, #tpu.memory_space<vmem>>) offsets(%dma_start3A_45 : memref<125xi32, #tpu.memory_space<vmem>>) semaphore(%arg11 : memref<!tpu.dma_semaphore, #tpu.memory_space<semaphore_mem>>)
      %scan3A_53 = arith.constant 0 : i32
      %scan3A_54 = arith.constant 0 : i32
      %scan3A_55 = arith.constant 0 : i32
      %scan3A_56 = arith.constant 20 : i32
      %scan3A_57 = arith.addi %scan3A_55, %scan3A_56 : i32
      %scan3A_58 = arith.constant 1 : i32
      scf.for %scan3A_141 = %scan3A_55 to %scan3A_57 step %scan3A_58  : i32 {
        %mul3A_142 = arith.constant 2 : i32
        %mul3A_143 = arith.muli %mul3A_142, %scan3A_141 : i32
        %add3A_144 = arith.constant 1 : i32
        %add3A_145 = arith.addi %mul3A_143, %add3A_144 : i32
        %dma_start3A_146 = arith.constant 0 : i32
        %dma_start3A_147 = tpu.memref_slice %arg7[%add3A_145, %dma_start3A_146] : memref<40x125xi32, #tpu.memory_space<vmem>> -> memref<1x125xi32, #tpu.memory_space<vmem>>
        %dma_start3A_148 = tpu.memref_squeeze %dma_start3A_147 : memref<1x125xi32, #tpu.memory_space<vmem>> -> memref<125xi32, #tpu.memory_space<vmem>>
        %dma_start3A_149 = arith.constant 0 : i32
        %dma_start3A_150 = arith.constant 0 : i32
        %dma_start3A_151 = tpu.memref_slice %arg2[%scan3A_54, %dma_start3A_149, %dma_start3A_150] : memref<4x10000x128xf32, #tpu.memory_space<hbm>> -> memref<1x10000x128xf32, #tpu.memory_space<hbm>>
        %dma_start3A_152 = tpu.memref_squeeze %dma_start3A_151 : memref<1x10000x128xf32, #tpu.memory_space<hbm>> -> memref<10000x128xf32, #tpu.memory_space<hbm>>
        %dma_start3A_153 = arith.constant 0 : i32
        %dma_start3A_154 = arith.constant 0 : i32
        %dma_start3A_155 = tpu.memref_slice %dma_start3A_152[%dma_start3A_153, %dma_start3A_154] : memref<10000x128xf32, #tpu.memory_space<hbm>> -> memref<10000x128xf32, #tpu.memory_space<hbm>>
        tpu.enqueue_indirect_dma source(%dma_start3A_155 : memref<10000x128xf32, #tpu.memory_space<hbm>>) target(%arg10 : memref<125x128xf32, #tpu.memory_space<vmem>>) offsets(%dma_start3A_148 : memref<125xi32, #tpu.memory_space<vmem>>) semaphore(%arg12 : memref<!tpu.dma_semaphore, #tpu.memory_space<semaphore_mem>>)
        %dma_wait3A = arith.constant 0 : i32
        %dma_wait3A_156 = arith.constant 0 : i32
        %dma_wait3A_157 = tpu.memref_slice %arg7[%dma_wait3A, %dma_wait3A_156] : memref<40x125xi32, #tpu.memory_space<vmem>> -> memref<1x125xi32, #tpu.memory_space<vmem>>
        %dma_wait3A_158 = tpu.memref_squeeze %dma_wait3A_157 : memref<1x125xi32, #tpu.memory_space<vmem>> -> memref<125xi32, #tpu.memory_space<vmem>>
        %dma_wait3A_159 = arith.constant 0 : i32
        %dma_wait3A_160 = arith.constant 0 : i32
        %dma_wait3A_161 = tpu.memref_slice %arg2[%scan3A_54, %dma_wait3A_159, %dma_wait3A_160] : memref<4x10000x128xf32, #tpu.memory_space<hbm>> -> memref<1x10000x128xf32, #tpu.memory_space<hbm>>
        %dma_wait3A_162 = tpu.memref_squeeze %dma_wait3A_161 : memref<1x10000x128xf32, #tpu.memory_space<hbm>> -> memref<10000x128xf32, #tpu.memory_space<hbm>>
        %dma_wait3A_163 = arith.constant 0 : i32
        %dma_wait3A_164 = arith.constant 0 : i32
        %dma_wait3A_165 = tpu.memref_slice %dma_wait3A_162[%dma_wait3A_163, %dma_wait3A_164] : memref<10000x128xf32, #tpu.memory_space<hbm>> -> memref<10000x128xf32, #tpu.memory_space<hbm>>
        tpu.wait_indirect_dma semaphore(%arg11 : memref<!tpu.dma_semaphore, #tpu.memory_space<semaphore_mem>>) src(%dma_wait3A_165 : memref<10000x128xf32, #tpu.memory_space<hbm>>) dst(%arg9 : memref<125x128xf32, #tpu.memory_space<vmem>>)
        "tpu.region"() ({
          %run_scoped3A = tpu.sem_alloc : memref<!tpu.dma_semaphore, #tpu.memory_space<semaphore_mem>>
          %dma_start3A_184 = arith.constant 0 : i32
          %dma_start3A_185 = tpu.memref_slice %arg8[%mul3A_143, %dma_start3A_184] : memref<40x125xi32, #tpu.memory_space<vmem>> -> memref<1x125xi32, #tpu.memory_space<vmem>>
          %dma_start3A_186 = tpu.memref_squeeze %dma_start3A_185 : memref<1x125xi32, #tpu.memory_space<vmem>> -> memref<125xi32, #tpu.memory_space<vmem>>
          %dma_start3A_187 = arith.constant 0 : i32
          %dma_start3A_188 = arith.constant 0 : i32
          %dma_start3A_189 = tpu.memref_slice %arg6[%dma_start3A_187, %dma_start3A_188] : memref<10000x128xf32, #tpu.memory_space<vmem_shared>> -> memref<10000x128xf32, #tpu.memory_space<vmem_shared>>
          tpu.enqueue_indirect_dma source(%arg9 : memref<125x128xf32, #tpu.memory_space<vmem>>) target(%dma_start3A_189 : memref<10000x128xf32, #tpu.memory_space<vmem_shared>>) offsets(%dma_start3A_186 : memref<125xi32, #tpu.memory_space<vmem>>) semaphore(%run_scoped3A : memref<!tpu.dma_semaphore, #tpu.memory_space<semaphore_mem>>) {add = true}
          %dma_wait3A_190 = arith.constant 0 : i32
          %dma_wait3A_191 = tpu.memref_slice %arg8[%mul3A_143, %dma_wait3A_190] : memref<40x125xi32, #tpu.memory_space<vmem>> -> memref<1x125xi32, #tpu.memory_space<vmem>>
          %dma_wait3A_192 = tpu.memref_squeeze %dma_wait3A_191 : memref<1x125xi32, #tpu.memory_space<vmem>> -> memref<125xi32, #tpu.memory_space<vmem>>
          %dma_wait3A_193 = arith.constant 0 : i32
          %dma_wait3A_194 = arith.constant 0 : i32
          %dma_wait3A_195 = tpu.memref_slice %arg6[%dma_wait3A_193, %dma_wait3A_194] : memref<10000x128xf32, #tpu.memory_space<vmem_shared>> -> memref<10000x128xf32, #tpu.memory_space<vmem_shared>>
          tpu.wait_indirect_dma semaphore(%run_scoped3A : memref<!tpu.dma_semaphore, #tpu.memory_space<semaphore_mem>>) src(%arg9 : memref<125x128xf32, #tpu.memory_space<vmem>>) dst(%dma_wait3A_195 : memref<10000x128xf32, #tpu.memory_space<vmem_shared>>)
          tpu.yield
        }) : () -> ()
        %add3A_166 = arith.constant 2 : i32
        %add3A_167 = arith.addi %mul3A_143, %add3A_166 : i32
        %lt3A_168 = arith.constant 40 : i32
        %lt3A_169 = arith.cmpi slt, %add3A_167, %lt3A_168 : i32
        %convert_element_type3A_170 = arith.extui %lt3A_169 : i1 to i32
        %cond3A_171 = arith.constant 0 : i32
        %cond3A_172 = arith.cmpi ne, %convert_element_type3A_170, %cond3A_171 : i32
        scf.if %cond3A_172 {
          %add3A_184 = arith.constant 2 : i32
          %add3A_185 = arith.addi %mul3A_143, %add3A_184 : i32
          %dma_start3A_186 = arith.constant 0 : i32
          %dma_start3A_187 = tpu.memref_slice %arg7[%add3A_185, %dma_start3A_186] : memref<40x125xi32, #tpu.memory_space<vmem>> -> memref<1x125xi32, #tpu.memory_space<vmem>>
          %dma_start3A_188 = tpu.memref_squeeze %dma_start3A_187 : memref<1x125xi32, #tpu.memory_space<vmem>> -> memref<125xi32, #tpu.memory_space<vmem>>
          %dma_start3A_189 = arith.constant 0 : i32
          %dma_start3A_190 = arith.constant 0 : i32
          %dma_start3A_191 = tpu.memref_slice %arg2[%scan3A_54, %dma_start3A_189, %dma_start3A_190] : memref<4x10000x128xf32, #tpu.memory_space<hbm>> -> memref<1x10000x128xf32, #tpu.memory_space<hbm>>
          %dma_start3A_192 = tpu.memref_squeeze %dma_start3A_191 : memref<1x10000x128xf32, #tpu.memory_space<hbm>> -> memref<10000x128xf32, #tpu.memory_space<hbm>>
          %dma_start3A_193 = arith.constant 0 : i32
          %dma_start3A_194 = arith.constant 0 : i32
          %dma_start3A_195 = tpu.memref_slice %dma_start3A_192[%dma_start3A_193, %dma_start3A_194] : memref<10000x128xf32, #tpu.memory_space<hbm>> -> memref<10000x128xf32, #tpu.memory_space<hbm>>
          tpu.enqueue_indirect_dma source(%dma_start3A_195 : memref<10000x128xf32, #tpu.memory_space<hbm>>) target(%arg9 : memref<125x128xf32, #tpu.memory_space<vmem>>) offsets(%dma_start3A_188 : memref<125xi32, #tpu.memory_space<vmem>>) semaphore(%arg11 : memref<!tpu.dma_semaphore, #tpu.memory_space<semaphore_mem>>)
        } else {
        }
        %dma_wait3A_173 = arith.constant 0 : i32
        %dma_wait3A_174 = arith.constant 0 : i32
        %dma_wait3A_175 = tpu.memref_slice %arg7[%dma_wait3A_173, %dma_wait3A_174] : memref<40x125xi32, #tpu.memory_space<vmem>> -> memref<1x125xi32, #tpu.memory_space<vmem>>
        %dma_wait3A_176 = tpu.memref_squeeze %dma_wait3A_175 : memref<1x125xi32, #tpu.memory_space<vmem>> -> memref<125xi32, #tpu.memory_space<vmem>>
        %dma_wait3A_177 = arith.constant 0 : i32
        %dma_wait3A_178 = arith.constant 0 : i32
        %dma_wait3A_179 = tpu.memref_slice %arg2[%scan3A_54, %dma_wait3A_177, %dma_wait3A_178] : memref<4x10000x128xf32, #tpu.memory_space<hbm>> -> memref<1x10000x128xf32, #tpu.memory_space<hbm>>
        %dma_wait3A_180 = tpu.memref_squeeze %dma_wait3A_179 : memref<1x10000x128xf32, #tpu.memory_space<hbm>> -> memref<10000x128xf32, #tpu.memory_space<hbm>>
        %dma_wait3A_181 = arith.constant 0 : i32
        %dma_wait3A_182 = arith.constant 0 : i32
        %dma_wait3A_183 = tpu.memref_slice %dma_wait3A_180[%dma_wait3A_181, %dma_wait3A_182] : memref<10000x128xf32, #tpu.memory_space<hbm>> -> memref<10000x128xf32, #tpu.memory_space<hbm>>
        tpu.wait_indirect_dma semaphore(%arg12 : memref<!tpu.dma_semaphore, #tpu.memory_space<semaphore_mem>>) src(%dma_wait3A_183 : memref<10000x128xf32, #tpu.memory_space<hbm>>) dst(%arg10 : memref<125x128xf32, #tpu.memory_space<vmem>>)
        "tpu.region"() ({
          %run_scoped3A = tpu.sem_alloc : memref<!tpu.dma_semaphore, #tpu.memory_space<semaphore_mem>>
          %dma_start3A_184 = arith.constant 0 : i32
          %dma_start3A_185 = tpu.memref_slice %arg8[%add3A_145, %dma_start3A_184] : memref<40x125xi32, #tpu.memory_space<vmem>> -> memref<1x125xi32, #tpu.memory_space<vmem>>
          %dma_start3A_186 = tpu.memref_squeeze %dma_start3A_185 : memref<1x125xi32, #tpu.memory_space<vmem>> -> memref<125xi32, #tpu.memory_space<vmem>>
          %dma_start3A_187 = arith.constant 0 : i32
          %dma_start3A_188 = arith.constant 0 : i32
          %dma_start3A_189 = tpu.memref_slice %arg6[%dma_start3A_187, %dma_start3A_188] : memref<10000x128xf32, #tpu.memory_space<vmem_shared>> -> memref<10000x128xf32, #tpu.memory_space<vmem_shared>>
          tpu.enqueue_indirect_dma source(%arg10 : memref<125x128xf32, #tpu.memory_space<vmem>>) target(%dma_start3A_189 : memref<10000x128xf32, #tpu.memory_space<vmem_shared>>) offsets(%dma_start3A_186 : memref<125xi32, #tpu.memory_space<vmem>>) semaphore(%run_scoped3A : memref<!tpu.dma_semaphore, #tpu.memory_space<semaphore_mem>>) {add = true}
          %dma_wait3A_190 = arith.constant 0 : i32
          %dma_wait3A_191 = tpu.memref_slice %arg8[%add3A_145, %dma_wait3A_190] : memref<40x125xi32, #tpu.memory_space<vmem>> -> memref<1x125xi32, #tpu.memory_space<vmem>>
          %dma_wait3A_192 = tpu.memref_squeeze %dma_wait3A_191 : memref<1x125xi32, #tpu.memory_space<vmem>> -> memref<125xi32, #tpu.memory_space<vmem>>
          %dma_wait3A_193 = arith.constant 0 : i32
          %dma_wait3A_194 = arith.constant 0 : i32
          %dma_wait3A_195 = tpu.memref_slice %arg6[%dma_wait3A_193, %dma_wait3A_194] : memref<10000x128xf32, #tpu.memory_space<vmem_shared>> -> memref<10000x128xf32, #tpu.memory_space<vmem_shared>>
          tpu.wait_indirect_dma semaphore(%run_scoped3A : memref<!tpu.dma_semaphore, #tpu.memory_space<semaphore_mem>>) src(%arg10 : memref<125x128xf32, #tpu.memory_space<vmem>>) dst(%dma_wait3A_195 : memref<10000x128xf32, #tpu.memory_space<vmem_shared>>)
          tpu.yield
        }) : () -> ()
      }
      %scan3A_59 = arith.constant 20 : i32
      %barrier3A_60 = arith.constant 0 : index
      tpu.barrier barrier_id(%barrier3A_60)
      %lt3A_61 = arith.constant 15 : i32
      %lt3A_62 = arith.cmpi slt, %arg1, %lt3A_61 : i32
      %convert_element_type3A_63 = arith.extui %lt3A_62 : i1 to i32
      %cond3A_64 = arith.constant 0 : i32
      %cond3A_65 = arith.cmpi ne, %convert_element_type3A_63, %cond3A_64 : i32
      scf.if %cond3A_65 {
        %mul3A_141 = arith.constant 624 : i32
        %mul3A_142 = arith.muli %arg1, %mul3A_141 : i32
        %run_scoped3A = arith.constant 0 : i32
        "tpu.region"() ({
          %run_scoped3A_143 = tpu.sem_alloc : memref<!tpu.dma_semaphore, #tpu.memory_space<semaphore_mem>>
          %dma_start3A_144 = arith.constant 0 : i32
          %dma_start3A_145 = arith.constant 0 : i32
          %dma_start3A_146 = tpu.memref_slice %arg5[%run_scoped3A, %dma_start3A_144, %dma_start3A_145] : memref<4x10000x128xf32, #tpu.memory_space<hbm>> -> memref<1x10000x128xf32, #tpu.memory_space<hbm>>
          %dma_start3A_147 = tpu.memref_squeeze %dma_start3A_146 : memref<1x10000x128xf32, #tpu.memory_space<hbm>> -> memref<10000x128xf32, #tpu.memory_space<hbm>>
          %dma_start3A_148 = arith.constant 0 : i32
          %dma_start3A_149 = tpu.memref_slice %dma_start3A_147[%mul3A_142, %dma_start3A_148] : memref<10000x128xf32, #tpu.memory_space<hbm>> -> memref<624x128xf32, #tpu.memory_space<hbm>>
          %dma_start3A_150 = arith.constant 0 : i32
          %dma_start3A_151 = tpu.memref_slice %arg6[%mul3A_142, %dma_start3A_150] : memref<10000x128xf32, #tpu.memory_space<vmem_shared>> -> memref<624x128xf32, #tpu.memory_space<vmem_shared>>
          tpu.enqueue_dma source(%dma_start3A_151 : memref<624x128xf32, #tpu.memory_space<vmem_shared>>) target(%dma_start3A_149 : memref<624x128xf32, #tpu.memory_space<hbm>>) target_semaphore(%run_scoped3A_143 : memref<!tpu.dma_semaphore, #tpu.memory_space<semaphore_mem>>)
          %dma_wait3A = arith.constant 0 : i32
          %dma_wait3A_152 = arith.constant 0 : i32
          %dma_wait3A_153 = tpu.memref_slice %arg5[%run_scoped3A, %dma_wait3A, %dma_wait3A_152] : memref<4x10000x128xf32, #tpu.memory_space<hbm>> -> memref<1x10000x128xf32, #tpu.memory_space<hbm>>
          %dma_wait3A_154 = tpu.memref_squeeze %dma_wait3A_153 : memref<1x10000x128xf32, #tpu.memory_space<hbm>> -> memref<10000x128xf32, #tpu.memory_space<hbm>>
          %dma_wait3A_155 = arith.constant 0 : i32
          %dma_wait3A_156 = tpu.memref_slice %dma_wait3A_154[%mul3A_142, %dma_wait3A_155] : memref<10000x128xf32, #tpu.memory_space<hbm>> -> memref<624x128xf32, #tpu.memory_space<hbm>>
          %dma_wait3A_157 = arith.constant 0 : i32
          %dma_wait3A_158 = tpu.memref_slice %arg6[%mul3A_142, %dma_wait3A_157] : memref<10000x128xf32, #tpu.memory_space<vmem_shared>> -> memref<624x128xf32, #tpu.memory_space<vmem_shared>>
          tpu.wait_dma2 semaphore(%run_scoped3A_143 : memref<!tpu.dma_semaphore, #tpu.memory_space<semaphore_mem>>) src(%dma_wait3A_158 : memref<624x128xf32, #tpu.memory_space<vmem_shared>>) dst(%dma_wait3A_156 : memref<624x128xf32, #tpu.memory_space<hbm>>)
          tpu.yield
        }) : () -> ()
      } else {
      }
      %eq3A_66 = arith.constant 15 : i32
      %eq3A_67 = arith.cmpi eq, %arg1, %eq3A_66 : i32
      %convert_element_type3A_68 = arith.extui %eq3A_67 : i1 to i32
      %cond3A_69 = arith.constant 0 : i32
      %cond3A_70 = arith.cmpi ne, %convert_element_type3A_68, %cond3A_69 : i32
      scf.if %cond3A_70 {
        %run_scoped3A = arith.constant 0 : i32
        "tpu.region"() ({
          %run_scoped3A_141 = tpu.sem_alloc : memref<!tpu.dma_semaphore, #tpu.memory_space<semaphore_mem>>
          %dma_start3A_142 = arith.constant 0 : i32
          %dma_start3A_143 = arith.constant 0 : i32
          %dma_start3A_144 = tpu.memref_slice %arg5[%run_scoped3A, %dma_start3A_142, %dma_start3A_143] : memref<4x10000x128xf32, #tpu.memory_space<hbm>> -> memref<1x10000x128xf32, #tpu.memory_space<hbm>>
          %dma_start3A_145 = tpu.memref_squeeze %dma_start3A_144 : memref<1x10000x128xf32, #tpu.memory_space<hbm>> -> memref<10000x128xf32, #tpu.memory_space<hbm>>
          %dma_start3A_146 = arith.constant 9360 : i32
          %dma_start3A_147 = arith.constant 0 : i32
          %dma_start3A_148 = tpu.memref_slice %dma_start3A_145[%dma_start3A_146, %dma_start3A_147] : memref<10000x128xf32, #tpu.memory_space<hbm>> -> memref<640x128xf32, #tpu.memory_space<hbm>>
          %dma_start3A_149 = arith.constant 9360 : i32
          %dma_start3A_150 = arith.constant 0 : i32
          %dma_start3A_151 = tpu.memref_slice %arg6[%dma_start3A_149, %dma_start3A_150] : memref<10000x128xf32, #tpu.memory_space<vmem_shared>> -> memref<640x128xf32, #tpu.memory_space<vmem_shared>>
          tpu.enqueue_dma source(%dma_start3A_151 : memref<640x128xf32, #tpu.memory_space<vmem_shared>>) target(%dma_start3A_148 : memref<640x128xf32, #tpu.memory_space<hbm>>) target_semaphore(%run_scoped3A_141 : memref<!tpu.dma_semaphore, #tpu.memory_space<semaphore_mem>>)
          %dma_wait3A = arith.constant 0 : i32
          %dma_wait3A_152 = arith.constant 0 : i32
          %dma_wait3A_153 = tpu.memref_slice %arg5[%run_scoped3A, %dma_wait3A, %dma_wait3A_152] : memref<4x10000x128xf32, #tpu.memory_space<hbm>> -> memref<1x10000x128xf32, #tpu.memory_space<hbm>>
          %dma_wait3A_154 = tpu.memref_squeeze %dma_wait3A_153 : memref<1x10000x128xf32, #tpu.memory_space<hbm>> -> memref<10000x128xf32, #tpu.memory_space<hbm>>
          %dma_wait3A_155 = arith.constant 9360 : i32
          %dma_wait3A_156 = arith.constant 0 : i32
          %dma_wait3A_157 = tpu.memref_slice %dma_wait3A_154[%dma_wait3A_155, %dma_wait3A_156] : memref<10000x128xf32, #tpu.memory_space<hbm>> -> memref<640x128xf32, #tpu.memory_space<hbm>>
          %dma_wait3A_158 = arith.constant 9360 : i32
          %dma_wait3A_159 = arith.constant 0 : i32
          %dma_wait3A_160 = tpu.memref_slice %arg6[%dma_wait3A_158, %dma_wait3A_159] : memref<10000x128xf32, #tpu.memory_space<vmem_shared>> -> memref<640x128xf32, #tpu.memory_space<vmem_shared>>
          tpu.wait_dma2 semaphore(%run_scoped3A_141 : memref<!tpu.dma_semaphore, #tpu.memory_space<semaphore_mem>>) src(%dma_wait3A_160 : memref<640x128xf32, #tpu.memory_space<vmem_shared>>) dst(%dma_wait3A_157 : memref<640x128xf32, #tpu.memory_space<hbm>>)
          tpu.yield
        }) : () -> ()
      } else {
      }
      %lt3A_71 = arith.constant 15 : i32
      %lt3A_72 = arith.cmpi slt, %arg1, %lt3A_71 : i32
      %convert_element_type3A_73 = arith.extui %lt3A_72 : i1 to i32
      %cond3A_74 = arith.constant 1 : i32
      %cond3A_75 = arith.constant 0 : i32
      %cond3A_76 = arith.cmpi ne, %convert_element_type3A_73, %cond3A_75 : i32
      scf.if %cond3A_76 {
        %mul3A_141 = arith.constant 624 : i32
        %mul3A_142 = arith.muli %arg1, %mul3A_141 : i32
        "tpu.region"() ({
          %run_scoped3A = tpu.sem_alloc : memref<!tpu.dma_semaphore, #tpu.memory_space<semaphore_mem>>
          %dma_start3A_143 = arith.constant 0 : i32
          %dma_start3A_144 = tpu.memref_slice %arg6[%mul3A_142, %dma_start3A_143] : memref<10000x128xf32, #tpu.memory_space<vmem_shared>> -> memref<624x128xf32, #tpu.memory_space<vmem_shared>>
          %dma_start3A_145 = arith.constant 0 : i32
          %dma_start3A_146 = arith.constant 0 : i32
          %dma_start3A_147 = tpu.memref_slice %arg2[%cond3A_74, %dma_start3A_145, %dma_start3A_146] : memref<4x10000x128xf32, #tpu.memory_space<hbm>> -> memref<1x10000x128xf32, #tpu.memory_space<hbm>>
          %dma_start3A_148 = tpu.memref_squeeze %dma_start3A_147 : memref<1x10000x128xf32, #tpu.memory_space<hbm>> -> memref<10000x128xf32, #tpu.memory_space<hbm>>
          %dma_start3A_149 = arith.constant 0 : i32
          %dma_start3A_150 = tpu.memref_slice %dma_start3A_148[%mul3A_142, %dma_start3A_149] : memref<10000x128xf32, #tpu.memory_space<hbm>> -> memref<624x128xf32, #tpu.memory_space<hbm>>
          tpu.enqueue_dma source(%dma_start3A_150 : memref<624x128xf32, #tpu.memory_space<hbm>>) target(%dma_start3A_144 : memref<624x128xf32, #tpu.memory_space<vmem_shared>>) target_semaphore(%run_scoped3A : memref<!tpu.dma_semaphore, #tpu.memory_space<semaphore_mem>>)
          %dma_wait3A = arith.constant 0 : i32
          %dma_wait3A_151 = tpu.memref_slice %arg6[%mul3A_142, %dma_wait3A] : memref<10000x128xf32, #tpu.memory_space<vmem_shared>> -> memref<624x128xf32, #tpu.memory_space<vmem_shared>>
          %dma_wait3A_152 = arith.constant 0 : i32
          %dma_wait3A_153 = arith.constant 0 : i32
          %dma_wait3A_154 = tpu.memref_slice %arg2[%cond3A_74, %dma_wait3A_152, %dma_wait3A_153] : memref<4x10000x128xf32, #tpu.memory_space<hbm>> -> memref<1x10000x128xf32, #tpu.memory_space<hbm>>
          %dma_wait3A_155 = tpu.memref_squeeze %dma_wait3A_154 : memref<1x10000x128xf32, #tpu.memory_space<hbm>> -> memref<10000x128xf32, #tpu.memory_space<hbm>>
          %dma_wait3A_156 = arith.constant 0 : i32
          %dma_wait3A_157 = tpu.memref_slice %dma_wait3A_155[%mul3A_142, %dma_wait3A_156] : memref<10000x128xf32, #tpu.memory_space<hbm>> -> memref<624x128xf32, #tpu.memory_space<hbm>>
          tpu.wait_dma2 semaphore(%run_scoped3A : memref<!tpu.dma_semaphore, #tpu.memory_space<semaphore_mem>>) src(%dma_wait3A_157 : memref<624x128xf32, #tpu.memory_space<hbm>>) dst(%dma_wait3A_151 : memref<624x128xf32, #tpu.memory_space<vmem_shared>>)
          tpu.yield
        }) : () -> ()
      } else {
      }
      %eq3A_77 = arith.constant 15 : i32
      %eq3A_78 = arith.cmpi eq, %arg1, %eq3A_77 : i32
      %convert_element_type3A_79 = arith.extui %eq3A_78 : i1 to i32
      %cond3A_80 = arith.constant 1 : i32
      %cond3A_81 = arith.constant 0 : i32
      %cond3A_82 = arith.cmpi ne, %convert_element_type3A_79, %cond3A_81 : i32
      scf.if %cond3A_82 {
        "tpu.region"() ({
          %run_scoped3A = tpu.sem_alloc : memref<!tpu.dma_semaphore, #tpu.memory_space<semaphore_mem>>
          %dma_start3A_141 = arith.constant 9360 : i32
          %dma_start3A_142 = arith.constant 0 : i32
          %dma_start3A_143 = tpu.memref_slice %arg6[%dma_start3A_141, %dma_start3A_142] : memref<10000x128xf32, #tpu.memory_space<vmem_shared>> -> memref<640x128xf32, #tpu.memory_space<vmem_shared>>
          %dma_start3A_144 = arith.constant 0 : i32
          %dma_start3A_145 = arith.constant 0 : i32
          %dma_start3A_146 = tpu.memref_slice %arg2[%cond3A_80, %dma_start3A_144, %dma_start3A_145] : memref<4x10000x128xf32, #tpu.memory_space<hbm>> -> memref<1x10000x128xf32, #tpu.memory_space<hbm>>
          %dma_start3A_147 = tpu.memref_squeeze %dma_start3A_146 : memref<1x10000x128xf32, #tpu.memory_space<hbm>> -> memref<10000x128xf32, #tpu.memory_space<hbm>>
          %dma_start3A_148 = arith.constant 9360 : i32
          %dma_start3A_149 = arith.constant 0 : i32
          %dma_start3A_150 = tpu.memref_slice %dma_start3A_147[%dma_start3A_148, %dma_start3A_149] : memref<10000x128xf32, #tpu.memory_space<hbm>> -> memref<640x128xf32, #tpu.memory_space<hbm>>
          tpu.enqueue_dma source(%dma_start3A_150 : memref<640x128xf32, #tpu.memory_space<hbm>>) target(%dma_start3A_143 : memref<640x128xf32, #tpu.memory_space<vmem_shared>>) target_semaphore(%run_scoped3A : memref<!tpu.dma_semaphore, #tpu.memory_space<semaphore_mem>>)
          %dma_wait3A = arith.constant 9360 : i32
          %dma_wait3A_151 = arith.constant 0 : i32
          %dma_wait3A_152 = tpu.memref_slice %arg6[%dma_wait3A, %dma_wait3A_151] : memref<10000x128xf32, #tpu.memory_space<vmem_shared>> -> memref<640x128xf32, #tpu.memory_space<vmem_shared>>
          %dma_wait3A_153 = arith.constant 0 : i32
          %dma_wait3A_154 = arith.constant 0 : i32
          %dma_wait3A_155 = tpu.memref_slice %arg2[%cond3A_80, %dma_wait3A_153, %dma_wait3A_154] : memref<4x10000x128xf32, #tpu.memory_space<hbm>> -> memref<1x10000x128xf32, #tpu.memory_space<hbm>>
          %dma_wait3A_156 = tpu.memref_squeeze %dma_wait3A_155 : memref<1x10000x128xf32, #tpu.memory_space<hbm>> -> memref<10000x128xf32, #tpu.memory_space<hbm>>
          %dma_wait3A_157 = arith.constant 9360 : i32
          %dma_wait3A_158 = arith.constant 0 : i32
          %dma_wait3A_159 = tpu.memref_slice %dma_wait3A_156[%dma_wait3A_157, %dma_wait3A_158] : memref<10000x128xf32, #tpu.memory_space<hbm>> -> memref<640x128xf32, #tpu.memory_space<hbm>>
          tpu.wait_dma2 semaphore(%run_scoped3A : memref<!tpu.dma_semaphore, #tpu.memory_space<semaphore_mem>>) src(%dma_wait3A_159 : memref<640x128xf32, #tpu.memory_space<hbm>>) dst(%dma_wait3A_152 : memref<640x128xf32, #tpu.memory_space<vmem_shared>>)
          tpu.yield
        }) : () -> ()
      } else {
      }
      %barrier3A_83 = arith.constant 0 : index
      tpu.barrier barrier_id(%barrier3A_83)
      %mul3A_84 = arith.constant 80 : i32
      %mul3A_85 = arith.muli %arg1, %mul3A_84 : i32
      %add3A_86 = arith.constant 0 : i32
      %add3A_87 = arith.addi %mul3A_85, %add3A_86 : i32
      "tpu.region"() ({
        %run_scoped3A = tpu.sem_alloc : memref<!tpu.dma_semaphore, #tpu.memory_space<semaphore_mem>>
        %dma_start3A_141 = arith.constant 0 : i32
        %dma_start3A_142 = tpu.memref_slice %arg3[%add3A_87, %dma_start3A_141] : memref<1280x125xi32, #tpu.memory_space<hbm>> -> memref<40x125xi32, #tpu.memory_space<hbm>>
        %dma_start3A_143 = arith.constant 0 : i32
        %dma_start3A_144 = tpu.memref_slice %arg3[%add3A_87, %dma_start3A_143] : memref<1280x125xi32, #tpu.memory_space<hbm>> -> memref<40x125xi32, #tpu.memory_space<hbm>>
        tpu.enqueue_dma source(%dma_start3A_144 : memref<40x125xi32, #tpu.memory_space<hbm>>) target(%arg7 : memref<40x125xi32, #tpu.memory_space<vmem>>) target_semaphore(%run_scoped3A : memref<!tpu.dma_semaphore, #tpu.memory_space<semaphore_mem>>)
        %dma_wait3A = arith.constant 0 : i32
        %dma_wait3A_145 = tpu.memref_slice %arg3[%add3A_87, %dma_wait3A] : memref<1280x125xi32, #tpu.memory_space<hbm>> -> memref<40x125xi32, #tpu.memory_space<hbm>>
        %dma_wait3A_146 = arith.constant 0 : i32
        %dma_wait3A_147 = tpu.memref_slice %arg3[%add3A_87, %dma_wait3A_146] : memref<1280x125xi32, #tpu.memory_space<hbm>> -> memref<40x125xi32, #tpu.memory_space<hbm>>
        tpu.wait_dma2 semaphore(%run_scoped3A : memref<!tpu.dma_semaphore, #tpu.memory_space<semaphore_mem>>) src(%dma_wait3A_147 : memref<40x125xi32, #tpu.memory_space<hbm>>) dst(%arg7 : memref<40x125xi32, #tpu.memory_space<vmem>>)
        tpu.yield
      }) : () -> ()
      "tpu.region"() ({
        %run_scoped3A = tpu.sem_alloc : memref<!tpu.dma_semaphore, #tpu.memory_space<semaphore_mem>>
        %dma_start3A_141 = arith.constant 0 : i32
        %dma_start3A_142 = tpu.memref_slice %arg4[%add3A_87, %dma_start3A_141] : memref<1280x125xi32, #tpu.memory_space<hbm>> -> memref<40x125xi32, #tpu.memory_space<hbm>>
        %dma_start3A_143 = arith.constant 0 : i32
        %dma_start3A_144 = tpu.memref_slice %arg4[%add3A_87, %dma_start3A_143] : memref<1280x125xi32, #tpu.memory_space<hbm>> -> memref<40x125xi32, #tpu.memory_space<hbm>>
        tpu.enqueue_dma source(%dma_start3A_144 : memref<40x125xi32, #tpu.memory_space<hbm>>) target(%arg8 : memref<40x125xi32, #tpu.memory_space<vmem>>) target_semaphore(%run_scoped3A : memref<!tpu.dma_semaphore, #tpu.memory_space<semaphore_mem>>)
        %dma_wait3A = arith.constant 0 : i32
        %dma_wait3A_145 = tpu.memref_slice %arg4[%add3A_87, %dma_wait3A] : memref<1280x125xi32, #tpu.memory_space<hbm>> -> memref<40x125xi32, #tpu.memory_space<hbm>>
        %dma_wait3A_146 = arith.constant 0 : i32
        %dma_wait3A_147 = tpu.memref_slice %arg4[%add3A_87, %dma_wait3A_146] : memref<1280x125xi32, #tpu.memory_space<hbm>> -> memref<40x125xi32, #tpu.memory_space<hbm>>
        tpu.wait_dma2 semaphore(%run_scoped3A : memref<!tpu.dma_semaphore, #tpu.memory_space<semaphore_mem>>) src(%dma_wait3A_147 : memref<40x125xi32, #tpu.memory_space<hbm>>) dst(%arg8 : memref<40x125xi32, #tpu.memory_space<vmem>>)
        tpu.yield
      }) : () -> ()
      %dma_start3A_88 = arith.constant 1 : i32
      %dma_start3A_89 = arith.constant 0 : i32
      %dma_start3A_90 = arith.constant 0 : i32
      %dma_start3A_91 = tpu.memref_slice %arg7[%dma_start3A_89, %dma_start3A_90] : memref<40x125xi32, #tpu.memory_space<vmem>> -> memref<1x125xi32, #tpu.memory_space<vmem>>
      %dma_start3A_92 = tpu.memref_squeeze %dma_start3A_91 : memref<1x125xi32, #tpu.memory_space<vmem>> -> memref<125xi32, #tpu.memory_space<vmem>>
      %dma_start3A_93 = arith.constant 0 : i32
      %dma_start3A_94 = arith.constant 0 : i32
      %dma_start3A_95 = tpu.memref_slice %arg2[%dma_start3A_88, %dma_start3A_93, %dma_start3A_94] : memref<4x10000x128xf32, #tpu.memory_space<hbm>> -> memref<1x10000x128xf32, #tpu.memory_space<hbm>>
      %dma_start3A_96 = tpu.memref_squeeze %dma_start3A_95 : memref<1x10000x128xf32, #tpu.memory_space<hbm>> -> memref<10000x128xf32, #tpu.memory_space<hbm>>
      %dma_start3A_97 = arith.constant 0 : i32
      %dma_start3A_98 = arith.constant 0 : i32
      %dma_start3A_99 = tpu.memref_slice %dma_start3A_96[%dma_start3A_97, %dma_start3A_98] : memref<10000x128xf32, #tpu.memory_space<hbm>> -> memref<10000x128xf32, #tpu.memory_space<hbm>>
      tpu.enqueue_indirect_dma source(%dma_start3A_99 : memref<10000x128xf32, #tpu.memory_space<hbm>>) target(%arg9 : memref<125x128xf32, #tpu.memory_space<vmem>>) offsets(%dma_start3A_92 : memref<125xi32, #tpu.memory_space<vmem>>) semaphore(%arg11 : memref<!tpu.dma_semaphore, #tpu.memory_space<semaphore_mem>>)
      %scan3A_100 = arith.constant 0 : i32
      %scan3A_101 = arith.constant 1 : i32
      %scan3A_102 = arith.constant 0 : i32
      %scan3A_103 = arith.constant 20 : i32
      %scan3A_104 = arith.addi %scan3A_102, %scan3A_103 : i32
      %scan3A_105 = arith.constant 1 : i32
      scf.for %scan3A_141 = %scan3A_102 to %scan3A_104 step %scan3A_105  : i32 {
        %mul3A_142 = arith.constant 2 : i32
        %mul3A_143 = arith.muli %mul3A_142, %scan3A_141 : i32
        %add3A_144 = arith.constant 1 : i32
        %add3A_145 = arith.addi %mul3A_143, %add3A_144 : i32
        %dma_start3A_146 = arith.constant 0 : i32
        %dma_start3A_147 = tpu.memref_slice %arg7[%add3A_145, %dma_start3A_146] : memref<40x125xi32, #tpu.memory_space<vmem>> -> memref<1x125xi32, #tpu.memory_space<vmem>>
        %dma_start3A_148 = tpu.memref_squeeze %dma_start3A_147 : memref<1x125xi32, #tpu.memory_space<vmem>> -> memref<125xi32, #tpu.memory_space<vmem>>
        %dma_start3A_149 = arith.constant 0 : i32
        %dma_start3A_150 = arith.constant 0 : i32
        %dma_start3A_151 = tpu.memref_slice %arg2[%scan3A_101, %dma_start3A_149, %dma_start3A_150] : memref<4x10000x128xf32, #tpu.memory_space<hbm>> -> memref<1x10000x128xf32, #tpu.memory_space<hbm>>
        %dma_start3A_152 = tpu.memref_squeeze %dma_start3A_151 : memref<1x10000x128xf32, #tpu.memory_space<hbm>> -> memref<10000x128xf32, #tpu.memory_space<hbm>>
        %dma_start3A_153 = arith.constant 0 : i32
        %dma_start3A_154 = arith.constant 0 : i32
        %dma_start3A_155 = tpu.memref_slice %dma_start3A_152[%dma_start3A_153, %dma_start3A_154] : memref<10000x128xf32, #tpu.memory_space<hbm>> -> memref<10000x128xf32, #tpu.memory_space<hbm>>
        tpu.enqueue_indirect_dma source(%dma_start3A_155 : memref<10000x128xf32, #tpu.memory_space<hbm>>) target(%arg10 : memref<125x128xf32, #tpu.memory_space<vmem>>) offsets(%dma_start3A_148 : memref<125xi32, #tpu.memory_space<vmem>>) semaphore(%arg12 : memref<!tpu.dma_semaphore, #tpu.memory_space<semaphore_mem>>)
        %dma_wait3A = arith.constant 0 : i32
        %dma_wait3A_156 = arith.constant 0 : i32
        %dma_wait3A_157 = tpu.memref_slice %arg7[%dma_wait3A, %dma_wait3A_156] : memref<40x125xi32, #tpu.memory_space<vmem>> -> memref<1x125xi32, #tpu.memory_space<vmem>>
        %dma_wait3A_158 = tpu.memref_squeeze %dma_wait3A_157 : memref<1x125xi32, #tpu.memory_space<vmem>> -> memref<125xi32, #tpu.memory_space<vmem>>
        %dma_wait3A_159 = arith.constant 0 : i32
        %dma_wait3A_160 = arith.constant 0 : i32
        %dma_wait3A_161 = tpu.memref_slice %arg2[%scan3A_101, %dma_wait3A_159, %dma_wait3A_160] : memref<4x10000x128xf32, #tpu.memory_space<hbm>> -> memref<1x10000x128xf32, #tpu.memory_space<hbm>>
        %dma_wait3A_162 = tpu.memref_squeeze %dma_wait3A_161 : memref<1x10000x128xf32, #tpu.memory_space<hbm>> -> memref<10000x128xf32, #tpu.memory_space<hbm>>
        %dma_wait3A_163 = arith.constant 0 : i32
        %dma_wait3A_164 = arith.constant 0 : i32
        %dma_wait3A_165 = tpu.memref_slice %dma_wait3A_162[%dma_wait3A_163, %dma_wait3A_164] : memref<10000x128xf32, #tpu.memory_space<hbm>> -> memref<10000x128xf32, #tpu.memory_space<hbm>>
        tpu.wait_indirect_dma semaphore(%arg11 : memref<!tpu.dma_semaphore, #tpu.memory_space<semaphore_mem>>) src(%dma_wait3A_165 : memref<10000x128xf32, #tpu.memory_space<hbm>>) dst(%arg9 : memref<125x128xf32, #tpu.memory_space<vmem>>)
        "tpu.region"() ({
          %run_scoped3A = tpu.sem_alloc : memref<!tpu.dma_semaphore, #tpu.memory_space<semaphore_mem>>
          %dma_start3A_184 = arith.constant 0 : i32
          %dma_start3A_185 = tpu.memref_slice %arg8[%mul3A_143, %dma_start3A_184] : memref<40x125xi32, #tpu.memory_space<vmem>> -> memref<1x125xi32, #tpu.memory_space<vmem>>
          %dma_start3A_186 = tpu.memref_squeeze %dma_start3A_185 : memref<1x125xi32, #tpu.memory_space<vmem>> -> memref<125xi32, #tpu.memory_space<vmem>>
          %dma_start3A_187 = arith.constant 0 : i32
          %dma_start3A_188 = arith.constant 0 : i32
          %dma_start3A_189 = tpu.memref_slice %arg6[%dma_start3A_187, %dma_start3A_188] : memref<10000x128xf32, #tpu.memory_space<vmem_shared>> -> memref<10000x128xf32, #tpu.memory_space<vmem_shared>>
          tpu.enqueue_indirect_dma source(%arg9 : memref<125x128xf32, #tpu.memory_space<vmem>>) target(%dma_start3A_189 : memref<10000x128xf32, #tpu.memory_space<vmem_shared>>) offsets(%dma_start3A_186 : memref<125xi32, #tpu.memory_space<vmem>>) semaphore(%run_scoped3A : memref<!tpu.dma_semaphore, #tpu.memory_space<semaphore_mem>>) {add = true}
          %dma_wait3A_190 = arith.constant 0 : i32
          %dma_wait3A_191 = tpu.memref_slice %arg8[%mul3A_143, %dma_wait3A_190] : memref<40x125xi32, #tpu.memory_space<vmem>> -> memref<1x125xi32, #tpu.memory_space<vmem>>
          %dma_wait3A_192 = tpu.memref_squeeze %dma_wait3A_191 : memref<1x125xi32, #tpu.memory_space<vmem>> -> memref<125xi32, #tpu.memory_space<vmem>>
          %dma_wait3A_193 = arith.constant 0 : i32
          %dma_wait3A_194 = arith.constant 0 : i32
          %dma_wait3A_195 = tpu.memref_slice %arg6[%dma_wait3A_193, %dma_wait3A_194] : memref<10000x128xf32, #tpu.memory_space<vmem_shared>> -> memref<10000x128xf32, #tpu.memory_space<vmem_shared>>
          tpu.wait_indirect_dma semaphore(%run_scoped3A : memref<!tpu.dma_semaphore, #tpu.memory_space<semaphore_mem>>) src(%arg9 : memref<125x128xf32, #tpu.memory_space<vmem>>) dst(%dma_wait3A_195 : memref<10000x128xf32, #tpu.memory_space<vmem_shared>>)
          tpu.yield
        }) : () -> ()
        %add3A_166 = arith.constant 2 : i32
        %add3A_167 = arith.addi %mul3A_143, %add3A_166 : i32
        %lt3A_168 = arith.constant 40 : i32
        %lt3A_169 = arith.cmpi slt, %add3A_167, %lt3A_168 : i32
        %convert_element_type3A_170 = arith.extui %lt3A_169 : i1 to i32
        %cond3A_171 = arith.constant 0 : i32
        %cond3A_172 = arith.cmpi ne, %convert_element_type3A_170, %cond3A_171 : i32
        scf.if %cond3A_172 {
          %add3A_184 = arith.constant 2 : i32
          %add3A_185 = arith.addi %mul3A_143, %add3A_184 : i32
          %dma_start3A_186 = arith.constant 0 : i32
          %dma_start3A_187 = tpu.memref_slice %arg7[%add3A_185, %dma_start3A_186] : memref<40x125xi32, #tpu.memory_space<vmem>> -> memref<1x125xi32, #tpu.memory_space<vmem>>
          %dma_start3A_188 = tpu.memref_squeeze %dma_start3A_187 : memref<1x125xi32, #tpu.memory_space<vmem>> -> memref<125xi32, #tpu.memory_space<vmem>>
          %dma_start3A_189 = arith.constant 0 : i32
          %dma_start3A_190 = arith.constant 0 : i32
          %dma_start3A_191 = tpu.memref_slice %arg2[%scan3A_101, %dma_start3A_189, %dma_start3A_190] : memref<4x10000x128xf32, #tpu.memory_space<hbm>> -> memref<1x10000x128xf32, #tpu.memory_space<hbm>>
          %dma_start3A_192 = tpu.memref_squeeze %dma_start3A_191 : memref<1x10000x128xf32, #tpu.memory_space<hbm>> -> memref<10000x128xf32, #tpu.memory_space<hbm>>
          %dma_start3A_193 = arith.constant 0 : i32
          %dma_start3A_194 = arith.constant 0 : i32
          %dma_start3A_195 = tpu.memref_slice %dma_start3A_192[%dma_start3A_193, %dma_start3A_194] : memref<10000x128xf32, #tpu.memory_space<hbm>> -> memref<10000x128xf32, #tpu.memory_space<hbm>>
          tpu.enqueue_indirect_dma source(%dma_start3A_195 : memref<10000x128xf32, #tpu.memory_space<hbm>>) target(%arg9 : memref<125x128xf32, #tpu.memory_space<vmem>>) offsets(%dma_start3A_188 : memref<125xi32, #tpu.memory_space<vmem>>) semaphore(%arg11 : memref<!tpu.dma_semaphore, #tpu.memory_space<semaphore_mem>>)
        } else {
        }
        %dma_wait3A_173 = arith.constant 0 : i32
        %dma_wait3A_174 = arith.constant 0 : i32
        %dma_wait3A_175 = tpu.memref_slice %arg7[%dma_wait3A_173, %dma_wait3A_174] : memref<40x125xi32, #tpu.memory_space<vmem>> -> memref<1x125xi32, #tpu.memory_space<vmem>>
        %dma_wait3A_176 = tpu.memref_squeeze %dma_wait3A_175 : memref<1x125xi32, #tpu.memory_space<vmem>> -> memref<125xi32, #tpu.memory_space<vmem>>
        %dma_wait3A_177 = arith.constant 0 : i32
        %dma_wait3A_178 = arith.constant 0 : i32
        %dma_wait3A_179 = tpu.memref_slice %arg2[%scan3A_101, %dma_wait3A_177, %dma_wait3A_178] : memref<4x10000x128xf32, #tpu.memory_space<hbm>> -> memref<1x10000x128xf32, #tpu.memory_space<hbm>>
        %dma_wait3A_180 = tpu.memref_squeeze %dma_wait3A_179 : memref<1x10000x128xf32, #tpu.memory_space<hbm>> -> memref<10000x128xf32, #tpu.memory_space<hbm>>
        %dma_wait3A_181 = arith.constant 0 : i32
        %dma_wait3A_182 = arith.constant 0 : i32
        %dma_wait3A_183 = tpu.memref_slice %dma_wait3A_180[%dma_wait3A_181, %dma_wait3A_182] : memref<10000x128xf32, #tpu.memory_space<hbm>> -> memref<10000x128xf32, #tpu.memory_space<hbm>>
        tpu.wait_indirect_dma semaphore(%arg12 : memref<!tpu.dma_semaphore, #tpu.memory_space<semaphore_mem>>) src(%dma_wait3A_183 : memref<10000x128xf32, #tpu.memory_space<hbm>>) dst(%arg10 : memref<125x128xf32, #tpu.memory_space<vmem>>)
        "tpu.region"() ({
          %run_scoped3A = tpu.sem_alloc : memref<!tpu.dma_semaphore, #tpu.memory_space<semaphore_mem>>
          %dma_start3A_184 = arith.constant 0 : i32
          %dma_start3A_185 = tpu.memref_slice %arg8[%add3A_145, %dma_start3A_184] : memref<40x125xi32, #tpu.memory_space<vmem>> -> memref<1x125xi32, #tpu.memory_space<vmem>>
          %dma_start3A_186 = tpu.memref_squeeze %dma_start3A_185 : memref<1x125xi32, #tpu.memory_space<vmem>> -> memref<125xi32, #tpu.memory_space<vmem>>
          %dma_start3A_187 = arith.constant 0 : i32
          %dma_start3A_188 = arith.constant 0 : i32
          %dma_start3A_189 = tpu.memref_slice %arg6[%dma_start3A_187, %dma_start3A_188] : memref<10000x128xf32, #tpu.memory_space<vmem_shared>> -> memref<10000x128xf32, #tpu.memory_space<vmem_shared>>
          tpu.enqueue_indirect_dma source(%arg10 : memref<125x128xf32, #tpu.memory_space<vmem>>) target(%dma_start3A_189 : memref<10000x128xf32, #tpu.memory_space<vmem_shared>>) offsets(%dma_start3A_186 : memref<125xi32, #tpu.memory_space<vmem>>) semaphore(%run_scoped3A : memref<!tpu.dma_semaphore, #tpu.memory_space<semaphore_mem>>) {add = true}
          %dma_wait3A_190 = arith.constant 0 : i32
          %dma_wait3A_191 = tpu.memref_slice %arg8[%add3A_145, %dma_wait3A_190] : memref<40x125xi32, #tpu.memory_space<vmem>> -> memref<1x125xi32, #tpu.memory_space<vmem>>
          %dma_wait3A_192 = tpu.memref_squeeze %dma_wait3A_191 : memref<1x125xi32, #tpu.memory_space<vmem>> -> memref<125xi32, #tpu.memory_space<vmem>>
          %dma_wait3A_193 = arith.constant 0 : i32
          %dma_wait3A_194 = arith.constant 0 : i32
          %dma_wait3A_195 = tpu.memref_slice %arg6[%dma_wait3A_193, %dma_wait3A_194] : memref<10000x128xf32, #tpu.memory_space<vmem_shared>> -> memref<10000x128xf32, #tpu.memory_space<vmem_shared>>
          tpu.wait_indirect_dma semaphore(%run_scoped3A : memref<!tpu.dma_semaphore, #tpu.memory_space<semaphore_mem>>) src(%arg10 : memref<125x128xf32, #tpu.memory_space<vmem>>) dst(%dma_wait3A_195 : memref<10000x128xf32, #tpu.memory_space<vmem_shared>>)
          tpu.yield
        }) : () -> ()
      }
      %scan3A_106 = arith.constant 20 : i32
      %mul3A_107 = arith.constant 80 : i32
      %mul3A_108 = arith.muli %arg1, %mul3A_107 : i32
      %add3A_109 = arith.constant 40 : i32
      %add3A_110 = arith.addi %mul3A_108, %add3A_109 : i32
      "tpu.region"() ({
        %run_scoped3A = tpu.sem_alloc : memref<!tpu.dma_semaphore, #tpu.memory_space<semaphore_mem>>
        %dma_start3A_141 = arith.constant 0 : i32
        %dma_start3A_142 = tpu.memref_slice %arg3[%add3A_110, %dma_start3A_141] : memref<1280x125xi32, #tpu.memory_space<hbm>> -> memref<40x125xi32, #tpu.memory_space<hbm>>
        %dma_start3A_143 = arith.constant 0 : i32
        %dma_start3A_144 = tpu.memref_slice %arg3[%add3A_110, %dma_start3A_143] : memref<1280x125xi32, #tpu.memory_space<hbm>> -> memref<40x125xi32, #tpu.memory_space<hbm>>
        tpu.enqueue_dma source(%dma_start3A_144 : memref<40x125xi32, #tpu.memory_space<hbm>>) target(%arg7 : memref<40x125xi32, #tpu.memory_space<vmem>>) target_semaphore(%run_scoped3A : memref<!tpu.dma_semaphore, #tpu.memory_space<semaphore_mem>>)
        %dma_wait3A = arith.constant 0 : i32
        %dma_wait3A_145 = tpu.memref_slice %arg3[%add3A_110, %dma_wait3A] : memref<1280x125xi32, #tpu.memory_space<hbm>> -> memref<40x125xi32, #tpu.memory_space<hbm>>
        %dma_wait3A_146 = arith.constant 0 : i32
        %dma_wait3A_147 = tpu.memref_slice %arg3[%add3A_110, %dma_wait3A_146] : memref<1280x125xi32, #tpu.memory_space<hbm>> -> memref<40x125xi32, #tpu.memory_space<hbm>>
        tpu.wait_dma2 semaphore(%run_scoped3A : memref<!tpu.dma_semaphore, #tpu.memory_space<semaphore_mem>>) src(%dma_wait3A_147 : memref<40x125xi32, #tpu.memory_space<hbm>>) dst(%arg7 : memref<40x125xi32, #tpu.memory_space<vmem>>)
        tpu.yield
      }) : () -> ()
      "tpu.region"() ({
        %run_scoped3A = tpu.sem_alloc : memref<!tpu.dma_semaphore, #tpu.memory_space<semaphore_mem>>
        %dma_start3A_141 = arith.constant 0 : i32
        %dma_start3A_142 = tpu.memref_slice %arg4[%add3A_110, %dma_start3A_141] : memref<1280x125xi32, #tpu.memory_space<hbm>> -> memref<40x125xi32, #tpu.memory_space<hbm>>
        %dma_start3A_143 = arith.constant 0 : i32
        %dma_start3A_144 = tpu.memref_slice %arg4[%add3A_110, %dma_start3A_143] : memref<1280x125xi32, #tpu.memory_space<hbm>> -> memref<40x125xi32, #tpu.memory_space<hbm>>
        tpu.enqueue_dma source(%dma_start3A_144 : memref<40x125xi32, #tpu.memory_space<hbm>>) target(%arg8 : memref<40x125xi32, #tpu.memory_space<vmem>>) target_semaphore(%run_scoped3A : memref<!tpu.dma_semaphore, #tpu.memory_space<semaphore_mem>>)
        %dma_wait3A = arith.constant 0 : i32
        %dma_wait3A_145 = tpu.memref_slice %arg4[%add3A_110, %dma_wait3A] : memref<1280x125xi32, #tpu.memory_space<hbm>> -> memref<40x125xi32, #tpu.memory_space<hbm>>
        %dma_wait3A_146 = arith.constant 0 : i32
        %dma_wait3A_147 = tpu.memref_slice %arg4[%add3A_110, %dma_wait3A_146] : memref<1280x125xi32, #tpu.memory_space<hbm>> -> memref<40x125xi32, #tpu.memory_space<hbm>>
        tpu.wait_dma2 semaphore(%run_scoped3A : memref<!tpu.dma_semaphore, #tpu.memory_space<semaphore_mem>>) src(%dma_wait3A_147 : memref<40x125xi32, #tpu.memory_space<hbm>>) dst(%arg8 : memref<40x125xi32, #tpu.memory_space<vmem>>)
        tpu.yield
      }) : () -> ()
      %dma_start3A_111 = arith.constant 1 : i32
      %dma_start3A_112 = arith.constant 0 : i32
      %dma_start3A_113 = arith.constant 0 : i32
      %dma_start3A_114 = tpu.memref_slice %arg7[%dma_start3A_112, %dma_start3A_113] : memref<40x125xi32, #tpu.memory_space<vmem>> -> memref<1x125xi32, #tpu.memory_space<vmem>>
      %dma_start3A_115 = tpu.memref_squeeze %dma_start3A_114 : memref<1x125xi32, #tpu.memory_space<vmem>> -> memref<125xi32, #tpu.memory_space<vmem>>
      %dma_start3A_116 = arith.constant 0 : i32
      %dma_start3A_117 = arith.constant 0 : i32
      %dma_start3A_118 = tpu.memref_slice %arg2[%dma_start3A_111, %dma_start3A_116, %dma_start3A_117] : memref<4x10000x128xf32, #tpu.memory_space<hbm>> -> memref<1x10000x128xf32, #tpu.memory_space<hbm>>
      %dma_start3A_119 = tpu.memref_squeeze %dma_start3A_118 : memref<1x10000x128xf32, #tpu.memory_space<hbm>> -> memref<10000x128xf32, #tpu.memory_space<hbm>>
      %dma_start3A_120 = arith.constant 0 : i32
      %dma_start3A_121 = arith.constant 0 : i32
      %dma_start3A_122 = tpu.memref_slice %dma_start3A_119[%dma_start3A_120, %dma_start3A_121] : memref<10000x128xf32, #tpu.memory_space<hbm>> -> memref<10000x128xf32, #tpu.memory_space<hbm>>
      tpu.enqueue_indirect_dma source(%dma_start3A_122 : memref<10000x128xf32, #tpu.memory_space<hbm>>) target(%arg9 : memref<125x128xf32, #tpu.memory_space<vmem>>) offsets(%dma_start3A_115 : memref<125xi32, #tpu.memory_space<vmem>>) semaphore(%arg11 : memref<!tpu.dma_semaphore, #tpu.memory_space<semaphore_mem>>)
      %scan3A_123 = arith.constant 0 : i32
      %scan3A_124 = arith.constant 1 : i32
      %scan3A_125 = arith.constant 0 : i32
      %scan3A_126 = arith.constant 20 : i32
      %scan3A_127 = arith.addi %scan3A_125, %scan3A_126 : i32
      %scan3A_128 = arith.constant 1 : i32
      scf.for %scan3A_141 = %scan3A_125 to %scan3A_127 step %scan3A_128  : i32 {
        %mul3A_142 = arith.constant 2 : i32
        %mul3A_143 = arith.muli %mul3A_142, %scan3A_141 : i32
        %add3A_144 = arith.constant 1 : i32
        %add3A_145 = arith.addi %mul3A_143, %add3A_144 : i32
        %dma_start3A_146 = arith.constant 0 : i32
        %dma_start3A_147 = tpu.memref_slice %arg7[%add3A_145, %dma_start3A_146] : memref<40x125xi32, #tpu.memory_space<vmem>> -> memref<1x125xi32, #tpu.memory_space<vmem>>
        %dma_start3A_148 = tpu.memref_squeeze %dma_start3A_147 : memref<1x125xi32, #tpu.memory_space<vmem>> -> memref<125xi32, #tpu.memory_space<vmem>>
        %dma_start3A_149 = arith.constant 0 : i32
        %dma_start3A_150 = arith.constant 0 : i32
        %dma_start3A_151 = tpu.memref_slice %arg2[%scan3A_124, %dma_start3A_149, %dma_start3A_150] : memref<4x10000x128xf32, #tpu.memory_space<hbm>> -> memref<1x10000x128xf32, #tpu.memory_space<hbm>>
        %dma_start3A_152 = tpu.memref_squeeze %dma_start3A_151 : memref<1x10000x128xf32, #tpu.memory_space<hbm>> -> memref<10000x128xf32, #tpu.memory_space<hbm>>
        %dma_start3A_153 = arith.constant 0 : i32
        %dma_start3A_154 = arith.constant 0 : i32
        %dma_start3A_155 = tpu.memref_slice %dma_start3A_152[%dma_start3A_153, %dma_start3A_154] : memref<10000x128xf32, #tpu.memory_space<hbm>> -> memref<10000x128xf32, #tpu.memory_space<hbm>>
        tpu.enqueue_indirect_dma source(%dma_start3A_155 : memref<10000x128xf32, #tpu.memory_space<hbm>>) target(%arg10 : memref<125x128xf32, #tpu.memory_space<vmem>>) offsets(%dma_start3A_148 : memref<125xi32, #tpu.memory_space<vmem>>) semaphore(%arg12 : memref<!tpu.dma_semaphore, #tpu.memory_space<semaphore_mem>>)
        %dma_wait3A = arith.constant 0 : i32
        %dma_wait3A_156 = arith.constant 0 : i32
        %dma_wait3A_157 = tpu.memref_slice %arg7[%dma_wait3A, %dma_wait3A_156] : memref<40x125xi32, #tpu.memory_space<vmem>> -> memref<1x125xi32, #tpu.memory_space<vmem>>
        %dma_wait3A_158 = tpu.memref_squeeze %dma_wait3A_157 : memref<1x125xi32, #tpu.memory_space<vmem>> -> memref<125xi32, #tpu.memory_space<vmem>>
        %dma_wait3A_159 = arith.constant 0 : i32
        %dma_wait3A_160 = arith.constant 0 : i32
        %dma_wait3A_161 = tpu.memref_slice %arg2[%scan3A_124, %dma_wait3A_159, %dma_wait3A_160] : memref<4x10000x128xf32, #tpu.memory_space<hbm>> -> memref<1x10000x128xf32, #tpu.memory_space<hbm>>
        %dma_wait3A_162 = tpu.memref_squeeze %dma_wait3A_161 : memref<1x10000x128xf32, #tpu.memory_space<hbm>> -> memref<10000x128xf32, #tpu.memory_space<hbm>>
        %dma_wait3A_163 = arith.constant 0 : i32
        %dma_wait3A_164 = arith.constant 0 : i32
        %dma_wait3A_165 = tpu.memref_slice %dma_wait3A_162[%dma_wait3A_163, %dma_wait3A_164] : memref<10000x128xf32, #tpu.memory_space<hbm>> -> memref<10000x128xf32, #tpu.memory_space<hbm>>
        tpu.wait_indirect_dma semaphore(%arg11 : memref<!tpu.dma_semaphore, #tpu.memory_space<semaphore_mem>>) src(%dma_wait3A_165 : memref<10000x128xf32, #tpu.memory_space<hbm>>) dst(%arg9 : memref<125x128xf32, #tpu.memory_space<vmem>>)
        "tpu.region"() ({
          %run_scoped3A = tpu.sem_alloc : memref<!tpu.dma_semaphore, #tpu.memory_space<semaphore_mem>>
          %dma_start3A_184 = arith.constant 0 : i32
          %dma_start3A_185 = tpu.memref_slice %arg8[%mul3A_143, %dma_start3A_184] : memref<40x125xi32, #tpu.memory_space<vmem>> -> memref<1x125xi32, #tpu.memory_space<vmem>>
          %dma_start3A_186 = tpu.memref_squeeze %dma_start3A_185 : memref<1x125xi32, #tpu.memory_space<vmem>> -> memref<125xi32, #tpu.memory_space<vmem>>
          %dma_start3A_187 = arith.constant 0 : i32
          %dma_start3A_188 = arith.constant 0 : i32
          %dma_start3A_189 = tpu.memref_slice %arg6[%dma_start3A_187, %dma_start3A_188] : memref<10000x128xf32, #tpu.memory_space<vmem_shared>> -> memref<10000x128xf32, #tpu.memory_space<vmem_shared>>
          tpu.enqueue_indirect_dma source(%arg9 : memref<125x128xf32, #tpu.memory_space<vmem>>) target(%dma_start3A_189 : memref<10000x128xf32, #tpu.memory_space<vmem_shared>>) offsets(%dma_start3A_186 : memref<125xi32, #tpu.memory_space<vmem>>) semaphore(%run_scoped3A : memref<!tpu.dma_semaphore, #tpu.memory_space<semaphore_mem>>) {add = true}
          %dma_wait3A_190 = arith.constant 0 : i32
          %dma_wait3A_191 = tpu.memref_slice %arg8[%mul3A_143, %dma_wait3A_190] : memref<40x125xi32, #tpu.memory_space<vmem>> -> memref<1x125xi32, #tpu.memory_space<vmem>>
          %dma_wait3A_192 = tpu.memref_squeeze %dma_wait3A_191 : memref<1x125xi32, #tpu.memory_space<vmem>> -> memref<125xi32, #tpu.memory_space<vmem>>
          %dma_wait3A_193 = arith.constant 0 : i32
          %dma_wait3A_194 = arith.constant 0 : i32
          %dma_wait3A_195 = tpu.memref_slice %arg6[%dma_wait3A_193, %dma_wait3A_194] : memref<10000x128xf32, #tpu.memory_space<vmem_shared>> -> memref<10000x128xf32, #tpu.memory_space<vmem_shared>>
          tpu.wait_indirect_dma semaphore(%run_scoped3A : memref<!tpu.dma_semaphore, #tpu.memory_space<semaphore_mem>>) src(%arg9 : memref<125x128xf32, #tpu.memory_space<vmem>>) dst(%dma_wait3A_195 : memref<10000x128xf32, #tpu.memory_space<vmem_shared>>)
          tpu.yield
        }) : () -> ()
        %add3A_166 = arith.constant 2 : i32
        %add3A_167 = arith.addi %mul3A_143, %add3A_166 : i32
        %lt3A_168 = arith.constant 40 : i32
        %lt3A_169 = arith.cmpi slt, %add3A_167, %lt3A_168 : i32
        %convert_element_type3A_170 = arith.extui %lt3A_169 : i1 to i32
        %cond3A_171 = arith.constant 0 : i32
        %cond3A_172 = arith.cmpi ne, %convert_element_type3A_170, %cond3A_171 : i32
        scf.if %cond3A_172 {
          %add3A_184 = arith.constant 2 : i32
          %add3A_185 = arith.addi %mul3A_143, %add3A_184 : i32
          %dma_start3A_186 = arith.constant 0 : i32
          %dma_start3A_187 = tpu.memref_slice %arg7[%add3A_185, %dma_start3A_186] : memref<40x125xi32, #tpu.memory_space<vmem>> -> memref<1x125xi32, #tpu.memory_space<vmem>>
          %dma_start3A_188 = tpu.memref_squeeze %dma_start3A_187 : memref<1x125xi32, #tpu.memory_space<vmem>> -> memref<125xi32, #tpu.memory_space<vmem>>
          %dma_start3A_189 = arith.constant 0 : i32
          %dma_start3A_190 = arith.constant 0 : i32
          %dma_start3A_191 = tpu.memref_slice %arg2[%scan3A_124, %dma_start3A_189, %dma_start3A_190] : memref<4x10000x128xf32, #tpu.memory_space<hbm>> -> memref<1x10000x128xf32, #tpu.memory_space<hbm>>
          %dma_start3A_192 = tpu.memref_squeeze %dma_start3A_191 : memref<1x10000x128xf32, #tpu.memory_space<hbm>> -> memref<10000x128xf32, #tpu.memory_space<hbm>>
          %dma_start3A_193 = arith.constant 0 : i32
          %dma_start3A_194 = arith.constant 0 : i32
          %dma_start3A_195 = tpu.memref_slice %dma_start3A_192[%dma_start3A_193, %dma_start3A_194] : memref<10000x128xf32, #tpu.memory_space<hbm>> -> memref<10000x128xf32, #tpu.memory_space<hbm>>
          tpu.enqueue_indirect_dma source(%dma_start3A_195 : memref<10000x128xf32, #tpu.memory_space<hbm>>) target(%arg9 : memref<125x128xf32, #tpu.memory_space<vmem>>) offsets(%dma_start3A_188 : memref<125xi32, #tpu.memory_space<vmem>>) semaphore(%arg11 : memref<!tpu.dma_semaphore, #tpu.memory_space<semaphore_mem>>)
        } else {
        }
        %dma_wait3A_173 = arith.constant 0 : i32
        %dma_wait3A_174 = arith.constant 0 : i32
        %dma_wait3A_175 = tpu.memref_slice %arg7[%dma_wait3A_173, %dma_wait3A_174] : memref<40x125xi32, #tpu.memory_space<vmem>> -> memref<1x125xi32, #tpu.memory_space<vmem>>
        %dma_wait3A_176 = tpu.memref_squeeze %dma_wait3A_175 : memref<1x125xi32, #tpu.memory_space<vmem>> -> memref<125xi32, #tpu.memory_space<vmem>>
        %dma_wait3A_177 = arith.constant 0 : i32
        %dma_wait3A_178 = arith.constant 0 : i32
        %dma_wait3A_179 = tpu.memref_slice %arg2[%scan3A_124, %dma_wait3A_177, %dma_wait3A_178] : memref<4x10000x128xf32, #tpu.memory_space<hbm>> -> memref<1x10000x128xf32, #tpu.memory_space<hbm>>
        %dma_wait3A_180 = tpu.memref_squeeze %dma_wait3A_179 : memref<1x10000x128xf32, #tpu.memory_space<hbm>> -> memref<10000x128xf32, #tpu.memory_space<hbm>>
        %dma_wait3A_181 = arith.constant 0 : i32
        %dma_wait3A_182 = arith.constant 0 : i32
        %dma_wait3A_183 = tpu.memref_slice %dma_wait3A_180[%dma_wait3A_181, %dma_wait3A_182] : memref<10000x128xf32, #tpu.memory_space<hbm>> -> memref<10000x128xf32, #tpu.memory_space<hbm>>
        tpu.wait_indirect_dma semaphore(%arg12 : memref<!tpu.dma_semaphore, #tpu.memory_space<semaphore_mem>>) src(%dma_wait3A_183 : memref<10000x128xf32, #tpu.memory_space<hbm>>) dst(%arg10 : memref<125x128xf32, #tpu.memory_space<vmem>>)
        "tpu.region"() ({
          %run_scoped3A = tpu.sem_alloc : memref<!tpu.dma_semaphore, #tpu.memory_space<semaphore_mem>>
          %dma_start3A_184 = arith.constant 0 : i32
          %dma_start3A_185 = tpu.memref_slice %arg8[%add3A_145, %dma_start3A_184] : memref<40x125xi32, #tpu.memory_space<vmem>> -> memref<1x125xi32, #tpu.memory_space<vmem>>
          %dma_start3A_186 = tpu.memref_squeeze %dma_start3A_185 : memref<1x125xi32, #tpu.memory_space<vmem>> -> memref<125xi32, #tpu.memory_space<vmem>>
          %dma_start3A_187 = arith.constant 0 : i32
          %dma_start3A_188 = arith.constant 0 : i32
          %dma_start3A_189 = tpu.memref_slice %arg6[%dma_start3A_187, %dma_start3A_188] : memref<10000x128xf32, #tpu.memory_space<vmem_shared>> -> memref<10000x128xf32, #tpu.memory_space<vmem_shared>>
          tpu.enqueue_indirect_dma source(%arg10 : memref<125x128xf32, #tpu.memory_space<vmem>>) target(%dma_start3A_189 : memref<10000x128xf32, #tpu.memory_space<vmem_shared>>) offsets(%dma_start3A_186 : memref<125xi32, #tpu.memory_space<vmem>>) semaphore(%run_scoped3A : memref<!tpu.dma_semaphore, #tpu.memory_space<semaphore_mem>>) {add = true}
          %dma_wait3A_190 = arith.constant 0 : i32
          %dma_wait3A_191 = tpu.memref_slice %arg8[%add3A_145, %dma_wait3A_190] : memref<40x125xi32, #tpu.memory_space<vmem>> -> memref<1x125xi32, #tpu.memory_space<vmem>>
          %dma_wait3A_192 = tpu.memref_squeeze %dma_wait3A_191 : memref<1x125xi32, #tpu.memory_space<vmem>> -> memref<125xi32, #tpu.memory_space<vmem>>
          %dma_wait3A_193 = arith.constant 0 : i32
          %dma_wait3A_194 = arith.constant 0 : i32
          %dma_wait3A_195 = tpu.memref_slice %arg6[%dma_wait3A_193, %dma_wait3A_194] : memref<10000x128xf32, #tpu.memory_space<vmem_shared>> -> memref<10000x128xf32, #tpu.memory_space<vmem_shared>>
          tpu.wait_indirect_dma semaphore(%run_scoped3A : memref<!tpu.dma_semaphore, #tpu.memory_space<semaphore_mem>>) src(%arg10 : memref<125x128xf32, #tpu.memory_space<vmem>>) dst(%dma_wait3A_195 : memref<10000x128xf32, #tpu.memory_space<vmem_shared>>)
          tpu.yield
        }) : () -> ()
      }
      %scan3A_129 = arith.constant 20 : i32
      %barrier3A_130 = arith.constant 0 : index
      tpu.barrier barrier_id(%barrier3A_130)
      %lt3A_131 = arith.constant 15 : i32
      %lt3A_132 = arith.cmpi slt, %arg1, %lt3A_131 : i32
      %convert_element_type3A_133 = arith.extui %lt3A_132 : i1 to i32
      %cond3A_134 = arith.constant 0 : i32
      %cond3A_135 = arith.cmpi ne, %convert_element_type3A_133, %cond3A_134 : i32
      scf.if %cond3A_135 {
        %mul3A_141 = arith.constant 624 : i32
        %mul3A_142 = arith.muli %arg1, %mul3A_141 : i32
        %run_scoped3A = arith.constant 1 : i32
        "tpu.region"() ({
          %run_scoped3A_143 = tpu.sem_alloc : memref<!tpu.dma_semaphore, #tpu.memory_space<semaphore_mem>>
          %dma_start3A_144 = arith.constant 0 : i32
          %dma_start3A_145 = arith.constant 0 : i32
          %dma_start3A_146 = tpu.memref_slice %arg5[%run_scoped3A, %dma_start3A_144, %dma_start3A_145] : memref<4x10000x128xf32, #tpu.memory_space<hbm>> -> memref<1x10000x128xf32, #tpu.memory_space<hbm>>
          %dma_start3A_147 = tpu.memref_squeeze %dma_start3A_146 : memref<1x10000x128xf32, #tpu.memory_space<hbm>> -> memref<10000x128xf32, #tpu.memory_space<hbm>>
          %dma_start3A_148 = arith.constant 0 : i32
          %dma_start3A_149 = tpu.memref_slice %dma_start3A_147[%mul3A_142, %dma_start3A_148] : memref<10000x128xf32, #tpu.memory_space<hbm>> -> memref<624x128xf32, #tpu.memory_space<hbm>>
          %dma_start3A_150 = arith.constant 0 : i32
          %dma_start3A_151 = tpu.memref_slice %arg6[%mul3A_142, %dma_start3A_150] : memref<10000x128xf32, #tpu.memory_space<vmem_shared>> -> memref<624x128xf32, #tpu.memory_space<vmem_shared>>
          tpu.enqueue_dma source(%dma_start3A_151 : memref<624x128xf32, #tpu.memory_space<vmem_shared>>) target(%dma_start3A_149 : memref<624x128xf32, #tpu.memory_space<hbm>>) target_semaphore(%run_scoped3A_143 : memref<!tpu.dma_semaphore, #tpu.memory_space<semaphore_mem>>)
          %dma_wait3A = arith.constant 0 : i32
          %dma_wait3A_152 = arith.constant 0 : i32
          %dma_wait3A_153 = tpu.memref_slice %arg5[%run_scoped3A, %dma_wait3A, %dma_wait3A_152] : memref<4x10000x128xf32, #tpu.memory_space<hbm>> -> memref<1x10000x128xf32, #tpu.memory_space<hbm>>
          %dma_wait3A_154 = tpu.memref_squeeze %dma_wait3A_153 : memref<1x10000x128xf32, #tpu.memory_space<hbm>> -> memref<10000x128xf32, #tpu.memory_space<hbm>>
          %dma_wait3A_155 = arith.constant 0 : i32
          %dma_wait3A_156 = tpu.memref_slice %dma_wait3A_154[%mul3A_142, %dma_wait3A_155] : memref<10000x128xf32, #tpu.memory_space<hbm>> -> memref<624x128xf32, #tpu.memory_space<hbm>>
          %dma_wait3A_157 = arith.constant 0 : i32
          %dma_wait3A_158 = tpu.memref_slice %arg6[%mul3A_142, %dma_wait3A_157] : memref<10000x128xf32, #tpu.memory_space<vmem_shared>> -> memref<624x128xf32, #tpu.memory_space<vmem_shared>>
          tpu.wait_dma2 semaphore(%run_scoped3A_143 : memref<!tpu.dma_semaphore, #tpu.memory_space<semaphore_mem>>) src(%dma_wait3A_158 : memref<624x128xf32, #tpu.memory_space<vmem_shared>>) dst(%dma_wait3A_156 : memref<624x128xf32, #tpu.memory_space<hbm>>)
          tpu.yield
        }) : () -> ()
      } else {
      }
      %eq3A_136 = arith.constant 15 : i32
      %eq3A_137 = arith.cmpi eq, %arg1, %eq3A_136 : i32
      %convert_element_type3A_138 = arith.extui %eq3A_137 : i1 to i32
      %cond3A_139 = arith.constant 0 : i32
      %cond3A_140 = arith.cmpi ne, %convert_element_type3A_138, %cond3A_139 : i32
      scf.if %cond3A_140 {
        %run_scoped3A = arith.constant 1 : i32
        "tpu.region"() ({
          %run_scoped3A_141 = tpu.sem_alloc : memref<!tpu.dma_semaphore, #tpu.memory_space<semaphore_mem>>
          %dma_start3A_142 = arith.constant 0 : i32
          %dma_start3A_143 = arith.constant 0 : i32
          %dma_start3A_144 = tpu.memref_slice %arg5[%run_scoped3A, %dma_start3A_142, %dma_start3A_143] : memref<4x10000x128xf32, #tpu.memory_space<hbm>> -> memref<1x10000x128xf32, #tpu.memory_space<hbm>>
          %dma_start3A_145 = tpu.memref_squeeze %dma_start3A_144 : memref<1x10000x128xf32, #tpu.memory_space<hbm>> -> memref<10000x128xf32, #tpu.memory_space<hbm>>
          %dma_start3A_146 = arith.constant 9360 : i32
          %dma_start3A_147 = arith.constant 0 : i32
          %dma_start3A_148 = tpu.memref_slice %dma_start3A_145[%dma_start3A_146, %dma_start3A_147] : memref<10000x128xf32, #tpu.memory_space<hbm>> -> memref<640x128xf32, #tpu.memory_space<hbm>>
          %dma_start3A_149 = arith.constant 9360 : i32
          %dma_start3A_150 = arith.constant 0 : i32
          %dma_start3A_151 = tpu.memref_slice %arg6[%dma_start3A_149, %dma_start3A_150] : memref<10000x128xf32, #tpu.memory_space<vmem_shared>> -> memref<640x128xf32, #tpu.memory_space<vmem_shared>>
          tpu.enqueue_dma source(%dma_start3A_151 : memref<640x128xf32, #tpu.memory_space<vmem_shared>>) target(%dma_start3A_148 : memref<640x128xf32, #tpu.memory_space<hbm>>) target_semaphore(%run_scoped3A_141 : memref<!tpu.dma_semaphore, #tpu.memory_space<semaphore_mem>>)
          %dma_wait3A = arith.constant 0 : i32
          %dma_wait3A_152 = arith.constant 0 : i32
          %dma_wait3A_153 = tpu.memref_slice %arg5[%run_scoped3A, %dma_wait3A, %dma_wait3A_152] : memref<4x10000x128xf32, #tpu.memory_space<hbm>> -> memref<1x10000x128xf32, #tpu.memory_space<hbm>>
          %dma_wait3A_154 = tpu.memref_squeeze %dma_wait3A_153 : memref<1x10000x128xf32, #tpu.memory_space<hbm>> -> memref<10000x128xf32, #tpu.memory_space<hbm>>
          %dma_wait3A_155 = arith.constant 9360 : i32
          %dma_wait3A_156 = arith.constant 0 : i32
          %dma_wait3A_157 = tpu.memref_slice %dma_wait3A_154[%dma_wait3A_155, %dma_wait3A_156] : memref<10000x128xf32, #tpu.memory_space<hbm>> -> memref<640x128xf32, #tpu.memory_space<hbm>>
          %dma_wait3A_158 = arith.constant 9360 : i32
          %dma_wait3A_159 = arith.constant 0 : i32
          %dma_wait3A_160 = tpu.memref_slice %arg6[%dma_wait3A_158, %dma_wait3A_159] : memref<10000x128xf32, #tpu.memory_space<vmem_shared>> -> memref<640x128xf32, #tpu.memory_space<vmem_shared>>
          tpu.wait_dma2 semaphore(%run_scoped3A_141 : memref<!tpu.dma_semaphore, #tpu.memory_space<semaphore_mem>>) src(%dma_wait3A_160 : memref<640x128xf32, #tpu.memory_space<vmem_shared>>) dst(%dma_wait3A_157 : memref<640x128xf32, #tpu.memory_space<hbm>>)
          tpu.yield
        }) : () -> ()
      } else {
      }
    } else {
    }
    %eq3A_2 = arith.constant 1 : i32
    %eq3A_3 = arith.cmpi eq, %arg0, %eq3A_2 : i32
    %convert_element_type3A_4 = arith.extui %eq3A_3 : i1 to i32
    %cond3A_5 = arith.constant 0 : i32
    %cond3A_6 = arith.cmpi ne, %convert_element_type3A_4, %cond3A_5 : i32
    scf.if %cond3A_6 {
      %lt3A = arith.constant 15 : i32
      %lt3A_7 = arith.cmpi slt, %arg1, %lt3A : i32
      %convert_element_type3A_8 = arith.extui %lt3A_7 : i1 to i32
      %cond3A_9 = arith.constant 2 : i32
      %cond3A_10 = arith.constant 0 : i32
      %cond3A_11 = arith.cmpi ne, %convert_element_type3A_8, %cond3A_10 : i32
      scf.if %cond3A_11 {
        %mul3A_141 = arith.constant 624 : i32
        %mul3A_142 = arith.muli %arg1, %mul3A_141 : i32
        "tpu.region"() ({
          %run_scoped3A = tpu.sem_alloc : memref<!tpu.dma_semaphore, #tpu.memory_space<semaphore_mem>>
          %dma_start3A_143 = arith.constant 0 : i32
          %dma_start3A_144 = tpu.memref_slice %arg6[%mul3A_142, %dma_start3A_143] : memref<10000x128xf32, #tpu.memory_space<vmem_shared>> -> memref<624x128xf32, #tpu.memory_space<vmem_shared>>
          %dma_start3A_145 = arith.constant 0 : i32
          %dma_start3A_146 = arith.constant 0 : i32
          %dma_start3A_147 = tpu.memref_slice %arg2[%cond3A_9, %dma_start3A_145, %dma_start3A_146] : memref<4x10000x128xf32, #tpu.memory_space<hbm>> -> memref<1x10000x128xf32, #tpu.memory_space<hbm>>
          %dma_start3A_148 = tpu.memref_squeeze %dma_start3A_147 : memref<1x10000x128xf32, #tpu.memory_space<hbm>> -> memref<10000x128xf32, #tpu.memory_space<hbm>>
          %dma_start3A_149 = arith.constant 0 : i32
          %dma_start3A_150 = tpu.memref_slice %dma_start3A_148[%mul3A_142, %dma_start3A_149] : memref<10000x128xf32, #tpu.memory_space<hbm>> -> memref<624x128xf32, #tpu.memory_space<hbm>>
          tpu.enqueue_dma source(%dma_start3A_150 : memref<624x128xf32, #tpu.memory_space<hbm>>) target(%dma_start3A_144 : memref<624x128xf32, #tpu.memory_space<vmem_shared>>) target_semaphore(%run_scoped3A : memref<!tpu.dma_semaphore, #tpu.memory_space<semaphore_mem>>)
          %dma_wait3A = arith.constant 0 : i32
          %dma_wait3A_151 = tpu.memref_slice %arg6[%mul3A_142, %dma_wait3A] : memref<10000x128xf32, #tpu.memory_space<vmem_shared>> -> memref<624x128xf32, #tpu.memory_space<vmem_shared>>
          %dma_wait3A_152 = arith.constant 0 : i32
          %dma_wait3A_153 = arith.constant 0 : i32
          %dma_wait3A_154 = tpu.memref_slice %arg2[%cond3A_9, %dma_wait3A_152, %dma_wait3A_153] : memref<4x10000x128xf32, #tpu.memory_space<hbm>> -> memref<1x10000x128xf32, #tpu.memory_space<hbm>>
          %dma_wait3A_155 = tpu.memref_squeeze %dma_wait3A_154 : memref<1x10000x128xf32, #tpu.memory_space<hbm>> -> memref<10000x128xf32, #tpu.memory_space<hbm>>
          %dma_wait3A_156 = arith.constant 0 : i32
          %dma_wait3A_157 = tpu.memref_slice %dma_wait3A_155[%mul3A_142, %dma_wait3A_156] : memref<10000x128xf32, #tpu.memory_space<hbm>> -> memref<624x128xf32, #tpu.memory_space<hbm>>
          tpu.wait_dma2 semaphore(%run_scoped3A : memref<!tpu.dma_semaphore, #tpu.memory_space<semaphore_mem>>) src(%dma_wait3A_157 : memref<624x128xf32, #tpu.memory_space<hbm>>) dst(%dma_wait3A_151 : memref<624x128xf32, #tpu.memory_space<vmem_shared>>)
          tpu.yield
        }) : () -> ()
      } else {
      }
      %eq3A_12 = arith.constant 15 : i32
      %eq3A_13 = arith.cmpi eq, %arg1, %eq3A_12 : i32
      %convert_element_type3A_14 = arith.extui %eq3A_13 : i1 to i32
      %cond3A_15 = arith.constant 2 : i32
      %cond3A_16 = arith.constant 0 : i32
      %cond3A_17 = arith.cmpi ne, %convert_element_type3A_14, %cond3A_16 : i32
      scf.if %cond3A_17 {
        "tpu.region"() ({
          %run_scoped3A = tpu.sem_alloc : memref<!tpu.dma_semaphore, #tpu.memory_space<semaphore_mem>>
          %dma_start3A_141 = arith.constant 9360 : i32
          %dma_start3A_142 = arith.constant 0 : i32
          %dma_start3A_143 = tpu.memref_slice %arg6[%dma_start3A_141, %dma_start3A_142] : memref<10000x128xf32, #tpu.memory_space<vmem_shared>> -> memref<640x128xf32, #tpu.memory_space<vmem_shared>>
          %dma_start3A_144 = arith.constant 0 : i32
          %dma_start3A_145 = arith.constant 0 : i32
          %dma_start3A_146 = tpu.memref_slice %arg2[%cond3A_15, %dma_start3A_144, %dma_start3A_145] : memref<4x10000x128xf32, #tpu.memory_space<hbm>> -> memref<1x10000x128xf32, #tpu.memory_space<hbm>>
          %dma_start3A_147 = tpu.memref_squeeze %dma_start3A_146 : memref<1x10000x128xf32, #tpu.memory_space<hbm>> -> memref<10000x128xf32, #tpu.memory_space<hbm>>
          %dma_start3A_148 = arith.constant 9360 : i32
          %dma_start3A_149 = arith.constant 0 : i32
          %dma_start3A_150 = tpu.memref_slice %dma_start3A_147[%dma_start3A_148, %dma_start3A_149] : memref<10000x128xf32, #tpu.memory_space<hbm>> -> memref<640x128xf32, #tpu.memory_space<hbm>>
          tpu.enqueue_dma source(%dma_start3A_150 : memref<640x128xf32, #tpu.memory_space<hbm>>) target(%dma_start3A_143 : memref<640x128xf32, #tpu.memory_space<vmem_shared>>) target_semaphore(%run_scoped3A : memref<!tpu.dma_semaphore, #tpu.memory_space<semaphore_mem>>)
          %dma_wait3A = arith.constant 9360 : i32
          %dma_wait3A_151 = arith.constant 0 : i32
          %dma_wait3A_152 = tpu.memref_slice %arg6[%dma_wait3A, %dma_wait3A_151] : memref<10000x128xf32, #tpu.memory_space<vmem_shared>> -> memref<640x128xf32, #tpu.memory_space<vmem_shared>>
          %dma_wait3A_153 = arith.constant 0 : i32
          %dma_wait3A_154 = arith.constant 0 : i32
          %dma_wait3A_155 = tpu.memref_slice %arg2[%cond3A_15, %dma_wait3A_153, %dma_wait3A_154] : memref<4x10000x128xf32, #tpu.memory_space<hbm>> -> memref<1x10000x128xf32, #tpu.memory_space<hbm>>
          %dma_wait3A_156 = tpu.memref_squeeze %dma_wait3A_155 : memref<1x10000x128xf32, #tpu.memory_space<hbm>> -> memref<10000x128xf32, #tpu.memory_space<hbm>>
          %dma_wait3A_157 = arith.constant 9360 : i32
          %dma_wait3A_158 = arith.constant 0 : i32
          %dma_wait3A_159 = tpu.memref_slice %dma_wait3A_156[%dma_wait3A_157, %dma_wait3A_158] : memref<10000x128xf32, #tpu.memory_space<hbm>> -> memref<640x128xf32, #tpu.memory_space<hbm>>
          tpu.wait_dma2 semaphore(%run_scoped3A : memref<!tpu.dma_semaphore, #tpu.memory_space<semaphore_mem>>) src(%dma_wait3A_159 : memref<640x128xf32, #tpu.memory_space<hbm>>) dst(%dma_wait3A_152 : memref<640x128xf32, #tpu.memory_space<vmem_shared>>)
          tpu.yield
        }) : () -> ()
      } else {
      }
      %barrier3A = arith.constant 0 : index
      tpu.barrier barrier_id(%barrier3A)
      %mul3A = arith.constant 80 : i32
      %mul3A_18 = arith.muli %arg1, %mul3A : i32
      %add3A = arith.constant 0 : i32
      %add3A_19 = arith.addi %mul3A_18, %add3A : i32
      "tpu.region"() ({
        %run_scoped3A = tpu.sem_alloc : memref<!tpu.dma_semaphore, #tpu.memory_space<semaphore_mem>>
        %dma_start3A_141 = arith.constant 0 : i32
        %dma_start3A_142 = tpu.memref_slice %arg3[%add3A_19, %dma_start3A_141] : memref<1280x125xi32, #tpu.memory_space<hbm>> -> memref<40x125xi32, #tpu.memory_space<hbm>>
        %dma_start3A_143 = arith.constant 0 : i32
        %dma_start3A_144 = tpu.memref_slice %arg3[%add3A_19, %dma_start3A_143] : memref<1280x125xi32, #tpu.memory_space<hbm>> -> memref<40x125xi32, #tpu.memory_space<hbm>>
        tpu.enqueue_dma source(%dma_start3A_144 : memref<40x125xi32, #tpu.memory_space<hbm>>) target(%arg7 : memref<40x125xi32, #tpu.memory_space<vmem>>) target_semaphore(%run_scoped3A : memref<!tpu.dma_semaphore, #tpu.memory_space<semaphore_mem>>)
        %dma_wait3A = arith.constant 0 : i32
        %dma_wait3A_145 = tpu.memref_slice %arg3[%add3A_19, %dma_wait3A] : memref<1280x125xi32, #tpu.memory_space<hbm>> -> memref<40x125xi32, #tpu.memory_space<hbm>>
        %dma_wait3A_146 = arith.constant 0 : i32
        %dma_wait3A_147 = tpu.memref_slice %arg3[%add3A_19, %dma_wait3A_146] : memref<1280x125xi32, #tpu.memory_space<hbm>> -> memref<40x125xi32, #tpu.memory_space<hbm>>
        tpu.wait_dma2 semaphore(%run_scoped3A : memref<!tpu.dma_semaphore, #tpu.memory_space<semaphore_mem>>) src(%dma_wait3A_147 : memref<40x125xi32, #tpu.memory_space<hbm>>) dst(%arg7 : memref<40x125xi32, #tpu.memory_space<vmem>>)
        tpu.yield
      }) : () -> ()
      "tpu.region"() ({
        %run_scoped3A = tpu.sem_alloc : memref<!tpu.dma_semaphore, #tpu.memory_space<semaphore_mem>>
        %dma_start3A_141 = arith.constant 0 : i32
        %dma_start3A_142 = tpu.memref_slice %arg4[%add3A_19, %dma_start3A_141] : memref<1280x125xi32, #tpu.memory_space<hbm>> -> memref<40x125xi32, #tpu.memory_space<hbm>>
        %dma_start3A_143 = arith.constant 0 : i32
        %dma_start3A_144 = tpu.memref_slice %arg4[%add3A_19, %dma_start3A_143] : memref<1280x125xi32, #tpu.memory_space<hbm>> -> memref<40x125xi32, #tpu.memory_space<hbm>>
        tpu.enqueue_dma source(%dma_start3A_144 : memref<40x125xi32, #tpu.memory_space<hbm>>) target(%arg8 : memref<40x125xi32, #tpu.memory_space<vmem>>) target_semaphore(%run_scoped3A : memref<!tpu.dma_semaphore, #tpu.memory_space<semaphore_mem>>)
        %dma_wait3A = arith.constant 0 : i32
        %dma_wait3A_145 = tpu.memref_slice %arg4[%add3A_19, %dma_wait3A] : memref<1280x125xi32, #tpu.memory_space<hbm>> -> memref<40x125xi32, #tpu.memory_space<hbm>>
        %dma_wait3A_146 = arith.constant 0 : i32
        %dma_wait3A_147 = tpu.memref_slice %arg4[%add3A_19, %dma_wait3A_146] : memref<1280x125xi32, #tpu.memory_space<hbm>> -> memref<40x125xi32, #tpu.memory_space<hbm>>
        tpu.wait_dma2 semaphore(%run_scoped3A : memref<!tpu.dma_semaphore, #tpu.memory_space<semaphore_mem>>) src(%dma_wait3A_147 : memref<40x125xi32, #tpu.memory_space<hbm>>) dst(%arg8 : memref<40x125xi32, #tpu.memory_space<vmem>>)
        tpu.yield
      }) : () -> ()
      %dma_start3A = arith.constant 2 : i32
      %dma_start3A_20 = arith.constant 0 : i32
      %dma_start3A_21 = arith.constant 0 : i32
      %dma_start3A_22 = tpu.memref_slice %arg7[%dma_start3A_20, %dma_start3A_21] : memref<40x125xi32, #tpu.memory_space<vmem>> -> memref<1x125xi32, #tpu.memory_space<vmem>>
      %dma_start3A_23 = tpu.memref_squeeze %dma_start3A_22 : memref<1x125xi32, #tpu.memory_space<vmem>> -> memref<125xi32, #tpu.memory_space<vmem>>
      %dma_start3A_24 = arith.constant 0 : i32
      %dma_start3A_25 = arith.constant 0 : i32
      %dma_start3A_26 = tpu.memref_slice %arg2[%dma_start3A, %dma_start3A_24, %dma_start3A_25] : memref<4x10000x128xf32, #tpu.memory_space<hbm>> -> memref<1x10000x128xf32, #tpu.memory_space<hbm>>
      %dma_start3A_27 = tpu.memref_squeeze %dma_start3A_26 : memref<1x10000x128xf32, #tpu.memory_space<hbm>> -> memref<10000x128xf32, #tpu.memory_space<hbm>>
      %dma_start3A_28 = arith.constant 0 : i32
      %dma_start3A_29 = arith.constant 0 : i32
      %dma_start3A_30 = tpu.memref_slice %dma_start3A_27[%dma_start3A_28, %dma_start3A_29] : memref<10000x128xf32, #tpu.memory_space<hbm>> -> memref<10000x128xf32, #tpu.memory_space<hbm>>
      tpu.enqueue_indirect_dma source(%dma_start3A_30 : memref<10000x128xf32, #tpu.memory_space<hbm>>) target(%arg9 : memref<125x128xf32, #tpu.memory_space<vmem>>) offsets(%dma_start3A_23 : memref<125xi32, #tpu.memory_space<vmem>>) semaphore(%arg11 : memref<!tpu.dma_semaphore, #tpu.memory_space<semaphore_mem>>)
      %scan3A = arith.constant 0 : i32
      %scan3A_31 = arith.constant 2 : i32
      %scan3A_32 = arith.constant 0 : i32
      %scan3A_33 = arith.constant 20 : i32
      %scan3A_34 = arith.addi %scan3A_32, %scan3A_33 : i32
      %scan3A_35 = arith.constant 1 : i32
      scf.for %scan3A_141 = %scan3A_32 to %scan3A_34 step %scan3A_35  : i32 {
        %mul3A_142 = arith.constant 2 : i32
        %mul3A_143 = arith.muli %mul3A_142, %scan3A_141 : i32
        %add3A_144 = arith.constant 1 : i32
        %add3A_145 = arith.addi %mul3A_143, %add3A_144 : i32
        %dma_start3A_146 = arith.constant 0 : i32
        %dma_start3A_147 = tpu.memref_slice %arg7[%add3A_145, %dma_start3A_146] : memref<40x125xi32, #tpu.memory_space<vmem>> -> memref<1x125xi32, #tpu.memory_space<vmem>>
        %dma_start3A_148 = tpu.memref_squeeze %dma_start3A_147 : memref<1x125xi32, #tpu.memory_space<vmem>> -> memref<125xi32, #tpu.memory_space<vmem>>
        %dma_start3A_149 = arith.constant 0 : i32
        %dma_start3A_150 = arith.constant 0 : i32
        %dma_start3A_151 = tpu.memref_slice %arg2[%scan3A_31, %dma_start3A_149, %dma_start3A_150] : memref<4x10000x128xf32, #tpu.memory_space<hbm>> -> memref<1x10000x128xf32, #tpu.memory_space<hbm>>
        %dma_start3A_152 = tpu.memref_squeeze %dma_start3A_151 : memref<1x10000x128xf32, #tpu.memory_space<hbm>> -> memref<10000x128xf32, #tpu.memory_space<hbm>>
        %dma_start3A_153 = arith.constant 0 : i32
        %dma_start3A_154 = arith.constant 0 : i32
        %dma_start3A_155 = tpu.memref_slice %dma_start3A_152[%dma_start3A_153, %dma_start3A_154] : memref<10000x128xf32, #tpu.memory_space<hbm>> -> memref<10000x128xf32, #tpu.memory_space<hbm>>
        tpu.enqueue_indirect_dma source(%dma_start3A_155 : memref<10000x128xf32, #tpu.memory_space<hbm>>) target(%arg10 : memref<125x128xf32, #tpu.memory_space<vmem>>) offsets(%dma_start3A_148 : memref<125xi32, #tpu.memory_space<vmem>>) semaphore(%arg12 : memref<!tpu.dma_semaphore, #tpu.memory_space<semaphore_mem>>)
        %dma_wait3A = arith.constant 0 : i32
        %dma_wait3A_156 = arith.constant 0 : i32
        %dma_wait3A_157 = tpu.memref_slice %arg7[%dma_wait3A, %dma_wait3A_156] : memref<40x125xi32, #tpu.memory_space<vmem>> -> memref<1x125xi32, #tpu.memory_space<vmem>>
        %dma_wait3A_158 = tpu.memref_squeeze %dma_wait3A_157 : memref<1x125xi32, #tpu.memory_space<vmem>> -> memref<125xi32, #tpu.memory_space<vmem>>
        %dma_wait3A_159 = arith.constant 0 : i32
        %dma_wait3A_160 = arith.constant 0 : i32
        %dma_wait3A_161 = tpu.memref_slice %arg2[%scan3A_31, %dma_wait3A_159, %dma_wait3A_160] : memref<4x10000x128xf32, #tpu.memory_space<hbm>> -> memref<1x10000x128xf32, #tpu.memory_space<hbm>>
        %dma_wait3A_162 = tpu.memref_squeeze %dma_wait3A_161 : memref<1x10000x128xf32, #tpu.memory_space<hbm>> -> memref<10000x128xf32, #tpu.memory_space<hbm>>
        %dma_wait3A_163 = arith.constant 0 : i32
        %dma_wait3A_164 = arith.constant 0 : i32
        %dma_wait3A_165 = tpu.memref_slice %dma_wait3A_162[%dma_wait3A_163, %dma_wait3A_164] : memref<10000x128xf32, #tpu.memory_space<hbm>> -> memref<10000x128xf32, #tpu.memory_space<hbm>>
        tpu.wait_indirect_dma semaphore(%arg11 : memref<!tpu.dma_semaphore, #tpu.memory_space<semaphore_mem>>) src(%dma_wait3A_165 : memref<10000x128xf32, #tpu.memory_space<hbm>>) dst(%arg9 : memref<125x128xf32, #tpu.memory_space<vmem>>)
        "tpu.region"() ({
          %run_scoped3A = tpu.sem_alloc : memref<!tpu.dma_semaphore, #tpu.memory_space<semaphore_mem>>
          %dma_start3A_184 = arith.constant 0 : i32
          %dma_start3A_185 = tpu.memref_slice %arg8[%mul3A_143, %dma_start3A_184] : memref<40x125xi32, #tpu.memory_space<vmem>> -> memref<1x125xi32, #tpu.memory_space<vmem>>
          %dma_start3A_186 = tpu.memref_squeeze %dma_start3A_185 : memref<1x125xi32, #tpu.memory_space<vmem>> -> memref<125xi32, #tpu.memory_space<vmem>>
          %dma_start3A_187 = arith.constant 0 : i32
          %dma_start3A_188 = arith.constant 0 : i32
          %dma_start3A_189 = tpu.memref_slice %arg6[%dma_start3A_187, %dma_start3A_188] : memref<10000x128xf32, #tpu.memory_space<vmem_shared>> -> memref<10000x128xf32, #tpu.memory_space<vmem_shared>>
          tpu.enqueue_indirect_dma source(%arg9 : memref<125x128xf32, #tpu.memory_space<vmem>>) target(%dma_start3A_189 : memref<10000x128xf32, #tpu.memory_space<vmem_shared>>) offsets(%dma_start3A_186 : memref<125xi32, #tpu.memory_space<vmem>>) semaphore(%run_scoped3A : memref<!tpu.dma_semaphore, #tpu.memory_space<semaphore_mem>>) {add = true}
          %dma_wait3A_190 = arith.constant 0 : i32
          %dma_wait3A_191 = tpu.memref_slice %arg8[%mul3A_143, %dma_wait3A_190] : memref<40x125xi32, #tpu.memory_space<vmem>> -> memref<1x125xi32, #tpu.memory_space<vmem>>
          %dma_wait3A_192 = tpu.memref_squeeze %dma_wait3A_191 : memref<1x125xi32, #tpu.memory_space<vmem>> -> memref<125xi32, #tpu.memory_space<vmem>>
          %dma_wait3A_193 = arith.constant 0 : i32
          %dma_wait3A_194 = arith.constant 0 : i32
          %dma_wait3A_195 = tpu.memref_slice %arg6[%dma_wait3A_193, %dma_wait3A_194] : memref<10000x128xf32, #tpu.memory_space<vmem_shared>> -> memref<10000x128xf32, #tpu.memory_space<vmem_shared>>
          tpu.wait_indirect_dma semaphore(%run_scoped3A : memref<!tpu.dma_semaphore, #tpu.memory_space<semaphore_mem>>) src(%arg9 : memref<125x128xf32, #tpu.memory_space<vmem>>) dst(%dma_wait3A_195 : memref<10000x128xf32, #tpu.memory_space<vmem_shared>>)
          tpu.yield
        }) : () -> ()
        %add3A_166 = arith.constant 2 : i32
        %add3A_167 = arith.addi %mul3A_143, %add3A_166 : i32
        %lt3A_168 = arith.constant 40 : i32
        %lt3A_169 = arith.cmpi slt, %add3A_167, %lt3A_168 : i32
        %convert_element_type3A_170 = arith.extui %lt3A_169 : i1 to i32
        %cond3A_171 = arith.constant 0 : i32
        %cond3A_172 = arith.cmpi ne, %convert_element_type3A_170, %cond3A_171 : i32
        scf.if %cond3A_172 {
          %add3A_184 = arith.constant 2 : i32
          %add3A_185 = arith.addi %mul3A_143, %add3A_184 : i32
          %dma_start3A_186 = arith.constant 0 : i32
          %dma_start3A_187 = tpu.memref_slice %arg7[%add3A_185, %dma_start3A_186] : memref<40x125xi32, #tpu.memory_space<vmem>> -> memref<1x125xi32, #tpu.memory_space<vmem>>
          %dma_start3A_188 = tpu.memref_squeeze %dma_start3A_187 : memref<1x125xi32, #tpu.memory_space<vmem>> -> memref<125xi32, #tpu.memory_space<vmem>>
          %dma_start3A_189 = arith.constant 0 : i32
          %dma_start3A_190 = arith.constant 0 : i32
          %dma_start3A_191 = tpu.memref_slice %arg2[%scan3A_31, %dma_start3A_189, %dma_start3A_190] : memref<4x10000x128xf32, #tpu.memory_space<hbm>> -> memref<1x10000x128xf32, #tpu.memory_space<hbm>>
          %dma_start3A_192 = tpu.memref_squeeze %dma_start3A_191 : memref<1x10000x128xf32, #tpu.memory_space<hbm>> -> memref<10000x128xf32, #tpu.memory_space<hbm>>
          %dma_start3A_193 = arith.constant 0 : i32
          %dma_start3A_194 = arith.constant 0 : i32
          %dma_start3A_195 = tpu.memref_slice %dma_start3A_192[%dma_start3A_193, %dma_start3A_194] : memref<10000x128xf32, #tpu.memory_space<hbm>> -> memref<10000x128xf32, #tpu.memory_space<hbm>>
          tpu.enqueue_indirect_dma source(%dma_start3A_195 : memref<10000x128xf32, #tpu.memory_space<hbm>>) target(%arg9 : memref<125x128xf32, #tpu.memory_space<vmem>>) offsets(%dma_start3A_188 : memref<125xi32, #tpu.memory_space<vmem>>) semaphore(%arg11 : memref<!tpu.dma_semaphore, #tpu.memory_space<semaphore_mem>>)
        } else {
        }
        %dma_wait3A_173 = arith.constant 0 : i32
        %dma_wait3A_174 = arith.constant 0 : i32
        %dma_wait3A_175 = tpu.memref_slice %arg7[%dma_wait3A_173, %dma_wait3A_174] : memref<40x125xi32, #tpu.memory_space<vmem>> -> memref<1x125xi32, #tpu.memory_space<vmem>>
        %dma_wait3A_176 = tpu.memref_squeeze %dma_wait3A_175 : memref<1x125xi32, #tpu.memory_space<vmem>> -> memref<125xi32, #tpu.memory_space<vmem>>
        %dma_wait3A_177 = arith.constant 0 : i32
        %dma_wait3A_178 = arith.constant 0 : i32
        %dma_wait3A_179 = tpu.memref_slice %arg2[%scan3A_31, %dma_wait3A_177, %dma_wait3A_178] : memref<4x10000x128xf32, #tpu.memory_space<hbm>> -> memref<1x10000x128xf32, #tpu.memory_space<hbm>>
        %dma_wait3A_180 = tpu.memref_squeeze %dma_wait3A_179 : memref<1x10000x128xf32, #tpu.memory_space<hbm>> -> memref<10000x128xf32, #tpu.memory_space<hbm>>
        %dma_wait3A_181 = arith.constant 0 : i32
        %dma_wait3A_182 = arith.constant 0 : i32
        %dma_wait3A_183 = tpu.memref_slice %dma_wait3A_180[%dma_wait3A_181, %dma_wait3A_182] : memref<10000x128xf32, #tpu.memory_space<hbm>> -> memref<10000x128xf32, #tpu.memory_space<hbm>>
        tpu.wait_indirect_dma semaphore(%arg12 : memref<!tpu.dma_semaphore, #tpu.memory_space<semaphore_mem>>) src(%dma_wait3A_183 : memref<10000x128xf32, #tpu.memory_space<hbm>>) dst(%arg10 : memref<125x128xf32, #tpu.memory_space<vmem>>)
        "tpu.region"() ({
          %run_scoped3A = tpu.sem_alloc : memref<!tpu.dma_semaphore, #tpu.memory_space<semaphore_mem>>
          %dma_start3A_184 = arith.constant 0 : i32
          %dma_start3A_185 = tpu.memref_slice %arg8[%add3A_145, %dma_start3A_184] : memref<40x125xi32, #tpu.memory_space<vmem>> -> memref<1x125xi32, #tpu.memory_space<vmem>>
          %dma_start3A_186 = tpu.memref_squeeze %dma_start3A_185 : memref<1x125xi32, #tpu.memory_space<vmem>> -> memref<125xi32, #tpu.memory_space<vmem>>
          %dma_start3A_187 = arith.constant 0 : i32
          %dma_start3A_188 = arith.constant 0 : i32
          %dma_start3A_189 = tpu.memref_slice %arg6[%dma_start3A_187, %dma_start3A_188] : memref<10000x128xf32, #tpu.memory_space<vmem_shared>> -> memref<10000x128xf32, #tpu.memory_space<vmem_shared>>
          tpu.enqueue_indirect_dma source(%arg10 : memref<125x128xf32, #tpu.memory_space<vmem>>) target(%dma_start3A_189 : memref<10000x128xf32, #tpu.memory_space<vmem_shared>>) offsets(%dma_start3A_186 : memref<125xi32, #tpu.memory_space<vmem>>) semaphore(%run_scoped3A : memref<!tpu.dma_semaphore, #tpu.memory_space<semaphore_mem>>) {add = true}
          %dma_wait3A_190 = arith.constant 0 : i32
          %dma_wait3A_191 = tpu.memref_slice %arg8[%add3A_145, %dma_wait3A_190] : memref<40x125xi32, #tpu.memory_space<vmem>> -> memref<1x125xi32, #tpu.memory_space<vmem>>
          %dma_wait3A_192 = tpu.memref_squeeze %dma_wait3A_191 : memref<1x125xi32, #tpu.memory_space<vmem>> -> memref<125xi32, #tpu.memory_space<vmem>>
          %dma_wait3A_193 = arith.constant 0 : i32
          %dma_wait3A_194 = arith.constant 0 : i32
          %dma_wait3A_195 = tpu.memref_slice %arg6[%dma_wait3A_193, %dma_wait3A_194] : memref<10000x128xf32, #tpu.memory_space<vmem_shared>> -> memref<10000x128xf32, #tpu.memory_space<vmem_shared>>
          tpu.wait_indirect_dma semaphore(%run_scoped3A : memref<!tpu.dma_semaphore, #tpu.memory_space<semaphore_mem>>) src(%arg10 : memref<125x128xf32, #tpu.memory_space<vmem>>) dst(%dma_wait3A_195 : memref<10000x128xf32, #tpu.memory_space<vmem_shared>>)
          tpu.yield
        }) : () -> ()
      }
      %scan3A_36 = arith.constant 20 : i32
      %mul3A_37 = arith.constant 80 : i32
      %mul3A_38 = arith.muli %arg1, %mul3A_37 : i32
      %add3A_39 = arith.constant 40 : i32
      %add3A_40 = arith.addi %mul3A_38, %add3A_39 : i32
      "tpu.region"() ({
        %run_scoped3A = tpu.sem_alloc : memref<!tpu.dma_semaphore, #tpu.memory_space<semaphore_mem>>
        %dma_start3A_141 = arith.constant 0 : i32
        %dma_start3A_142 = tpu.memref_slice %arg3[%add3A_40, %dma_start3A_141] : memref<1280x125xi32, #tpu.memory_space<hbm>> -> memref<40x125xi32, #tpu.memory_space<hbm>>
        %dma_start3A_143 = arith.constant 0 : i32
        %dma_start3A_144 = tpu.memref_slice %arg3[%add3A_40, %dma_start3A_143] : memref<1280x125xi32, #tpu.memory_space<hbm>> -> memref<40x125xi32, #tpu.memory_space<hbm>>
        tpu.enqueue_dma source(%dma_start3A_144 : memref<40x125xi32, #tpu.memory_space<hbm>>) target(%arg7 : memref<40x125xi32, #tpu.memory_space<vmem>>) target_semaphore(%run_scoped3A : memref<!tpu.dma_semaphore, #tpu.memory_space<semaphore_mem>>)
        %dma_wait3A = arith.constant 0 : i32
        %dma_wait3A_145 = tpu.memref_slice %arg3[%add3A_40, %dma_wait3A] : memref<1280x125xi32, #tpu.memory_space<hbm>> -> memref<40x125xi32, #tpu.memory_space<hbm>>
        %dma_wait3A_146 = arith.constant 0 : i32
        %dma_wait3A_147 = tpu.memref_slice %arg3[%add3A_40, %dma_wait3A_146] : memref<1280x125xi32, #tpu.memory_space<hbm>> -> memref<40x125xi32, #tpu.memory_space<hbm>>
        tpu.wait_dma2 semaphore(%run_scoped3A : memref<!tpu.dma_semaphore, #tpu.memory_space<semaphore_mem>>) src(%dma_wait3A_147 : memref<40x125xi32, #tpu.memory_space<hbm>>) dst(%arg7 : memref<40x125xi32, #tpu.memory_space<vmem>>)
        tpu.yield
      }) : () -> ()
      "tpu.region"() ({
        %run_scoped3A = tpu.sem_alloc : memref<!tpu.dma_semaphore, #tpu.memory_space<semaphore_mem>>
        %dma_start3A_141 = arith.constant 0 : i32
        %dma_start3A_142 = tpu.memref_slice %arg4[%add3A_40, %dma_start3A_141] : memref<1280x125xi32, #tpu.memory_space<hbm>> -> memref<40x125xi32, #tpu.memory_space<hbm>>
        %dma_start3A_143 = arith.constant 0 : i32
        %dma_start3A_144 = tpu.memref_slice %arg4[%add3A_40, %dma_start3A_143] : memref<1280x125xi32, #tpu.memory_space<hbm>> -> memref<40x125xi32, #tpu.memory_space<hbm>>
        tpu.enqueue_dma source(%dma_start3A_144 : memref<40x125xi32, #tpu.memory_space<hbm>>) target(%arg8 : memref<40x125xi32, #tpu.memory_space<vmem>>) target_semaphore(%run_scoped3A : memref<!tpu.dma_semaphore, #tpu.memory_space<semaphore_mem>>)
        %dma_wait3A = arith.constant 0 : i32
        %dma_wait3A_145 = tpu.memref_slice %arg4[%add3A_40, %dma_wait3A] : memref<1280x125xi32, #tpu.memory_space<hbm>> -> memref<40x125xi32, #tpu.memory_space<hbm>>
        %dma_wait3A_146 = arith.constant 0 : i32
        %dma_wait3A_147 = tpu.memref_slice %arg4[%add3A_40, %dma_wait3A_146] : memref<1280x125xi32, #tpu.memory_space<hbm>> -> memref<40x125xi32, #tpu.memory_space<hbm>>
        tpu.wait_dma2 semaphore(%run_scoped3A : memref<!tpu.dma_semaphore, #tpu.memory_space<semaphore_mem>>) src(%dma_wait3A_147 : memref<40x125xi32, #tpu.memory_space<hbm>>) dst(%arg8 : memref<40x125xi32, #tpu.memory_space<vmem>>)
        tpu.yield
      }) : () -> ()
      %dma_start3A_41 = arith.constant 2 : i32
      %dma_start3A_42 = arith.constant 0 : i32
      %dma_start3A_43 = arith.constant 0 : i32
      %dma_start3A_44 = tpu.memref_slice %arg7[%dma_start3A_42, %dma_start3A_43] : memref<40x125xi32, #tpu.memory_space<vmem>> -> memref<1x125xi32, #tpu.memory_space<vmem>>
      %dma_start3A_45 = tpu.memref_squeeze %dma_start3A_44 : memref<1x125xi32, #tpu.memory_space<vmem>> -> memref<125xi32, #tpu.memory_space<vmem>>
      %dma_start3A_46 = arith.constant 0 : i32
      %dma_start3A_47 = arith.constant 0 : i32
      %dma_start3A_48 = tpu.memref_slice %arg2[%dma_start3A_41, %dma_start3A_46, %dma_start3A_47] : memref<4x10000x128xf32, #tpu.memory_space<hbm>> -> memref<1x10000x128xf32, #tpu.memory_space<hbm>>
      %dma_start3A_49 = tpu.memref_squeeze %dma_start3A_48 : memref<1x10000x128xf32, #tpu.memory_space<hbm>> -> memref<10000x128xf32, #tpu.memory_space<hbm>>
      %dma_start3A_50 = arith.constant 0 : i32
      %dma_start3A_51 = arith.constant 0 : i32
      %dma_start3A_52 = tpu.memref_slice %dma_start3A_49[%dma_start3A_50, %dma_start3A_51] : memref<10000x128xf32, #tpu.memory_space<hbm>> -> memref<10000x128xf32, #tpu.memory_space<hbm>>
      tpu.enqueue_indirect_dma source(%dma_start3A_52 : memref<10000x128xf32, #tpu.memory_space<hbm>>) target(%arg9 : memref<125x128xf32, #tpu.memory_space<vmem>>) offsets(%dma_start3A_45 : memref<125xi32, #tpu.memory_space<vmem>>) semaphore(%arg11 : memref<!tpu.dma_semaphore, #tpu.memory_space<semaphore_mem>>)
      %scan3A_53 = arith.constant 0 : i32
      %scan3A_54 = arith.constant 2 : i32
      %scan3A_55 = arith.constant 0 : i32
      %scan3A_56 = arith.constant 20 : i32
      %scan3A_57 = arith.addi %scan3A_55, %scan3A_56 : i32
      %scan3A_58 = arith.constant 1 : i32
      scf.for %scan3A_141 = %scan3A_55 to %scan3A_57 step %scan3A_58  : i32 {
        %mul3A_142 = arith.constant 2 : i32
        %mul3A_143 = arith.muli %mul3A_142, %scan3A_141 : i32
        %add3A_144 = arith.constant 1 : i32
        %add3A_145 = arith.addi %mul3A_143, %add3A_144 : i32
        %dma_start3A_146 = arith.constant 0 : i32
        %dma_start3A_147 = tpu.memref_slice %arg7[%add3A_145, %dma_start3A_146] : memref<40x125xi32, #tpu.memory_space<vmem>> -> memref<1x125xi32, #tpu.memory_space<vmem>>
        %dma_start3A_148 = tpu.memref_squeeze %dma_start3A_147 : memref<1x125xi32, #tpu.memory_space<vmem>> -> memref<125xi32, #tpu.memory_space<vmem>>
        %dma_start3A_149 = arith.constant 0 : i32
        %dma_start3A_150 = arith.constant 0 : i32
        %dma_start3A_151 = tpu.memref_slice %arg2[%scan3A_54, %dma_start3A_149, %dma_start3A_150] : memref<4x10000x128xf32, #tpu.memory_space<hbm>> -> memref<1x10000x128xf32, #tpu.memory_space<hbm>>
        %dma_start3A_152 = tpu.memref_squeeze %dma_start3A_151 : memref<1x10000x128xf32, #tpu.memory_space<hbm>> -> memref<10000x128xf32, #tpu.memory_space<hbm>>
        %dma_start3A_153 = arith.constant 0 : i32
        %dma_start3A_154 = arith.constant 0 : i32
        %dma_start3A_155 = tpu.memref_slice %dma_start3A_152[%dma_start3A_153, %dma_start3A_154] : memref<10000x128xf32, #tpu.memory_space<hbm>> -> memref<10000x128xf32, #tpu.memory_space<hbm>>
        tpu.enqueue_indirect_dma source(%dma_start3A_155 : memref<10000x128xf32, #tpu.memory_space<hbm>>) target(%arg10 : memref<125x128xf32, #tpu.memory_space<vmem>>) offsets(%dma_start3A_148 : memref<125xi32, #tpu.memory_space<vmem>>) semaphore(%arg12 : memref<!tpu.dma_semaphore, #tpu.memory_space<semaphore_mem>>)
        %dma_wait3A = arith.constant 0 : i32
        %dma_wait3A_156 = arith.constant 0 : i32
        %dma_wait3A_157 = tpu.memref_slice %arg7[%dma_wait3A, %dma_wait3A_156] : memref<40x125xi32, #tpu.memory_space<vmem>> -> memref<1x125xi32, #tpu.memory_space<vmem>>
        %dma_wait3A_158 = tpu.memref_squeeze %dma_wait3A_157 : memref<1x125xi32, #tpu.memory_space<vmem>> -> memref<125xi32, #tpu.memory_space<vmem>>
        %dma_wait3A_159 = arith.constant 0 : i32
        %dma_wait3A_160 = arith.constant 0 : i32
        %dma_wait3A_161 = tpu.memref_slice %arg2[%scan3A_54, %dma_wait3A_159, %dma_wait3A_160] : memref<4x10000x128xf32, #tpu.memory_space<hbm>> -> memref<1x10000x128xf32, #tpu.memory_space<hbm>>
        %dma_wait3A_162 = tpu.memref_squeeze %dma_wait3A_161 : memref<1x10000x128xf32, #tpu.memory_space<hbm>> -> memref<10000x128xf32, #tpu.memory_space<hbm>>
        %dma_wait3A_163 = arith.constant 0 : i32
        %dma_wait3A_164 = arith.constant 0 : i32
        %dma_wait3A_165 = tpu.memref_slice %dma_wait3A_162[%dma_wait3A_163, %dma_wait3A_164] : memref<10000x128xf32, #tpu.memory_space<hbm>> -> memref<10000x128xf32, #tpu.memory_space<hbm>>
        tpu.wait_indirect_dma semaphore(%arg11 : memref<!tpu.dma_semaphore, #tpu.memory_space<semaphore_mem>>) src(%dma_wait3A_165 : memref<10000x128xf32, #tpu.memory_space<hbm>>) dst(%arg9 : memref<125x128xf32, #tpu.memory_space<vmem>>)
        "tpu.region"() ({
          %run_scoped3A = tpu.sem_alloc : memref<!tpu.dma_semaphore, #tpu.memory_space<semaphore_mem>>
          %dma_start3A_184 = arith.constant 0 : i32
          %dma_start3A_185 = tpu.memref_slice %arg8[%mul3A_143, %dma_start3A_184] : memref<40x125xi32, #tpu.memory_space<vmem>> -> memref<1x125xi32, #tpu.memory_space<vmem>>
          %dma_start3A_186 = tpu.memref_squeeze %dma_start3A_185 : memref<1x125xi32, #tpu.memory_space<vmem>> -> memref<125xi32, #tpu.memory_space<vmem>>
          %dma_start3A_187 = arith.constant 0 : i32
          %dma_start3A_188 = arith.constant 0 : i32
          %dma_start3A_189 = tpu.memref_slice %arg6[%dma_start3A_187, %dma_start3A_188] : memref<10000x128xf32, #tpu.memory_space<vmem_shared>> -> memref<10000x128xf32, #tpu.memory_space<vmem_shared>>
          tpu.enqueue_indirect_dma source(%arg9 : memref<125x128xf32, #tpu.memory_space<vmem>>) target(%dma_start3A_189 : memref<10000x128xf32, #tpu.memory_space<vmem_shared>>) offsets(%dma_start3A_186 : memref<125xi32, #tpu.memory_space<vmem>>) semaphore(%run_scoped3A : memref<!tpu.dma_semaphore, #tpu.memory_space<semaphore_mem>>) {add = true}
          %dma_wait3A_190 = arith.constant 0 : i32
          %dma_wait3A_191 = tpu.memref_slice %arg8[%mul3A_143, %dma_wait3A_190] : memref<40x125xi32, #tpu.memory_space<vmem>> -> memref<1x125xi32, #tpu.memory_space<vmem>>
          %dma_wait3A_192 = tpu.memref_squeeze %dma_wait3A_191 : memref<1x125xi32, #tpu.memory_space<vmem>> -> memref<125xi32, #tpu.memory_space<vmem>>
          %dma_wait3A_193 = arith.constant 0 : i32
          %dma_wait3A_194 = arith.constant 0 : i32
          %dma_wait3A_195 = tpu.memref_slice %arg6[%dma_wait3A_193, %dma_wait3A_194] : memref<10000x128xf32, #tpu.memory_space<vmem_shared>> -> memref<10000x128xf32, #tpu.memory_space<vmem_shared>>
          tpu.wait_indirect_dma semaphore(%run_scoped3A : memref<!tpu.dma_semaphore, #tpu.memory_space<semaphore_mem>>) src(%arg9 : memref<125x128xf32, #tpu.memory_space<vmem>>) dst(%dma_wait3A_195 : memref<10000x128xf32, #tpu.memory_space<vmem_shared>>)
          tpu.yield
        }) : () -> ()
        %add3A_166 = arith.constant 2 : i32
        %add3A_167 = arith.addi %mul3A_143, %add3A_166 : i32
        %lt3A_168 = arith.constant 40 : i32
        %lt3A_169 = arith.cmpi slt, %add3A_167, %lt3A_168 : i32
        %convert_element_type3A_170 = arith.extui %lt3A_169 : i1 to i32
        %cond3A_171 = arith.constant 0 : i32
        %cond3A_172 = arith.cmpi ne, %convert_element_type3A_170, %cond3A_171 : i32
        scf.if %cond3A_172 {
          %add3A_184 = arith.constant 2 : i32
          %add3A_185 = arith.addi %mul3A_143, %add3A_184 : i32
          %dma_start3A_186 = arith.constant 0 : i32
          %dma_start3A_187 = tpu.memref_slice %arg7[%add3A_185, %dma_start3A_186] : memref<40x125xi32, #tpu.memory_space<vmem>> -> memref<1x125xi32, #tpu.memory_space<vmem>>
          %dma_start3A_188 = tpu.memref_squeeze %dma_start3A_187 : memref<1x125xi32, #tpu.memory_space<vmem>> -> memref<125xi32, #tpu.memory_space<vmem>>
          %dma_start3A_189 = arith.constant 0 : i32
          %dma_start3A_190 = arith.constant 0 : i32
          %dma_start3A_191 = tpu.memref_slice %arg2[%scan3A_54, %dma_start3A_189, %dma_start3A_190] : memref<4x10000x128xf32, #tpu.memory_space<hbm>> -> memref<1x10000x128xf32, #tpu.memory_space<hbm>>
          %dma_start3A_192 = tpu.memref_squeeze %dma_start3A_191 : memref<1x10000x128xf32, #tpu.memory_space<hbm>> -> memref<10000x128xf32, #tpu.memory_space<hbm>>
          %dma_start3A_193 = arith.constant 0 : i32
          %dma_start3A_194 = arith.constant 0 : i32
          %dma_start3A_195 = tpu.memref_slice %dma_start3A_192[%dma_start3A_193, %dma_start3A_194] : memref<10000x128xf32, #tpu.memory_space<hbm>> -> memref<10000x128xf32, #tpu.memory_space<hbm>>
          tpu.enqueue_indirect_dma source(%dma_start3A_195 : memref<10000x128xf32, #tpu.memory_space<hbm>>) target(%arg9 : memref<125x128xf32, #tpu.memory_space<vmem>>) offsets(%dma_start3A_188 : memref<125xi32, #tpu.memory_space<vmem>>) semaphore(%arg11 : memref<!tpu.dma_semaphore, #tpu.memory_space<semaphore_mem>>)
        } else {
        }
        %dma_wait3A_173 = arith.constant 0 : i32
        %dma_wait3A_174 = arith.constant 0 : i32
        %dma_wait3A_175 = tpu.memref_slice %arg7[%dma_wait3A_173, %dma_wait3A_174] : memref<40x125xi32, #tpu.memory_space<vmem>> -> memref<1x125xi32, #tpu.memory_space<vmem>>
        %dma_wait3A_176 = tpu.memref_squeeze %dma_wait3A_175 : memref<1x125xi32, #tpu.memory_space<vmem>> -> memref<125xi32, #tpu.memory_space<vmem>>
        %dma_wait3A_177 = arith.constant 0 : i32
        %dma_wait3A_178 = arith.constant 0 : i32
        %dma_wait3A_179 = tpu.memref_slice %arg2[%scan3A_54, %dma_wait3A_177, %dma_wait3A_178] : memref<4x10000x128xf32, #tpu.memory_space<hbm>> -> memref<1x10000x128xf32, #tpu.memory_space<hbm>>
        %dma_wait3A_180 = tpu.memref_squeeze %dma_wait3A_179 : memref<1x10000x128xf32, #tpu.memory_space<hbm>> -> memref<10000x128xf32, #tpu.memory_space<hbm>>
        %dma_wait3A_181 = arith.constant 0 : i32
        %dma_wait3A_182 = arith.constant 0 : i32
        %dma_wait3A_183 = tpu.memref_slice %dma_wait3A_180[%dma_wait3A_181, %dma_wait3A_182] : memref<10000x128xf32, #tpu.memory_space<hbm>> -> memref<10000x128xf32, #tpu.memory_space<hbm>>
        tpu.wait_indirect_dma semaphore(%arg12 : memref<!tpu.dma_semaphore, #tpu.memory_space<semaphore_mem>>) src(%dma_wait3A_183 : memref<10000x128xf32, #tpu.memory_space<hbm>>) dst(%arg10 : memref<125x128xf32, #tpu.memory_space<vmem>>)
        "tpu.region"() ({
          %run_scoped3A = tpu.sem_alloc : memref<!tpu.dma_semaphore, #tpu.memory_space<semaphore_mem>>
          %dma_start3A_184 = arith.constant 0 : i32
          %dma_start3A_185 = tpu.memref_slice %arg8[%add3A_145, %dma_start3A_184] : memref<40x125xi32, #tpu.memory_space<vmem>> -> memref<1x125xi32, #tpu.memory_space<vmem>>
          %dma_start3A_186 = tpu.memref_squeeze %dma_start3A_185 : memref<1x125xi32, #tpu.memory_space<vmem>> -> memref<125xi32, #tpu.memory_space<vmem>>
          %dma_start3A_187 = arith.constant 0 : i32
          %dma_start3A_188 = arith.constant 0 : i32
          %dma_start3A_189 = tpu.memref_slice %arg6[%dma_start3A_187, %dma_start3A_188] : memref<10000x128xf32, #tpu.memory_space<vmem_shared>> -> memref<10000x128xf32, #tpu.memory_space<vmem_shared>>
          tpu.enqueue_indirect_dma source(%arg10 : memref<125x128xf32, #tpu.memory_space<vmem>>) target(%dma_start3A_189 : memref<10000x128xf32, #tpu.memory_space<vmem_shared>>) offsets(%dma_start3A_186 : memref<125xi32, #tpu.memory_space<vmem>>) semaphore(%run_scoped3A : memref<!tpu.dma_semaphore, #tpu.memory_space<semaphore_mem>>) {add = true}
          %dma_wait3A_190 = arith.constant 0 : i32
          %dma_wait3A_191 = tpu.memref_slice %arg8[%add3A_145, %dma_wait3A_190] : memref<40x125xi32, #tpu.memory_space<vmem>> -> memref<1x125xi32, #tpu.memory_space<vmem>>
          %dma_wait3A_192 = tpu.memref_squeeze %dma_wait3A_191 : memref<1x125xi32, #tpu.memory_space<vmem>> -> memref<125xi32, #tpu.memory_space<vmem>>
          %dma_wait3A_193 = arith.constant 0 : i32
          %dma_wait3A_194 = arith.constant 0 : i32
          %dma_wait3A_195 = tpu.memref_slice %arg6[%dma_wait3A_193, %dma_wait3A_194] : memref<10000x128xf32, #tpu.memory_space<vmem_shared>> -> memref<10000x128xf32, #tpu.memory_space<vmem_shared>>
          tpu.wait_indirect_dma semaphore(%run_scoped3A : memref<!tpu.dma_semaphore, #tpu.memory_space<semaphore_mem>>) src(%arg10 : memref<125x128xf32, #tpu.memory_space<vmem>>) dst(%dma_wait3A_195 : memref<10000x128xf32, #tpu.memory_space<vmem_shared>>)
          tpu.yield
        }) : () -> ()
      }
      %scan3A_59 = arith.constant 20 : i32
      %barrier3A_60 = arith.constant 0 : index
      tpu.barrier barrier_id(%barrier3A_60)
      %lt3A_61 = arith.constant 15 : i32
      %lt3A_62 = arith.cmpi slt, %arg1, %lt3A_61 : i32
      %convert_element_type3A_63 = arith.extui %lt3A_62 : i1 to i32
      %cond3A_64 = arith.constant 0 : i32
      %cond3A_65 = arith.cmpi ne, %convert_element_type3A_63, %cond3A_64 : i32
      scf.if %cond3A_65 {
        %mul3A_141 = arith.constant 624 : i32
        %mul3A_142 = arith.muli %arg1, %mul3A_141 : i32
        %run_scoped3A = arith.constant 2 : i32
        "tpu.region"() ({
          %run_scoped3A_143 = tpu.sem_alloc : memref<!tpu.dma_semaphore, #tpu.memory_space<semaphore_mem>>
          %dma_start3A_144 = arith.constant 0 : i32
          %dma_start3A_145 = arith.constant 0 : i32
          %dma_start3A_146 = tpu.memref_slice %arg5[%run_scoped3A, %dma_start3A_144, %dma_start3A_145] : memref<4x10000x128xf32, #tpu.memory_space<hbm>> -> memref<1x10000x128xf32, #tpu.memory_space<hbm>>
          %dma_start3A_147 = tpu.memref_squeeze %dma_start3A_146 : memref<1x10000x128xf32, #tpu.memory_space<hbm>> -> memref<10000x128xf32, #tpu.memory_space<hbm>>
          %dma_start3A_148 = arith.constant 0 : i32
          %dma_start3A_149 = tpu.memref_slice %dma_start3A_147[%mul3A_142, %dma_start3A_148] : memref<10000x128xf32, #tpu.memory_space<hbm>> -> memref<624x128xf32, #tpu.memory_space<hbm>>
          %dma_start3A_150 = arith.constant 0 : i32
          %dma_start3A_151 = tpu.memref_slice %arg6[%mul3A_142, %dma_start3A_150] : memref<10000x128xf32, #tpu.memory_space<vmem_shared>> -> memref<624x128xf32, #tpu.memory_space<vmem_shared>>
          tpu.enqueue_dma source(%dma_start3A_151 : memref<624x128xf32, #tpu.memory_space<vmem_shared>>) target(%dma_start3A_149 : memref<624x128xf32, #tpu.memory_space<hbm>>) target_semaphore(%run_scoped3A_143 : memref<!tpu.dma_semaphore, #tpu.memory_space<semaphore_mem>>)
          %dma_wait3A = arith.constant 0 : i32
          %dma_wait3A_152 = arith.constant 0 : i32
          %dma_wait3A_153 = tpu.memref_slice %arg5[%run_scoped3A, %dma_wait3A, %dma_wait3A_152] : memref<4x10000x128xf32, #tpu.memory_space<hbm>> -> memref<1x10000x128xf32, #tpu.memory_space<hbm>>
          %dma_wait3A_154 = tpu.memref_squeeze %dma_wait3A_153 : memref<1x10000x128xf32, #tpu.memory_space<hbm>> -> memref<10000x128xf32, #tpu.memory_space<hbm>>
          %dma_wait3A_155 = arith.constant 0 : i32
          %dma_wait3A_156 = tpu.memref_slice %dma_wait3A_154[%mul3A_142, %dma_wait3A_155] : memref<10000x128xf32, #tpu.memory_space<hbm>> -> memref<624x128xf32, #tpu.memory_space<hbm>>
          %dma_wait3A_157 = arith.constant 0 : i32
          %dma_wait3A_158 = tpu.memref_slice %arg6[%mul3A_142, %dma_wait3A_157] : memref<10000x128xf32, #tpu.memory_space<vmem_shared>> -> memref<624x128xf32, #tpu.memory_space<vmem_shared>>
          tpu.wait_dma2 semaphore(%run_scoped3A_143 : memref<!tpu.dma_semaphore, #tpu.memory_space<semaphore_mem>>) src(%dma_wait3A_158 : memref<624x128xf32, #tpu.memory_space<vmem_shared>>) dst(%dma_wait3A_156 : memref<624x128xf32, #tpu.memory_space<hbm>>)
          tpu.yield
        }) : () -> ()
      } else {
      }
      %eq3A_66 = arith.constant 15 : i32
      %eq3A_67 = arith.cmpi eq, %arg1, %eq3A_66 : i32
      %convert_element_type3A_68 = arith.extui %eq3A_67 : i1 to i32
      %cond3A_69 = arith.constant 0 : i32
      %cond3A_70 = arith.cmpi ne, %convert_element_type3A_68, %cond3A_69 : i32
      scf.if %cond3A_70 {
        %run_scoped3A = arith.constant 2 : i32
        "tpu.region"() ({
          %run_scoped3A_141 = tpu.sem_alloc : memref<!tpu.dma_semaphore, #tpu.memory_space<semaphore_mem>>
          %dma_start3A_142 = arith.constant 0 : i32
          %dma_start3A_143 = arith.constant 0 : i32
          %dma_start3A_144 = tpu.memref_slice %arg5[%run_scoped3A, %dma_start3A_142, %dma_start3A_143] : memref<4x10000x128xf32, #tpu.memory_space<hbm>> -> memref<1x10000x128xf32, #tpu.memory_space<hbm>>
          %dma_start3A_145 = tpu.memref_squeeze %dma_start3A_144 : memref<1x10000x128xf32, #tpu.memory_space<hbm>> -> memref<10000x128xf32, #tpu.memory_space<hbm>>
          %dma_start3A_146 = arith.constant 9360 : i32
          %dma_start3A_147 = arith.constant 0 : i32
          %dma_start3A_148 = tpu.memref_slice %dma_start3A_145[%dma_start3A_146, %dma_start3A_147] : memref<10000x128xf32, #tpu.memory_space<hbm>> -> memref<640x128xf32, #tpu.memory_space<hbm>>
          %dma_start3A_149 = arith.constant 9360 : i32
          %dma_start3A_150 = arith.constant 0 : i32
          %dma_start3A_151 = tpu.memref_slice %arg6[%dma_start3A_149, %dma_start3A_150] : memref<10000x128xf32, #tpu.memory_space<vmem_shared>> -> memref<640x128xf32, #tpu.memory_space<vmem_shared>>
          tpu.enqueue_dma source(%dma_start3A_151 : memref<640x128xf32, #tpu.memory_space<vmem_shared>>) target(%dma_start3A_148 : memref<640x128xf32, #tpu.memory_space<hbm>>) target_semaphore(%run_scoped3A_141 : memref<!tpu.dma_semaphore, #tpu.memory_space<semaphore_mem>>)
          %dma_wait3A = arith.constant 0 : i32
          %dma_wait3A_152 = arith.constant 0 : i32
          %dma_wait3A_153 = tpu.memref_slice %arg5[%run_scoped3A, %dma_wait3A, %dma_wait3A_152] : memref<4x10000x128xf32, #tpu.memory_space<hbm>> -> memref<1x10000x128xf32, #tpu.memory_space<hbm>>
          %dma_wait3A_154 = tpu.memref_squeeze %dma_wait3A_153 : memref<1x10000x128xf32, #tpu.memory_space<hbm>> -> memref<10000x128xf32, #tpu.memory_space<hbm>>
          %dma_wait3A_155 = arith.constant 9360 : i32
          %dma_wait3A_156 = arith.constant 0 : i32
          %dma_wait3A_157 = tpu.memref_slice %dma_wait3A_154[%dma_wait3A_155, %dma_wait3A_156] : memref<10000x128xf32, #tpu.memory_space<hbm>> -> memref<640x128xf32, #tpu.memory_space<hbm>>
          %dma_wait3A_158 = arith.constant 9360 : i32
          %dma_wait3A_159 = arith.constant 0 : i32
          %dma_wait3A_160 = tpu.memref_slice %arg6[%dma_wait3A_158, %dma_wait3A_159] : memref<10000x128xf32, #tpu.memory_space<vmem_shared>> -> memref<640x128xf32, #tpu.memory_space<vmem_shared>>
          tpu.wait_dma2 semaphore(%run_scoped3A_141 : memref<!tpu.dma_semaphore, #tpu.memory_space<semaphore_mem>>) src(%dma_wait3A_160 : memref<640x128xf32, #tpu.memory_space<vmem_shared>>) dst(%dma_wait3A_157 : memref<640x128xf32, #tpu.memory_space<hbm>>)
          tpu.yield
        }) : () -> ()
      } else {
      }
      %lt3A_71 = arith.constant 15 : i32
      %lt3A_72 = arith.cmpi slt, %arg1, %lt3A_71 : i32
      %convert_element_type3A_73 = arith.extui %lt3A_72 : i1 to i32
      %cond3A_74 = arith.constant 3 : i32
      %cond3A_75 = arith.constant 0 : i32
      %cond3A_76 = arith.cmpi ne, %convert_element_type3A_73, %cond3A_75 : i32
      scf.if %cond3A_76 {
        %mul3A_141 = arith.constant 624 : i32
        %mul3A_142 = arith.muli %arg1, %mul3A_141 : i32
        "tpu.region"() ({
          %run_scoped3A = tpu.sem_alloc : memref<!tpu.dma_semaphore, #tpu.memory_space<semaphore_mem>>
          %dma_start3A_143 = arith.constant 0 : i32
          %dma_start3A_144 = tpu.memref_slice %arg6[%mul3A_142, %dma_start3A_143] : memref<10000x128xf32, #tpu.memory_space<vmem_shared>> -> memref<624x128xf32, #tpu.memory_space<vmem_shared>>
          %dma_start3A_145 = arith.constant 0 : i32
          %dma_start3A_146 = arith.constant 0 : i32
          %dma_start3A_147 = tpu.memref_slice %arg2[%cond3A_74, %dma_start3A_145, %dma_start3A_146] : memref<4x10000x128xf32, #tpu.memory_space<hbm>> -> memref<1x10000x128xf32, #tpu.memory_space<hbm>>
          %dma_start3A_148 = tpu.memref_squeeze %dma_start3A_147 : memref<1x10000x128xf32, #tpu.memory_space<hbm>> -> memref<10000x128xf32, #tpu.memory_space<hbm>>
          %dma_start3A_149 = arith.constant 0 : i32
          %dma_start3A_150 = tpu.memref_slice %dma_start3A_148[%mul3A_142, %dma_start3A_149] : memref<10000x128xf32, #tpu.memory_space<hbm>> -> memref<624x128xf32, #tpu.memory_space<hbm>>
          tpu.enqueue_dma source(%dma_start3A_150 : memref<624x128xf32, #tpu.memory_space<hbm>>) target(%dma_start3A_144 : memref<624x128xf32, #tpu.memory_space<vmem_shared>>) target_semaphore(%run_scoped3A : memref<!tpu.dma_semaphore, #tpu.memory_space<semaphore_mem>>)
          %dma_wait3A = arith.constant 0 : i32
          %dma_wait3A_151 = tpu.memref_slice %arg6[%mul3A_142, %dma_wait3A] : memref<10000x128xf32, #tpu.memory_space<vmem_shared>> -> memref<624x128xf32, #tpu.memory_space<vmem_shared>>
          %dma_wait3A_152 = arith.constant 0 : i32
          %dma_wait3A_153 = arith.constant 0 : i32
          %dma_wait3A_154 = tpu.memref_slice %arg2[%cond3A_74, %dma_wait3A_152, %dma_wait3A_153] : memref<4x10000x128xf32, #tpu.memory_space<hbm>> -> memref<1x10000x128xf32, #tpu.memory_space<hbm>>
          %dma_wait3A_155 = tpu.memref_squeeze %dma_wait3A_154 : memref<1x10000x128xf32, #tpu.memory_space<hbm>> -> memref<10000x128xf32, #tpu.memory_space<hbm>>
          %dma_wait3A_156 = arith.constant 0 : i32
          %dma_wait3A_157 = tpu.memref_slice %dma_wait3A_155[%mul3A_142, %dma_wait3A_156] : memref<10000x128xf32, #tpu.memory_space<hbm>> -> memref<624x128xf32, #tpu.memory_space<hbm>>
          tpu.wait_dma2 semaphore(%run_scoped3A : memref<!tpu.dma_semaphore, #tpu.memory_space<semaphore_mem>>) src(%dma_wait3A_157 : memref<624x128xf32, #tpu.memory_space<hbm>>) dst(%dma_wait3A_151 : memref<624x128xf32, #tpu.memory_space<vmem_shared>>)
          tpu.yield
        }) : () -> ()
      } else {
      }
      %eq3A_77 = arith.constant 15 : i32
      %eq3A_78 = arith.cmpi eq, %arg1, %eq3A_77 : i32
      %convert_element_type3A_79 = arith.extui %eq3A_78 : i1 to i32
      %cond3A_80 = arith.constant 3 : i32
      %cond3A_81 = arith.constant 0 : i32
      %cond3A_82 = arith.cmpi ne, %convert_element_type3A_79, %cond3A_81 : i32
      scf.if %cond3A_82 {
        "tpu.region"() ({
          %run_scoped3A = tpu.sem_alloc : memref<!tpu.dma_semaphore, #tpu.memory_space<semaphore_mem>>
          %dma_start3A_141 = arith.constant 9360 : i32
          %dma_start3A_142 = arith.constant 0 : i32
          %dma_start3A_143 = tpu.memref_slice %arg6[%dma_start3A_141, %dma_start3A_142] : memref<10000x128xf32, #tpu.memory_space<vmem_shared>> -> memref<640x128xf32, #tpu.memory_space<vmem_shared>>
          %dma_start3A_144 = arith.constant 0 : i32
          %dma_start3A_145 = arith.constant 0 : i32
          %dma_start3A_146 = tpu.memref_slice %arg2[%cond3A_80, %dma_start3A_144, %dma_start3A_145] : memref<4x10000x128xf32, #tpu.memory_space<hbm>> -> memref<1x10000x128xf32, #tpu.memory_space<hbm>>
          %dma_start3A_147 = tpu.memref_squeeze %dma_start3A_146 : memref<1x10000x128xf32, #tpu.memory_space<hbm>> -> memref<10000x128xf32, #tpu.memory_space<hbm>>
          %dma_start3A_148 = arith.constant 9360 : i32
          %dma_start3A_149 = arith.constant 0 : i32
          %dma_start3A_150 = tpu.memref_slice %dma_start3A_147[%dma_start3A_148, %dma_start3A_149] : memref<10000x128xf32, #tpu.memory_space<hbm>> -> memref<640x128xf32, #tpu.memory_space<hbm>>
          tpu.enqueue_dma source(%dma_start3A_150 : memref<640x128xf32, #tpu.memory_space<hbm>>) target(%dma_start3A_143 : memref<640x128xf32, #tpu.memory_space<vmem_shared>>) target_semaphore(%run_scoped3A : memref<!tpu.dma_semaphore, #tpu.memory_space<semaphore_mem>>)
          %dma_wait3A = arith.constant 9360 : i32
          %dma_wait3A_151 = arith.constant 0 : i32
          %dma_wait3A_152 = tpu.memref_slice %arg6[%dma_wait3A, %dma_wait3A_151] : memref<10000x128xf32, #tpu.memory_space<vmem_shared>> -> memref<640x128xf32, #tpu.memory_space<vmem_shared>>
          %dma_wait3A_153 = arith.constant 0 : i32
          %dma_wait3A_154 = arith.constant 0 : i32
          %dma_wait3A_155 = tpu.memref_slice %arg2[%cond3A_80, %dma_wait3A_153, %dma_wait3A_154] : memref<4x10000x128xf32, #tpu.memory_space<hbm>> -> memref<1x10000x128xf32, #tpu.memory_space<hbm>>
          %dma_wait3A_156 = tpu.memref_squeeze %dma_wait3A_155 : memref<1x10000x128xf32, #tpu.memory_space<hbm>> -> memref<10000x128xf32, #tpu.memory_space<hbm>>
          %dma_wait3A_157 = arith.constant 9360 : i32
          %dma_wait3A_158 = arith.constant 0 : i32
          %dma_wait3A_159 = tpu.memref_slice %dma_wait3A_156[%dma_wait3A_157, %dma_wait3A_158] : memref<10000x128xf32, #tpu.memory_space<hbm>> -> memref<640x128xf32, #tpu.memory_space<hbm>>
          tpu.wait_dma2 semaphore(%run_scoped3A : memref<!tpu.dma_semaphore, #tpu.memory_space<semaphore_mem>>) src(%dma_wait3A_159 : memref<640x128xf32, #tpu.memory_space<hbm>>) dst(%dma_wait3A_152 : memref<640x128xf32, #tpu.memory_space<vmem_shared>>)
          tpu.yield
        }) : () -> ()
      } else {
      }
      %barrier3A_83 = arith.constant 0 : index
      tpu.barrier barrier_id(%barrier3A_83)
      %mul3A_84 = arith.constant 80 : i32
      %mul3A_85 = arith.muli %arg1, %mul3A_84 : i32
      %add3A_86 = arith.constant 0 : i32
      %add3A_87 = arith.addi %mul3A_85, %add3A_86 : i32
      "tpu.region"() ({
        %run_scoped3A = tpu.sem_alloc : memref<!tpu.dma_semaphore, #tpu.memory_space<semaphore_mem>>
        %dma_start3A_141 = arith.constant 0 : i32
        %dma_start3A_142 = tpu.memref_slice %arg3[%add3A_87, %dma_start3A_141] : memref<1280x125xi32, #tpu.memory_space<hbm>> -> memref<40x125xi32, #tpu.memory_space<hbm>>
        %dma_start3A_143 = arith.constant 0 : i32
        %dma_start3A_144 = tpu.memref_slice %arg3[%add3A_87, %dma_start3A_143] : memref<1280x125xi32, #tpu.memory_space<hbm>> -> memref<40x125xi32, #tpu.memory_space<hbm>>
        tpu.enqueue_dma source(%dma_start3A_144 : memref<40x125xi32, #tpu.memory_space<hbm>>) target(%arg7 : memref<40x125xi32, #tpu.memory_space<vmem>>) target_semaphore(%run_scoped3A : memref<!tpu.dma_semaphore, #tpu.memory_space<semaphore_mem>>)
        %dma_wait3A = arith.constant 0 : i32
        %dma_wait3A_145 = tpu.memref_slice %arg3[%add3A_87, %dma_wait3A] : memref<1280x125xi32, #tpu.memory_space<hbm>> -> memref<40x125xi32, #tpu.memory_space<hbm>>
        %dma_wait3A_146 = arith.constant 0 : i32
        %dma_wait3A_147 = tpu.memref_slice %arg3[%add3A_87, %dma_wait3A_146] : memref<1280x125xi32, #tpu.memory_space<hbm>> -> memref<40x125xi32, #tpu.memory_space<hbm>>
        tpu.wait_dma2 semaphore(%run_scoped3A : memref<!tpu.dma_semaphore, #tpu.memory_space<semaphore_mem>>) src(%dma_wait3A_147 : memref<40x125xi32, #tpu.memory_space<hbm>>) dst(%arg7 : memref<40x125xi32, #tpu.memory_space<vmem>>)
        tpu.yield
      }) : () -> ()
      "tpu.region"() ({
        %run_scoped3A = tpu.sem_alloc : memref<!tpu.dma_semaphore, #tpu.memory_space<semaphore_mem>>
        %dma_start3A_141 = arith.constant 0 : i32
        %dma_start3A_142 = tpu.memref_slice %arg4[%add3A_87, %dma_start3A_141] : memref<1280x125xi32, #tpu.memory_space<hbm>> -> memref<40x125xi32, #tpu.memory_space<hbm>>
        %dma_start3A_143 = arith.constant 0 : i32
        %dma_start3A_144 = tpu.memref_slice %arg4[%add3A_87, %dma_start3A_143] : memref<1280x125xi32, #tpu.memory_space<hbm>> -> memref<40x125xi32, #tpu.memory_space<hbm>>
        tpu.enqueue_dma source(%dma_start3A_144 : memref<40x125xi32, #tpu.memory_space<hbm>>) target(%arg8 : memref<40x125xi32, #tpu.memory_space<vmem>>) target_semaphore(%run_scoped3A : memref<!tpu.dma_semaphore, #tpu.memory_space<semaphore_mem>>)
        %dma_wait3A = arith.constant 0 : i32
        %dma_wait3A_145 = tpu.memref_slice %arg4[%add3A_87, %dma_wait3A] : memref<1280x125xi32, #tpu.memory_space<hbm>> -> memref<40x125xi32, #tpu.memory_space<hbm>>
        %dma_wait3A_146 = arith.constant 0 : i32
        %dma_wait3A_147 = tpu.memref_slice %arg4[%add3A_87, %dma_wait3A_146] : memref<1280x125xi32, #tpu.memory_space<hbm>> -> memref<40x125xi32, #tpu.memory_space<hbm>>
        tpu.wait_dma2 semaphore(%run_scoped3A : memref<!tpu.dma_semaphore, #tpu.memory_space<semaphore_mem>>) src(%dma_wait3A_147 : memref<40x125xi32, #tpu.memory_space<hbm>>) dst(%arg8 : memref<40x125xi32, #tpu.memory_space<vmem>>)
        tpu.yield
      }) : () -> ()
      %dma_start3A_88 = arith.constant 3 : i32
      %dma_start3A_89 = arith.constant 0 : i32
      %dma_start3A_90 = arith.constant 0 : i32
      %dma_start3A_91 = tpu.memref_slice %arg7[%dma_start3A_89, %dma_start3A_90] : memref<40x125xi32, #tpu.memory_space<vmem>> -> memref<1x125xi32, #tpu.memory_space<vmem>>
      %dma_start3A_92 = tpu.memref_squeeze %dma_start3A_91 : memref<1x125xi32, #tpu.memory_space<vmem>> -> memref<125xi32, #tpu.memory_space<vmem>>
      %dma_start3A_93 = arith.constant 0 : i32
      %dma_start3A_94 = arith.constant 0 : i32
      %dma_start3A_95 = tpu.memref_slice %arg2[%dma_start3A_88, %dma_start3A_93, %dma_start3A_94] : memref<4x10000x128xf32, #tpu.memory_space<hbm>> -> memref<1x10000x128xf32, #tpu.memory_space<hbm>>
      %dma_start3A_96 = tpu.memref_squeeze %dma_start3A_95 : memref<1x10000x128xf32, #tpu.memory_space<hbm>> -> memref<10000x128xf32, #tpu.memory_space<hbm>>
      %dma_start3A_97 = arith.constant 0 : i32
      %dma_start3A_98 = arith.constant 0 : i32
      %dma_start3A_99 = tpu.memref_slice %dma_start3A_96[%dma_start3A_97, %dma_start3A_98] : memref<10000x128xf32, #tpu.memory_space<hbm>> -> memref<10000x128xf32, #tpu.memory_space<hbm>>
      tpu.enqueue_indirect_dma source(%dma_start3A_99 : memref<10000x128xf32, #tpu.memory_space<hbm>>) target(%arg9 : memref<125x128xf32, #tpu.memory_space<vmem>>) offsets(%dma_start3A_92 : memref<125xi32, #tpu.memory_space<vmem>>) semaphore(%arg11 : memref<!tpu.dma_semaphore, #tpu.memory_space<semaphore_mem>>)
      %scan3A_100 = arith.constant 0 : i32
      %scan3A_101 = arith.constant 3 : i32
      %scan3A_102 = arith.constant 0 : i32
      %scan3A_103 = arith.constant 20 : i32
      %scan3A_104 = arith.addi %scan3A_102, %scan3A_103 : i32
      %scan3A_105 = arith.constant 1 : i32
      scf.for %scan3A_141 = %scan3A_102 to %scan3A_104 step %scan3A_105  : i32 {
        %mul3A_142 = arith.constant 2 : i32
        %mul3A_143 = arith.muli %mul3A_142, %scan3A_141 : i32
        %add3A_144 = arith.constant 1 : i32
        %add3A_145 = arith.addi %mul3A_143, %add3A_144 : i32
        %dma_start3A_146 = arith.constant 0 : i32
        %dma_start3A_147 = tpu.memref_slice %arg7[%add3A_145, %dma_start3A_146] : memref<40x125xi32, #tpu.memory_space<vmem>> -> memref<1x125xi32, #tpu.memory_space<vmem>>
        %dma_start3A_148 = tpu.memref_squeeze %dma_start3A_147 : memref<1x125xi32, #tpu.memory_space<vmem>> -> memref<125xi32, #tpu.memory_space<vmem>>
        %dma_start3A_149 = arith.constant 0 : i32
        %dma_start3A_150 = arith.constant 0 : i32
        %dma_start3A_151 = tpu.memref_slice %arg2[%scan3A_101, %dma_start3A_149, %dma_start3A_150] : memref<4x10000x128xf32, #tpu.memory_space<hbm>> -> memref<1x10000x128xf32, #tpu.memory_space<hbm>>
        %dma_start3A_152 = tpu.memref_squeeze %dma_start3A_151 : memref<1x10000x128xf32, #tpu.memory_space<hbm>> -> memref<10000x128xf32, #tpu.memory_space<hbm>>
        %dma_start3A_153 = arith.constant 0 : i32
        %dma_start3A_154 = arith.constant 0 : i32
        %dma_start3A_155 = tpu.memref_slice %dma_start3A_152[%dma_start3A_153, %dma_start3A_154] : memref<10000x128xf32, #tpu.memory_space<hbm>> -> memref<10000x128xf32, #tpu.memory_space<hbm>>
        tpu.enqueue_indirect_dma source(%dma_start3A_155 : memref<10000x128xf32, #tpu.memory_space<hbm>>) target(%arg10 : memref<125x128xf32, #tpu.memory_space<vmem>>) offsets(%dma_start3A_148 : memref<125xi32, #tpu.memory_space<vmem>>) semaphore(%arg12 : memref<!tpu.dma_semaphore, #tpu.memory_space<semaphore_mem>>)
        %dma_wait3A = arith.constant 0 : i32
        %dma_wait3A_156 = arith.constant 0 : i32
        %dma_wait3A_157 = tpu.memref_slice %arg7[%dma_wait3A, %dma_wait3A_156] : memref<40x125xi32, #tpu.memory_space<vmem>> -> memref<1x125xi32, #tpu.memory_space<vmem>>
        %dma_wait3A_158 = tpu.memref_squeeze %dma_wait3A_157 : memref<1x125xi32, #tpu.memory_space<vmem>> -> memref<125xi32, #tpu.memory_space<vmem>>
        %dma_wait3A_159 = arith.constant 0 : i32
        %dma_wait3A_160 = arith.constant 0 : i32
        %dma_wait3A_161 = tpu.memref_slice %arg2[%scan3A_101, %dma_wait3A_159, %dma_wait3A_160] : memref<4x10000x128xf32, #tpu.memory_space<hbm>> -> memref<1x10000x128xf32, #tpu.memory_space<hbm>>
        %dma_wait3A_162 = tpu.memref_squeeze %dma_wait3A_161 : memref<1x10000x128xf32, #tpu.memory_space<hbm>> -> memref<10000x128xf32, #tpu.memory_space<hbm>>
        %dma_wait3A_163 = arith.constant 0 : i32
        %dma_wait3A_164 = arith.constant 0 : i32
        %dma_wait3A_165 = tpu.memref_slice %dma_wait3A_162[%dma_wait3A_163, %dma_wait3A_164] : memref<10000x128xf32, #tpu.memory_space<hbm>> -> memref<10000x128xf32, #tpu.memory_space<hbm>>
        tpu.wait_indirect_dma semaphore(%arg11 : memref<!tpu.dma_semaphore, #tpu.memory_space<semaphore_mem>>) src(%dma_wait3A_165 : memref<10000x128xf32, #tpu.memory_space<hbm>>) dst(%arg9 : memref<125x128xf32, #tpu.memory_space<vmem>>)
        "tpu.region"() ({
          %run_scoped3A = tpu.sem_alloc : memref<!tpu.dma_semaphore, #tpu.memory_space<semaphore_mem>>
          %dma_start3A_184 = arith.constant 0 : i32
          %dma_start3A_185 = tpu.memref_slice %arg8[%mul3A_143, %dma_start3A_184] : memref<40x125xi32, #tpu.memory_space<vmem>> -> memref<1x125xi32, #tpu.memory_space<vmem>>
          %dma_start3A_186 = tpu.memref_squeeze %dma_start3A_185 : memref<1x125xi32, #tpu.memory_space<vmem>> -> memref<125xi32, #tpu.memory_space<vmem>>
          %dma_start3A_187 = arith.constant 0 : i32
          %dma_start3A_188 = arith.constant 0 : i32
          %dma_start3A_189 = tpu.memref_slice %arg6[%dma_start3A_187, %dma_start3A_188] : memref<10000x128xf32, #tpu.memory_space<vmem_shared>> -> memref<10000x128xf32, #tpu.memory_space<vmem_shared>>
          tpu.enqueue_indirect_dma source(%arg9 : memref<125x128xf32, #tpu.memory_space<vmem>>) target(%dma_start3A_189 : memref<10000x128xf32, #tpu.memory_space<vmem_shared>>) offsets(%dma_start3A_186 : memref<125xi32, #tpu.memory_space<vmem>>) semaphore(%run_scoped3A : memref<!tpu.dma_semaphore, #tpu.memory_space<semaphore_mem>>) {add = true}
          %dma_wait3A_190 = arith.constant 0 : i32
          %dma_wait3A_191 = tpu.memref_slice %arg8[%mul3A_143, %dma_wait3A_190] : memref<40x125xi32, #tpu.memory_space<vmem>> -> memref<1x125xi32, #tpu.memory_space<vmem>>
          %dma_wait3A_192 = tpu.memref_squeeze %dma_wait3A_191 : memref<1x125xi32, #tpu.memory_space<vmem>> -> memref<125xi32, #tpu.memory_space<vmem>>
          %dma_wait3A_193 = arith.constant 0 : i32
          %dma_wait3A_194 = arith.constant 0 : i32
          %dma_wait3A_195 = tpu.memref_slice %arg6[%dma_wait3A_193, %dma_wait3A_194] : memref<10000x128xf32, #tpu.memory_space<vmem_shared>> -> memref<10000x128xf32, #tpu.memory_space<vmem_shared>>
          tpu.wait_indirect_dma semaphore(%run_scoped3A : memref<!tpu.dma_semaphore, #tpu.memory_space<semaphore_mem>>) src(%arg9 : memref<125x128xf32, #tpu.memory_space<vmem>>) dst(%dma_wait3A_195 : memref<10000x128xf32, #tpu.memory_space<vmem_shared>>)
          tpu.yield
        }) : () -> ()
        %add3A_166 = arith.constant 2 : i32
        %add3A_167 = arith.addi %mul3A_143, %add3A_166 : i32
        %lt3A_168 = arith.constant 40 : i32
        %lt3A_169 = arith.cmpi slt, %add3A_167, %lt3A_168 : i32
        %convert_element_type3A_170 = arith.extui %lt3A_169 : i1 to i32
        %cond3A_171 = arith.constant 0 : i32
        %cond3A_172 = arith.cmpi ne, %convert_element_type3A_170, %cond3A_171 : i32
        scf.if %cond3A_172 {
          %add3A_184 = arith.constant 2 : i32
          %add3A_185 = arith.addi %mul3A_143, %add3A_184 : i32
          %dma_start3A_186 = arith.constant 0 : i32
          %dma_start3A_187 = tpu.memref_slice %arg7[%add3A_185, %dma_start3A_186] : memref<40x125xi32, #tpu.memory_space<vmem>> -> memref<1x125xi32, #tpu.memory_space<vmem>>
          %dma_start3A_188 = tpu.memref_squeeze %dma_start3A_187 : memref<1x125xi32, #tpu.memory_space<vmem>> -> memref<125xi32, #tpu.memory_space<vmem>>
          %dma_start3A_189 = arith.constant 0 : i32
          %dma_start3A_190 = arith.constant 0 : i32
          %dma_start3A_191 = tpu.memref_slice %arg2[%scan3A_101, %dma_start3A_189, %dma_start3A_190] : memref<4x10000x128xf32, #tpu.memory_space<hbm>> -> memref<1x10000x128xf32, #tpu.memory_space<hbm>>
          %dma_start3A_192 = tpu.memref_squeeze %dma_start3A_191 : memref<1x10000x128xf32, #tpu.memory_space<hbm>> -> memref<10000x128xf32, #tpu.memory_space<hbm>>
          %dma_start3A_193 = arith.constant 0 : i32
          %dma_start3A_194 = arith.constant 0 : i32
          %dma_start3A_195 = tpu.memref_slice %dma_start3A_192[%dma_start3A_193, %dma_start3A_194] : memref<10000x128xf32, #tpu.memory_space<hbm>> -> memref<10000x128xf32, #tpu.memory_space<hbm>>
          tpu.enqueue_indirect_dma source(%dma_start3A_195 : memref<10000x128xf32, #tpu.memory_space<hbm>>) target(%arg9 : memref<125x128xf32, #tpu.memory_space<vmem>>) offsets(%dma_start3A_188 : memref<125xi32, #tpu.memory_space<vmem>>) semaphore(%arg11 : memref<!tpu.dma_semaphore, #tpu.memory_space<semaphore_mem>>)
        } else {
        }
        %dma_wait3A_173 = arith.constant 0 : i32
        %dma_wait3A_174 = arith.constant 0 : i32
        %dma_wait3A_175 = tpu.memref_slice %arg7[%dma_wait3A_173, %dma_wait3A_174] : memref<40x125xi32, #tpu.memory_space<vmem>> -> memref<1x125xi32, #tpu.memory_space<vmem>>
        %dma_wait3A_176 = tpu.memref_squeeze %dma_wait3A_175 : memref<1x125xi32, #tpu.memory_space<vmem>> -> memref<125xi32, #tpu.memory_space<vmem>>
        %dma_wait3A_177 = arith.constant 0 : i32
        %dma_wait3A_178 = arith.constant 0 : i32
        %dma_wait3A_179 = tpu.memref_slice %arg2[%scan3A_101, %dma_wait3A_177, %dma_wait3A_178] : memref<4x10000x128xf32, #tpu.memory_space<hbm>> -> memref<1x10000x128xf32, #tpu.memory_space<hbm>>
        %dma_wait3A_180 = tpu.memref_squeeze %dma_wait3A_179 : memref<1x10000x128xf32, #tpu.memory_space<hbm>> -> memref<10000x128xf32, #tpu.memory_space<hbm>>
        %dma_wait3A_181 = arith.constant 0 : i32
        %dma_wait3A_182 = arith.constant 0 : i32
        %dma_wait3A_183 = tpu.memref_slice %dma_wait3A_180[%dma_wait3A_181, %dma_wait3A_182] : memref<10000x128xf32, #tpu.memory_space<hbm>> -> memref<10000x128xf32, #tpu.memory_space<hbm>>
        tpu.wait_indirect_dma semaphore(%arg12 : memref<!tpu.dma_semaphore, #tpu.memory_space<semaphore_mem>>) src(%dma_wait3A_183 : memref<10000x128xf32, #tpu.memory_space<hbm>>) dst(%arg10 : memref<125x128xf32, #tpu.memory_space<vmem>>)
        "tpu.region"() ({
          %run_scoped3A = tpu.sem_alloc : memref<!tpu.dma_semaphore, #tpu.memory_space<semaphore_mem>>
          %dma_start3A_184 = arith.constant 0 : i32
          %dma_start3A_185 = tpu.memref_slice %arg8[%add3A_145, %dma_start3A_184] : memref<40x125xi32, #tpu.memory_space<vmem>> -> memref<1x125xi32, #tpu.memory_space<vmem>>
          %dma_start3A_186 = tpu.memref_squeeze %dma_start3A_185 : memref<1x125xi32, #tpu.memory_space<vmem>> -> memref<125xi32, #tpu.memory_space<vmem>>
          %dma_start3A_187 = arith.constant 0 : i32
          %dma_start3A_188 = arith.constant 0 : i32
          %dma_start3A_189 = tpu.memref_slice %arg6[%dma_start3A_187, %dma_start3A_188] : memref<10000x128xf32, #tpu.memory_space<vmem_shared>> -> memref<10000x128xf32, #tpu.memory_space<vmem_shared>>
          tpu.enqueue_indirect_dma source(%arg10 : memref<125x128xf32, #tpu.memory_space<vmem>>) target(%dma_start3A_189 : memref<10000x128xf32, #tpu.memory_space<vmem_shared>>) offsets(%dma_start3A_186 : memref<125xi32, #tpu.memory_space<vmem>>) semaphore(%run_scoped3A : memref<!tpu.dma_semaphore, #tpu.memory_space<semaphore_mem>>) {add = true}
          %dma_wait3A_190 = arith.constant 0 : i32
          %dma_wait3A_191 = tpu.memref_slice %arg8[%add3A_145, %dma_wait3A_190] : memref<40x125xi32, #tpu.memory_space<vmem>> -> memref<1x125xi32, #tpu.memory_space<vmem>>
          %dma_wait3A_192 = tpu.memref_squeeze %dma_wait3A_191 : memref<1x125xi32, #tpu.memory_space<vmem>> -> memref<125xi32, #tpu.memory_space<vmem>>
          %dma_wait3A_193 = arith.constant 0 : i32
          %dma_wait3A_194 = arith.constant 0 : i32
          %dma_wait3A_195 = tpu.memref_slice %arg6[%dma_wait3A_193, %dma_wait3A_194] : memref<10000x128xf32, #tpu.memory_space<vmem_shared>> -> memref<10000x128xf32, #tpu.memory_space<vmem_shared>>
          tpu.wait_indirect_dma semaphore(%run_scoped3A : memref<!tpu.dma_semaphore, #tpu.memory_space<semaphore_mem>>) src(%arg10 : memref<125x128xf32, #tpu.memory_space<vmem>>) dst(%dma_wait3A_195 : memref<10000x128xf32, #tpu.memory_space<vmem_shared>>)
          tpu.yield
        }) : () -> ()
      }
      %scan3A_106 = arith.constant 20 : i32
      %mul3A_107 = arith.constant 80 : i32
      %mul3A_108 = arith.muli %arg1, %mul3A_107 : i32
      %add3A_109 = arith.constant 40 : i32
      %add3A_110 = arith.addi %mul3A_108, %add3A_109 : i32
      "tpu.region"() ({
        %run_scoped3A = tpu.sem_alloc : memref<!tpu.dma_semaphore, #tpu.memory_space<semaphore_mem>>
        %dma_start3A_141 = arith.constant 0 : i32
        %dma_start3A_142 = tpu.memref_slice %arg3[%add3A_110, %dma_start3A_141] : memref<1280x125xi32, #tpu.memory_space<hbm>> -> memref<40x125xi32, #tpu.memory_space<hbm>>
        %dma_start3A_143 = arith.constant 0 : i32
        %dma_start3A_144 = tpu.memref_slice %arg3[%add3A_110, %dma_start3A_143] : memref<1280x125xi32, #tpu.memory_space<hbm>> -> memref<40x125xi32, #tpu.memory_space<hbm>>
        tpu.enqueue_dma source(%dma_start3A_144 : memref<40x125xi32, #tpu.memory_space<hbm>>) target(%arg7 : memref<40x125xi32, #tpu.memory_space<vmem>>) target_semaphore(%run_scoped3A : memref<!tpu.dma_semaphore, #tpu.memory_space<semaphore_mem>>)
        %dma_wait3A = arith.constant 0 : i32
        %dma_wait3A_145 = tpu.memref_slice %arg3[%add3A_110, %dma_wait3A] : memref<1280x125xi32, #tpu.memory_space<hbm>> -> memref<40x125xi32, #tpu.memory_space<hbm>>
        %dma_wait3A_146 = arith.constant 0 : i32
        %dma_wait3A_147 = tpu.memref_slice %arg3[%add3A_110, %dma_wait3A_146] : memref<1280x125xi32, #tpu.memory_space<hbm>> -> memref<40x125xi32, #tpu.memory_space<hbm>>
        tpu.wait_dma2 semaphore(%run_scoped3A : memref<!tpu.dma_semaphore, #tpu.memory_space<semaphore_mem>>) src(%dma_wait3A_147 : memref<40x125xi32, #tpu.memory_space<hbm>>) dst(%arg7 : memref<40x125xi32, #tpu.memory_space<vmem>>)
        tpu.yield
      }) : () -> ()
      "tpu.region"() ({
        %run_scoped3A = tpu.sem_alloc : memref<!tpu.dma_semaphore, #tpu.memory_space<semaphore_mem>>
        %dma_start3A_141 = arith.constant 0 : i32
        %dma_start3A_142 = tpu.memref_slice %arg4[%add3A_110, %dma_start3A_141] : memref<1280x125xi32, #tpu.memory_space<hbm>> -> memref<40x125xi32, #tpu.memory_space<hbm>>
        %dma_start3A_143 = arith.constant 0 : i32
        %dma_start3A_144 = tpu.memref_slice %arg4[%add3A_110, %dma_start3A_143] : memref<1280x125xi32, #tpu.memory_space<hbm>> -> memref<40x125xi32, #tpu.memory_space<hbm>>
        tpu.enqueue_dma source(%dma_start3A_144 : memref<40x125xi32, #tpu.memory_space<hbm>>) target(%arg8 : memref<40x125xi32, #tpu.memory_space<vmem>>) target_semaphore(%run_scoped3A : memref<!tpu.dma_semaphore, #tpu.memory_space<semaphore_mem>>)
        %dma_wait3A = arith.constant 0 : i32
        %dma_wait3A_145 = tpu.memref_slice %arg4[%add3A_110, %dma_wait3A] : memref<1280x125xi32, #tpu.memory_space<hbm>> -> memref<40x125xi32, #tpu.memory_space<hbm>>
        %dma_wait3A_146 = arith.constant 0 : i32
        %dma_wait3A_147 = tpu.memref_slice %arg4[%add3A_110, %dma_wait3A_146] : memref<1280x125xi32, #tpu.memory_space<hbm>> -> memref<40x125xi32, #tpu.memory_space<hbm>>
        tpu.wait_dma2 semaphore(%run_scoped3A : memref<!tpu.dma_semaphore, #tpu.memory_space<semaphore_mem>>) src(%dma_wait3A_147 : memref<40x125xi32, #tpu.memory_space<hbm>>) dst(%arg8 : memref<40x125xi32, #tpu.memory_space<vmem>>)
        tpu.yield
      }) : () -> ()
      %dma_start3A_111 = arith.constant 3 : i32
      %dma_start3A_112 = arith.constant 0 : i32
      %dma_start3A_113 = arith.constant 0 : i32
      %dma_start3A_114 = tpu.memref_slice %arg7[%dma_start3A_112, %dma_start3A_113] : memref<40x125xi32, #tpu.memory_space<vmem>> -> memref<1x125xi32, #tpu.memory_space<vmem>>
      %dma_start3A_115 = tpu.memref_squeeze %dma_start3A_114 : memref<1x125xi32, #tpu.memory_space<vmem>> -> memref<125xi32, #tpu.memory_space<vmem>>
      %dma_start3A_116 = arith.constant 0 : i32
      %dma_start3A_117 = arith.constant 0 : i32
      %dma_start3A_118 = tpu.memref_slice %arg2[%dma_start3A_111, %dma_start3A_116, %dma_start3A_117] : memref<4x10000x128xf32, #tpu.memory_space<hbm>> -> memref<1x10000x128xf32, #tpu.memory_space<hbm>>
      %dma_start3A_119 = tpu.memref_squeeze %dma_start3A_118 : memref<1x10000x128xf32, #tpu.memory_space<hbm>> -> memref<10000x128xf32, #tpu.memory_space<hbm>>
      %dma_start3A_120 = arith.constant 0 : i32
      %dma_start3A_121 = arith.constant 0 : i32
      %dma_start3A_122 = tpu.memref_slice %dma_start3A_119[%dma_start3A_120, %dma_start3A_121] : memref<10000x128xf32, #tpu.memory_space<hbm>> -> memref<10000x128xf32, #tpu.memory_space<hbm>>
      tpu.enqueue_indirect_dma source(%dma_start3A_122 : memref<10000x128xf32, #tpu.memory_space<hbm>>) target(%arg9 : memref<125x128xf32, #tpu.memory_space<vmem>>) offsets(%dma_start3A_115 : memref<125xi32, #tpu.memory_space<vmem>>) semaphore(%arg11 : memref<!tpu.dma_semaphore, #tpu.memory_space<semaphore_mem>>)
      %scan3A_123 = arith.constant 0 : i32
      %scan3A_124 = arith.constant 3 : i32
      %scan3A_125 = arith.constant 0 : i32
      %scan3A_126 = arith.constant 20 : i32
      %scan3A_127 = arith.addi %scan3A_125, %scan3A_126 : i32
      %scan3A_128 = arith.constant 1 : i32
      scf.for %scan3A_141 = %scan3A_125 to %scan3A_127 step %scan3A_128  : i32 {
        %mul3A_142 = arith.constant 2 : i32
        %mul3A_143 = arith.muli %mul3A_142, %scan3A_141 : i32
        %add3A_144 = arith.constant 1 : i32
        %add3A_145 = arith.addi %mul3A_143, %add3A_144 : i32
        %dma_start3A_146 = arith.constant 0 : i32
        %dma_start3A_147 = tpu.memref_slice %arg7[%add3A_145, %dma_start3A_146] : memref<40x125xi32, #tpu.memory_space<vmem>> -> memref<1x125xi32, #tpu.memory_space<vmem>>
        %dma_start3A_148 = tpu.memref_squeeze %dma_start3A_147 : memref<1x125xi32, #tpu.memory_space<vmem>> -> memref<125xi32, #tpu.memory_space<vmem>>
        %dma_start3A_149 = arith.constant 0 : i32
        %dma_start3A_150 = arith.constant 0 : i32
        %dma_start3A_151 = tpu.memref_slice %arg2[%scan3A_124, %dma_start3A_149, %dma_start3A_150] : memref<4x10000x128xf32, #tpu.memory_space<hbm>> -> memref<1x10000x128xf32, #tpu.memory_space<hbm>>
        %dma_start3A_152 = tpu.memref_squeeze %dma_start3A_151 : memref<1x10000x128xf32, #tpu.memory_space<hbm>> -> memref<10000x128xf32, #tpu.memory_space<hbm>>
        %dma_start3A_153 = arith.constant 0 : i32
        %dma_start3A_154 = arith.constant 0 : i32
        %dma_start3A_155 = tpu.memref_slice %dma_start3A_152[%dma_start3A_153, %dma_start3A_154] : memref<10000x128xf32, #tpu.memory_space<hbm>> -> memref<10000x128xf32, #tpu.memory_space<hbm>>
        tpu.enqueue_indirect_dma source(%dma_start3A_155 : memref<10000x128xf32, #tpu.memory_space<hbm>>) target(%arg10 : memref<125x128xf32, #tpu.memory_space<vmem>>) offsets(%dma_start3A_148 : memref<125xi32, #tpu.memory_space<vmem>>) semaphore(%arg12 : memref<!tpu.dma_semaphore, #tpu.memory_space<semaphore_mem>>)
        %dma_wait3A = arith.constant 0 : i32
        %dma_wait3A_156 = arith.constant 0 : i32
        %dma_wait3A_157 = tpu.memref_slice %arg7[%dma_wait3A, %dma_wait3A_156] : memref<40x125xi32, #tpu.memory_space<vmem>> -> memref<1x125xi32, #tpu.memory_space<vmem>>
        %dma_wait3A_158 = tpu.memref_squeeze %dma_wait3A_157 : memref<1x125xi32, #tpu.memory_space<vmem>> -> memref<125xi32, #tpu.memory_space<vmem>>
        %dma_wait3A_159 = arith.constant 0 : i32
        %dma_wait3A_160 = arith.constant 0 : i32
        %dma_wait3A_161 = tpu.memref_slice %arg2[%scan3A_124, %dma_wait3A_159, %dma_wait3A_160] : memref<4x10000x128xf32, #tpu.memory_space<hbm>> -> memref<1x10000x128xf32, #tpu.memory_space<hbm>>
        %dma_wait3A_162 = tpu.memref_squeeze %dma_wait3A_161 : memref<1x10000x128xf32, #tpu.memory_space<hbm>> -> memref<10000x128xf32, #tpu.memory_space<hbm>>
        %dma_wait3A_163 = arith.constant 0 : i32
        %dma_wait3A_164 = arith.constant 0 : i32
        %dma_wait3A_165 = tpu.memref_slice %dma_wait3A_162[%dma_wait3A_163, %dma_wait3A_164] : memref<10000x128xf32, #tpu.memory_space<hbm>> -> memref<10000x128xf32, #tpu.memory_space<hbm>>
        tpu.wait_indirect_dma semaphore(%arg11 : memref<!tpu.dma_semaphore, #tpu.memory_space<semaphore_mem>>) src(%dma_wait3A_165 : memref<10000x128xf32, #tpu.memory_space<hbm>>) dst(%arg9 : memref<125x128xf32, #tpu.memory_space<vmem>>)
        "tpu.region"() ({
          %run_scoped3A = tpu.sem_alloc : memref<!tpu.dma_semaphore, #tpu.memory_space<semaphore_mem>>
          %dma_start3A_184 = arith.constant 0 : i32
          %dma_start3A_185 = tpu.memref_slice %arg8[%mul3A_143, %dma_start3A_184] : memref<40x125xi32, #tpu.memory_space<vmem>> -> memref<1x125xi32, #tpu.memory_space<vmem>>
          %dma_start3A_186 = tpu.memref_squeeze %dma_start3A_185 : memref<1x125xi32, #tpu.memory_space<vmem>> -> memref<125xi32, #tpu.memory_space<vmem>>
          %dma_start3A_187 = arith.constant 0 : i32
          %dma_start3A_188 = arith.constant 0 : i32
          %dma_start3A_189 = tpu.memref_slice %arg6[%dma_start3A_187, %dma_start3A_188] : memref<10000x128xf32, #tpu.memory_space<vmem_shared>> -> memref<10000x128xf32, #tpu.memory_space<vmem_shared>>
          tpu.enqueue_indirect_dma source(%arg9 : memref<125x128xf32, #tpu.memory_space<vmem>>) target(%dma_start3A_189 : memref<10000x128xf32, #tpu.memory_space<vmem_shared>>) offsets(%dma_start3A_186 : memref<125xi32, #tpu.memory_space<vmem>>) semaphore(%run_scoped3A : memref<!tpu.dma_semaphore, #tpu.memory_space<semaphore_mem>>) {add = true}
          %dma_wait3A_190 = arith.constant 0 : i32
          %dma_wait3A_191 = tpu.memref_slice %arg8[%mul3A_143, %dma_wait3A_190] : memref<40x125xi32, #tpu.memory_space<vmem>> -> memref<1x125xi32, #tpu.memory_space<vmem>>
          %dma_wait3A_192 = tpu.memref_squeeze %dma_wait3A_191 : memref<1x125xi32, #tpu.memory_space<vmem>> -> memref<125xi32, #tpu.memory_space<vmem>>
          %dma_wait3A_193 = arith.constant 0 : i32
          %dma_wait3A_194 = arith.constant 0 : i32
          %dma_wait3A_195 = tpu.memref_slice %arg6[%dma_wait3A_193, %dma_wait3A_194] : memref<10000x128xf32, #tpu.memory_space<vmem_shared>> -> memref<10000x128xf32, #tpu.memory_space<vmem_shared>>
          tpu.wait_indirect_dma semaphore(%run_scoped3A : memref<!tpu.dma_semaphore, #tpu.memory_space<semaphore_mem>>) src(%arg9 : memref<125x128xf32, #tpu.memory_space<vmem>>) dst(%dma_wait3A_195 : memref<10000x128xf32, #tpu.memory_space<vmem_shared>>)
          tpu.yield
        }) : () -> ()
        %add3A_166 = arith.constant 2 : i32
        %add3A_167 = arith.addi %mul3A_143, %add3A_166 : i32
        %lt3A_168 = arith.constant 40 : i32
        %lt3A_169 = arith.cmpi slt, %add3A_167, %lt3A_168 : i32
        %convert_element_type3A_170 = arith.extui %lt3A_169 : i1 to i32
        %cond3A_171 = arith.constant 0 : i32
        %cond3A_172 = arith.cmpi ne, %convert_element_type3A_170, %cond3A_171 : i32
        scf.if %cond3A_172 {
          %add3A_184 = arith.constant 2 : i32
          %add3A_185 = arith.addi %mul3A_143, %add3A_184 : i32
          %dma_start3A_186 = arith.constant 0 : i32
          %dma_start3A_187 = tpu.memref_slice %arg7[%add3A_185, %dma_start3A_186] : memref<40x125xi32, #tpu.memory_space<vmem>> -> memref<1x125xi32, #tpu.memory_space<vmem>>
          %dma_start3A_188 = tpu.memref_squeeze %dma_start3A_187 : memref<1x125xi32, #tpu.memory_space<vmem>> -> memref<125xi32, #tpu.memory_space<vmem>>
          %dma_start3A_189 = arith.constant 0 : i32
          %dma_start3A_190 = arith.constant 0 : i32
          %dma_start3A_191 = tpu.memref_slice %arg2[%scan3A_124, %dma_start3A_189, %dma_start3A_190] : memref<4x10000x128xf32, #tpu.memory_space<hbm>> -> memref<1x10000x128xf32, #tpu.memory_space<hbm>>
          %dma_start3A_192 = tpu.memref_squeeze %dma_start3A_191 : memref<1x10000x128xf32, #tpu.memory_space<hbm>> -> memref<10000x128xf32, #tpu.memory_space<hbm>>
          %dma_start3A_193 = arith.constant 0 : i32
          %dma_start3A_194 = arith.constant 0 : i32
          %dma_start3A_195 = tpu.memref_slice %dma_start3A_192[%dma_start3A_193, %dma_start3A_194] : memref<10000x128xf32, #tpu.memory_space<hbm>> -> memref<10000x128xf32, #tpu.memory_space<hbm>>
          tpu.enqueue_indirect_dma source(%dma_start3A_195 : memref<10000x128xf32, #tpu.memory_space<hbm>>) target(%arg9 : memref<125x128xf32, #tpu.memory_space<vmem>>) offsets(%dma_start3A_188 : memref<125xi32, #tpu.memory_space<vmem>>) semaphore(%arg11 : memref<!tpu.dma_semaphore, #tpu.memory_space<semaphore_mem>>)
        } else {
        }
        %dma_wait3A_173 = arith.constant 0 : i32
        %dma_wait3A_174 = arith.constant 0 : i32
        %dma_wait3A_175 = tpu.memref_slice %arg7[%dma_wait3A_173, %dma_wait3A_174] : memref<40x125xi32, #tpu.memory_space<vmem>> -> memref<1x125xi32, #tpu.memory_space<vmem>>
        %dma_wait3A_176 = tpu.memref_squeeze %dma_wait3A_175 : memref<1x125xi32, #tpu.memory_space<vmem>> -> memref<125xi32, #tpu.memory_space<vmem>>
        %dma_wait3A_177 = arith.constant 0 : i32
        %dma_wait3A_178 = arith.constant 0 : i32
        %dma_wait3A_179 = tpu.memref_slice %arg2[%scan3A_124, %dma_wait3A_177, %dma_wait3A_178] : memref<4x10000x128xf32, #tpu.memory_space<hbm>> -> memref<1x10000x128xf32, #tpu.memory_space<hbm>>
        %dma_wait3A_180 = tpu.memref_squeeze %dma_wait3A_179 : memref<1x10000x128xf32, #tpu.memory_space<hbm>> -> memref<10000x128xf32, #tpu.memory_space<hbm>>
        %dma_wait3A_181 = arith.constant 0 : i32
        %dma_wait3A_182 = arith.constant 0 : i32
        %dma_wait3A_183 = tpu.memref_slice %dma_wait3A_180[%dma_wait3A_181, %dma_wait3A_182] : memref<10000x128xf32, #tpu.memory_space<hbm>> -> memref<10000x128xf32, #tpu.memory_space<hbm>>
        tpu.wait_indirect_dma semaphore(%arg12 : memref<!tpu.dma_semaphore, #tpu.memory_space<semaphore_mem>>) src(%dma_wait3A_183 : memref<10000x128xf32, #tpu.memory_space<hbm>>) dst(%arg10 : memref<125x128xf32, #tpu.memory_space<vmem>>)
        "tpu.region"() ({
          %run_scoped3A = tpu.sem_alloc : memref<!tpu.dma_semaphore, #tpu.memory_space<semaphore_mem>>
          %dma_start3A_184 = arith.constant 0 : i32
          %dma_start3A_185 = tpu.memref_slice %arg8[%add3A_145, %dma_start3A_184] : memref<40x125xi32, #tpu.memory_space<vmem>> -> memref<1x125xi32, #tpu.memory_space<vmem>>
          %dma_start3A_186 = tpu.memref_squeeze %dma_start3A_185 : memref<1x125xi32, #tpu.memory_space<vmem>> -> memref<125xi32, #tpu.memory_space<vmem>>
          %dma_start3A_187 = arith.constant 0 : i32
          %dma_start3A_188 = arith.constant 0 : i32
          %dma_start3A_189 = tpu.memref_slice %arg6[%dma_start3A_187, %dma_start3A_188] : memref<10000x128xf32, #tpu.memory_space<vmem_shared>> -> memref<10000x128xf32, #tpu.memory_space<vmem_shared>>
          tpu.enqueue_indirect_dma source(%arg10 : memref<125x128xf32, #tpu.memory_space<vmem>>) target(%dma_start3A_189 : memref<10000x128xf32, #tpu.memory_space<vmem_shared>>) offsets(%dma_start3A_186 : memref<125xi32, #tpu.memory_space<vmem>>) semaphore(%run_scoped3A : memref<!tpu.dma_semaphore, #tpu.memory_space<semaphore_mem>>) {add = true}
          %dma_wait3A_190 = arith.constant 0 : i32
          %dma_wait3A_191 = tpu.memref_slice %arg8[%add3A_145, %dma_wait3A_190] : memref<40x125xi32, #tpu.memory_space<vmem>> -> memref<1x125xi32, #tpu.memory_space<vmem>>
          %dma_wait3A_192 = tpu.memref_squeeze %dma_wait3A_191 : memref<1x125xi32, #tpu.memory_space<vmem>> -> memref<125xi32, #tpu.memory_space<vmem>>
          %dma_wait3A_193 = arith.constant 0 : i32
          %dma_wait3A_194 = arith.constant 0 : i32
          %dma_wait3A_195 = tpu.memref_slice %arg6[%dma_wait3A_193, %dma_wait3A_194] : memref<10000x128xf32, #tpu.memory_space<vmem_shared>> -> memref<10000x128xf32, #tpu.memory_space<vmem_shared>>
          tpu.wait_indirect_dma semaphore(%run_scoped3A : memref<!tpu.dma_semaphore, #tpu.memory_space<semaphore_mem>>) src(%arg10 : memref<125x128xf32, #tpu.memory_space<vmem>>) dst(%dma_wait3A_195 : memref<10000x128xf32, #tpu.memory_space<vmem_shared>>)
          tpu.yield
        }) : () -> ()
      }
      %scan3A_129 = arith.constant 20 : i32
      %barrier3A_130 = arith.constant 0 : index
      tpu.barrier barrier_id(%barrier3A_130)
      %lt3A_131 = arith.constant 15 : i32
      %lt3A_132 = arith.cmpi slt, %arg1, %lt3A_131 : i32
      %convert_element_type3A_133 = arith.extui %lt3A_132 : i1 to i32
      %cond3A_134 = arith.constant 0 : i32
      %cond3A_135 = arith.cmpi ne, %convert_element_type3A_133, %cond3A_134 : i32
      scf.if %cond3A_135 {
        %mul3A_141 = arith.constant 624 : i32
        %mul3A_142 = arith.muli %arg1, %mul3A_141 : i32
        %run_scoped3A = arith.constant 3 : i32
        "tpu.region"() ({
          %run_scoped3A_143 = tpu.sem_alloc : memref<!tpu.dma_semaphore, #tpu.memory_space<semaphore_mem>>
          %dma_start3A_144 = arith.constant 0 : i32
          %dma_start3A_145 = arith.constant 0 : i32
          %dma_start3A_146 = tpu.memref_slice %arg5[%run_scoped3A, %dma_start3A_144, %dma_start3A_145] : memref<4x10000x128xf32, #tpu.memory_space<hbm>> -> memref<1x10000x128xf32, #tpu.memory_space<hbm>>
          %dma_start3A_147 = tpu.memref_squeeze %dma_start3A_146 : memref<1x10000x128xf32, #tpu.memory_space<hbm>> -> memref<10000x128xf32, #tpu.memory_space<hbm>>
          %dma_start3A_148 = arith.constant 0 : i32
          %dma_start3A_149 = tpu.memref_slice %dma_start3A_147[%mul3A_142, %dma_start3A_148] : memref<10000x128xf32, #tpu.memory_space<hbm>> -> memref<624x128xf32, #tpu.memory_space<hbm>>
          %dma_start3A_150 = arith.constant 0 : i32
          %dma_start3A_151 = tpu.memref_slice %arg6[%mul3A_142, %dma_start3A_150] : memref<10000x128xf32, #tpu.memory_space<vmem_shared>> -> memref<624x128xf32, #tpu.memory_space<vmem_shared>>
          tpu.enqueue_dma source(%dma_start3A_151 : memref<624x128xf32, #tpu.memory_space<vmem_shared>>) target(%dma_start3A_149 : memref<624x128xf32, #tpu.memory_space<hbm>>) target_semaphore(%run_scoped3A_143 : memref<!tpu.dma_semaphore, #tpu.memory_space<semaphore_mem>>)
          %dma_wait3A = arith.constant 0 : i32
          %dma_wait3A_152 = arith.constant 0 : i32
          %dma_wait3A_153 = tpu.memref_slice %arg5[%run_scoped3A, %dma_wait3A, %dma_wait3A_152] : memref<4x10000x128xf32, #tpu.memory_space<hbm>> -> memref<1x10000x128xf32, #tpu.memory_space<hbm>>
          %dma_wait3A_154 = tpu.memref_squeeze %dma_wait3A_153 : memref<1x10000x128xf32, #tpu.memory_space<hbm>> -> memref<10000x128xf32, #tpu.memory_space<hbm>>
          %dma_wait3A_155 = arith.constant 0 : i32
          %dma_wait3A_156 = tpu.memref_slice %dma_wait3A_154[%mul3A_142, %dma_wait3A_155] : memref<10000x128xf32, #tpu.memory_space<hbm>> -> memref<624x128xf32, #tpu.memory_space<hbm>>
          %dma_wait3A_157 = arith.constant 0 : i32
          %dma_wait3A_158 = tpu.memref_slice %arg6[%mul3A_142, %dma_wait3A_157] : memref<10000x128xf32, #tpu.memory_space<vmem_shared>> -> memref<624x128xf32, #tpu.memory_space<vmem_shared>>
          tpu.wait_dma2 semaphore(%run_scoped3A_143 : memref<!tpu.dma_semaphore, #tpu.memory_space<semaphore_mem>>) src(%dma_wait3A_158 : memref<624x128xf32, #tpu.memory_space<vmem_shared>>) dst(%dma_wait3A_156 : memref<624x128xf32, #tpu.memory_space<hbm>>)
          tpu.yield
        }) : () -> ()
      } else {
      }
      %eq3A_136 = arith.constant 15 : i32
      %eq3A_137 = arith.cmpi eq, %arg1, %eq3A_136 : i32
      %convert_element_type3A_138 = arith.extui %eq3A_137 : i1 to i32
      %cond3A_139 = arith.constant 0 : i32
      %cond3A_140 = arith.cmpi ne, %convert_element_type3A_138, %cond3A_139 : i32
      scf.if %cond3A_140 {
        %run_scoped3A = arith.constant 3 : i32
        "tpu.region"() ({
          %run_scoped3A_141 = tpu.sem_alloc : memref<!tpu.dma_semaphore, #tpu.memory_space<semaphore_mem>>
          %dma_start3A_142 = arith.constant 0 : i32
          %dma_start3A_143 = arith.constant 0 : i32
          %dma_start3A_144 = tpu.memref_slice %arg5[%run_scoped3A, %dma_start3A_142, %dma_start3A_143] : memref<4x10000x128xf32, #tpu.memory_space<hbm>> -> memref<1x10000x128xf32, #tpu.memory_space<hbm>>
          %dma_start3A_145 = tpu.memref_squeeze %dma_start3A_144 : memref<1x10000x128xf32, #tpu.memory_space<hbm>> -> memref<10000x128xf32, #tpu.memory_space<hbm>>
          %dma_start3A_146 = arith.constant 9360 : i32
          %dma_start3A_147 = arith.constant 0 : i32
          %dma_start3A_148 = tpu.memref_slice %dma_start3A_145[%dma_start3A_146, %dma_start3A_147] : memref<10000x128xf32, #tpu.memory_space<hbm>> -> memref<640x128xf32, #tpu.memory_space<hbm>>
          %dma_start3A_149 = arith.constant 9360 : i32
          %dma_start3A_150 = arith.constant 0 : i32
          %dma_start3A_151 = tpu.memref_slice %arg6[%dma_start3A_149, %dma_start3A_150] : memref<10000x128xf32, #tpu.memory_space<vmem_shared>> -> memref<640x128xf32, #tpu.memory_space<vmem_shared>>
          tpu.enqueue_dma source(%dma_start3A_151 : memref<640x128xf32, #tpu.memory_space<vmem_shared>>) target(%dma_start3A_148 : memref<640x128xf32, #tpu.memory_space<hbm>>) target_semaphore(%run_scoped3A_141 : memref<!tpu.dma_semaphore, #tpu.memory_space<semaphore_mem>>)
          %dma_wait3A = arith.constant 0 : i32
          %dma_wait3A_152 = arith.constant 0 : i32
          %dma_wait3A_153 = tpu.memref_slice %arg5[%run_scoped3A, %dma_wait3A, %dma_wait3A_152] : memref<4x10000x128xf32, #tpu.memory_space<hbm>> -> memref<1x10000x128xf32, #tpu.memory_space<hbm>>
          %dma_wait3A_154 = tpu.memref_squeeze %dma_wait3A_153 : memref<1x10000x128xf32, #tpu.memory_space<hbm>> -> memref<10000x128xf32, #tpu.memory_space<hbm>>
          %dma_wait3A_155 = arith.constant 9360 : i32
          %dma_wait3A_156 = arith.constant 0 : i32
          %dma_wait3A_157 = tpu.memref_slice %dma_wait3A_154[%dma_wait3A_155, %dma_wait3A_156] : memref<10000x128xf32, #tpu.memory_space<hbm>> -> memref<640x128xf32, #tpu.memory_space<hbm>>
          %dma_wait3A_158 = arith.constant 9360 : i32
          %dma_wait3A_159 = arith.constant 0 : i32
          %dma_wait3A_160 = tpu.memref_slice %arg6[%dma_wait3A_158, %dma_wait3A_159] : memref<10000x128xf32, #tpu.memory_space<vmem_shared>> -> memref<640x128xf32, #tpu.memory_space<vmem_shared>>
          tpu.wait_dma2 semaphore(%run_scoped3A_141 : memref<!tpu.dma_semaphore, #tpu.memory_space<semaphore_mem>>) src(%dma_wait3A_160 : memref<640x128xf32, #tpu.memory_space<vmem_shared>>) dst(%dma_wait3A_157 : memref<640x128xf32, #tpu.memory_space<hbm>>)
          tpu.yield
        }) : () -> ()
      } else {
      }
    } else {
    }
    return
  }
}

#map = affine_map<(d0, d1) -> (0, 0, 0)>
#map1 = affine_map<(d0, d1) -> (0, 0)>
module attributes {stable_mosaic.version = 14 : i64} {
  func.func @body(%arg0: i32, %arg1: i32, %arg2: memref<2x10000x128xf32, #tpu.memory_space<hbm>>, %arg3: memref<1280x125xi32, #tpu.memory_space<hbm>>, %arg4: memref<1280x125xi32, #tpu.memory_space<hbm>>, %arg5: memref<2x10000x128xf32, #tpu.memory_space<hbm>>, %arg6: memref<10000x128xf32, #tpu.memory_space<vmem_shared>>, %arg7: memref<40x125xi32, #tpu.memory_space<vmem>>, %arg8: memref<40x125xi32, #tpu.memory_space<vmem>>, %arg9: memref<125x128xf32, #tpu.memory_space<vmem>>, %arg10: memref<125x128xf32, #tpu.memory_space<vmem>>, %arg11: memref<!tpu.dma_semaphore, #tpu.memory_space<semaphore_mem>>, %arg12: memref<!tpu.dma_semaphore, #tpu.memory_space<semaphore_mem>>) attributes {dimension_semantics = [#tpu.dimension_semantics<core_parallel>, #tpu.dimension_semantics<subcore_parallel>], iteration_bounds = array<i64: 2, 16>, scalar_prefetch = 0 : i64, scratch_operands = 7 : i64, tpu.core_type = #tpu.core_type<sc_vector_subcore>, window_params = [{transform_indices = #map}, {transform_indices = #map1}, {transform_indices = #map1}, {transform_indices = #map}]} {
    %eq3A = arith.constant 0 : i32
    %eq3A_0 = arith.cmpi eq, %arg0, %eq3A : i32
    %convert_element_type3A = arith.extui %eq3A_0 : i1 to i32
    %cond3A = arith.constant 0 : i32
    %cond3A_1 = arith.cmpi ne, %convert_element_type3A, %cond3A : i32
    scf.if %cond3A_1 {
      %lt3A = arith.constant 15 : i32
      %lt3A_7 = arith.cmpi slt, %arg1, %lt3A : i32
      %convert_element_type3A_8 = arith.extui %lt3A_7 : i1 to i32
      %cond3A_9 = arith.constant 0 : i32
      %cond3A_10 = arith.constant 0 : i32
      %cond3A_11 = arith.cmpi ne, %convert_element_type3A_8, %cond3A_10 : i32
      scf.if %cond3A_11 {
        %mul3A_71 = arith.constant 624 : i32
        %mul3A_72 = arith.muli %arg1, %mul3A_71 : i32
        "tpu.region"() ({
          %run_scoped3A = tpu.sem_alloc : memref<!tpu.dma_semaphore, #tpu.memory_space<semaphore_mem>>
          %dma_start3A_73 = arith.constant 0 : i32
          %dma_start3A_74 = tpu.memref_slice %arg6[%mul3A_72, %dma_start3A_73] : memref<10000x128xf32, #tpu.memory_space<vmem_shared>> -> memref<624x128xf32, #tpu.memory_space<vmem_shared>>
          %dma_start3A_75 = arith.constant 0 : i32
          %dma_start3A_76 = arith.constant 0 : i32
          %dma_start3A_77 = tpu.memref_slice %arg2[%cond3A_9, %dma_start3A_75, %dma_start3A_76] : memref<2x10000x128xf32, #tpu.memory_space<hbm>> -> memref<1x10000x128xf32, #tpu.memory_space<hbm>>
          %dma_start3A_78 = tpu.memref_squeeze %dma_start3A_77 : memref<1x10000x128xf32, #tpu.memory_space<hbm>> -> memref<10000x128xf32, #tpu.memory_space<hbm>>
          %dma_start3A_79 = arith.constant 0 : i32
          %dma_start3A_80 = tpu.memref_slice %dma_start3A_78[%mul3A_72, %dma_start3A_79] : memref<10000x128xf32, #tpu.memory_space<hbm>> -> memref<624x128xf32, #tpu.memory_space<hbm>>
          tpu.enqueue_dma source(%dma_start3A_80 : memref<624x128xf32, #tpu.memory_space<hbm>>) target(%dma_start3A_74 : memref<624x128xf32, #tpu.memory_space<vmem_shared>>) target_semaphore(%run_scoped3A : memref<!tpu.dma_semaphore, #tpu.memory_space<semaphore_mem>>)
          %dma_wait3A = arith.constant 0 : i32
          %dma_wait3A_81 = tpu.memref_slice %arg6[%mul3A_72, %dma_wait3A] : memref<10000x128xf32, #tpu.memory_space<vmem_shared>> -> memref<624x128xf32, #tpu.memory_space<vmem_shared>>
          %dma_wait3A_82 = arith.constant 0 : i32
          %dma_wait3A_83 = arith.constant 0 : i32
          %dma_wait3A_84 = tpu.memref_slice %arg2[%cond3A_9, %dma_wait3A_82, %dma_wait3A_83] : memref<2x10000x128xf32, #tpu.memory_space<hbm>> -> memref<1x10000x128xf32, #tpu.memory_space<hbm>>
          %dma_wait3A_85 = tpu.memref_squeeze %dma_wait3A_84 : memref<1x10000x128xf32, #tpu.memory_space<hbm>> -> memref<10000x128xf32, #tpu.memory_space<hbm>>
          %dma_wait3A_86 = arith.constant 0 : i32
          %dma_wait3A_87 = tpu.memref_slice %dma_wait3A_85[%mul3A_72, %dma_wait3A_86] : memref<10000x128xf32, #tpu.memory_space<hbm>> -> memref<624x128xf32, #tpu.memory_space<hbm>>
          tpu.wait_dma2 semaphore(%run_scoped3A : memref<!tpu.dma_semaphore, #tpu.memory_space<semaphore_mem>>) src(%dma_wait3A_87 : memref<624x128xf32, #tpu.memory_space<hbm>>) dst(%dma_wait3A_81 : memref<624x128xf32, #tpu.memory_space<vmem_shared>>)
          tpu.yield
        }) : () -> ()
      } else {
      }
      %eq3A_12 = arith.constant 15 : i32
      %eq3A_13 = arith.cmpi eq, %arg1, %eq3A_12 : i32
      %convert_element_type3A_14 = arith.extui %eq3A_13 : i1 to i32
      %cond3A_15 = arith.constant 0 : i32
      %cond3A_16 = arith.constant 0 : i32
      %cond3A_17 = arith.cmpi ne, %convert_element_type3A_14, %cond3A_16 : i32
      scf.if %cond3A_17 {
        "tpu.region"() ({
          %run_scoped3A = tpu.sem_alloc : memref<!tpu.dma_semaphore, #tpu.memory_space<semaphore_mem>>
          %dma_start3A_71 = arith.constant 9360 : i32
          %dma_start3A_72 = arith.constant 0 : i32
          %dma_start3A_73 = tpu.memref_slice %arg6[%dma_start3A_71, %dma_start3A_72] : memref<10000x128xf32, #tpu.memory_space<vmem_shared>> -> memref<640x128xf32, #tpu.memory_space<vmem_shared>>
          %dma_start3A_74 = arith.constant 0 : i32
          %dma_start3A_75 = arith.constant 0 : i32
          %dma_start3A_76 = tpu.memref_slice %arg2[%cond3A_15, %dma_start3A_74, %dma_start3A_75] : memref<2x10000x128xf32, #tpu.memory_space<hbm>> -> memref<1x10000x128xf32, #tpu.memory_space<hbm>>
          %dma_start3A_77 = tpu.memref_squeeze %dma_start3A_76 : memref<1x10000x128xf32, #tpu.memory_space<hbm>> -> memref<10000x128xf32, #tpu.memory_space<hbm>>
          %dma_start3A_78 = arith.constant 9360 : i32
          %dma_start3A_79 = arith.constant 0 : i32
          %dma_start3A_80 = tpu.memref_slice %dma_start3A_77[%dma_start3A_78, %dma_start3A_79] : memref<10000x128xf32, #tpu.memory_space<hbm>> -> memref<640x128xf32, #tpu.memory_space<hbm>>
          tpu.enqueue_dma source(%dma_start3A_80 : memref<640x128xf32, #tpu.memory_space<hbm>>) target(%dma_start3A_73 : memref<640x128xf32, #tpu.memory_space<vmem_shared>>) target_semaphore(%run_scoped3A : memref<!tpu.dma_semaphore, #tpu.memory_space<semaphore_mem>>)
          %dma_wait3A = arith.constant 9360 : i32
          %dma_wait3A_81 = arith.constant 0 : i32
          %dma_wait3A_82 = tpu.memref_slice %arg6[%dma_wait3A, %dma_wait3A_81] : memref<10000x128xf32, #tpu.memory_space<vmem_shared>> -> memref<640x128xf32, #tpu.memory_space<vmem_shared>>
          %dma_wait3A_83 = arith.constant 0 : i32
          %dma_wait3A_84 = arith.constant 0 : i32
          %dma_wait3A_85 = tpu.memref_slice %arg2[%cond3A_15, %dma_wait3A_83, %dma_wait3A_84] : memref<2x10000x128xf32, #tpu.memory_space<hbm>> -> memref<1x10000x128xf32, #tpu.memory_space<hbm>>
          %dma_wait3A_86 = tpu.memref_squeeze %dma_wait3A_85 : memref<1x10000x128xf32, #tpu.memory_space<hbm>> -> memref<10000x128xf32, #tpu.memory_space<hbm>>
          %dma_wait3A_87 = arith.constant 9360 : i32
          %dma_wait3A_88 = arith.constant 0 : i32
          %dma_wait3A_89 = tpu.memref_slice %dma_wait3A_86[%dma_wait3A_87, %dma_wait3A_88] : memref<10000x128xf32, #tpu.memory_space<hbm>> -> memref<640x128xf32, #tpu.memory_space<hbm>>
          tpu.wait_dma2 semaphore(%run_scoped3A : memref<!tpu.dma_semaphore, #tpu.memory_space<semaphore_mem>>) src(%dma_wait3A_89 : memref<640x128xf32, #tpu.memory_space<hbm>>) dst(%dma_wait3A_82 : memref<640x128xf32, #tpu.memory_space<vmem_shared>>)
          tpu.yield
        }) : () -> ()
      } else {
      }
      %barrier3A = arith.constant 0 : index
      tpu.barrier barrier_id(%barrier3A)
      %mul3A = arith.constant 80 : i32
      %mul3A_18 = arith.muli %arg1, %mul3A : i32
      %add3A = arith.constant 0 : i32
      %add3A_19 = arith.addi %mul3A_18, %add3A : i32
      "tpu.region"() ({
        %run_scoped3A = tpu.sem_alloc : memref<!tpu.dma_semaphore, #tpu.memory_space<semaphore_mem>>
        %dma_start3A_71 = arith.constant 0 : i32
        %dma_start3A_72 = tpu.memref_slice %arg3[%add3A_19, %dma_start3A_71] : memref<1280x125xi32, #tpu.memory_space<hbm>> -> memref<40x125xi32, #tpu.memory_space<hbm>>
        %dma_start3A_73 = arith.constant 0 : i32
        %dma_start3A_74 = tpu.memref_slice %arg3[%add3A_19, %dma_start3A_73] : memref<1280x125xi32, #tpu.memory_space<hbm>> -> memref<40x125xi32, #tpu.memory_space<hbm>>
        tpu.enqueue_dma source(%dma_start3A_74 : memref<40x125xi32, #tpu.memory_space<hbm>>) target(%arg7 : memref<40x125xi32, #tpu.memory_space<vmem>>) target_semaphore(%run_scoped3A : memref<!tpu.dma_semaphore, #tpu.memory_space<semaphore_mem>>)
        %dma_wait3A = arith.constant 0 : i32
        %dma_wait3A_75 = tpu.memref_slice %arg3[%add3A_19, %dma_wait3A] : memref<1280x125xi32, #tpu.memory_space<hbm>> -> memref<40x125xi32, #tpu.memory_space<hbm>>
        %dma_wait3A_76 = arith.constant 0 : i32
        %dma_wait3A_77 = tpu.memref_slice %arg3[%add3A_19, %dma_wait3A_76] : memref<1280x125xi32, #tpu.memory_space<hbm>> -> memref<40x125xi32, #tpu.memory_space<hbm>>
        tpu.wait_dma2 semaphore(%run_scoped3A : memref<!tpu.dma_semaphore, #tpu.memory_space<semaphore_mem>>) src(%dma_wait3A_77 : memref<40x125xi32, #tpu.memory_space<hbm>>) dst(%arg7 : memref<40x125xi32, #tpu.memory_space<vmem>>)
        tpu.yield
      }) : () -> ()
      "tpu.region"() ({
        %run_scoped3A = tpu.sem_alloc : memref<!tpu.dma_semaphore, #tpu.memory_space<semaphore_mem>>
        %dma_start3A_71 = arith.constant 0 : i32
        %dma_start3A_72 = tpu.memref_slice %arg4[%add3A_19, %dma_start3A_71] : memref<1280x125xi32, #tpu.memory_space<hbm>> -> memref<40x125xi32, #tpu.memory_space<hbm>>
        %dma_start3A_73 = arith.constant 0 : i32
        %dma_start3A_74 = tpu.memref_slice %arg4[%add3A_19, %dma_start3A_73] : memref<1280x125xi32, #tpu.memory_space<hbm>> -> memref<40x125xi32, #tpu.memory_space<hbm>>
        tpu.enqueue_dma source(%dma_start3A_74 : memref<40x125xi32, #tpu.memory_space<hbm>>) target(%arg8 : memref<40x125xi32, #tpu.memory_space<vmem>>) target_semaphore(%run_scoped3A : memref<!tpu.dma_semaphore, #tpu.memory_space<semaphore_mem>>)
        %dma_wait3A = arith.constant 0 : i32
        %dma_wait3A_75 = tpu.memref_slice %arg4[%add3A_19, %dma_wait3A] : memref<1280x125xi32, #tpu.memory_space<hbm>> -> memref<40x125xi32, #tpu.memory_space<hbm>>
        %dma_wait3A_76 = arith.constant 0 : i32
        %dma_wait3A_77 = tpu.memref_slice %arg4[%add3A_19, %dma_wait3A_76] : memref<1280x125xi32, #tpu.memory_space<hbm>> -> memref<40x125xi32, #tpu.memory_space<hbm>>
        tpu.wait_dma2 semaphore(%run_scoped3A : memref<!tpu.dma_semaphore, #tpu.memory_space<semaphore_mem>>) src(%dma_wait3A_77 : memref<40x125xi32, #tpu.memory_space<hbm>>) dst(%arg8 : memref<40x125xi32, #tpu.memory_space<vmem>>)
        tpu.yield
      }) : () -> ()
      %dma_start3A = arith.constant 0 : i32
      %dma_start3A_20 = arith.constant 0 : i32
      %dma_start3A_21 = arith.constant 0 : i32
      %dma_start3A_22 = tpu.memref_slice %arg7[%dma_start3A_20, %dma_start3A_21] : memref<40x125xi32, #tpu.memory_space<vmem>> -> memref<1x125xi32, #tpu.memory_space<vmem>>
      %dma_start3A_23 = tpu.memref_squeeze %dma_start3A_22 : memref<1x125xi32, #tpu.memory_space<vmem>> -> memref<125xi32, #tpu.memory_space<vmem>>
      %dma_start3A_24 = arith.constant 0 : i32
      %dma_start3A_25 = arith.constant 0 : i32
      %dma_start3A_26 = tpu.memref_slice %arg2[%dma_start3A, %dma_start3A_24, %dma_start3A_25] : memref<2x10000x128xf32, #tpu.memory_space<hbm>> -> memref<1x10000x128xf32, #tpu.memory_space<hbm>>
      %dma_start3A_27 = tpu.memref_squeeze %dma_start3A_26 : memref<1x10000x128xf32, #tpu.memory_space<hbm>> -> memref<10000x128xf32, #tpu.memory_space<hbm>>
      %dma_start3A_28 = arith.constant 0 : i32
      %dma_start3A_29 = arith.constant 0 : i32
      %dma_start3A_30 = tpu.memref_slice %dma_start3A_27[%dma_start3A_28, %dma_start3A_29] : memref<10000x128xf32, #tpu.memory_space<hbm>> -> memref<10000x128xf32, #tpu.memory_space<hbm>>
      tpu.enqueue_indirect_dma source(%dma_start3A_30 : memref<10000x128xf32, #tpu.memory_space<hbm>>) target(%arg9 : memref<125x128xf32, #tpu.memory_space<vmem>>) offsets(%dma_start3A_23 : memref<125xi32, #tpu.memory_space<vmem>>) semaphore(%arg11 : memref<!tpu.dma_semaphore, #tpu.memory_space<semaphore_mem>>)
      %scan3A = arith.constant 0 : i32
      %scan3A_31 = arith.constant 0 : i32
      %scan3A_32 = arith.constant 0 : i32
      %scan3A_33 = arith.constant 20 : i32
      %scan3A_34 = arith.addi %scan3A_32, %scan3A_33 : i32
      %scan3A_35 = arith.constant 1 : i32
      scf.for %scan3A_71 = %scan3A_32 to %scan3A_34 step %scan3A_35  : i32 {
        %mul3A_72 = arith.constant 2 : i32
        %mul3A_73 = arith.muli %mul3A_72, %scan3A_71 : i32
        %add3A_74 = arith.constant 1 : i32
        %add3A_75 = arith.addi %mul3A_73, %add3A_74 : i32
        %dma_start3A_76 = arith.constant 0 : i32
        %dma_start3A_77 = tpu.memref_slice %arg7[%add3A_75, %dma_start3A_76] : memref<40x125xi32, #tpu.memory_space<vmem>> -> memref<1x125xi32, #tpu.memory_space<vmem>>
        %dma_start3A_78 = tpu.memref_squeeze %dma_start3A_77 : memref<1x125xi32, #tpu.memory_space<vmem>> -> memref<125xi32, #tpu.memory_space<vmem>>
        %dma_start3A_79 = arith.constant 0 : i32
        %dma_start3A_80 = arith.constant 0 : i32
        %dma_start3A_81 = tpu.memref_slice %arg2[%scan3A_31, %dma_start3A_79, %dma_start3A_80] : memref<2x10000x128xf32, #tpu.memory_space<hbm>> -> memref<1x10000x128xf32, #tpu.memory_space<hbm>>
        %dma_start3A_82 = tpu.memref_squeeze %dma_start3A_81 : memref<1x10000x128xf32, #tpu.memory_space<hbm>> -> memref<10000x128xf32, #tpu.memory_space<hbm>>
        %dma_start3A_83 = arith.constant 0 : i32
        %dma_start3A_84 = arith.constant 0 : i32
        %dma_start3A_85 = tpu.memref_slice %dma_start3A_82[%dma_start3A_83, %dma_start3A_84] : memref<10000x128xf32, #tpu.memory_space<hbm>> -> memref<10000x128xf32, #tpu.memory_space<hbm>>
        tpu.enqueue_indirect_dma source(%dma_start3A_85 : memref<10000x128xf32, #tpu.memory_space<hbm>>) target(%arg10 : memref<125x128xf32, #tpu.memory_space<vmem>>) offsets(%dma_start3A_78 : memref<125xi32, #tpu.memory_space<vmem>>) semaphore(%arg12 : memref<!tpu.dma_semaphore, #tpu.memory_space<semaphore_mem>>)
        %dma_wait3A = arith.constant 0 : i32
        %dma_wait3A_86 = arith.constant 0 : i32
        %dma_wait3A_87 = tpu.memref_slice %arg7[%dma_wait3A, %dma_wait3A_86] : memref<40x125xi32, #tpu.memory_space<vmem>> -> memref<1x125xi32, #tpu.memory_space<vmem>>
        %dma_wait3A_88 = tpu.memref_squeeze %dma_wait3A_87 : memref<1x125xi32, #tpu.memory_space<vmem>> -> memref<125xi32, #tpu.memory_space<vmem>>
        %dma_wait3A_89 = arith.constant 0 : i32
        %dma_wait3A_90 = arith.constant 0 : i32
        %dma_wait3A_91 = tpu.memref_slice %arg2[%scan3A_31, %dma_wait3A_89, %dma_wait3A_90] : memref<2x10000x128xf32, #tpu.memory_space<hbm>> -> memref<1x10000x128xf32, #tpu.memory_space<hbm>>
        %dma_wait3A_92 = tpu.memref_squeeze %dma_wait3A_91 : memref<1x10000x128xf32, #tpu.memory_space<hbm>> -> memref<10000x128xf32, #tpu.memory_space<hbm>>
        %dma_wait3A_93 = arith.constant 0 : i32
        %dma_wait3A_94 = arith.constant 0 : i32
        %dma_wait3A_95 = tpu.memref_slice %dma_wait3A_92[%dma_wait3A_93, %dma_wait3A_94] : memref<10000x128xf32, #tpu.memory_space<hbm>> -> memref<10000x128xf32, #tpu.memory_space<hbm>>
        tpu.wait_indirect_dma semaphore(%arg11 : memref<!tpu.dma_semaphore, #tpu.memory_space<semaphore_mem>>) src(%dma_wait3A_95 : memref<10000x128xf32, #tpu.memory_space<hbm>>) dst(%arg9 : memref<125x128xf32, #tpu.memory_space<vmem>>)
        "tpu.region"() ({
          %run_scoped3A = tpu.sem_alloc : memref<!tpu.dma_semaphore, #tpu.memory_space<semaphore_mem>>
          %dma_start3A_114 = arith.constant 0 : i32
          %dma_start3A_115 = tpu.memref_slice %arg8[%mul3A_73, %dma_start3A_114] : memref<40x125xi32, #tpu.memory_space<vmem>> -> memref<1x125xi32, #tpu.memory_space<vmem>>
          %dma_start3A_116 = tpu.memref_squeeze %dma_start3A_115 : memref<1x125xi32, #tpu.memory_space<vmem>> -> memref<125xi32, #tpu.memory_space<vmem>>
          %dma_start3A_117 = arith.constant 0 : i32
          %dma_start3A_118 = arith.constant 0 : i32
          %dma_start3A_119 = tpu.memref_slice %arg6[%dma_start3A_117, %dma_start3A_118] : memref<10000x128xf32, #tpu.memory_space<vmem_shared>> -> memref<10000x128xf32, #tpu.memory_space<vmem_shared>>
          tpu.enqueue_indirect_dma source(%arg9 : memref<125x128xf32, #tpu.memory_space<vmem>>) target(%dma_start3A_119 : memref<10000x128xf32, #tpu.memory_space<vmem_shared>>) offsets(%dma_start3A_116 : memref<125xi32, #tpu.memory_space<vmem>>) semaphore(%run_scoped3A : memref<!tpu.dma_semaphore, #tpu.memory_space<semaphore_mem>>) {add = true}
          %dma_wait3A_120 = arith.constant 0 : i32
          %dma_wait3A_121 = tpu.memref_slice %arg8[%mul3A_73, %dma_wait3A_120] : memref<40x125xi32, #tpu.memory_space<vmem>> -> memref<1x125xi32, #tpu.memory_space<vmem>>
          %dma_wait3A_122 = tpu.memref_squeeze %dma_wait3A_121 : memref<1x125xi32, #tpu.memory_space<vmem>> -> memref<125xi32, #tpu.memory_space<vmem>>
          %dma_wait3A_123 = arith.constant 0 : i32
          %dma_wait3A_124 = arith.constant 0 : i32
          %dma_wait3A_125 = tpu.memref_slice %arg6[%dma_wait3A_123, %dma_wait3A_124] : memref<10000x128xf32, #tpu.memory_space<vmem_shared>> -> memref<10000x128xf32, #tpu.memory_space<vmem_shared>>
          tpu.wait_indirect_dma semaphore(%run_scoped3A : memref<!tpu.dma_semaphore, #tpu.memory_space<semaphore_mem>>) src(%arg9 : memref<125x128xf32, #tpu.memory_space<vmem>>) dst(%dma_wait3A_125 : memref<10000x128xf32, #tpu.memory_space<vmem_shared>>)
          tpu.yield
        }) : () -> ()
        %add3A_96 = arith.constant 2 : i32
        %add3A_97 = arith.addi %mul3A_73, %add3A_96 : i32
        %lt3A_98 = arith.constant 40 : i32
        %lt3A_99 = arith.cmpi slt, %add3A_97, %lt3A_98 : i32
        %convert_element_type3A_100 = arith.extui %lt3A_99 : i1 to i32
        %cond3A_101 = arith.constant 0 : i32
        %cond3A_102 = arith.cmpi ne, %convert_element_type3A_100, %cond3A_101 : i32
        scf.if %cond3A_102 {
          %add3A_114 = arith.constant 2 : i32
          %add3A_115 = arith.addi %mul3A_73, %add3A_114 : i32
          %dma_start3A_116 = arith.constant 0 : i32
          %dma_start3A_117 = tpu.memref_slice %arg7[%add3A_115, %dma_start3A_116] : memref<40x125xi32, #tpu.memory_space<vmem>> -> memref<1x125xi32, #tpu.memory_space<vmem>>
          %dma_start3A_118 = tpu.memref_squeeze %dma_start3A_117 : memref<1x125xi32, #tpu.memory_space<vmem>> -> memref<125xi32, #tpu.memory_space<vmem>>
          %dma_start3A_119 = arith.constant 0 : i32
          %dma_start3A_120 = arith.constant 0 : i32
          %dma_start3A_121 = tpu.memref_slice %arg2[%scan3A_31, %dma_start3A_119, %dma_start3A_120] : memref<2x10000x128xf32, #tpu.memory_space<hbm>> -> memref<1x10000x128xf32, #tpu.memory_space<hbm>>
          %dma_start3A_122 = tpu.memref_squeeze %dma_start3A_121 : memref<1x10000x128xf32, #tpu.memory_space<hbm>> -> memref<10000x128xf32, #tpu.memory_space<hbm>>
          %dma_start3A_123 = arith.constant 0 : i32
          %dma_start3A_124 = arith.constant 0 : i32
          %dma_start3A_125 = tpu.memref_slice %dma_start3A_122[%dma_start3A_123, %dma_start3A_124] : memref<10000x128xf32, #tpu.memory_space<hbm>> -> memref<10000x128xf32, #tpu.memory_space<hbm>>
          tpu.enqueue_indirect_dma source(%dma_start3A_125 : memref<10000x128xf32, #tpu.memory_space<hbm>>) target(%arg9 : memref<125x128xf32, #tpu.memory_space<vmem>>) offsets(%dma_start3A_118 : memref<125xi32, #tpu.memory_space<vmem>>) semaphore(%arg11 : memref<!tpu.dma_semaphore, #tpu.memory_space<semaphore_mem>>)
        } else {
        }
        %dma_wait3A_103 = arith.constant 0 : i32
        %dma_wait3A_104 = arith.constant 0 : i32
        %dma_wait3A_105 = tpu.memref_slice %arg7[%dma_wait3A_103, %dma_wait3A_104] : memref<40x125xi32, #tpu.memory_space<vmem>> -> memref<1x125xi32, #tpu.memory_space<vmem>>
        %dma_wait3A_106 = tpu.memref_squeeze %dma_wait3A_105 : memref<1x125xi32, #tpu.memory_space<vmem>> -> memref<125xi32, #tpu.memory_space<vmem>>
        %dma_wait3A_107 = arith.constant 0 : i32
        %dma_wait3A_108 = arith.constant 0 : i32
        %dma_wait3A_109 = tpu.memref_slice %arg2[%scan3A_31, %dma_wait3A_107, %dma_wait3A_108] : memref<2x10000x128xf32, #tpu.memory_space<hbm>> -> memref<1x10000x128xf32, #tpu.memory_space<hbm>>
        %dma_wait3A_110 = tpu.memref_squeeze %dma_wait3A_109 : memref<1x10000x128xf32, #tpu.memory_space<hbm>> -> memref<10000x128xf32, #tpu.memory_space<hbm>>
        %dma_wait3A_111 = arith.constant 0 : i32
        %dma_wait3A_112 = arith.constant 0 : i32
        %dma_wait3A_113 = tpu.memref_slice %dma_wait3A_110[%dma_wait3A_111, %dma_wait3A_112] : memref<10000x128xf32, #tpu.memory_space<hbm>> -> memref<10000x128xf32, #tpu.memory_space<hbm>>
        tpu.wait_indirect_dma semaphore(%arg12 : memref<!tpu.dma_semaphore, #tpu.memory_space<semaphore_mem>>) src(%dma_wait3A_113 : memref<10000x128xf32, #tpu.memory_space<hbm>>) dst(%arg10 : memref<125x128xf32, #tpu.memory_space<vmem>>)
        "tpu.region"() ({
          %run_scoped3A = tpu.sem_alloc : memref<!tpu.dma_semaphore, #tpu.memory_space<semaphore_mem>>
          %dma_start3A_114 = arith.constant 0 : i32
          %dma_start3A_115 = tpu.memref_slice %arg8[%add3A_75, %dma_start3A_114] : memref<40x125xi32, #tpu.memory_space<vmem>> -> memref<1x125xi32, #tpu.memory_space<vmem>>
          %dma_start3A_116 = tpu.memref_squeeze %dma_start3A_115 : memref<1x125xi32, #tpu.memory_space<vmem>> -> memref<125xi32, #tpu.memory_space<vmem>>
          %dma_start3A_117 = arith.constant 0 : i32
          %dma_start3A_118 = arith.constant 0 : i32
          %dma_start3A_119 = tpu.memref_slice %arg6[%dma_start3A_117, %dma_start3A_118] : memref<10000x128xf32, #tpu.memory_space<vmem_shared>> -> memref<10000x128xf32, #tpu.memory_space<vmem_shared>>
          tpu.enqueue_indirect_dma source(%arg10 : memref<125x128xf32, #tpu.memory_space<vmem>>) target(%dma_start3A_119 : memref<10000x128xf32, #tpu.memory_space<vmem_shared>>) offsets(%dma_start3A_116 : memref<125xi32, #tpu.memory_space<vmem>>) semaphore(%run_scoped3A : memref<!tpu.dma_semaphore, #tpu.memory_space<semaphore_mem>>) {add = true}
          %dma_wait3A_120 = arith.constant 0 : i32
          %dma_wait3A_121 = tpu.memref_slice %arg8[%add3A_75, %dma_wait3A_120] : memref<40x125xi32, #tpu.memory_space<vmem>> -> memref<1x125xi32, #tpu.memory_space<vmem>>
          %dma_wait3A_122 = tpu.memref_squeeze %dma_wait3A_121 : memref<1x125xi32, #tpu.memory_space<vmem>> -> memref<125xi32, #tpu.memory_space<vmem>>
          %dma_wait3A_123 = arith.constant 0 : i32
          %dma_wait3A_124 = arith.constant 0 : i32
          %dma_wait3A_125 = tpu.memref_slice %arg6[%dma_wait3A_123, %dma_wait3A_124] : memref<10000x128xf32, #tpu.memory_space<vmem_shared>> -> memref<10000x128xf32, #tpu.memory_space<vmem_shared>>
          tpu.wait_indirect_dma semaphore(%run_scoped3A : memref<!tpu.dma_semaphore, #tpu.memory_space<semaphore_mem>>) src(%arg10 : memref<125x128xf32, #tpu.memory_space<vmem>>) dst(%dma_wait3A_125 : memref<10000x128xf32, #tpu.memory_space<vmem_shared>>)
          tpu.yield
        }) : () -> ()
      }
      %scan3A_36 = arith.constant 20 : i32
      %mul3A_37 = arith.constant 80 : i32
      %mul3A_38 = arith.muli %arg1, %mul3A_37 : i32
      %add3A_39 = arith.constant 40 : i32
      %add3A_40 = arith.addi %mul3A_38, %add3A_39 : i32
      "tpu.region"() ({
        %run_scoped3A = tpu.sem_alloc : memref<!tpu.dma_semaphore, #tpu.memory_space<semaphore_mem>>
        %dma_start3A_71 = arith.constant 0 : i32
        %dma_start3A_72 = tpu.memref_slice %arg3[%add3A_40, %dma_start3A_71] : memref<1280x125xi32, #tpu.memory_space<hbm>> -> memref<40x125xi32, #tpu.memory_space<hbm>>
        %dma_start3A_73 = arith.constant 0 : i32
        %dma_start3A_74 = tpu.memref_slice %arg3[%add3A_40, %dma_start3A_73] : memref<1280x125xi32, #tpu.memory_space<hbm>> -> memref<40x125xi32, #tpu.memory_space<hbm>>
        tpu.enqueue_dma source(%dma_start3A_74 : memref<40x125xi32, #tpu.memory_space<hbm>>) target(%arg7 : memref<40x125xi32, #tpu.memory_space<vmem>>) target_semaphore(%run_scoped3A : memref<!tpu.dma_semaphore, #tpu.memory_space<semaphore_mem>>)
        %dma_wait3A = arith.constant 0 : i32
        %dma_wait3A_75 = tpu.memref_slice %arg3[%add3A_40, %dma_wait3A] : memref<1280x125xi32, #tpu.memory_space<hbm>> -> memref<40x125xi32, #tpu.memory_space<hbm>>
        %dma_wait3A_76 = arith.constant 0 : i32
        %dma_wait3A_77 = tpu.memref_slice %arg3[%add3A_40, %dma_wait3A_76] : memref<1280x125xi32, #tpu.memory_space<hbm>> -> memref<40x125xi32, #tpu.memory_space<hbm>>
        tpu.wait_dma2 semaphore(%run_scoped3A : memref<!tpu.dma_semaphore, #tpu.memory_space<semaphore_mem>>) src(%dma_wait3A_77 : memref<40x125xi32, #tpu.memory_space<hbm>>) dst(%arg7 : memref<40x125xi32, #tpu.memory_space<vmem>>)
        tpu.yield
      }) : () -> ()
      "tpu.region"() ({
        %run_scoped3A = tpu.sem_alloc : memref<!tpu.dma_semaphore, #tpu.memory_space<semaphore_mem>>
        %dma_start3A_71 = arith.constant 0 : i32
        %dma_start3A_72 = tpu.memref_slice %arg4[%add3A_40, %dma_start3A_71] : memref<1280x125xi32, #tpu.memory_space<hbm>> -> memref<40x125xi32, #tpu.memory_space<hbm>>
        %dma_start3A_73 = arith.constant 0 : i32
        %dma_start3A_74 = tpu.memref_slice %arg4[%add3A_40, %dma_start3A_73] : memref<1280x125xi32, #tpu.memory_space<hbm>> -> memref<40x125xi32, #tpu.memory_space<hbm>>
        tpu.enqueue_dma source(%dma_start3A_74 : memref<40x125xi32, #tpu.memory_space<hbm>>) target(%arg8 : memref<40x125xi32, #tpu.memory_space<vmem>>) target_semaphore(%run_scoped3A : memref<!tpu.dma_semaphore, #tpu.memory_space<semaphore_mem>>)
        %dma_wait3A = arith.constant 0 : i32
        %dma_wait3A_75 = tpu.memref_slice %arg4[%add3A_40, %dma_wait3A] : memref<1280x125xi32, #tpu.memory_space<hbm>> -> memref<40x125xi32, #tpu.memory_space<hbm>>
        %dma_wait3A_76 = arith.constant 0 : i32
        %dma_wait3A_77 = tpu.memref_slice %arg4[%add3A_40, %dma_wait3A_76] : memref<1280x125xi32, #tpu.memory_space<hbm>> -> memref<40x125xi32, #tpu.memory_space<hbm>>
        tpu.wait_dma2 semaphore(%run_scoped3A : memref<!tpu.dma_semaphore, #tpu.memory_space<semaphore_mem>>) src(%dma_wait3A_77 : memref<40x125xi32, #tpu.memory_space<hbm>>) dst(%arg8 : memref<40x125xi32, #tpu.memory_space<vmem>>)
        tpu.yield
      }) : () -> ()
      %dma_start3A_41 = arith.constant 0 : i32
      %dma_start3A_42 = arith.constant 0 : i32
      %dma_start3A_43 = arith.constant 0 : i32
      %dma_start3A_44 = tpu.memref_slice %arg7[%dma_start3A_42, %dma_start3A_43] : memref<40x125xi32, #tpu.memory_space<vmem>> -> memref<1x125xi32, #tpu.memory_space<vmem>>
      %dma_start3A_45 = tpu.memref_squeeze %dma_start3A_44 : memref<1x125xi32, #tpu.memory_space<vmem>> -> memref<125xi32, #tpu.memory_space<vmem>>
      %dma_start3A_46 = arith.constant 0 : i32
      %dma_start3A_47 = arith.constant 0 : i32
      %dma_start3A_48 = tpu.memref_slice %arg2[%dma_start3A_41, %dma_start3A_46, %dma_start3A_47] : memref<2x10000x128xf32, #tpu.memory_space<hbm>> -> memref<1x10000x128xf32, #tpu.memory_space<hbm>>
      %dma_start3A_49 = tpu.memref_squeeze %dma_start3A_48 : memref<1x10000x128xf32, #tpu.memory_space<hbm>> -> memref<10000x128xf32, #tpu.memory_space<hbm>>
      %dma_start3A_50 = arith.constant 0 : i32
      %dma_start3A_51 = arith.constant 0 : i32
      %dma_start3A_52 = tpu.memref_slice %dma_start3A_49[%dma_start3A_50, %dma_start3A_51] : memref<10000x128xf32, #tpu.memory_space<hbm>> -> memref<10000x128xf32, #tpu.memory_space<hbm>>
      tpu.enqueue_indirect_dma source(%dma_start3A_52 : memref<10000x128xf32, #tpu.memory_space<hbm>>) target(%arg9 : memref<125x128xf32, #tpu.memory_space<vmem>>) offsets(%dma_start3A_45 : memref<125xi32, #tpu.memory_space<vmem>>) semaphore(%arg11 : memref<!tpu.dma_semaphore, #tpu.memory_space<semaphore_mem>>)
      %scan3A_53 = arith.constant 0 : i32
      %scan3A_54 = arith.constant 0 : i32
      %scan3A_55 = arith.constant 0 : i32
      %scan3A_56 = arith.constant 20 : i32
      %scan3A_57 = arith.addi %scan3A_55, %scan3A_56 : i32
      %scan3A_58 = arith.constant 1 : i32
      scf.for %scan3A_71 = %scan3A_55 to %scan3A_57 step %scan3A_58  : i32 {
        %mul3A_72 = arith.constant 2 : i32
        %mul3A_73 = arith.muli %mul3A_72, %scan3A_71 : i32
        %add3A_74 = arith.constant 1 : i32
        %add3A_75 = arith.addi %mul3A_73, %add3A_74 : i32
        %dma_start3A_76 = arith.constant 0 : i32
        %dma_start3A_77 = tpu.memref_slice %arg7[%add3A_75, %dma_start3A_76] : memref<40x125xi32, #tpu.memory_space<vmem>> -> memref<1x125xi32, #tpu.memory_space<vmem>>
        %dma_start3A_78 = tpu.memref_squeeze %dma_start3A_77 : memref<1x125xi32, #tpu.memory_space<vmem>> -> memref<125xi32, #tpu.memory_space<vmem>>
        %dma_start3A_79 = arith.constant 0 : i32
        %dma_start3A_80 = arith.constant 0 : i32
        %dma_start3A_81 = tpu.memref_slice %arg2[%scan3A_54, %dma_start3A_79, %dma_start3A_80] : memref<2x10000x128xf32, #tpu.memory_space<hbm>> -> memref<1x10000x128xf32, #tpu.memory_space<hbm>>
        %dma_start3A_82 = tpu.memref_squeeze %dma_start3A_81 : memref<1x10000x128xf32, #tpu.memory_space<hbm>> -> memref<10000x128xf32, #tpu.memory_space<hbm>>
        %dma_start3A_83 = arith.constant 0 : i32
        %dma_start3A_84 = arith.constant 0 : i32
        %dma_start3A_85 = tpu.memref_slice %dma_start3A_82[%dma_start3A_83, %dma_start3A_84] : memref<10000x128xf32, #tpu.memory_space<hbm>> -> memref<10000x128xf32, #tpu.memory_space<hbm>>
        tpu.enqueue_indirect_dma source(%dma_start3A_85 : memref<10000x128xf32, #tpu.memory_space<hbm>>) target(%arg10 : memref<125x128xf32, #tpu.memory_space<vmem>>) offsets(%dma_start3A_78 : memref<125xi32, #tpu.memory_space<vmem>>) semaphore(%arg12 : memref<!tpu.dma_semaphore, #tpu.memory_space<semaphore_mem>>)
        %dma_wait3A = arith.constant 0 : i32
        %dma_wait3A_86 = arith.constant 0 : i32
        %dma_wait3A_87 = tpu.memref_slice %arg7[%dma_wait3A, %dma_wait3A_86] : memref<40x125xi32, #tpu.memory_space<vmem>> -> memref<1x125xi32, #tpu.memory_space<vmem>>
        %dma_wait3A_88 = tpu.memref_squeeze %dma_wait3A_87 : memref<1x125xi32, #tpu.memory_space<vmem>> -> memref<125xi32, #tpu.memory_space<vmem>>
        %dma_wait3A_89 = arith.constant 0 : i32
        %dma_wait3A_90 = arith.constant 0 : i32
        %dma_wait3A_91 = tpu.memref_slice %arg2[%scan3A_54, %dma_wait3A_89, %dma_wait3A_90] : memref<2x10000x128xf32, #tpu.memory_space<hbm>> -> memref<1x10000x128xf32, #tpu.memory_space<hbm>>
        %dma_wait3A_92 = tpu.memref_squeeze %dma_wait3A_91 : memref<1x10000x128xf32, #tpu.memory_space<hbm>> -> memref<10000x128xf32, #tpu.memory_space<hbm>>
        %dma_wait3A_93 = arith.constant 0 : i32
        %dma_wait3A_94 = arith.constant 0 : i32
        %dma_wait3A_95 = tpu.memref_slice %dma_wait3A_92[%dma_wait3A_93, %dma_wait3A_94] : memref<10000x128xf32, #tpu.memory_space<hbm>> -> memref<10000x128xf32, #tpu.memory_space<hbm>>
        tpu.wait_indirect_dma semaphore(%arg11 : memref<!tpu.dma_semaphore, #tpu.memory_space<semaphore_mem>>) src(%dma_wait3A_95 : memref<10000x128xf32, #tpu.memory_space<hbm>>) dst(%arg9 : memref<125x128xf32, #tpu.memory_space<vmem>>)
        "tpu.region"() ({
          %run_scoped3A = tpu.sem_alloc : memref<!tpu.dma_semaphore, #tpu.memory_space<semaphore_mem>>
          %dma_start3A_114 = arith.constant 0 : i32
          %dma_start3A_115 = tpu.memref_slice %arg8[%mul3A_73, %dma_start3A_114] : memref<40x125xi32, #tpu.memory_space<vmem>> -> memref<1x125xi32, #tpu.memory_space<vmem>>
          %dma_start3A_116 = tpu.memref_squeeze %dma_start3A_115 : memref<1x125xi32, #tpu.memory_space<vmem>> -> memref<125xi32, #tpu.memory_space<vmem>>
          %dma_start3A_117 = arith.constant 0 : i32
          %dma_start3A_118 = arith.constant 0 : i32
          %dma_start3A_119 = tpu.memref_slice %arg6[%dma_start3A_117, %dma_start3A_118] : memref<10000x128xf32, #tpu.memory_space<vmem_shared>> -> memref<10000x128xf32, #tpu.memory_space<vmem_shared>>
          tpu.enqueue_indirect_dma source(%arg9 : memref<125x128xf32, #tpu.memory_space<vmem>>) target(%dma_start3A_119 : memref<10000x128xf32, #tpu.memory_space<vmem_shared>>) offsets(%dma_start3A_116 : memref<125xi32, #tpu.memory_space<vmem>>) semaphore(%run_scoped3A : memref<!tpu.dma_semaphore, #tpu.memory_space<semaphore_mem>>) {add = true}
          %dma_wait3A_120 = arith.constant 0 : i32
          %dma_wait3A_121 = tpu.memref_slice %arg8[%mul3A_73, %dma_wait3A_120] : memref<40x125xi32, #tpu.memory_space<vmem>> -> memref<1x125xi32, #tpu.memory_space<vmem>>
          %dma_wait3A_122 = tpu.memref_squeeze %dma_wait3A_121 : memref<1x125xi32, #tpu.memory_space<vmem>> -> memref<125xi32, #tpu.memory_space<vmem>>
          %dma_wait3A_123 = arith.constant 0 : i32
          %dma_wait3A_124 = arith.constant 0 : i32
          %dma_wait3A_125 = tpu.memref_slice %arg6[%dma_wait3A_123, %dma_wait3A_124] : memref<10000x128xf32, #tpu.memory_space<vmem_shared>> -> memref<10000x128xf32, #tpu.memory_space<vmem_shared>>
          tpu.wait_indirect_dma semaphore(%run_scoped3A : memref<!tpu.dma_semaphore, #tpu.memory_space<semaphore_mem>>) src(%arg9 : memref<125x128xf32, #tpu.memory_space<vmem>>) dst(%dma_wait3A_125 : memref<10000x128xf32, #tpu.memory_space<vmem_shared>>)
          tpu.yield
        }) : () -> ()
        %add3A_96 = arith.constant 2 : i32
        %add3A_97 = arith.addi %mul3A_73, %add3A_96 : i32
        %lt3A_98 = arith.constant 40 : i32
        %lt3A_99 = arith.cmpi slt, %add3A_97, %lt3A_98 : i32
        %convert_element_type3A_100 = arith.extui %lt3A_99 : i1 to i32
        %cond3A_101 = arith.constant 0 : i32
        %cond3A_102 = arith.cmpi ne, %convert_element_type3A_100, %cond3A_101 : i32
        scf.if %cond3A_102 {
          %add3A_114 = arith.constant 2 : i32
          %add3A_115 = arith.addi %mul3A_73, %add3A_114 : i32
          %dma_start3A_116 = arith.constant 0 : i32
          %dma_start3A_117 = tpu.memref_slice %arg7[%add3A_115, %dma_start3A_116] : memref<40x125xi32, #tpu.memory_space<vmem>> -> memref<1x125xi32, #tpu.memory_space<vmem>>
          %dma_start3A_118 = tpu.memref_squeeze %dma_start3A_117 : memref<1x125xi32, #tpu.memory_space<vmem>> -> memref<125xi32, #tpu.memory_space<vmem>>
          %dma_start3A_119 = arith.constant 0 : i32
          %dma_start3A_120 = arith.constant 0 : i32
          %dma_start3A_121 = tpu.memref_slice %arg2[%scan3A_54, %dma_start3A_119, %dma_start3A_120] : memref<2x10000x128xf32, #tpu.memory_space<hbm>> -> memref<1x10000x128xf32, #tpu.memory_space<hbm>>
          %dma_start3A_122 = tpu.memref_squeeze %dma_start3A_121 : memref<1x10000x128xf32, #tpu.memory_space<hbm>> -> memref<10000x128xf32, #tpu.memory_space<hbm>>
          %dma_start3A_123 = arith.constant 0 : i32
          %dma_start3A_124 = arith.constant 0 : i32
          %dma_start3A_125 = tpu.memref_slice %dma_start3A_122[%dma_start3A_123, %dma_start3A_124] : memref<10000x128xf32, #tpu.memory_space<hbm>> -> memref<10000x128xf32, #tpu.memory_space<hbm>>
          tpu.enqueue_indirect_dma source(%dma_start3A_125 : memref<10000x128xf32, #tpu.memory_space<hbm>>) target(%arg9 : memref<125x128xf32, #tpu.memory_space<vmem>>) offsets(%dma_start3A_118 : memref<125xi32, #tpu.memory_space<vmem>>) semaphore(%arg11 : memref<!tpu.dma_semaphore, #tpu.memory_space<semaphore_mem>>)
        } else {
        }
        %dma_wait3A_103 = arith.constant 0 : i32
        %dma_wait3A_104 = arith.constant 0 : i32
        %dma_wait3A_105 = tpu.memref_slice %arg7[%dma_wait3A_103, %dma_wait3A_104] : memref<40x125xi32, #tpu.memory_space<vmem>> -> memref<1x125xi32, #tpu.memory_space<vmem>>
        %dma_wait3A_106 = tpu.memref_squeeze %dma_wait3A_105 : memref<1x125xi32, #tpu.memory_space<vmem>> -> memref<125xi32, #tpu.memory_space<vmem>>
        %dma_wait3A_107 = arith.constant 0 : i32
        %dma_wait3A_108 = arith.constant 0 : i32
        %dma_wait3A_109 = tpu.memref_slice %arg2[%scan3A_54, %dma_wait3A_107, %dma_wait3A_108] : memref<2x10000x128xf32, #tpu.memory_space<hbm>> -> memref<1x10000x128xf32, #tpu.memory_space<hbm>>
        %dma_wait3A_110 = tpu.memref_squeeze %dma_wait3A_109 : memref<1x10000x128xf32, #tpu.memory_space<hbm>> -> memref<10000x128xf32, #tpu.memory_space<hbm>>
        %dma_wait3A_111 = arith.constant 0 : i32
        %dma_wait3A_112 = arith.constant 0 : i32
        %dma_wait3A_113 = tpu.memref_slice %dma_wait3A_110[%dma_wait3A_111, %dma_wait3A_112] : memref<10000x128xf32, #tpu.memory_space<hbm>> -> memref<10000x128xf32, #tpu.memory_space<hbm>>
        tpu.wait_indirect_dma semaphore(%arg12 : memref<!tpu.dma_semaphore, #tpu.memory_space<semaphore_mem>>) src(%dma_wait3A_113 : memref<10000x128xf32, #tpu.memory_space<hbm>>) dst(%arg10 : memref<125x128xf32, #tpu.memory_space<vmem>>)
        "tpu.region"() ({
          %run_scoped3A = tpu.sem_alloc : memref<!tpu.dma_semaphore, #tpu.memory_space<semaphore_mem>>
          %dma_start3A_114 = arith.constant 0 : i32
          %dma_start3A_115 = tpu.memref_slice %arg8[%add3A_75, %dma_start3A_114] : memref<40x125xi32, #tpu.memory_space<vmem>> -> memref<1x125xi32, #tpu.memory_space<vmem>>
          %dma_start3A_116 = tpu.memref_squeeze %dma_start3A_115 : memref<1x125xi32, #tpu.memory_space<vmem>> -> memref<125xi32, #tpu.memory_space<vmem>>
          %dma_start3A_117 = arith.constant 0 : i32
          %dma_start3A_118 = arith.constant 0 : i32
          %dma_start3A_119 = tpu.memref_slice %arg6[%dma_start3A_117, %dma_start3A_118] : memref<10000x128xf32, #tpu.memory_space<vmem_shared>> -> memref<10000x128xf32, #tpu.memory_space<vmem_shared>>
          tpu.enqueue_indirect_dma source(%arg10 : memref<125x128xf32, #tpu.memory_space<vmem>>) target(%dma_start3A_119 : memref<10000x128xf32, #tpu.memory_space<vmem_shared>>) offsets(%dma_start3A_116 : memref<125xi32, #tpu.memory_space<vmem>>) semaphore(%run_scoped3A : memref<!tpu.dma_semaphore, #tpu.memory_space<semaphore_mem>>) {add = true}
          %dma_wait3A_120 = arith.constant 0 : i32
          %dma_wait3A_121 = tpu.memref_slice %arg8[%add3A_75, %dma_wait3A_120] : memref<40x125xi32, #tpu.memory_space<vmem>> -> memref<1x125xi32, #tpu.memory_space<vmem>>
          %dma_wait3A_122 = tpu.memref_squeeze %dma_wait3A_121 : memref<1x125xi32, #tpu.memory_space<vmem>> -> memref<125xi32, #tpu.memory_space<vmem>>
          %dma_wait3A_123 = arith.constant 0 : i32
          %dma_wait3A_124 = arith.constant 0 : i32
          %dma_wait3A_125 = tpu.memref_slice %arg6[%dma_wait3A_123, %dma_wait3A_124] : memref<10000x128xf32, #tpu.memory_space<vmem_shared>> -> memref<10000x128xf32, #tpu.memory_space<vmem_shared>>
          tpu.wait_indirect_dma semaphore(%run_scoped3A : memref<!tpu.dma_semaphore, #tpu.memory_space<semaphore_mem>>) src(%arg10 : memref<125x128xf32, #tpu.memory_space<vmem>>) dst(%dma_wait3A_125 : memref<10000x128xf32, #tpu.memory_space<vmem_shared>>)
          tpu.yield
        }) : () -> ()
      }
      %scan3A_59 = arith.constant 20 : i32
      %barrier3A_60 = arith.constant 0 : index
      tpu.barrier barrier_id(%barrier3A_60)
      %lt3A_61 = arith.constant 15 : i32
      %lt3A_62 = arith.cmpi slt, %arg1, %lt3A_61 : i32
      %convert_element_type3A_63 = arith.extui %lt3A_62 : i1 to i32
      %cond3A_64 = arith.constant 0 : i32
      %cond3A_65 = arith.cmpi ne, %convert_element_type3A_63, %cond3A_64 : i32
      scf.if %cond3A_65 {
        %mul3A_71 = arith.constant 624 : i32
        %mul3A_72 = arith.muli %arg1, %mul3A_71 : i32
        %run_scoped3A = arith.constant 0 : i32
        "tpu.region"() ({
          %run_scoped3A_73 = tpu.sem_alloc : memref<!tpu.dma_semaphore, #tpu.memory_space<semaphore_mem>>
          %dma_start3A_74 = arith.constant 0 : i32
          %dma_start3A_75 = arith.constant 0 : i32
          %dma_start3A_76 = tpu.memref_slice %arg5[%run_scoped3A, %dma_start3A_74, %dma_start3A_75] : memref<2x10000x128xf32, #tpu.memory_space<hbm>> -> memref<1x10000x128xf32, #tpu.memory_space<hbm>>
          %dma_start3A_77 = tpu.memref_squeeze %dma_start3A_76 : memref<1x10000x128xf32, #tpu.memory_space<hbm>> -> memref<10000x128xf32, #tpu.memory_space<hbm>>
          %dma_start3A_78 = arith.constant 0 : i32
          %dma_start3A_79 = tpu.memref_slice %dma_start3A_77[%mul3A_72, %dma_start3A_78] : memref<10000x128xf32, #tpu.memory_space<hbm>> -> memref<624x128xf32, #tpu.memory_space<hbm>>
          %dma_start3A_80 = arith.constant 0 : i32
          %dma_start3A_81 = tpu.memref_slice %arg6[%mul3A_72, %dma_start3A_80] : memref<10000x128xf32, #tpu.memory_space<vmem_shared>> -> memref<624x128xf32, #tpu.memory_space<vmem_shared>>
          tpu.enqueue_dma source(%dma_start3A_81 : memref<624x128xf32, #tpu.memory_space<vmem_shared>>) target(%dma_start3A_79 : memref<624x128xf32, #tpu.memory_space<hbm>>) target_semaphore(%run_scoped3A_73 : memref<!tpu.dma_semaphore, #tpu.memory_space<semaphore_mem>>)
          %dma_wait3A = arith.constant 0 : i32
          %dma_wait3A_82 = arith.constant 0 : i32
          %dma_wait3A_83 = tpu.memref_slice %arg5[%run_scoped3A, %dma_wait3A, %dma_wait3A_82] : memref<2x10000x128xf32, #tpu.memory_space<hbm>> -> memref<1x10000x128xf32, #tpu.memory_space<hbm>>
          %dma_wait3A_84 = tpu.memref_squeeze %dma_wait3A_83 : memref<1x10000x128xf32, #tpu.memory_space<hbm>> -> memref<10000x128xf32, #tpu.memory_space<hbm>>
          %dma_wait3A_85 = arith.constant 0 : i32
          %dma_wait3A_86 = tpu.memref_slice %dma_wait3A_84[%mul3A_72, %dma_wait3A_85] : memref<10000x128xf32, #tpu.memory_space<hbm>> -> memref<624x128xf32, #tpu.memory_space<hbm>>
          %dma_wait3A_87 = arith.constant 0 : i32
          %dma_wait3A_88 = tpu.memref_slice %arg6[%mul3A_72, %dma_wait3A_87] : memref<10000x128xf32, #tpu.memory_space<vmem_shared>> -> memref<624x128xf32, #tpu.memory_space<vmem_shared>>
          tpu.wait_dma2 semaphore(%run_scoped3A_73 : memref<!tpu.dma_semaphore, #tpu.memory_space<semaphore_mem>>) src(%dma_wait3A_88 : memref<624x128xf32, #tpu.memory_space<vmem_shared>>) dst(%dma_wait3A_86 : memref<624x128xf32, #tpu.memory_space<hbm>>)
          tpu.yield
        }) : () -> ()
      } else {
      }
      %eq3A_66 = arith.constant 15 : i32
      %eq3A_67 = arith.cmpi eq, %arg1, %eq3A_66 : i32
      %convert_element_type3A_68 = arith.extui %eq3A_67 : i1 to i32
      %cond3A_69 = arith.constant 0 : i32
      %cond3A_70 = arith.cmpi ne, %convert_element_type3A_68, %cond3A_69 : i32
      scf.if %cond3A_70 {
        %run_scoped3A = arith.constant 0 : i32
        "tpu.region"() ({
          %run_scoped3A_71 = tpu.sem_alloc : memref<!tpu.dma_semaphore, #tpu.memory_space<semaphore_mem>>
          %dma_start3A_72 = arith.constant 0 : i32
          %dma_start3A_73 = arith.constant 0 : i32
          %dma_start3A_74 = tpu.memref_slice %arg5[%run_scoped3A, %dma_start3A_72, %dma_start3A_73] : memref<2x10000x128xf32, #tpu.memory_space<hbm>> -> memref<1x10000x128xf32, #tpu.memory_space<hbm>>
          %dma_start3A_75 = tpu.memref_squeeze %dma_start3A_74 : memref<1x10000x128xf32, #tpu.memory_space<hbm>> -> memref<10000x128xf32, #tpu.memory_space<hbm>>
          %dma_start3A_76 = arith.constant 9360 : i32
          %dma_start3A_77 = arith.constant 0 : i32
          %dma_start3A_78 = tpu.memref_slice %dma_start3A_75[%dma_start3A_76, %dma_start3A_77] : memref<10000x128xf32, #tpu.memory_space<hbm>> -> memref<640x128xf32, #tpu.memory_space<hbm>>
          %dma_start3A_79 = arith.constant 9360 : i32
          %dma_start3A_80 = arith.constant 0 : i32
          %dma_start3A_81 = tpu.memref_slice %arg6[%dma_start3A_79, %dma_start3A_80] : memref<10000x128xf32, #tpu.memory_space<vmem_shared>> -> memref<640x128xf32, #tpu.memory_space<vmem_shared>>
          tpu.enqueue_dma source(%dma_start3A_81 : memref<640x128xf32, #tpu.memory_space<vmem_shared>>) target(%dma_start3A_78 : memref<640x128xf32, #tpu.memory_space<hbm>>) target_semaphore(%run_scoped3A_71 : memref<!tpu.dma_semaphore, #tpu.memory_space<semaphore_mem>>)
          %dma_wait3A = arith.constant 0 : i32
          %dma_wait3A_82 = arith.constant 0 : i32
          %dma_wait3A_83 = tpu.memref_slice %arg5[%run_scoped3A, %dma_wait3A, %dma_wait3A_82] : memref<2x10000x128xf32, #tpu.memory_space<hbm>> -> memref<1x10000x128xf32, #tpu.memory_space<hbm>>
          %dma_wait3A_84 = tpu.memref_squeeze %dma_wait3A_83 : memref<1x10000x128xf32, #tpu.memory_space<hbm>> -> memref<10000x128xf32, #tpu.memory_space<hbm>>
          %dma_wait3A_85 = arith.constant 9360 : i32
          %dma_wait3A_86 = arith.constant 0 : i32
          %dma_wait3A_87 = tpu.memref_slice %dma_wait3A_84[%dma_wait3A_85, %dma_wait3A_86] : memref<10000x128xf32, #tpu.memory_space<hbm>> -> memref<640x128xf32, #tpu.memory_space<hbm>>
          %dma_wait3A_88 = arith.constant 9360 : i32
          %dma_wait3A_89 = arith.constant 0 : i32
          %dma_wait3A_90 = tpu.memref_slice %arg6[%dma_wait3A_88, %dma_wait3A_89] : memref<10000x128xf32, #tpu.memory_space<vmem_shared>> -> memref<640x128xf32, #tpu.memory_space<vmem_shared>>
          tpu.wait_dma2 semaphore(%run_scoped3A_71 : memref<!tpu.dma_semaphore, #tpu.memory_space<semaphore_mem>>) src(%dma_wait3A_90 : memref<640x128xf32, #tpu.memory_space<vmem_shared>>) dst(%dma_wait3A_87 : memref<640x128xf32, #tpu.memory_space<hbm>>)
          tpu.yield
        }) : () -> ()
      } else {
      }
    } else {
    }
    %eq3A_2 = arith.constant 1 : i32
    %eq3A_3 = arith.cmpi eq, %arg0, %eq3A_2 : i32
    %convert_element_type3A_4 = arith.extui %eq3A_3 : i1 to i32
    %cond3A_5 = arith.constant 0 : i32
    %cond3A_6 = arith.cmpi ne, %convert_element_type3A_4, %cond3A_5 : i32
    scf.if %cond3A_6 {
      %lt3A = arith.constant 15 : i32
      %lt3A_7 = arith.cmpi slt, %arg1, %lt3A : i32
      %convert_element_type3A_8 = arith.extui %lt3A_7 : i1 to i32
      %cond3A_9 = arith.constant 1 : i32
      %cond3A_10 = arith.constant 0 : i32
      %cond3A_11 = arith.cmpi ne, %convert_element_type3A_8, %cond3A_10 : i32
      scf.if %cond3A_11 {
        %mul3A_71 = arith.constant 624 : i32
        %mul3A_72 = arith.muli %arg1, %mul3A_71 : i32
        "tpu.region"() ({
          %run_scoped3A = tpu.sem_alloc : memref<!tpu.dma_semaphore, #tpu.memory_space<semaphore_mem>>
          %dma_start3A_73 = arith.constant 0 : i32
          %dma_start3A_74 = tpu.memref_slice %arg6[%mul3A_72, %dma_start3A_73] : memref<10000x128xf32, #tpu.memory_space<vmem_shared>> -> memref<624x128xf32, #tpu.memory_space<vmem_shared>>
          %dma_start3A_75 = arith.constant 0 : i32
          %dma_start3A_76 = arith.constant 0 : i32
          %dma_start3A_77 = tpu.memref_slice %arg2[%cond3A_9, %dma_start3A_75, %dma_start3A_76] : memref<2x10000x128xf32, #tpu.memory_space<hbm>> -> memref<1x10000x128xf32, #tpu.memory_space<hbm>>
          %dma_start3A_78 = tpu.memref_squeeze %dma_start3A_77 : memref<1x10000x128xf32, #tpu.memory_space<hbm>> -> memref<10000x128xf32, #tpu.memory_space<hbm>>
          %dma_start3A_79 = arith.constant 0 : i32
          %dma_start3A_80 = tpu.memref_slice %dma_start3A_78[%mul3A_72, %dma_start3A_79] : memref<10000x128xf32, #tpu.memory_space<hbm>> -> memref<624x128xf32, #tpu.memory_space<hbm>>
          tpu.enqueue_dma source(%dma_start3A_80 : memref<624x128xf32, #tpu.memory_space<hbm>>) target(%dma_start3A_74 : memref<624x128xf32, #tpu.memory_space<vmem_shared>>) target_semaphore(%run_scoped3A : memref<!tpu.dma_semaphore, #tpu.memory_space<semaphore_mem>>)
          %dma_wait3A = arith.constant 0 : i32
          %dma_wait3A_81 = tpu.memref_slice %arg6[%mul3A_72, %dma_wait3A] : memref<10000x128xf32, #tpu.memory_space<vmem_shared>> -> memref<624x128xf32, #tpu.memory_space<vmem_shared>>
          %dma_wait3A_82 = arith.constant 0 : i32
          %dma_wait3A_83 = arith.constant 0 : i32
          %dma_wait3A_84 = tpu.memref_slice %arg2[%cond3A_9, %dma_wait3A_82, %dma_wait3A_83] : memref<2x10000x128xf32, #tpu.memory_space<hbm>> -> memref<1x10000x128xf32, #tpu.memory_space<hbm>>
          %dma_wait3A_85 = tpu.memref_squeeze %dma_wait3A_84 : memref<1x10000x128xf32, #tpu.memory_space<hbm>> -> memref<10000x128xf32, #tpu.memory_space<hbm>>
          %dma_wait3A_86 = arith.constant 0 : i32
          %dma_wait3A_87 = tpu.memref_slice %dma_wait3A_85[%mul3A_72, %dma_wait3A_86] : memref<10000x128xf32, #tpu.memory_space<hbm>> -> memref<624x128xf32, #tpu.memory_space<hbm>>
          tpu.wait_dma2 semaphore(%run_scoped3A : memref<!tpu.dma_semaphore, #tpu.memory_space<semaphore_mem>>) src(%dma_wait3A_87 : memref<624x128xf32, #tpu.memory_space<hbm>>) dst(%dma_wait3A_81 : memref<624x128xf32, #tpu.memory_space<vmem_shared>>)
          tpu.yield
        }) : () -> ()
      } else {
      }
      %eq3A_12 = arith.constant 15 : i32
      %eq3A_13 = arith.cmpi eq, %arg1, %eq3A_12 : i32
      %convert_element_type3A_14 = arith.extui %eq3A_13 : i1 to i32
      %cond3A_15 = arith.constant 1 : i32
      %cond3A_16 = arith.constant 0 : i32
      %cond3A_17 = arith.cmpi ne, %convert_element_type3A_14, %cond3A_16 : i32
      scf.if %cond3A_17 {
        "tpu.region"() ({
          %run_scoped3A = tpu.sem_alloc : memref<!tpu.dma_semaphore, #tpu.memory_space<semaphore_mem>>
          %dma_start3A_71 = arith.constant 9360 : i32
          %dma_start3A_72 = arith.constant 0 : i32
          %dma_start3A_73 = tpu.memref_slice %arg6[%dma_start3A_71, %dma_start3A_72] : memref<10000x128xf32, #tpu.memory_space<vmem_shared>> -> memref<640x128xf32, #tpu.memory_space<vmem_shared>>
          %dma_start3A_74 = arith.constant 0 : i32
          %dma_start3A_75 = arith.constant 0 : i32
          %dma_start3A_76 = tpu.memref_slice %arg2[%cond3A_15, %dma_start3A_74, %dma_start3A_75] : memref<2x10000x128xf32, #tpu.memory_space<hbm>> -> memref<1x10000x128xf32, #tpu.memory_space<hbm>>
          %dma_start3A_77 = tpu.memref_squeeze %dma_start3A_76 : memref<1x10000x128xf32, #tpu.memory_space<hbm>> -> memref<10000x128xf32, #tpu.memory_space<hbm>>
          %dma_start3A_78 = arith.constant 9360 : i32
          %dma_start3A_79 = arith.constant 0 : i32
          %dma_start3A_80 = tpu.memref_slice %dma_start3A_77[%dma_start3A_78, %dma_start3A_79] : memref<10000x128xf32, #tpu.memory_space<hbm>> -> memref<640x128xf32, #tpu.memory_space<hbm>>
          tpu.enqueue_dma source(%dma_start3A_80 : memref<640x128xf32, #tpu.memory_space<hbm>>) target(%dma_start3A_73 : memref<640x128xf32, #tpu.memory_space<vmem_shared>>) target_semaphore(%run_scoped3A : memref<!tpu.dma_semaphore, #tpu.memory_space<semaphore_mem>>)
          %dma_wait3A = arith.constant 9360 : i32
          %dma_wait3A_81 = arith.constant 0 : i32
          %dma_wait3A_82 = tpu.memref_slice %arg6[%dma_wait3A, %dma_wait3A_81] : memref<10000x128xf32, #tpu.memory_space<vmem_shared>> -> memref<640x128xf32, #tpu.memory_space<vmem_shared>>
          %dma_wait3A_83 = arith.constant 0 : i32
          %dma_wait3A_84 = arith.constant 0 : i32
          %dma_wait3A_85 = tpu.memref_slice %arg2[%cond3A_15, %dma_wait3A_83, %dma_wait3A_84] : memref<2x10000x128xf32, #tpu.memory_space<hbm>> -> memref<1x10000x128xf32, #tpu.memory_space<hbm>>
          %dma_wait3A_86 = tpu.memref_squeeze %dma_wait3A_85 : memref<1x10000x128xf32, #tpu.memory_space<hbm>> -> memref<10000x128xf32, #tpu.memory_space<hbm>>
          %dma_wait3A_87 = arith.constant 9360 : i32
          %dma_wait3A_88 = arith.constant 0 : i32
          %dma_wait3A_89 = tpu.memref_slice %dma_wait3A_86[%dma_wait3A_87, %dma_wait3A_88] : memref<10000x128xf32, #tpu.memory_space<hbm>> -> memref<640x128xf32, #tpu.memory_space<hbm>>
          tpu.wait_dma2 semaphore(%run_scoped3A : memref<!tpu.dma_semaphore, #tpu.memory_space<semaphore_mem>>) src(%dma_wait3A_89 : memref<640x128xf32, #tpu.memory_space<hbm>>) dst(%dma_wait3A_82 : memref<640x128xf32, #tpu.memory_space<vmem_shared>>)
          tpu.yield
        }) : () -> ()
      } else {
      }
      %barrier3A = arith.constant 0 : index
      tpu.barrier barrier_id(%barrier3A)
      %mul3A = arith.constant 80 : i32
      %mul3A_18 = arith.muli %arg1, %mul3A : i32
      %add3A = arith.constant 0 : i32
      %add3A_19 = arith.addi %mul3A_18, %add3A : i32
      "tpu.region"() ({
        %run_scoped3A = tpu.sem_alloc : memref<!tpu.dma_semaphore, #tpu.memory_space<semaphore_mem>>
        %dma_start3A_71 = arith.constant 0 : i32
        %dma_start3A_72 = tpu.memref_slice %arg3[%add3A_19, %dma_start3A_71] : memref<1280x125xi32, #tpu.memory_space<hbm>> -> memref<40x125xi32, #tpu.memory_space<hbm>>
        %dma_start3A_73 = arith.constant 0 : i32
        %dma_start3A_74 = tpu.memref_slice %arg3[%add3A_19, %dma_start3A_73] : memref<1280x125xi32, #tpu.memory_space<hbm>> -> memref<40x125xi32, #tpu.memory_space<hbm>>
        tpu.enqueue_dma source(%dma_start3A_74 : memref<40x125xi32, #tpu.memory_space<hbm>>) target(%arg7 : memref<40x125xi32, #tpu.memory_space<vmem>>) target_semaphore(%run_scoped3A : memref<!tpu.dma_semaphore, #tpu.memory_space<semaphore_mem>>)
        %dma_wait3A = arith.constant 0 : i32
        %dma_wait3A_75 = tpu.memref_slice %arg3[%add3A_19, %dma_wait3A] : memref<1280x125xi32, #tpu.memory_space<hbm>> -> memref<40x125xi32, #tpu.memory_space<hbm>>
        %dma_wait3A_76 = arith.constant 0 : i32
        %dma_wait3A_77 = tpu.memref_slice %arg3[%add3A_19, %dma_wait3A_76] : memref<1280x125xi32, #tpu.memory_space<hbm>> -> memref<40x125xi32, #tpu.memory_space<hbm>>
        tpu.wait_dma2 semaphore(%run_scoped3A : memref<!tpu.dma_semaphore, #tpu.memory_space<semaphore_mem>>) src(%dma_wait3A_77 : memref<40x125xi32, #tpu.memory_space<hbm>>) dst(%arg7 : memref<40x125xi32, #tpu.memory_space<vmem>>)
        tpu.yield
      }) : () -> ()
      "tpu.region"() ({
        %run_scoped3A = tpu.sem_alloc : memref<!tpu.dma_semaphore, #tpu.memory_space<semaphore_mem>>
        %dma_start3A_71 = arith.constant 0 : i32
        %dma_start3A_72 = tpu.memref_slice %arg4[%add3A_19, %dma_start3A_71] : memref<1280x125xi32, #tpu.memory_space<hbm>> -> memref<40x125xi32, #tpu.memory_space<hbm>>
        %dma_start3A_73 = arith.constant 0 : i32
        %dma_start3A_74 = tpu.memref_slice %arg4[%add3A_19, %dma_start3A_73] : memref<1280x125xi32, #tpu.memory_space<hbm>> -> memref<40x125xi32, #tpu.memory_space<hbm>>
        tpu.enqueue_dma source(%dma_start3A_74 : memref<40x125xi32, #tpu.memory_space<hbm>>) target(%arg8 : memref<40x125xi32, #tpu.memory_space<vmem>>) target_semaphore(%run_scoped3A : memref<!tpu.dma_semaphore, #tpu.memory_space<semaphore_mem>>)
        %dma_wait3A = arith.constant 0 : i32
        %dma_wait3A_75 = tpu.memref_slice %arg4[%add3A_19, %dma_wait3A] : memref<1280x125xi32, #tpu.memory_space<hbm>> -> memref<40x125xi32, #tpu.memory_space<hbm>>
        %dma_wait3A_76 = arith.constant 0 : i32
        %dma_wait3A_77 = tpu.memref_slice %arg4[%add3A_19, %dma_wait3A_76] : memref<1280x125xi32, #tpu.memory_space<hbm>> -> memref<40x125xi32, #tpu.memory_space<hbm>>
        tpu.wait_dma2 semaphore(%run_scoped3A : memref<!tpu.dma_semaphore, #tpu.memory_space<semaphore_mem>>) src(%dma_wait3A_77 : memref<40x125xi32, #tpu.memory_space<hbm>>) dst(%arg8 : memref<40x125xi32, #tpu.memory_space<vmem>>)
        tpu.yield
      }) : () -> ()
      %dma_start3A = arith.constant 1 : i32
      %dma_start3A_20 = arith.constant 0 : i32
      %dma_start3A_21 = arith.constant 0 : i32
      %dma_start3A_22 = tpu.memref_slice %arg7[%dma_start3A_20, %dma_start3A_21] : memref<40x125xi32, #tpu.memory_space<vmem>> -> memref<1x125xi32, #tpu.memory_space<vmem>>
      %dma_start3A_23 = tpu.memref_squeeze %dma_start3A_22 : memref<1x125xi32, #tpu.memory_space<vmem>> -> memref<125xi32, #tpu.memory_space<vmem>>
      %dma_start3A_24 = arith.constant 0 : i32
      %dma_start3A_25 = arith.constant 0 : i32
      %dma_start3A_26 = tpu.memref_slice %arg2[%dma_start3A, %dma_start3A_24, %dma_start3A_25] : memref<2x10000x128xf32, #tpu.memory_space<hbm>> -> memref<1x10000x128xf32, #tpu.memory_space<hbm>>
      %dma_start3A_27 = tpu.memref_squeeze %dma_start3A_26 : memref<1x10000x128xf32, #tpu.memory_space<hbm>> -> memref<10000x128xf32, #tpu.memory_space<hbm>>
      %dma_start3A_28 = arith.constant 0 : i32
      %dma_start3A_29 = arith.constant 0 : i32
      %dma_start3A_30 = tpu.memref_slice %dma_start3A_27[%dma_start3A_28, %dma_start3A_29] : memref<10000x128xf32, #tpu.memory_space<hbm>> -> memref<10000x128xf32, #tpu.memory_space<hbm>>
      tpu.enqueue_indirect_dma source(%dma_start3A_30 : memref<10000x128xf32, #tpu.memory_space<hbm>>) target(%arg9 : memref<125x128xf32, #tpu.memory_space<vmem>>) offsets(%dma_start3A_23 : memref<125xi32, #tpu.memory_space<vmem>>) semaphore(%arg11 : memref<!tpu.dma_semaphore, #tpu.memory_space<semaphore_mem>>)
      %scan3A = arith.constant 0 : i32
      %scan3A_31 = arith.constant 1 : i32
      %scan3A_32 = arith.constant 0 : i32
      %scan3A_33 = arith.constant 20 : i32
      %scan3A_34 = arith.addi %scan3A_32, %scan3A_33 : i32
      %scan3A_35 = arith.constant 1 : i32
      scf.for %scan3A_71 = %scan3A_32 to %scan3A_34 step %scan3A_35  : i32 {
        %mul3A_72 = arith.constant 2 : i32
        %mul3A_73 = arith.muli %mul3A_72, %scan3A_71 : i32
        %add3A_74 = arith.constant 1 : i32
        %add3A_75 = arith.addi %mul3A_73, %add3A_74 : i32
        %dma_start3A_76 = arith.constant 0 : i32
        %dma_start3A_77 = tpu.memref_slice %arg7[%add3A_75, %dma_start3A_76] : memref<40x125xi32, #tpu.memory_space<vmem>> -> memref<1x125xi32, #tpu.memory_space<vmem>>
        %dma_start3A_78 = tpu.memref_squeeze %dma_start3A_77 : memref<1x125xi32, #tpu.memory_space<vmem>> -> memref<125xi32, #tpu.memory_space<vmem>>
        %dma_start3A_79 = arith.constant 0 : i32
        %dma_start3A_80 = arith.constant 0 : i32
        %dma_start3A_81 = tpu.memref_slice %arg2[%scan3A_31, %dma_start3A_79, %dma_start3A_80] : memref<2x10000x128xf32, #tpu.memory_space<hbm>> -> memref<1x10000x128xf32, #tpu.memory_space<hbm>>
        %dma_start3A_82 = tpu.memref_squeeze %dma_start3A_81 : memref<1x10000x128xf32, #tpu.memory_space<hbm>> -> memref<10000x128xf32, #tpu.memory_space<hbm>>
        %dma_start3A_83 = arith.constant 0 : i32
        %dma_start3A_84 = arith.constant 0 : i32
        %dma_start3A_85 = tpu.memref_slice %dma_start3A_82[%dma_start3A_83, %dma_start3A_84] : memref<10000x128xf32, #tpu.memory_space<hbm>> -> memref<10000x128xf32, #tpu.memory_space<hbm>>
        tpu.enqueue_indirect_dma source(%dma_start3A_85 : memref<10000x128xf32, #tpu.memory_space<hbm>>) target(%arg10 : memref<125x128xf32, #tpu.memory_space<vmem>>) offsets(%dma_start3A_78 : memref<125xi32, #tpu.memory_space<vmem>>) semaphore(%arg12 : memref<!tpu.dma_semaphore, #tpu.memory_space<semaphore_mem>>)
        %dma_wait3A = arith.constant 0 : i32
        %dma_wait3A_86 = arith.constant 0 : i32
        %dma_wait3A_87 = tpu.memref_slice %arg7[%dma_wait3A, %dma_wait3A_86] : memref<40x125xi32, #tpu.memory_space<vmem>> -> memref<1x125xi32, #tpu.memory_space<vmem>>
        %dma_wait3A_88 = tpu.memref_squeeze %dma_wait3A_87 : memref<1x125xi32, #tpu.memory_space<vmem>> -> memref<125xi32, #tpu.memory_space<vmem>>
        %dma_wait3A_89 = arith.constant 0 : i32
        %dma_wait3A_90 = arith.constant 0 : i32
        %dma_wait3A_91 = tpu.memref_slice %arg2[%scan3A_31, %dma_wait3A_89, %dma_wait3A_90] : memref<2x10000x128xf32, #tpu.memory_space<hbm>> -> memref<1x10000x128xf32, #tpu.memory_space<hbm>>
        %dma_wait3A_92 = tpu.memref_squeeze %dma_wait3A_91 : memref<1x10000x128xf32, #tpu.memory_space<hbm>> -> memref<10000x128xf32, #tpu.memory_space<hbm>>
        %dma_wait3A_93 = arith.constant 0 : i32
        %dma_wait3A_94 = arith.constant 0 : i32
        %dma_wait3A_95 = tpu.memref_slice %dma_wait3A_92[%dma_wait3A_93, %dma_wait3A_94] : memref<10000x128xf32, #tpu.memory_space<hbm>> -> memref<10000x128xf32, #tpu.memory_space<hbm>>
        tpu.wait_indirect_dma semaphore(%arg11 : memref<!tpu.dma_semaphore, #tpu.memory_space<semaphore_mem>>) src(%dma_wait3A_95 : memref<10000x128xf32, #tpu.memory_space<hbm>>) dst(%arg9 : memref<125x128xf32, #tpu.memory_space<vmem>>)
        "tpu.region"() ({
          %run_scoped3A = tpu.sem_alloc : memref<!tpu.dma_semaphore, #tpu.memory_space<semaphore_mem>>
          %dma_start3A_114 = arith.constant 0 : i32
          %dma_start3A_115 = tpu.memref_slice %arg8[%mul3A_73, %dma_start3A_114] : memref<40x125xi32, #tpu.memory_space<vmem>> -> memref<1x125xi32, #tpu.memory_space<vmem>>
          %dma_start3A_116 = tpu.memref_squeeze %dma_start3A_115 : memref<1x125xi32, #tpu.memory_space<vmem>> -> memref<125xi32, #tpu.memory_space<vmem>>
          %dma_start3A_117 = arith.constant 0 : i32
          %dma_start3A_118 = arith.constant 0 : i32
          %dma_start3A_119 = tpu.memref_slice %arg6[%dma_start3A_117, %dma_start3A_118] : memref<10000x128xf32, #tpu.memory_space<vmem_shared>> -> memref<10000x128xf32, #tpu.memory_space<vmem_shared>>
          tpu.enqueue_indirect_dma source(%arg9 : memref<125x128xf32, #tpu.memory_space<vmem>>) target(%dma_start3A_119 : memref<10000x128xf32, #tpu.memory_space<vmem_shared>>) offsets(%dma_start3A_116 : memref<125xi32, #tpu.memory_space<vmem>>) semaphore(%run_scoped3A : memref<!tpu.dma_semaphore, #tpu.memory_space<semaphore_mem>>) {add = true}
          %dma_wait3A_120 = arith.constant 0 : i32
          %dma_wait3A_121 = tpu.memref_slice %arg8[%mul3A_73, %dma_wait3A_120] : memref<40x125xi32, #tpu.memory_space<vmem>> -> memref<1x125xi32, #tpu.memory_space<vmem>>
          %dma_wait3A_122 = tpu.memref_squeeze %dma_wait3A_121 : memref<1x125xi32, #tpu.memory_space<vmem>> -> memref<125xi32, #tpu.memory_space<vmem>>
          %dma_wait3A_123 = arith.constant 0 : i32
          %dma_wait3A_124 = arith.constant 0 : i32
          %dma_wait3A_125 = tpu.memref_slice %arg6[%dma_wait3A_123, %dma_wait3A_124] : memref<10000x128xf32, #tpu.memory_space<vmem_shared>> -> memref<10000x128xf32, #tpu.memory_space<vmem_shared>>
          tpu.wait_indirect_dma semaphore(%run_scoped3A : memref<!tpu.dma_semaphore, #tpu.memory_space<semaphore_mem>>) src(%arg9 : memref<125x128xf32, #tpu.memory_space<vmem>>) dst(%dma_wait3A_125 : memref<10000x128xf32, #tpu.memory_space<vmem_shared>>)
          tpu.yield
        }) : () -> ()
        %add3A_96 = arith.constant 2 : i32
        %add3A_97 = arith.addi %mul3A_73, %add3A_96 : i32
        %lt3A_98 = arith.constant 40 : i32
        %lt3A_99 = arith.cmpi slt, %add3A_97, %lt3A_98 : i32
        %convert_element_type3A_100 = arith.extui %lt3A_99 : i1 to i32
        %cond3A_101 = arith.constant 0 : i32
        %cond3A_102 = arith.cmpi ne, %convert_element_type3A_100, %cond3A_101 : i32
        scf.if %cond3A_102 {
          %add3A_114 = arith.constant 2 : i32
          %add3A_115 = arith.addi %mul3A_73, %add3A_114 : i32
          %dma_start3A_116 = arith.constant 0 : i32
          %dma_start3A_117 = tpu.memref_slice %arg7[%add3A_115, %dma_start3A_116] : memref<40x125xi32, #tpu.memory_space<vmem>> -> memref<1x125xi32, #tpu.memory_space<vmem>>
          %dma_start3A_118 = tpu.memref_squeeze %dma_start3A_117 : memref<1x125xi32, #tpu.memory_space<vmem>> -> memref<125xi32, #tpu.memory_space<vmem>>
          %dma_start3A_119 = arith.constant 0 : i32
          %dma_start3A_120 = arith.constant 0 : i32
          %dma_start3A_121 = tpu.memref_slice %arg2[%scan3A_31, %dma_start3A_119, %dma_start3A_120] : memref<2x10000x128xf32, #tpu.memory_space<hbm>> -> memref<1x10000x128xf32, #tpu.memory_space<hbm>>
          %dma_start3A_122 = tpu.memref_squeeze %dma_start3A_121 : memref<1x10000x128xf32, #tpu.memory_space<hbm>> -> memref<10000x128xf32, #tpu.memory_space<hbm>>
          %dma_start3A_123 = arith.constant 0 : i32
          %dma_start3A_124 = arith.constant 0 : i32
          %dma_start3A_125 = tpu.memref_slice %dma_start3A_122[%dma_start3A_123, %dma_start3A_124] : memref<10000x128xf32, #tpu.memory_space<hbm>> -> memref<10000x128xf32, #tpu.memory_space<hbm>>
          tpu.enqueue_indirect_dma source(%dma_start3A_125 : memref<10000x128xf32, #tpu.memory_space<hbm>>) target(%arg9 : memref<125x128xf32, #tpu.memory_space<vmem>>) offsets(%dma_start3A_118 : memref<125xi32, #tpu.memory_space<vmem>>) semaphore(%arg11 : memref<!tpu.dma_semaphore, #tpu.memory_space<semaphore_mem>>)
        } else {
        }
        %dma_wait3A_103 = arith.constant 0 : i32
        %dma_wait3A_104 = arith.constant 0 : i32
        %dma_wait3A_105 = tpu.memref_slice %arg7[%dma_wait3A_103, %dma_wait3A_104] : memref<40x125xi32, #tpu.memory_space<vmem>> -> memref<1x125xi32, #tpu.memory_space<vmem>>
        %dma_wait3A_106 = tpu.memref_squeeze %dma_wait3A_105 : memref<1x125xi32, #tpu.memory_space<vmem>> -> memref<125xi32, #tpu.memory_space<vmem>>
        %dma_wait3A_107 = arith.constant 0 : i32
        %dma_wait3A_108 = arith.constant 0 : i32
        %dma_wait3A_109 = tpu.memref_slice %arg2[%scan3A_31, %dma_wait3A_107, %dma_wait3A_108] : memref<2x10000x128xf32, #tpu.memory_space<hbm>> -> memref<1x10000x128xf32, #tpu.memory_space<hbm>>
        %dma_wait3A_110 = tpu.memref_squeeze %dma_wait3A_109 : memref<1x10000x128xf32, #tpu.memory_space<hbm>> -> memref<10000x128xf32, #tpu.memory_space<hbm>>
        %dma_wait3A_111 = arith.constant 0 : i32
        %dma_wait3A_112 = arith.constant 0 : i32
        %dma_wait3A_113 = tpu.memref_slice %dma_wait3A_110[%dma_wait3A_111, %dma_wait3A_112] : memref<10000x128xf32, #tpu.memory_space<hbm>> -> memref<10000x128xf32, #tpu.memory_space<hbm>>
        tpu.wait_indirect_dma semaphore(%arg12 : memref<!tpu.dma_semaphore, #tpu.memory_space<semaphore_mem>>) src(%dma_wait3A_113 : memref<10000x128xf32, #tpu.memory_space<hbm>>) dst(%arg10 : memref<125x128xf32, #tpu.memory_space<vmem>>)
        "tpu.region"() ({
          %run_scoped3A = tpu.sem_alloc : memref<!tpu.dma_semaphore, #tpu.memory_space<semaphore_mem>>
          %dma_start3A_114 = arith.constant 0 : i32
          %dma_start3A_115 = tpu.memref_slice %arg8[%add3A_75, %dma_start3A_114] : memref<40x125xi32, #tpu.memory_space<vmem>> -> memref<1x125xi32, #tpu.memory_space<vmem>>
          %dma_start3A_116 = tpu.memref_squeeze %dma_start3A_115 : memref<1x125xi32, #tpu.memory_space<vmem>> -> memref<125xi32, #tpu.memory_space<vmem>>
          %dma_start3A_117 = arith.constant 0 : i32
          %dma_start3A_118 = arith.constant 0 : i32
          %dma_start3A_119 = tpu.memref_slice %arg6[%dma_start3A_117, %dma_start3A_118] : memref<10000x128xf32, #tpu.memory_space<vmem_shared>> -> memref<10000x128xf32, #tpu.memory_space<vmem_shared>>
          tpu.enqueue_indirect_dma source(%arg10 : memref<125x128xf32, #tpu.memory_space<vmem>>) target(%dma_start3A_119 : memref<10000x128xf32, #tpu.memory_space<vmem_shared>>) offsets(%dma_start3A_116 : memref<125xi32, #tpu.memory_space<vmem>>) semaphore(%run_scoped3A : memref<!tpu.dma_semaphore, #tpu.memory_space<semaphore_mem>>) {add = true}
          %dma_wait3A_120 = arith.constant 0 : i32
          %dma_wait3A_121 = tpu.memref_slice %arg8[%add3A_75, %dma_wait3A_120] : memref<40x125xi32, #tpu.memory_space<vmem>> -> memref<1x125xi32, #tpu.memory_space<vmem>>
          %dma_wait3A_122 = tpu.memref_squeeze %dma_wait3A_121 : memref<1x125xi32, #tpu.memory_space<vmem>> -> memref<125xi32, #tpu.memory_space<vmem>>
          %dma_wait3A_123 = arith.constant 0 : i32
          %dma_wait3A_124 = arith.constant 0 : i32
          %dma_wait3A_125 = tpu.memref_slice %arg6[%dma_wait3A_123, %dma_wait3A_124] : memref<10000x128xf32, #tpu.memory_space<vmem_shared>> -> memref<10000x128xf32, #tpu.memory_space<vmem_shared>>
          tpu.wait_indirect_dma semaphore(%run_scoped3A : memref<!tpu.dma_semaphore, #tpu.memory_space<semaphore_mem>>) src(%arg10 : memref<125x128xf32, #tpu.memory_space<vmem>>) dst(%dma_wait3A_125 : memref<10000x128xf32, #tpu.memory_space<vmem_shared>>)
          tpu.yield
        }) : () -> ()
      }
      %scan3A_36 = arith.constant 20 : i32
      %mul3A_37 = arith.constant 80 : i32
      %mul3A_38 = arith.muli %arg1, %mul3A_37 : i32
      %add3A_39 = arith.constant 40 : i32
      %add3A_40 = arith.addi %mul3A_38, %add3A_39 : i32
      "tpu.region"() ({
        %run_scoped3A = tpu.sem_alloc : memref<!tpu.dma_semaphore, #tpu.memory_space<semaphore_mem>>
        %dma_start3A_71 = arith.constant 0 : i32
        %dma_start3A_72 = tpu.memref_slice %arg3[%add3A_40, %dma_start3A_71] : memref<1280x125xi32, #tpu.memory_space<hbm>> -> memref<40x125xi32, #tpu.memory_space<hbm>>
        %dma_start3A_73 = arith.constant 0 : i32
        %dma_start3A_74 = tpu.memref_slice %arg3[%add3A_40, %dma_start3A_73] : memref<1280x125xi32, #tpu.memory_space<hbm>> -> memref<40x125xi32, #tpu.memory_space<hbm>>
        tpu.enqueue_dma source(%dma_start3A_74 : memref<40x125xi32, #tpu.memory_space<hbm>>) target(%arg7 : memref<40x125xi32, #tpu.memory_space<vmem>>) target_semaphore(%run_scoped3A : memref<!tpu.dma_semaphore, #tpu.memory_space<semaphore_mem>>)
        %dma_wait3A = arith.constant 0 : i32
        %dma_wait3A_75 = tpu.memref_slice %arg3[%add3A_40, %dma_wait3A] : memref<1280x125xi32, #tpu.memory_space<hbm>> -> memref<40x125xi32, #tpu.memory_space<hbm>>
        %dma_wait3A_76 = arith.constant 0 : i32
        %dma_wait3A_77 = tpu.memref_slice %arg3[%add3A_40, %dma_wait3A_76] : memref<1280x125xi32, #tpu.memory_space<hbm>> -> memref<40x125xi32, #tpu.memory_space<hbm>>
        tpu.wait_dma2 semaphore(%run_scoped3A : memref<!tpu.dma_semaphore, #tpu.memory_space<semaphore_mem>>) src(%dma_wait3A_77 : memref<40x125xi32, #tpu.memory_space<hbm>>) dst(%arg7 : memref<40x125xi32, #tpu.memory_space<vmem>>)
        tpu.yield
      }) : () -> ()
      "tpu.region"() ({
        %run_scoped3A = tpu.sem_alloc : memref<!tpu.dma_semaphore, #tpu.memory_space<semaphore_mem>>
        %dma_start3A_71 = arith.constant 0 : i32
        %dma_start3A_72 = tpu.memref_slice %arg4[%add3A_40, %dma_start3A_71] : memref<1280x125xi32, #tpu.memory_space<hbm>> -> memref<40x125xi32, #tpu.memory_space<hbm>>
        %dma_start3A_73 = arith.constant 0 : i32
        %dma_start3A_74 = tpu.memref_slice %arg4[%add3A_40, %dma_start3A_73] : memref<1280x125xi32, #tpu.memory_space<hbm>> -> memref<40x125xi32, #tpu.memory_space<hbm>>
        tpu.enqueue_dma source(%dma_start3A_74 : memref<40x125xi32, #tpu.memory_space<hbm>>) target(%arg8 : memref<40x125xi32, #tpu.memory_space<vmem>>) target_semaphore(%run_scoped3A : memref<!tpu.dma_semaphore, #tpu.memory_space<semaphore_mem>>)
        %dma_wait3A = arith.constant 0 : i32
        %dma_wait3A_75 = tpu.memref_slice %arg4[%add3A_40, %dma_wait3A] : memref<1280x125xi32, #tpu.memory_space<hbm>> -> memref<40x125xi32, #tpu.memory_space<hbm>>
        %dma_wait3A_76 = arith.constant 0 : i32
        %dma_wait3A_77 = tpu.memref_slice %arg4[%add3A_40, %dma_wait3A_76] : memref<1280x125xi32, #tpu.memory_space<hbm>> -> memref<40x125xi32, #tpu.memory_space<hbm>>
        tpu.wait_dma2 semaphore(%run_scoped3A : memref<!tpu.dma_semaphore, #tpu.memory_space<semaphore_mem>>) src(%dma_wait3A_77 : memref<40x125xi32, #tpu.memory_space<hbm>>) dst(%arg8 : memref<40x125xi32, #tpu.memory_space<vmem>>)
        tpu.yield
      }) : () -> ()
      %dma_start3A_41 = arith.constant 1 : i32
      %dma_start3A_42 = arith.constant 0 : i32
      %dma_start3A_43 = arith.constant 0 : i32
      %dma_start3A_44 = tpu.memref_slice %arg7[%dma_start3A_42, %dma_start3A_43] : memref<40x125xi32, #tpu.memory_space<vmem>> -> memref<1x125xi32, #tpu.memory_space<vmem>>
      %dma_start3A_45 = tpu.memref_squeeze %dma_start3A_44 : memref<1x125xi32, #tpu.memory_space<vmem>> -> memref<125xi32, #tpu.memory_space<vmem>>
      %dma_start3A_46 = arith.constant 0 : i32
      %dma_start3A_47 = arith.constant 0 : i32
      %dma_start3A_48 = tpu.memref_slice %arg2[%dma_start3A_41, %dma_start3A_46, %dma_start3A_47] : memref<2x10000x128xf32, #tpu.memory_space<hbm>> -> memref<1x10000x128xf32, #tpu.memory_space<hbm>>
      %dma_start3A_49 = tpu.memref_squeeze %dma_start3A_48 : memref<1x10000x128xf32, #tpu.memory_space<hbm>> -> memref<10000x128xf32, #tpu.memory_space<hbm>>
      %dma_start3A_50 = arith.constant 0 : i32
      %dma_start3A_51 = arith.constant 0 : i32
      %dma_start3A_52 = tpu.memref_slice %dma_start3A_49[%dma_start3A_50, %dma_start3A_51] : memref<10000x128xf32, #tpu.memory_space<hbm>> -> memref<10000x128xf32, #tpu.memory_space<hbm>>
      tpu.enqueue_indirect_dma source(%dma_start3A_52 : memref<10000x128xf32, #tpu.memory_space<hbm>>) target(%arg9 : memref<125x128xf32, #tpu.memory_space<vmem>>) offsets(%dma_start3A_45 : memref<125xi32, #tpu.memory_space<vmem>>) semaphore(%arg11 : memref<!tpu.dma_semaphore, #tpu.memory_space<semaphore_mem>>)
      %scan3A_53 = arith.constant 0 : i32
      %scan3A_54 = arith.constant 1 : i32
      %scan3A_55 = arith.constant 0 : i32
      %scan3A_56 = arith.constant 20 : i32
      %scan3A_57 = arith.addi %scan3A_55, %scan3A_56 : i32
      %scan3A_58 = arith.constant 1 : i32
      scf.for %scan3A_71 = %scan3A_55 to %scan3A_57 step %scan3A_58  : i32 {
        %mul3A_72 = arith.constant 2 : i32
        %mul3A_73 = arith.muli %mul3A_72, %scan3A_71 : i32
        %add3A_74 = arith.constant 1 : i32
        %add3A_75 = arith.addi %mul3A_73, %add3A_74 : i32
        %dma_start3A_76 = arith.constant 0 : i32
        %dma_start3A_77 = tpu.memref_slice %arg7[%add3A_75, %dma_start3A_76] : memref<40x125xi32, #tpu.memory_space<vmem>> -> memref<1x125xi32, #tpu.memory_space<vmem>>
        %dma_start3A_78 = tpu.memref_squeeze %dma_start3A_77 : memref<1x125xi32, #tpu.memory_space<vmem>> -> memref<125xi32, #tpu.memory_space<vmem>>
        %dma_start3A_79 = arith.constant 0 : i32
        %dma_start3A_80 = arith.constant 0 : i32
        %dma_start3A_81 = tpu.memref_slice %arg2[%scan3A_54, %dma_start3A_79, %dma_start3A_80] : memref<2x10000x128xf32, #tpu.memory_space<hbm>> -> memref<1x10000x128xf32, #tpu.memory_space<hbm>>
        %dma_start3A_82 = tpu.memref_squeeze %dma_start3A_81 : memref<1x10000x128xf32, #tpu.memory_space<hbm>> -> memref<10000x128xf32, #tpu.memory_space<hbm>>
        %dma_start3A_83 = arith.constant 0 : i32
        %dma_start3A_84 = arith.constant 0 : i32
        %dma_start3A_85 = tpu.memref_slice %dma_start3A_82[%dma_start3A_83, %dma_start3A_84] : memref<10000x128xf32, #tpu.memory_space<hbm>> -> memref<10000x128xf32, #tpu.memory_space<hbm>>
        tpu.enqueue_indirect_dma source(%dma_start3A_85 : memref<10000x128xf32, #tpu.memory_space<hbm>>) target(%arg10 : memref<125x128xf32, #tpu.memory_space<vmem>>) offsets(%dma_start3A_78 : memref<125xi32, #tpu.memory_space<vmem>>) semaphore(%arg12 : memref<!tpu.dma_semaphore, #tpu.memory_space<semaphore_mem>>)
        %dma_wait3A = arith.constant 0 : i32
        %dma_wait3A_86 = arith.constant 0 : i32
        %dma_wait3A_87 = tpu.memref_slice %arg7[%dma_wait3A, %dma_wait3A_86] : memref<40x125xi32, #tpu.memory_space<vmem>> -> memref<1x125xi32, #tpu.memory_space<vmem>>
        %dma_wait3A_88 = tpu.memref_squeeze %dma_wait3A_87 : memref<1x125xi32, #tpu.memory_space<vmem>> -> memref<125xi32, #tpu.memory_space<vmem>>
        %dma_wait3A_89 = arith.constant 0 : i32
        %dma_wait3A_90 = arith.constant 0 : i32
        %dma_wait3A_91 = tpu.memref_slice %arg2[%scan3A_54, %dma_wait3A_89, %dma_wait3A_90] : memref<2x10000x128xf32, #tpu.memory_space<hbm>> -> memref<1x10000x128xf32, #tpu.memory_space<hbm>>
        %dma_wait3A_92 = tpu.memref_squeeze %dma_wait3A_91 : memref<1x10000x128xf32, #tpu.memory_space<hbm>> -> memref<10000x128xf32, #tpu.memory_space<hbm>>
        %dma_wait3A_93 = arith.constant 0 : i32
        %dma_wait3A_94 = arith.constant 0 : i32
        %dma_wait3A_95 = tpu.memref_slice %dma_wait3A_92[%dma_wait3A_93, %dma_wait3A_94] : memref<10000x128xf32, #tpu.memory_space<hbm>> -> memref<10000x128xf32, #tpu.memory_space<hbm>>
        tpu.wait_indirect_dma semaphore(%arg11 : memref<!tpu.dma_semaphore, #tpu.memory_space<semaphore_mem>>) src(%dma_wait3A_95 : memref<10000x128xf32, #tpu.memory_space<hbm>>) dst(%arg9 : memref<125x128xf32, #tpu.memory_space<vmem>>)
        "tpu.region"() ({
          %run_scoped3A = tpu.sem_alloc : memref<!tpu.dma_semaphore, #tpu.memory_space<semaphore_mem>>
          %dma_start3A_114 = arith.constant 0 : i32
          %dma_start3A_115 = tpu.memref_slice %arg8[%mul3A_73, %dma_start3A_114] : memref<40x125xi32, #tpu.memory_space<vmem>> -> memref<1x125xi32, #tpu.memory_space<vmem>>
          %dma_start3A_116 = tpu.memref_squeeze %dma_start3A_115 : memref<1x125xi32, #tpu.memory_space<vmem>> -> memref<125xi32, #tpu.memory_space<vmem>>
          %dma_start3A_117 = arith.constant 0 : i32
          %dma_start3A_118 = arith.constant 0 : i32
          %dma_start3A_119 = tpu.memref_slice %arg6[%dma_start3A_117, %dma_start3A_118] : memref<10000x128xf32, #tpu.memory_space<vmem_shared>> -> memref<10000x128xf32, #tpu.memory_space<vmem_shared>>
          tpu.enqueue_indirect_dma source(%arg9 : memref<125x128xf32, #tpu.memory_space<vmem>>) target(%dma_start3A_119 : memref<10000x128xf32, #tpu.memory_space<vmem_shared>>) offsets(%dma_start3A_116 : memref<125xi32, #tpu.memory_space<vmem>>) semaphore(%run_scoped3A : memref<!tpu.dma_semaphore, #tpu.memory_space<semaphore_mem>>) {add = true}
          %dma_wait3A_120 = arith.constant 0 : i32
          %dma_wait3A_121 = tpu.memref_slice %arg8[%mul3A_73, %dma_wait3A_120] : memref<40x125xi32, #tpu.memory_space<vmem>> -> memref<1x125xi32, #tpu.memory_space<vmem>>
          %dma_wait3A_122 = tpu.memref_squeeze %dma_wait3A_121 : memref<1x125xi32, #tpu.memory_space<vmem>> -> memref<125xi32, #tpu.memory_space<vmem>>
          %dma_wait3A_123 = arith.constant 0 : i32
          %dma_wait3A_124 = arith.constant 0 : i32
          %dma_wait3A_125 = tpu.memref_slice %arg6[%dma_wait3A_123, %dma_wait3A_124] : memref<10000x128xf32, #tpu.memory_space<vmem_shared>> -> memref<10000x128xf32, #tpu.memory_space<vmem_shared>>
          tpu.wait_indirect_dma semaphore(%run_scoped3A : memref<!tpu.dma_semaphore, #tpu.memory_space<semaphore_mem>>) src(%arg9 : memref<125x128xf32, #tpu.memory_space<vmem>>) dst(%dma_wait3A_125 : memref<10000x128xf32, #tpu.memory_space<vmem_shared>>)
          tpu.yield
        }) : () -> ()
        %add3A_96 = arith.constant 2 : i32
        %add3A_97 = arith.addi %mul3A_73, %add3A_96 : i32
        %lt3A_98 = arith.constant 40 : i32
        %lt3A_99 = arith.cmpi slt, %add3A_97, %lt3A_98 : i32
        %convert_element_type3A_100 = arith.extui %lt3A_99 : i1 to i32
        %cond3A_101 = arith.constant 0 : i32
        %cond3A_102 = arith.cmpi ne, %convert_element_type3A_100, %cond3A_101 : i32
        scf.if %cond3A_102 {
          %add3A_114 = arith.constant 2 : i32
          %add3A_115 = arith.addi %mul3A_73, %add3A_114 : i32
          %dma_start3A_116 = arith.constant 0 : i32
          %dma_start3A_117 = tpu.memref_slice %arg7[%add3A_115, %dma_start3A_116] : memref<40x125xi32, #tpu.memory_space<vmem>> -> memref<1x125xi32, #tpu.memory_space<vmem>>
          %dma_start3A_118 = tpu.memref_squeeze %dma_start3A_117 : memref<1x125xi32, #tpu.memory_space<vmem>> -> memref<125xi32, #tpu.memory_space<vmem>>
          %dma_start3A_119 = arith.constant 0 : i32
          %dma_start3A_120 = arith.constant 0 : i32
          %dma_start3A_121 = tpu.memref_slice %arg2[%scan3A_54, %dma_start3A_119, %dma_start3A_120] : memref<2x10000x128xf32, #tpu.memory_space<hbm>> -> memref<1x10000x128xf32, #tpu.memory_space<hbm>>
          %dma_start3A_122 = tpu.memref_squeeze %dma_start3A_121 : memref<1x10000x128xf32, #tpu.memory_space<hbm>> -> memref<10000x128xf32, #tpu.memory_space<hbm>>
          %dma_start3A_123 = arith.constant 0 : i32
          %dma_start3A_124 = arith.constant 0 : i32
          %dma_start3A_125 = tpu.memref_slice %dma_start3A_122[%dma_start3A_123, %dma_start3A_124] : memref<10000x128xf32, #tpu.memory_space<hbm>> -> memref<10000x128xf32, #tpu.memory_space<hbm>>
          tpu.enqueue_indirect_dma source(%dma_start3A_125 : memref<10000x128xf32, #tpu.memory_space<hbm>>) target(%arg9 : memref<125x128xf32, #tpu.memory_space<vmem>>) offsets(%dma_start3A_118 : memref<125xi32, #tpu.memory_space<vmem>>) semaphore(%arg11 : memref<!tpu.dma_semaphore, #tpu.memory_space<semaphore_mem>>)
        } else {
        }
        %dma_wait3A_103 = arith.constant 0 : i32
        %dma_wait3A_104 = arith.constant 0 : i32
        %dma_wait3A_105 = tpu.memref_slice %arg7[%dma_wait3A_103, %dma_wait3A_104] : memref<40x125xi32, #tpu.memory_space<vmem>> -> memref<1x125xi32, #tpu.memory_space<vmem>>
        %dma_wait3A_106 = tpu.memref_squeeze %dma_wait3A_105 : memref<1x125xi32, #tpu.memory_space<vmem>> -> memref<125xi32, #tpu.memory_space<vmem>>
        %dma_wait3A_107 = arith.constant 0 : i32
        %dma_wait3A_108 = arith.constant 0 : i32
        %dma_wait3A_109 = tpu.memref_slice %arg2[%scan3A_54, %dma_wait3A_107, %dma_wait3A_108] : memref<2x10000x128xf32, #tpu.memory_space<hbm>> -> memref<1x10000x128xf32, #tpu.memory_space<hbm>>
        %dma_wait3A_110 = tpu.memref_squeeze %dma_wait3A_109 : memref<1x10000x128xf32, #tpu.memory_space<hbm>> -> memref<10000x128xf32, #tpu.memory_space<hbm>>
        %dma_wait3A_111 = arith.constant 0 : i32
        %dma_wait3A_112 = arith.constant 0 : i32
        %dma_wait3A_113 = tpu.memref_slice %dma_wait3A_110[%dma_wait3A_111, %dma_wait3A_112] : memref<10000x128xf32, #tpu.memory_space<hbm>> -> memref<10000x128xf32, #tpu.memory_space<hbm>>
        tpu.wait_indirect_dma semaphore(%arg12 : memref<!tpu.dma_semaphore, #tpu.memory_space<semaphore_mem>>) src(%dma_wait3A_113 : memref<10000x128xf32, #tpu.memory_space<hbm>>) dst(%arg10 : memref<125x128xf32, #tpu.memory_space<vmem>>)
        "tpu.region"() ({
          %run_scoped3A = tpu.sem_alloc : memref<!tpu.dma_semaphore, #tpu.memory_space<semaphore_mem>>
          %dma_start3A_114 = arith.constant 0 : i32
          %dma_start3A_115 = tpu.memref_slice %arg8[%add3A_75, %dma_start3A_114] : memref<40x125xi32, #tpu.memory_space<vmem>> -> memref<1x125xi32, #tpu.memory_space<vmem>>
          %dma_start3A_116 = tpu.memref_squeeze %dma_start3A_115 : memref<1x125xi32, #tpu.memory_space<vmem>> -> memref<125xi32, #tpu.memory_space<vmem>>
          %dma_start3A_117 = arith.constant 0 : i32
          %dma_start3A_118 = arith.constant 0 : i32
          %dma_start3A_119 = tpu.memref_slice %arg6[%dma_start3A_117, %dma_start3A_118] : memref<10000x128xf32, #tpu.memory_space<vmem_shared>> -> memref<10000x128xf32, #tpu.memory_space<vmem_shared>>
          tpu.enqueue_indirect_dma source(%arg10 : memref<125x128xf32, #tpu.memory_space<vmem>>) target(%dma_start3A_119 : memref<10000x128xf32, #tpu.memory_space<vmem_shared>>) offsets(%dma_start3A_116 : memref<125xi32, #tpu.memory_space<vmem>>) semaphore(%run_scoped3A : memref<!tpu.dma_semaphore, #tpu.memory_space<semaphore_mem>>) {add = true}
          %dma_wait3A_120 = arith.constant 0 : i32
          %dma_wait3A_121 = tpu.memref_slice %arg8[%add3A_75, %dma_wait3A_120] : memref<40x125xi32, #tpu.memory_space<vmem>> -> memref<1x125xi32, #tpu.memory_space<vmem>>
          %dma_wait3A_122 = tpu.memref_squeeze %dma_wait3A_121 : memref<1x125xi32, #tpu.memory_space<vmem>> -> memref<125xi32, #tpu.memory_space<vmem>>
          %dma_wait3A_123 = arith.constant 0 : i32
          %dma_wait3A_124 = arith.constant 0 : i32
          %dma_wait3A_125 = tpu.memref_slice %arg6[%dma_wait3A_123, %dma_wait3A_124] : memref<10000x128xf32, #tpu.memory_space<vmem_shared>> -> memref<10000x128xf32, #tpu.memory_space<vmem_shared>>
          tpu.wait_indirect_dma semaphore(%run_scoped3A : memref<!tpu.dma_semaphore, #tpu.memory_space<semaphore_mem>>) src(%arg10 : memref<125x128xf32, #tpu.memory_space<vmem>>) dst(%dma_wait3A_125 : memref<10000x128xf32, #tpu.memory_space<vmem_shared>>)
          tpu.yield
        }) : () -> ()
      }
      %scan3A_59 = arith.constant 20 : i32
      %barrier3A_60 = arith.constant 0 : index
      tpu.barrier barrier_id(%barrier3A_60)
      %lt3A_61 = arith.constant 15 : i32
      %lt3A_62 = arith.cmpi slt, %arg1, %lt3A_61 : i32
      %convert_element_type3A_63 = arith.extui %lt3A_62 : i1 to i32
      %cond3A_64 = arith.constant 0 : i32
      %cond3A_65 = arith.cmpi ne, %convert_element_type3A_63, %cond3A_64 : i32
      scf.if %cond3A_65 {
        %mul3A_71 = arith.constant 624 : i32
        %mul3A_72 = arith.muli %arg1, %mul3A_71 : i32
        %run_scoped3A = arith.constant 1 : i32
        "tpu.region"() ({
          %run_scoped3A_73 = tpu.sem_alloc : memref<!tpu.dma_semaphore, #tpu.memory_space<semaphore_mem>>
          %dma_start3A_74 = arith.constant 0 : i32
          %dma_start3A_75 = arith.constant 0 : i32
          %dma_start3A_76 = tpu.memref_slice %arg5[%run_scoped3A, %dma_start3A_74, %dma_start3A_75] : memref<2x10000x128xf32, #tpu.memory_space<hbm>> -> memref<1x10000x128xf32, #tpu.memory_space<hbm>>
          %dma_start3A_77 = tpu.memref_squeeze %dma_start3A_76 : memref<1x10000x128xf32, #tpu.memory_space<hbm>> -> memref<10000x128xf32, #tpu.memory_space<hbm>>
          %dma_start3A_78 = arith.constant 0 : i32
          %dma_start3A_79 = tpu.memref_slice %dma_start3A_77[%mul3A_72, %dma_start3A_78] : memref<10000x128xf32, #tpu.memory_space<hbm>> -> memref<624x128xf32, #tpu.memory_space<hbm>>
          %dma_start3A_80 = arith.constant 0 : i32
          %dma_start3A_81 = tpu.memref_slice %arg6[%mul3A_72, %dma_start3A_80] : memref<10000x128xf32, #tpu.memory_space<vmem_shared>> -> memref<624x128xf32, #tpu.memory_space<vmem_shared>>
          tpu.enqueue_dma source(%dma_start3A_81 : memref<624x128xf32, #tpu.memory_space<vmem_shared>>) target(%dma_start3A_79 : memref<624x128xf32, #tpu.memory_space<hbm>>) target_semaphore(%run_scoped3A_73 : memref<!tpu.dma_semaphore, #tpu.memory_space<semaphore_mem>>)
          %dma_wait3A = arith.constant 0 : i32
          %dma_wait3A_82 = arith.constant 0 : i32
          %dma_wait3A_83 = tpu.memref_slice %arg5[%run_scoped3A, %dma_wait3A, %dma_wait3A_82] : memref<2x10000x128xf32, #tpu.memory_space<hbm>> -> memref<1x10000x128xf32, #tpu.memory_space<hbm>>
          %dma_wait3A_84 = tpu.memref_squeeze %dma_wait3A_83 : memref<1x10000x128xf32, #tpu.memory_space<hbm>> -> memref<10000x128xf32, #tpu.memory_space<hbm>>
          %dma_wait3A_85 = arith.constant 0 : i32
          %dma_wait3A_86 = tpu.memref_slice %dma_wait3A_84[%mul3A_72, %dma_wait3A_85] : memref<10000x128xf32, #tpu.memory_space<hbm>> -> memref<624x128xf32, #tpu.memory_space<hbm>>
          %dma_wait3A_87 = arith.constant 0 : i32
          %dma_wait3A_88 = tpu.memref_slice %arg6[%mul3A_72, %dma_wait3A_87] : memref<10000x128xf32, #tpu.memory_space<vmem_shared>> -> memref<624x128xf32, #tpu.memory_space<vmem_shared>>
          tpu.wait_dma2 semaphore(%run_scoped3A_73 : memref<!tpu.dma_semaphore, #tpu.memory_space<semaphore_mem>>) src(%dma_wait3A_88 : memref<624x128xf32, #tpu.memory_space<vmem_shared>>) dst(%dma_wait3A_86 : memref<624x128xf32, #tpu.memory_space<hbm>>)
          tpu.yield
        }) : () -> ()
      } else {
      }
      %eq3A_66 = arith.constant 15 : i32
      %eq3A_67 = arith.cmpi eq, %arg1, %eq3A_66 : i32
      %convert_element_type3A_68 = arith.extui %eq3A_67 : i1 to i32
      %cond3A_69 = arith.constant 0 : i32
      %cond3A_70 = arith.cmpi ne, %convert_element_type3A_68, %cond3A_69 : i32
      scf.if %cond3A_70 {
        %run_scoped3A = arith.constant 1 : i32
        "tpu.region"() ({
          %run_scoped3A_71 = tpu.sem_alloc : memref<!tpu.dma_semaphore, #tpu.memory_space<semaphore_mem>>
          %dma_start3A_72 = arith.constant 0 : i32
          %dma_start3A_73 = arith.constant 0 : i32
          %dma_start3A_74 = tpu.memref_slice %arg5[%run_scoped3A, %dma_start3A_72, %dma_start3A_73] : memref<2x10000x128xf32, #tpu.memory_space<hbm>> -> memref<1x10000x128xf32, #tpu.memory_space<hbm>>
          %dma_start3A_75 = tpu.memref_squeeze %dma_start3A_74 : memref<1x10000x128xf32, #tpu.memory_space<hbm>> -> memref<10000x128xf32, #tpu.memory_space<hbm>>
          %dma_start3A_76 = arith.constant 9360 : i32
          %dma_start3A_77 = arith.constant 0 : i32
          %dma_start3A_78 = tpu.memref_slice %dma_start3A_75[%dma_start3A_76, %dma_start3A_77] : memref<10000x128xf32, #tpu.memory_space<hbm>> -> memref<640x128xf32, #tpu.memory_space<hbm>>
          %dma_start3A_79 = arith.constant 9360 : i32
          %dma_start3A_80 = arith.constant 0 : i32
          %dma_start3A_81 = tpu.memref_slice %arg6[%dma_start3A_79, %dma_start3A_80] : memref<10000x128xf32, #tpu.memory_space<vmem_shared>> -> memref<640x128xf32, #tpu.memory_space<vmem_shared>>
          tpu.enqueue_dma source(%dma_start3A_81 : memref<640x128xf32, #tpu.memory_space<vmem_shared>>) target(%dma_start3A_78 : memref<640x128xf32, #tpu.memory_space<hbm>>) target_semaphore(%run_scoped3A_71 : memref<!tpu.dma_semaphore, #tpu.memory_space<semaphore_mem>>)
          %dma_wait3A = arith.constant 0 : i32
          %dma_wait3A_82 = arith.constant 0 : i32
          %dma_wait3A_83 = tpu.memref_slice %arg5[%run_scoped3A, %dma_wait3A, %dma_wait3A_82] : memref<2x10000x128xf32, #tpu.memory_space<hbm>> -> memref<1x10000x128xf32, #tpu.memory_space<hbm>>
          %dma_wait3A_84 = tpu.memref_squeeze %dma_wait3A_83 : memref<1x10000x128xf32, #tpu.memory_space<hbm>> -> memref<10000x128xf32, #tpu.memory_space<hbm>>
          %dma_wait3A_85 = arith.constant 9360 : i32
          %dma_wait3A_86 = arith.constant 0 : i32
          %dma_wait3A_87 = tpu.memref_slice %dma_wait3A_84[%dma_wait3A_85, %dma_wait3A_86] : memref<10000x128xf32, #tpu.memory_space<hbm>> -> memref<640x128xf32, #tpu.memory_space<hbm>>
          %dma_wait3A_88 = arith.constant 9360 : i32
          %dma_wait3A_89 = arith.constant 0 : i32
          %dma_wait3A_90 = tpu.memref_slice %arg6[%dma_wait3A_88, %dma_wait3A_89] : memref<10000x128xf32, #tpu.memory_space<vmem_shared>> -> memref<640x128xf32, #tpu.memory_space<vmem_shared>>
          tpu.wait_dma2 semaphore(%run_scoped3A_71 : memref<!tpu.dma_semaphore, #tpu.memory_space<semaphore_mem>>) src(%dma_wait3A_90 : memref<640x128xf32, #tpu.memory_space<vmem_shared>>) dst(%dma_wait3A_87 : memref<640x128xf32, #tpu.memory_space<hbm>>)
          tpu.yield
        }) : () -> ()
      } else {
      }
    } else {
    }
    return
  }
}

module attributes {stable_mosaic.version = 14 : i64} {
  func.func @_prep_body(%arg0: i32, %arg1: memref<1000x256xf32, #tpu.memory_space<vmem>>, %arg2: memref<1x1x1000xf32, #tpu.memory_space<vmem>>, %arg3: memref<1x1x1000xf32, #tpu.memory_space<vmem>>, %arg4: memref<1x1x1000xf32, #tpu.memory_space<vmem>>, %arg5: memref<2x1000x128xf32, #tpu.memory_space<vmem>>) attributes {dimension_semantics = [#tpu.dimension_semantics<arbitrary>], iteration_bounds = array<i64: 10>, scalar_prefetch = 0 : i64, scratch_operands = 0 : i64, tpu.core_type = #tpu.core_type<tc>, window_params = [{transform_indices = @transform_0, window_bounds = array<i64: 1000, 256>}, {transform_indices = @transform_1, window_bounds = array<i64: 1, 1, 1000>}, {transform_indices = @transform_2, window_bounds = array<i64: 1, 1, 1000>}, {transform_indices = @transform_3, window_bounds = array<i64: 1, 1, 1000>}, {transform_indices = @transform_4, window_bounds = array<i64: 2, 1000, 128>}]} {
    %get3A = arith.constant 0 : index
    %get3A_0 = arith.constant 0 : index
    %get3A_1 = arith.constant 0 : index
    %get3A_2 = vector.load %arg2[%get3A, %get3A_0, %get3A_1] : memref<1x1x1000xf32, #tpu.memory_space<vmem>>, vector<1x1x1000xf32>
    %get3A_3 = arith.constant 0 : index
    %get3A_4 = arith.constant 0 : index
    %get3A_5 = arith.constant 0 : index
    %get3A_6 = vector.load %arg3[%get3A_3, %get3A_4, %get3A_5] : memref<1x1x1000xf32, #tpu.memory_space<vmem>>, vector<1x1x1000xf32>
    %add3A = arith.addf %get3A_2, %get3A_6 : vector<1x1x1000xf32>
    %reshape3A = vector.shape_cast %add3A : vector<1x1x1000xf32> to vector<1000xf32>
    %add3A_7 = arith.constant 1.000000e+00 : f32
    %add3A_8 = vector.broadcast %add3A_7 : f32 to vector<1000xf32>
    %add3A_9 = arith.addf %reshape3A, %add3A_8 : vector<1000xf32>
    %rsqrt3A = math.rsqrt %add3A_9 : vector<1000xf32>
    %reshape3A_10 = vector.shape_cast %rsqrt3A : vector<1000xf32> to vector<1x1x1000xf32>
    %swap3A = arith.constant 0 : index
    %swap3A_11 = arith.constant 0 : index
    %swap3A_12 = arith.constant 0 : index
    %swap3A_13 = vector.load %arg4[%swap3A, %swap3A_11, %swap3A_12] : memref<1x1x1000xf32, #tpu.memory_space<vmem>>, vector<1x1x1000xf32>
    tpu.vector_store %arg4[%swap3A, %swap3A_11, %swap3A_12], %reshape3A_10 {strides = array<i32>} : memref<1x1x1000xf32, #tpu.memory_space<vmem>>, vector<1x1x1000xf32>,
    %get3A_14 = arith.constant 0 : index
    %get3A_15 = arith.constant 0 : index
    %get3A_16 = vector.load %arg1[%get3A_14, %get3A_15] : memref<1000x256xf32, #tpu.memory_space<vmem>>, vector<1000x256xf32>
    %broadcast_in_dim3A = vector.shape_cast %rsqrt3A : vector<1000xf32> to vector<1000x1xf32>
    %mul3A = vector.broadcast %broadcast_in_dim3A : vector<1000x1xf32> to vector<1000x256xf32>
    %mul3A_17 = arith.mulf %get3A_16, %mul3A : vector<1000x256xf32>
    %slice3A = vector.extract_strided_slice %mul3A_17 {offsets = [0, 0], sizes = [1000, 128], strides = [1, 1]} : vector<1000x256xf32> to vector<1000x128xf32>
    %swap3A_18 = arith.constant 0 : index
    %swap3A_19 = arith.constant 0 : index
    %swap3A_20 = arith.constant 0 : index
    %swap3A_21 = vector.load %arg5[%swap3A_18, %swap3A_19, %swap3A_20] : memref<2x1000x128xf32, #tpu.memory_space<vmem>>, vector<1x1000x128xf32>
    %swap3A_22 = vector.shape_cast %swap3A_21 : vector<1x1000x128xf32> to vector<1000x128xf32>
    %swap3A_23 = vector.shape_cast %slice3A : vector<1000x128xf32> to vector<1x1000x128xf32>
    tpu.vector_store %arg5[%swap3A_18, %swap3A_19, %swap3A_20], %swap3A_23 {strides = array<i32>} : memref<2x1000x128xf32, #tpu.memory_space<vmem>>, vector<1x1000x128xf32>,
    %slice3A_24 = vector.extract_strided_slice %mul3A_17 {offsets = [0, 128], sizes = [1000, 128], strides = [1, 1]} : vector<1000x256xf32> to vector<1000x128xf32>
    %swap3A_25 = arith.constant 1 : index
    %swap3A_26 = arith.constant 0 : index
    %swap3A_27 = arith.constant 0 : index
    %swap3A_28 = vector.load %arg5[%swap3A_25, %swap3A_26, %swap3A_27] : memref<2x1000x128xf32, #tpu.memory_space<vmem>>, vector<1x1000x128xf32>
    %swap3A_29 = vector.shape_cast %swap3A_28 : vector<1x1000x128xf32> to vector<1000x128xf32>
    %swap3A_30 = vector.shape_cast %slice3A_24 : vector<1000x128xf32> to vector<1x1000x128xf32>
    tpu.vector_store %arg5[%swap3A_25, %swap3A_26, %swap3A_27], %swap3A_30 {strides = array<i32>} : memref<2x1000x128xf32, #tpu.memory_space<vmem>>, vector<1x1000x128xf32>,
    return
  }
  func.func @transform_0(%arg0: i32) -> (i32, i32) {
    %c0_i32 = arith.constant 0 : i32
    %c0_i32_0 = arith.constant 0 : i32
    return %arg0, %c0_i32 : i32, i32
  }
  func.func @transform_1(%arg0: i32) -> (i32, i32, i32) {
    %c0_i32 = arith.constant 0 : i32
    %c0_i32_0 = arith.constant 0 : i32
    %c0_i32_1 = arith.constant 0 : i32
    return %arg0, %c0_i32, %c0_i32_0 : i32, i32, i32
  }
  func.func @transform_2(%arg0: i32) -> (i32, i32, i32) {
    %c0_i32 = arith.constant 0 : i32
    %c0_i32_0 = arith.constant 0 : i32
    %c0_i32_1 = arith.constant 0 : i32
    return %arg0, %c0_i32, %c0_i32_0 : i32, i32, i32
  }
  func.func @transform_3(%arg0: i32) -> (i32, i32, i32) {
    %c0_i32 = arith.constant 0 : i32
    %c0_i32_0 = arith.constant 0 : i32
    %c0_i32_1 = arith.constant 0 : i32
    return %arg0, %c0_i32, %c0_i32_0 : i32, i32, i32
  }
  func.func @transform_4(%arg0: i32) -> (i32, i32, i32) {
    %c0_i32 = arith.constant 0 : i32
    %c0_i32_0 = arith.constant 0 : i32
    %c0_i32_1 = arith.constant 0 : i32
    return %c0_i32, %arg0, %c0_i32_0 : i32, i32, i32
  }
}

module attributes {stable_mosaic.version = 14 : i64} {
  func.func @_layer_body(%arg0: i32, %arg1: memref<2x1000x128xf32, #tpu.memory_space<vmem>>, %arg2: memref<1x1x1000xf32, #tpu.memory_space<vmem>>, %arg3: memref<2x128x512xbf16, #tpu.memory_space<vmem>>, %arg4: memref<512xf32, #tpu.memory_space<vmem>>, %arg5: memref<4x1000x128xf32, #tpu.memory_space<vmem>>) attributes {dimension_semantics = [#tpu.dimension_semantics<arbitrary>], iteration_bounds = array<i64: 10>, scalar_prefetch = 0 : i64, scratch_operands = 0 : i64, tpu.core_type = #tpu.core_type<tc>, window_params = [{transform_indices = @transform_0, window_bounds = array<i64: 2, 1000, 128>}, {transform_indices = @transform_1, window_bounds = array<i64: 1, 1, 1000>}, {pipeline_mode = #tpu.pipeline_mode<synchronous>, transform_indices = @transform_2, window_bounds = array<i64: 2, 128, 512>}, {pipeline_mode = #tpu.pipeline_mode<synchronous>, transform_indices = @transform_3, window_bounds = array<i64: 512>}, {transform_indices = @transform_4, window_bounds = array<i64: 4, 1000, 128>}]} {
    %get3A = arith.constant 0 : index
    %get3A_0 = arith.constant 0 : index
    %get3A_1 = arith.constant 0 : index
    %get3A_2 = vector.load %arg2[%get3A, %get3A_0, %get3A_1] : memref<1x1x1000xf32, #tpu.memory_space<vmem>>, vector<1x1x1000xf32>
    %reshape3A = vector.shape_cast %get3A_2 : vector<1x1x1000xf32> to vector<1000xf32>
    %broadcast_in_dim3A = arith.constant 0.000000e+00 : f32
    %broadcast_in_dim3A_3 = vector.broadcast %broadcast_in_dim3A : f32 to vector<1000x512xf32>
    %get3A_4 = arith.constant 0 : index
    %get3A_5 = arith.constant 0 : index
    %get3A_6 = arith.constant 0 : index
    %get3A_7 = vector.load %arg1[%get3A_4, %get3A_5, %get3A_6] : memref<2x1000x128xf32, #tpu.memory_space<vmem>>, vector<1x1000x128xf32>
    %get3A_8 = vector.shape_cast %get3A_7 : vector<1x1000x128xf32> to vector<1000x128xf32>
    %broadcast_in_dim3A_9 = vector.shape_cast %reshape3A : vector<1000xf32> to vector<1000x1xf32>
    %mul3A = vector.broadcast %broadcast_in_dim3A_9 : vector<1000x1xf32> to vector<1000x128xf32>
    %mul3A_10 = arith.mulf %get3A_8, %mul3A : vector<1000x128xf32>
    %convert_element_type3A = arith.truncf %mul3A_10 : vector<1000x128xf32> to vector<1000x128xbf16>
    %get3A_11 = arith.constant 0 : index
    %get3A_12 = arith.constant 0 : index
    %get3A_13 = arith.constant 0 : index
    %get3A_14 = vector.load %arg3[%get3A_11, %get3A_12, %get3A_13] : memref<2x128x512xbf16, #tpu.memory_space<vmem>>, vector<1x128x512xbf16>
    %get3A_15 = vector.shape_cast %get3A_14 : vector<1x128x512xbf16> to vector<128x512xbf16>
    %dot_general3A = arith.constant dense<0.000000e+00> : vector<1000x512xf32>
    %dot_general3A_16 = tpu.matmul %convert_element_type3A, %get3A_15, %dot_general3A {dimension_numbers = #tpu.dot_dimension_numbers<[1], [0], [0], [1], [0, 0, 1, 1], [], []>, transpose_lhs_hint = false} : vector<1000x128xbf16>, vector<128x512xbf16>, vector<1000x512xf32> -> vector<1000x512xf32>
    %add3A = arith.addf %broadcast_in_dim3A_3, %dot_general3A_16 : vector<1000x512xf32>
    %get3A_17 = arith.constant 1 : index
    %get3A_18 = arith.constant 0 : index
    %get3A_19 = arith.constant 0 : index
    %get3A_20 = vector.load %arg1[%get3A_17, %get3A_18, %get3A_19] : memref<2x1000x128xf32, #tpu.memory_space<vmem>>, vector<1x1000x128xf32>
    %get3A_21 = vector.shape_cast %get3A_20 : vector<1x1000x128xf32> to vector<1000x128xf32>
    %broadcast_in_dim3A_22 = vector.shape_cast %reshape3A : vector<1000xf32> to vector<1000x1xf32>
    %mul3A_23 = vector.broadcast %broadcast_in_dim3A_22 : vector<1000x1xf32> to vector<1000x128xf32>
    %mul3A_24 = arith.mulf %get3A_21, %mul3A_23 : vector<1000x128xf32>
    %convert_element_type3A_25 = arith.truncf %mul3A_24 : vector<1000x128xf32> to vector<1000x128xbf16>
    %get3A_26 = arith.constant 1 : index
    %get3A_27 = arith.constant 0 : index
    %get3A_28 = arith.constant 0 : index
    %get3A_29 = vector.load %arg3[%get3A_26, %get3A_27, %get3A_28] : memref<2x128x512xbf16, #tpu.memory_space<vmem>>, vector<1x128x512xbf16>
    %get3A_30 = vector.shape_cast %get3A_29 : vector<1x128x512xbf16> to vector<128x512xbf16>
    %dot_general3A_31 = arith.constant dense<0.000000e+00> : vector<1000x512xf32>
    %dot_general3A_32 = tpu.matmul %convert_element_type3A_25, %get3A_30, %dot_general3A_31 {dimension_numbers = #tpu.dot_dimension_numbers<[1], [0], [0], [1], [0, 0, 1, 1], [], []>, transpose_lhs_hint = false} : vector<1000x128xbf16>, vector<128x512xbf16>, vector<1000x512xf32> -> vector<1000x512xf32>
    %add3A_33 = arith.addf %add3A, %dot_general3A_32 : vector<1000x512xf32>
    %get3A_34 = arith.constant 0 : index
    %get3A_35 = vector.load %arg4[%get3A_34] : memref<512xf32, #tpu.memory_space<vmem>>, vector<512xf32>
    %broadcast_in_dim3A_36 = vector.shape_cast %get3A_35 : vector<512xf32> to vector<1x512xf32>
    %add3A_37 = vector.broadcast %broadcast_in_dim3A_36 : vector<1x512xf32> to vector<1000x512xf32>
    %add3A_38 = arith.addf %add3A_33, %add3A_37 : vector<1000x512xf32>
    %max3A = arith.constant 0.000000e+00 : f32
    %max3A_39 = vector.broadcast %max3A : f32 to vector<1000x512xf32>
    %max3A_40 = arith.maximumf %add3A_38, %max3A_39 : vector<1000x512xf32>
    %broadcast_in_dim3A_41 = vector.shape_cast %reshape3A : vector<1000xf32> to vector<1000x1xf32>
    %mul3A_42 = vector.broadcast %broadcast_in_dim3A_41 : vector<1000x1xf32> to vector<1000x512xf32>
    %mul3A_43 = arith.mulf %max3A_40, %mul3A_42 : vector<1000x512xf32>
    %slice3A = vector.extract_strided_slice %mul3A_43 {offsets = [0, 0], sizes = [1000, 128], strides = [1, 1]} : vector<1000x512xf32> to vector<1000x128xf32>
    %swap3A = arith.constant 0 : index
    %swap3A_44 = arith.constant 0 : index
    %swap3A_45 = arith.constant 0 : index
    %swap3A_46 = vector.load %arg5[%swap3A, %swap3A_44, %swap3A_45] : memref<4x1000x128xf32, #tpu.memory_space<vmem>>, vector<1x1000x128xf32>
    %swap3A_47 = vector.shape_cast %swap3A_46 : vector<1x1000x128xf32> to vector<1000x128xf32>
    %swap3A_48 = vector.shape_cast %slice3A : vector<1000x128xf32> to vector<1x1000x128xf32>
    tpu.vector_store %arg5[%swap3A, %swap3A_44, %swap3A_45], %swap3A_48 {strides = array<i32>} : memref<4x1000x128xf32, #tpu.memory_space<vmem>>, vector<1x1000x128xf32>,
    %slice3A_49 = vector.extract_strided_slice %mul3A_43 {offsets = [0, 128], sizes = [1000, 128], strides = [1, 1]} : vector<1000x512xf32> to vector<1000x128xf32>
    %swap3A_50 = arith.constant 1 : index
    %swap3A_51 = arith.constant 0 : index
    %swap3A_52 = arith.constant 0 : index
    %swap3A_53 = vector.load %arg5[%swap3A_50, %swap3A_51, %swap3A_52] : memref<4x1000x128xf32, #tpu.memory_space<vmem>>, vector<1x1000x128xf32>
    %swap3A_54 = vector.shape_cast %swap3A_53 : vector<1x1000x128xf32> to vector<1000x128xf32>
    %swap3A_55 = vector.shape_cast %slice3A_49 : vector<1000x128xf32> to vector<1x1000x128xf32>
    tpu.vector_store %arg5[%swap3A_50, %swap3A_51, %swap3A_52], %swap3A_55 {strides = array<i32>} : memref<4x1000x128xf32, #tpu.memory_space<vmem>>, vector<1x1000x128xf32>,
    %slice3A_56 = vector.extract_strided_slice %mul3A_43 {offsets = [0, 256], sizes = [1000, 128], strides = [1, 1]} : vector<1000x512xf32> to vector<1000x128xf32>
    %swap3A_57 = arith.constant 2 : index
    %swap3A_58 = arith.constant 0 : index
    %swap3A_59 = arith.constant 0 : index
    %swap3A_60 = vector.load %arg5[%swap3A_57, %swap3A_58, %swap3A_59] : memref<4x1000x128xf32, #tpu.memory_space<vmem>>, vector<1x1000x128xf32>
    %swap3A_61 = vector.shape_cast %swap3A_60 : vector<1x1000x128xf32> to vector<1000x128xf32>
    %swap3A_62 = vector.shape_cast %slice3A_56 : vector<1000x128xf32> to vector<1x1000x128xf32>
    tpu.vector_store %arg5[%swap3A_57, %swap3A_58, %swap3A_59], %swap3A_62 {strides = array<i32>} : memref<4x1000x128xf32, #tpu.memory_space<vmem>>, vector<1x1000x128xf32>,
    %slice3A_63 = vector.extract_strided_slice %mul3A_43 {offsets = [0, 384], sizes = [1000, 128], strides = [1, 1]} : vector<1000x512xf32> to vector<1000x128xf32>
    %swap3A_64 = arith.constant 3 : index
    %swap3A_65 = arith.constant 0 : index
    %swap3A_66 = arith.constant 0 : index
    %swap3A_67 = vector.load %arg5[%swap3A_64, %swap3A_65, %swap3A_66] : memref<4x1000x128xf32, #tpu.memory_space<vmem>>, vector<1x1000x128xf32>
    %swap3A_68 = vector.shape_cast %swap3A_67 : vector<1x1000x128xf32> to vector<1000x128xf32>
    %swap3A_69 = vector.shape_cast %slice3A_63 : vector<1000x128xf32> to vector<1x1000x128xf32>
    tpu.vector_store %arg5[%swap3A_64, %swap3A_65, %swap3A_66], %swap3A_69 {strides = array<i32>} : memref<4x1000x128xf32, #tpu.memory_space<vmem>>, vector<1x1000x128xf32>,
    return
  }
  func.func @transform_0(%arg0: i32) -> (i32, i32, i32) {
    %c0_i32 = arith.constant 0 : i32
    %c0_i32_0 = arith.constant 0 : i32
    %c0_i32_1 = arith.constant 0 : i32
    return %c0_i32, %arg0, %c0_i32_0 : i32, i32, i32
  }
  func.func @transform_1(%arg0: i32) -> (i32, i32, i32) {
    %c0_i32 = arith.constant 0 : i32
    %c0_i32_0 = arith.constant 0 : i32
    %c0_i32_1 = arith.constant 0 : i32
    return %arg0, %c0_i32, %c0_i32_0 : i32, i32, i32
  }
  func.func @transform_2(%arg0: i32) -> (i32, i32, i32) {
    %c0_i32 = arith.constant 0 : i32
    %c0_i32_0 = arith.constant 0 : i32
    %c0_i32_1 = arith.constant 0 : i32
    %c0_i32_2 = arith.constant 0 : i32
    return %c0_i32, %c0_i32_0, %c0_i32_1 : i32, i32, i32
  }
  func.func @transform_3(%arg0: i32) -> i32 {
    %c0_i32 = arith.constant 0 : i32
    %c0_i32_0 = arith.constant 0 : i32
    return %c0_i32 : i32
  }
  func.func @transform_4(%arg0: i32) -> (i32, i32, i32) {
    %c0_i32 = arith.constant 0 : i32
    %c0_i32_0 = arith.constant 0 : i32
    %c0_i32_1 = arith.constant 0 : i32
    return %c0_i32, %arg0, %c0_i32_0 : i32, i32, i32
  }
}

module attributes {stable_mosaic.version = 14 : i64} {
  func.func @_l2pool_body(%arg0: i32, %arg1: memref<4x1000x128xf32, #tpu.memory_space<vmem>>, %arg2: memref<1x1x1000xf32, #tpu.memory_space<vmem>>, %arg3: memref<1x1x1000xi32, #tpu.memory_space<vmem>>, %arg4: memref<4x128x512xbf16, #tpu.memory_space<vmem>>, %arg5: memref<512xf32, #tpu.memory_space<vmem>>, %arg6: memref<512x128xbf16, #tpu.memory_space<vmem>>, %arg7: memref<128xf32, #tpu.memory_space<vmem>>, %arg8: memref<64x128xf32, #tpu.memory_space<vmem>>, %arg9: memref<64x512xf32, #tpu.memory_space<vmem>>, %arg10: memref<64x1xf32, #tpu.memory_space<vmem>>) attributes {dimension_semantics = [#tpu.dimension_semantics<arbitrary>], iteration_bounds = array<i64: 10>, scalar_prefetch = 0 : i64, scratch_operands = 2 : i64, tpu.core_type = #tpu.core_type<tc>, window_params = [{transform_indices = @transform_0, window_bounds = array<i64: 4, 1000, 128>}, {transform_indices = @transform_1, window_bounds = array<i64: 1, 1, 1000>}, {transform_indices = @transform_2, window_bounds = array<i64: 1, 1, 1000>}, {pipeline_mode = #tpu.pipeline_mode<synchronous>, transform_indices = @transform_3, window_bounds = array<i64: 4, 128, 512>}, {pipeline_mode = #tpu.pipeline_mode<synchronous>, transform_indices = @transform_4, window_bounds = array<i64: 512>}, {pipeline_mode = #tpu.pipeline_mode<synchronous>, transform_indices = @transform_5, window_bounds = array<i64: 512, 128>}, {pipeline_mode = #tpu.pipeline_mode<synchronous>, transform_indices = @transform_6, window_bounds = array<i64: 128>}, {pipeline_mode = #tpu.pipeline_mode<synchronous>, transform_indices = @transform_7, window_bounds = array<i64: 64, 128>}]} {
    %eq3A = arith.constant 0 : i32
    %eq3A_0 = arith.cmpi eq, %arg0, %eq3A : i32
    %convert_element_type3A = arith.extui %eq3A_0 : i1 to i32
    %cond3A = arith.constant 0 : i32
    %cond3A_1 = arith.cmpi ne, %convert_element_type3A, %cond3A : i32
    scf.if %cond3A_1 {
      %broadcast_in_dim3A_113 = arith.constant 0.000000e+00 : f32
      %broadcast_in_dim3A_114 = vector.broadcast %broadcast_in_dim3A_113 : f32 to vector<64x512xf32>
      %swap3A_115 = arith.constant 0 : index
      %swap3A_116 = arith.constant 0 : index
      %swap3A_117 = vector.load %arg9[%swap3A_115, %swap3A_116] : memref<64x512xf32, #tpu.memory_space<vmem>>, vector<64x512xf32>
      tpu.vector_store %arg9[%swap3A_115, %swap3A_116], %broadcast_in_dim3A_114 {strides = array<i32>} : memref<64x512xf32, #tpu.memory_space<vmem>>, vector<64x512xf32>,
      %broadcast_in_dim3A_118 = arith.constant 0.000000e+00 : f32
      %broadcast_in_dim3A_119 = vector.broadcast %broadcast_in_dim3A_118 : f32 to vector<64x1xf32>
      %swap3A_120 = arith.constant 0 : index
      %swap3A_121 = arith.constant 0 : index
      %swap3A_122 = vector.load %arg10[%swap3A_120, %swap3A_121] : memref<64x1xf32, #tpu.memory_space<vmem>>, vector<64x1xf32>
      tpu.vector_store %arg10[%swap3A_120, %swap3A_121], %broadcast_in_dim3A_119 {strides = array<i32>} : memref<64x1xf32, #tpu.memory_space<vmem>>, vector<64x1xf32>,
    } else {
    }
    %get3A = arith.constant 0 : index
    %get3A_2 = arith.constant 0 : index
    %get3A_3 = arith.constant 0 : index
    %get3A_4 = vector.load %arg2[%get3A, %get3A_2, %get3A_3] : memref<1x1x1000xf32, #tpu.memory_space<vmem>>, vector<1x1x1000xf32>
    %reshape3A = vector.shape_cast %get3A_4 : vector<1x1x1000xf32> to vector<1000xf32>
    %broadcast_in_dim3A = arith.constant 0.000000e+00 : f32
    %broadcast_in_dim3A_5 = vector.broadcast %broadcast_in_dim3A : f32 to vector<1000x512xf32>
    %get3A_6 = arith.constant 0 : index
    %get3A_7 = arith.constant 0 : index
    %get3A_8 = arith.constant 0 : index
    %get3A_9 = vector.load %arg1[%get3A_6, %get3A_7, %get3A_8] : memref<4x1000x128xf32, #tpu.memory_space<vmem>>, vector<1x1000x128xf32>
    %get3A_10 = vector.shape_cast %get3A_9 : vector<1x1000x128xf32> to vector<1000x128xf32>
    %broadcast_in_dim3A_11 = vector.shape_cast %reshape3A : vector<1000xf32> to vector<1000x1xf32>
    %mul3A = vector.broadcast %broadcast_in_dim3A_11 : vector<1000x1xf32> to vector<1000x128xf32>
    %mul3A_12 = arith.mulf %get3A_10, %mul3A : vector<1000x128xf32>
    %convert_element_type3A_13 = arith.truncf %mul3A_12 : vector<1000x128xf32> to vector<1000x128xbf16>
    %get3A_14 = arith.constant 0 : index
    %get3A_15 = arith.constant 0 : index
    %get3A_16 = arith.constant 0 : index
    %get3A_17 = vector.load %arg4[%get3A_14, %get3A_15, %get3A_16] : memref<4x128x512xbf16, #tpu.memory_space<vmem>>, vector<1x128x512xbf16>
    %get3A_18 = vector.shape_cast %get3A_17 : vector<1x128x512xbf16> to vector<128x512xbf16>
    %dot_general3A = arith.constant dense<0.000000e+00> : vector<1000x512xf32>
    %dot_general3A_19 = tpu.matmul %convert_element_type3A_13, %get3A_18, %dot_general3A {dimension_numbers = #tpu.dot_dimension_numbers<[1], [0], [0], [1], [0, 0, 1, 1], [], []>, transpose_lhs_hint = false} : vector<1000x128xbf16>, vector<128x512xbf16>, vector<1000x512xf32> -> vector<1000x512xf32>
    %add3A = arith.addf %broadcast_in_dim3A_5, %dot_general3A_19 : vector<1000x512xf32>
    %get3A_20 = arith.constant 1 : index
    %get3A_21 = arith.constant 0 : index
    %get3A_22 = arith.constant 0 : index
    %get3A_23 = vector.load %arg1[%get3A_20, %get3A_21, %get3A_22] : memref<4x1000x128xf32, #tpu.memory_space<vmem>>, vector<1x1000x128xf32>
    %get3A_24 = vector.shape_cast %get3A_23 : vector<1x1000x128xf32> to vector<1000x128xf32>
    %broadcast_in_dim3A_25 = vector.shape_cast %reshape3A : vector<1000xf32> to vector<1000x1xf32>
    %mul3A_26 = vector.broadcast %broadcast_in_dim3A_25 : vector<1000x1xf32> to vector<1000x128xf32>
    %mul3A_27 = arith.mulf %get3A_24, %mul3A_26 : vector<1000x128xf32>
    %convert_element_type3A_28 = arith.truncf %mul3A_27 : vector<1000x128xf32> to vector<1000x128xbf16>
    %get3A_29 = arith.constant 1 : index
    %get3A_30 = arith.constant 0 : index
    %get3A_31 = arith.constant 0 : index
    %get3A_32 = vector.load %arg4[%get3A_29, %get3A_30, %get3A_31] : memref<4x128x512xbf16, #tpu.memory_space<vmem>>, vector<1x128x512xbf16>
    %get3A_33 = vector.shape_cast %get3A_32 : vector<1x128x512xbf16> to vector<128x512xbf16>
    %dot_general3A_34 = arith.constant dense<0.000000e+00> : vector<1000x512xf32>
    %dot_general3A_35 = tpu.matmul %convert_element_type3A_28, %get3A_33, %dot_general3A_34 {dimension_numbers = #tpu.dot_dimension_numbers<[1], [0], [0], [1], [0, 0, 1, 1], [], []>, transpose_lhs_hint = false} : vector<1000x128xbf16>, vector<128x512xbf16>, vector<1000x512xf32> -> vector<1000x512xf32>
    %add3A_36 = arith.addf %add3A, %dot_general3A_35 : vector<1000x512xf32>
    %get3A_37 = arith.constant 2 : index
    %get3A_38 = arith.constant 0 : index
    %get3A_39 = arith.constant 0 : index
    %get3A_40 = vector.load %arg1[%get3A_37, %get3A_38, %get3A_39] : memref<4x1000x128xf32, #tpu.memory_space<vmem>>, vector<1x1000x128xf32>
    %get3A_41 = vector.shape_cast %get3A_40 : vector<1x1000x128xf32> to vector<1000x128xf32>
    %broadcast_in_dim3A_42 = vector.shape_cast %reshape3A : vector<1000xf32> to vector<1000x1xf32>
    %mul3A_43 = vector.broadcast %broadcast_in_dim3A_42 : vector<1000x1xf32> to vector<1000x128xf32>
    %mul3A_44 = arith.mulf %get3A_41, %mul3A_43 : vector<1000x128xf32>
    %convert_element_type3A_45 = arith.truncf %mul3A_44 : vector<1000x128xf32> to vector<1000x128xbf16>
    %get3A_46 = arith.constant 2 : index
    %get3A_47 = arith.constant 0 : index
    %get3A_48 = arith.constant 0 : index
    %get3A_49 = vector.load %arg4[%get3A_46, %get3A_47, %get3A_48] : memref<4x128x512xbf16, #tpu.memory_space<vmem>>, vector<1x128x512xbf16>
    %get3A_50 = vector.shape_cast %get3A_49 : vector<1x128x512xbf16> to vector<128x512xbf16>
    %dot_general3A_51 = arith.constant dense<0.000000e+00> : vector<1000x512xf32>
    %dot_general3A_52 = tpu.matmul %convert_element_type3A_45, %get3A_50, %dot_general3A_51 {dimension_numbers = #tpu.dot_dimension_numbers<[1], [0], [0], [1], [0, 0, 1, 1], [], []>, transpose_lhs_hint = false} : vector<1000x128xbf16>, vector<128x512xbf16>, vector<1000x512xf32> -> vector<1000x512xf32>
    %add3A_53 = arith.addf %add3A_36, %dot_general3A_52 : vector<1000x512xf32>
    %get3A_54 = arith.constant 3 : index
    %get3A_55 = arith.constant 0 : index
    %get3A_56 = arith.constant 0 : index
    %get3A_57 = vector.load %arg1[%get3A_54, %get3A_55, %get3A_56] : memref<4x1000x128xf32, #tpu.memory_space<vmem>>, vector<1x1000x128xf32>
    %get3A_58 = vector.shape_cast %get3A_57 : vector<1x1000x128xf32> to vector<1000x128xf32>
    %broadcast_in_dim3A_59 = vector.shape_cast %reshape3A : vector<1000xf32> to vector<1000x1xf32>
    %mul3A_60 = vector.broadcast %broadcast_in_dim3A_59 : vector<1000x1xf32> to vector<1000x128xf32>
    %mul3A_61 = arith.mulf %get3A_58, %mul3A_60 : vector<1000x128xf32>
    %convert_element_type3A_62 = arith.truncf %mul3A_61 : vector<1000x128xf32> to vector<1000x128xbf16>
    %get3A_63 = arith.constant 3 : index
    %get3A_64 = arith.constant 0 : index
    %get3A_65 = arith.constant 0 : index
    %get3A_66 = vector.load %arg4[%get3A_63, %get3A_64, %get3A_65] : memref<4x128x512xbf16, #tpu.memory_space<vmem>>, vector<1x128x512xbf16>
    %get3A_67 = vector.shape_cast %get3A_66 : vector<1x128x512xbf16> to vector<128x512xbf16>
    %dot_general3A_68 = arith.constant dense<0.000000e+00> : vector<1000x512xf32>
    %dot_general3A_69 = tpu.matmul %convert_element_type3A_62, %get3A_67, %dot_general3A_68 {dimension_numbers = #tpu.dot_dimension_numbers<[1], [0], [0], [1], [0, 0, 1, 1], [], []>, transpose_lhs_hint = false} : vector<1000x128xbf16>, vector<128x512xbf16>, vector<1000x512xf32> -> vector<1000x512xf32>
    %add3A_70 = arith.addf %add3A_53, %dot_general3A_69 : vector<1000x512xf32>
    %get3A_71 = arith.constant 0 : index
    %get3A_72 = vector.load %arg5[%get3A_71] : memref<512xf32, #tpu.memory_space<vmem>>, vector<512xf32>
    %broadcast_in_dim3A_73 = vector.shape_cast %get3A_72 : vector<512xf32> to vector<1x512xf32>
    %add3A_74 = vector.broadcast %broadcast_in_dim3A_73 : vector<1x512xf32> to vector<1000x512xf32>
    %add3A_75 = arith.addf %add3A_70, %add3A_74 : vector<1000x512xf32>
    %max3A = arith.constant 0.000000e+00 : f32
    %max3A_76 = vector.broadcast %max3A : f32 to vector<1000x512xf32>
    %max3A_77 = arith.maximumf %add3A_75, %max3A_76 : vector<1000x512xf32>
    %get3A_78 = arith.constant 0 : index
    %get3A_79 = arith.constant 0 : index
    %get3A_80 = arith.constant 0 : index
    %get3A_81 = vector.load %arg3[%get3A_78, %get3A_79, %get3A_80] : memref<1x1x1000xi32, #tpu.memory_space<vmem>>, vector<1x1x1000xi32>
    %reshape3A_82 = vector.shape_cast %get3A_81 : vector<1x1x1000xi32> to vector<1000xi32>
    %iota3A = tpu.iota {dimensions = array<i32: 0>} : vector<64x1000xi32>
    %broadcast_in_dim3A_83 = vector.shape_cast %reshape3A_82 : vector<1000xi32> to vector<1x1000xi32>
    %eq3A_84 = vector.broadcast %broadcast_in_dim3A_83 : vector<1x1000xi32> to vector<64x1000xi32>
    %eq3A_85 = arith.cmpi eq, %eq3A_84, %iota3A : vector<64x1000xi32>
    %convert_element_type3A_86 = arith.extui %eq3A_85 : vector<64x1000xi1> to vector<64x1000xi32>
    %convert_element_type3A_87 = arith.sitofp %convert_element_type3A_86 : vector<64x1000xi32> to vector<64x1000xf32>
    %convert_element_type3A_88 = arith.truncf %convert_element_type3A_87 : vector<64x1000xf32> to vector<64x1000xbf16>
    %get3A_89 = arith.constant 0 : index
    %get3A_90 = arith.constant 0 : index
    %get3A_91 = vector.load %arg9[%get3A_89, %get3A_90] : memref<64x512xf32, #tpu.memory_space<vmem>>, vector<64x512xf32>
    %convert_element_type3A_92 = arith.truncf %max3A_77 : vector<1000x512xf32> to vector<1000x512xbf16>
    %dot_general3A_93 = arith.constant dense<0.000000e+00> : vector<64x512xf32>
    %dot_general3A_94 = tpu.matmul %convert_element_type3A_88, %convert_element_type3A_92, %dot_general3A_93 {dimension_numbers = #tpu.dot_dimension_numbers<[1], [0], [0], [1], [0, 0, 1, 1], [], []>, transpose_lhs_hint = false} : vector<64x1000xbf16>, vector<1000x512xbf16>, vector<64x512xf32> -> vector<64x512xf32>
    %add3A_95 = arith.addf %get3A_91, %dot_general3A_94 : vector<64x512xf32>
    %swap3A = arith.constant 0 : index
    %swap3A_96 = arith.constant 0 : index
    %swap3A_97 = vector.load %arg9[%swap3A, %swap3A_96] : memref<64x512xf32, #tpu.memory_space<vmem>>, vector<64x512xf32>
    tpu.vector_store %arg9[%swap3A, %swap3A_96], %add3A_95 {strides = array<i32>} : memref<64x512xf32, #tpu.memory_space<vmem>>, vector<64x512xf32>,
    %get3A_98 = arith.constant 0 : index
    %get3A_99 = arith.constant 0 : index
    %get3A_100 = vector.load %arg10[%get3A_98, %get3A_99] : memref<64x1xf32, #tpu.memory_space<vmem>>, vector<64x1xf32>
    %convert_element_type3A_101 = arith.extf %convert_element_type3A_88 : vector<64x1000xbf16> to vector<64x1000xf32>
    %reduce_sum3A = arith.constant dense<0.000000e+00> : vector<64xf32>
    %reduce_sum3A_102 = vector.multi_reduction <add>, %convert_element_type3A_101, %reduce_sum3A [1] : vector<64x1000xf32> to vector<64xf32>
    %broadcast_in_dim3A_103 = vector.shape_cast %reduce_sum3A_102 : vector<64xf32> to vector<64x1xf32>
    %add3A_104 = arith.addf %get3A_100, %broadcast_in_dim3A_103 : vector<64x1xf32>
    %swap3A_105 = arith.constant 0 : index
    %swap3A_106 = arith.constant 0 : index
    %swap3A_107 = vector.load %arg10[%swap3A_105, %swap3A_106] : memref<64x1xf32, #tpu.memory_space<vmem>>, vector<64x1xf32>
    tpu.vector_store %arg10[%swap3A_105, %swap3A_106], %add3A_104 {strides = array<i32>} : memref<64x1xf32, #tpu.memory_space<vmem>>, vector<64x1xf32>,
    %eq3A_108 = arith.constant 9 : i32
    %eq3A_109 = arith.cmpi eq, %arg0, %eq3A_108 : i32
    %convert_element_type3A_110 = arith.extui %eq3A_109 : i1 to i32
    %cond3A_111 = arith.constant 0 : i32
    %cond3A_112 = arith.cmpi ne, %convert_element_type3A_110, %cond3A_111 : i32
    scf.if %cond3A_112 {
      %get3A_113 = arith.constant 0 : index
      %get3A_114 = arith.constant 0 : index
      %get3A_115 = vector.load %arg9[%get3A_113, %get3A_114] : memref<64x512xf32, #tpu.memory_space<vmem>>, vector<64x512xf32>
      %get3A_116 = arith.constant 0 : index
      %get3A_117 = arith.constant 0 : index
      %get3A_118 = vector.load %arg10[%get3A_116, %get3A_117] : memref<64x1xf32, #tpu.memory_space<vmem>>, vector<64x1xf32>
      %max3A_119 = arith.constant 1.000000e+00 : f32
      %max3A_120 = vector.broadcast %max3A_119 : f32 to vector<64x1xf32>
      %max3A_121 = arith.maximumf %get3A_118, %max3A_120 : vector<64x1xf32>
      %div3A = vector.broadcast %max3A_121 : vector<64x1xf32> to vector<64x512xf32>
      %div3A_122 = arith.divf %get3A_115, %div3A : vector<64x512xf32>
      %convert_element_type3A_123 = arith.truncf %div3A_122 : vector<64x512xf32> to vector<64x512xbf16>
      %get3A_124 = arith.constant 0 : index
      %get3A_125 = arith.constant 0 : index
      %get3A_126 = vector.load %arg6[%get3A_124, %get3A_125] : memref<512x128xbf16, #tpu.memory_space<vmem>>, vector<512x128xbf16>
      %dot_general3A_127 = arith.constant dense<0.000000e+00> : vector<64x128xf32>
      %dot_general3A_128 = tpu.matmul %convert_element_type3A_123, %get3A_126, %dot_general3A_127 {dimension_numbers = #tpu.dot_dimension_numbers<[1], [0], [0], [1], [0, 0, 1, 1], [], []>, transpose_lhs_hint = false} : vector<64x512xbf16>, vector<512x128xbf16>, vector<64x128xf32> -> vector<64x128xf32>
      %get3A_129 = arith.constant 0 : index
      %get3A_130 = vector.load %arg7[%get3A_129] : memref<128xf32, #tpu.memory_space<vmem>>, vector<128xf32>
      %broadcast_in_dim3A_131 = vector.shape_cast %get3A_130 : vector<128xf32> to vector<1x128xf32>
      %add3A_132 = vector.broadcast %broadcast_in_dim3A_131 : vector<1x128xf32> to vector<64x128xf32>
      %add3A_133 = arith.addf %dot_general3A_128, %add3A_132 : vector<64x128xf32>
      %swap3A_134 = arith.constant 0 : index
      %swap3A_135 = arith.constant 0 : index
      %swap3A_136 = vector.load %arg8[%swap3A_134, %swap3A_135] : memref<64x128xf32, #tpu.memory_space<vmem>>, vector<64x128xf32>
      tpu.vector_store %arg8[%swap3A_134, %swap3A_135], %add3A_133 {strides = array<i32>} : memref<64x128xf32, #tpu.memory_space<vmem>>, vector<64x128xf32>,
    } else {
    }
    return
  }
  func.func @transform_0(%arg0: i32) -> (i32, i32, i32) {
    %c0_i32 = arith.constant 0 : i32
    %c0_i32_0 = arith.constant 0 : i32
    %c0_i32_1 = arith.constant 0 : i32
    return %c0_i32, %arg0, %c0_i32_0 : i32, i32, i32
  }
  func.func @transform_1(%arg0: i32) -> (i32, i32, i32) {
    %c0_i32 = arith.constant 0 : i32
    %c0_i32_0 = arith.constant 0 : i32
    %c0_i32_1 = arith.constant 0 : i32
    return %arg0, %c0_i32, %c0_i32_0 : i32, i32, i32
  }
  func.func @transform_2(%arg0: i32) -> (i32, i32, i32) {
    %c0_i32 = arith.constant 0 : i32
    %c0_i32_0 = arith.constant 0 : i32
    %c0_i32_1 = arith.constant 0 : i32
    return %arg0, %c0_i32, %c0_i32_0 : i32, i32, i32
  }
  func.func @transform_3(%arg0: i32) -> (i32, i32, i32) {
    %c0_i32 = arith.constant 0 : i32
    %c0_i32_0 = arith.constant 0 : i32
    %c0_i32_1 = arith.constant 0 : i32
    %c0_i32_2 = arith.constant 0 : i32
    return %c0_i32, %c0_i32_0, %c0_i32_1 : i32, i32, i32
  }
  func.func @transform_4(%arg0: i32) -> i32 {
    %c0_i32 = arith.constant 0 : i32
    %c0_i32_0 = arith.constant 0 : i32
    return %c0_i32 : i32
  }
  func.func @transform_5(%arg0: i32) -> (i32, i32) {
    %c0_i32 = arith.constant 0 : i32
    %c0_i32_0 = arith.constant 0 : i32
    %c0_i32_1 = arith.constant 0 : i32
    return %c0_i32, %c0_i32_0 : i32, i32
  }
  func.func @transform_6(%arg0: i32) -> i32 {
    %c0_i32 = arith.constant 0 : i32
    %c0_i32_0 = arith.constant 0 : i32
    return %c0_i32 : i32
  }
  func.func @transform_7(%arg0: i32) -> (i32, i32) {
    %c0_i32 = arith.constant 0 : i32
    %c0_i32_0 = arith.constant 0 : i32
    %c0_i32_1 = arith.constant 0 : i32
    return %c0_i32, %c0_i32_0 : i32, i32
  }
}

</mosaic_0001>

<sc_bundles>
// kernel: kernel.11.cloned.1.call-start
scs
__scs_entry_jumppad:
0x0: {  	(pc) =	sbr.rel $0x88, $3  }
0x1: {  	(tag) =	ssettag $0x0;
	lr =	simm.s32 $0x1  }
0x2: {  	[smem:$0x3F98] =	sst lr;
	_ =	strace $0xD0000000  }
0x3: {  	_ = 	snop  }
0x4: {  	_ = 	snop  }
0x5: {  	_ = 	snop  }
0x6: {  	_ = 	snop  }
0x7: {  	_ = 	snop  }
__scs_overlays_trampoline_lowered:
0x8: {  	[smem:$0x3FA7] =	sst s0  }
0x9: {  	[smem:$0x3FA8] =	sst s1  }
0xa: {  	[smem:$0x3FA9] =	sst s2  }
0xb: {  	[smem:$0x3FAA] =	sst s3  }
0xc: {  	[smem:$0x3FAB] =	sst s4  }
0xd: {  	[smem:$0x3FAC] =	sst s5  }
0xe: {  	[smem:$0x3FAD] =	sst s6  }
0xf: {  	[smem:$0x3FAE] =	sst s7  }
0x10: {  	[smem:$0x3FAF] =	sst s8  }
0x11: {  	[smem:$0x3FB0] =	sst s9;
	s0 =	simm.s32 @!p0 $0x0  }
0x12: {  	s1 =	sld [smem:$0x3F96];
	s0 =	simm.s32 @p0 $0x1  }
0x13: {  	[smem:$0x3FB1] =	sst s0;
	s0 =	simm.s32 @!p1 $0x0  }
0x14: {  	s2 =	sld [smem:$0x3F95];
	s0 =	simm.s32 @p1 $0x1  }
0x15: {  	[smem:$0x3FB2] =	sst s0;
	s0 =	simm.s32 @!p2 $0x0  }
0x16: {  	s3 =	sld [smem:$0x3FDB];
	s0 =	simm.s32 @p2 $0x1  }
0x17: {  	s4 =	simm.s32 $0x1BF5;
	[smem:$0x3FB4] =	sst s0  }
0x18: {  	s0 =	sld [smem:$0x3F97];
	_ =	swait.ge [sflag:s4], $0x0  }
0x19: {  	s7 =	sld [smem:$0x3F98]  }
0x1a: {  	s8 =	sadd.s32 $0xFFFFE003, lr  }
0x1b: {  	s9 =	sadd.s32 $0xFFFFFEF7, lr;
	s5 =	simm.s32 $0xFFFFFFFF;
	p2 =	slt.u32 s8, $0xFFFFF086  }
0x1c: {  	p1 =	slt.u32 s9, $0xF7A;
	s5 =	simm.s32 @!p2 $0x0  }
0x1d: {  	s5 =	simm.s32 @p1 $0x1;
	p0 =	seq.s32 s7, s2  }
0x1e: {  	s7 =	smul.u32 @!p0 $0xF7A, s2;
	p2 =	seq.s32 @!p0 s5, $0x0  }
0x1f: {  	s9 =	smul.u32 $0xF7A, s1;
	s8 =	simm.s32 @!p0 $0x1BF5;
	p2 =	por !p2, p0  }
0x20: {  	[sflag:s8] =	ssyncset.s32 @!p0 $0xFFFFF086;
	s6 =	sadd.s32 @!p0 s3, s7;
	s7 =	simm.s32 @!p0 $0x108  }
0x21: {  	s3 =	sadd.s32 s3, s9;
	s6 =	sadd.s32 @!p0 $0x88, s6;
	s7 =	simm.s32 @p2 $0x1082  }
0x22: {  	[simem:s7], [sflag:s8] =	dma.local @!p0 [hbm:s6], $0xF7A  }
0x23: {  	s9 =	sor.u32 $0xD0000000, s2;
	s6 =	simm.s32 $0x108;
	_ =	swait.ge @!p0 [sflag:s8], $0x0  }
0x24: {  	s3 =	sadd.s32 $0x88, s3;
	s6 =	simm.s32 @!p1 $0x1082;
	[sflag:s4] =	ssyncset.s32 $0xFFFFF086  }
0x25: {  	[simem:s6], [sflag:s4] =	dma.local [hbm:s3], $0xF7A  }
0x26: {  	[smem:$0x3F98] =	sst s1;
	(tag) =	ssettag s2;
	_ =	strace s9  }
0x27: {  	s1 =	sld [smem:$0x3FA8]  }
0x28: {  	s2 =	sld [smem:$0x3FA9]  }
0x29: {  	s4 =	sld [smem:$0x3FAB]  }
0x2a: {  	p0 =	seq.s32 s5, $0x0;
	s5 =	sld [smem:$0x3FAC]  }
0x2b: {  	s6 =	sld [smem:$0x3FAD]  }
0x2c: {  	s7 =	sld [smem:$0x3FAE]  }
0x2d: {  	s3 =	simm.s32 $0x108;
	s8 =	sld [smem:$0x3FAF]  }
0x2e: {  	s3 =	simm.s32 @!p0 $0x1082;
	s9 =	sld [smem:$0x3FB0]  }
0x2f: {  	lr =	sadd.s32 s0, s3;
	s0 =	sld [smem:$0x3FA7]  }
0x30: {  	s3 =	sld [smem:$0x3FAA]  }
0x31: {  	[smem:$0x3FB3] =	sst s10  }
0x32: {  	s10 =	sld [smem:$0x3FB1];
	_ =	sdelay $0x3  }
0x33: {  	p0 =	seq.s32 s10, $0x1;
	s10 =	sld [smem:$0x3FB3];
	_ =	sdelay $0x3  }
0x34: {  	[smem:$0x3FB3] =	sst s10  }
0x35: {  	s10 =	sld [smem:$0x3FB2];
	_ =	sdelay $0x3  }
0x36: {  	p1 =	seq.s32 s10, $0x1;
	s10 =	sld [smem:$0x3FB3];
	_ =	sdelay $0x3  }
0x37: {  	[smem:$0x3FB3] =	sst s10  }
0x38: {  	s10 =	sld [smem:$0x3FB4]  }
0x39: {  	_ = 	snop;
	(pc) =	sbr.ind lr, $3  }
0x3a: {  	_ = 	snop  }
0x3b: {  	_ = 	snop  }
0x3c: {  	p2 =	seq.s32 s10, $0x1;
	s10 =	sld [smem:$0x3FB3]  }
0x3d: {  	_ =	shalt  }
0x3e: {  	_ =	shalt  }
0x3f: {  	_ =	shalt  }
0x40: {  	_ =	shalt  }
0x41: {  	_ =	shalt  }
0x42: {  	_ =	shalt  }
0x43: {  	_ =	shalt  }
0x44: {  	_ =	shalt  }
0x45: {  	_ =	shalt  }
0x46: {  	_ =	shalt  }
0x47: {  	_ =	shalt  }
0x48: {  	_ =	shalt  }
0x49: {  	_ =	shalt  }
0x4a: {  	_ =	shalt  }
0x4b: {  	_ =	shalt  }
0x4c: {  	_ =	shalt  }
0x4d: {  	_ =	shalt  }
0x4e: {  	_ =	shalt  }
0x4f: {  	_ =	shalt  }
0x50: {  	_ =	shalt  }
0x51: {  	_ =	shalt  }
0x52: {  	_ =	shalt  }
0x53: {  	_ =	shalt  }
0x54: {  	_ =	shalt  }
0x55: {  	_ =	shalt  }
0x56: {  	_ =	shalt  }
0x57: {  	_ =	shalt  }
0x58: {  	_ =	shalt  }
0x59: {  	_ =	shalt  }
0x5a: {  	_ =	shalt  }
0x5b: {  	_ =	shalt  }
0x5c: {  	_ =	shalt  }
0x5d: {  	_ =	shalt  }
0x5e: {  	_ =	shalt  }
0x5f: {  	_ =	shalt  }
0x60: {  	_ =	shalt  }
0x61: {  	_ =	shalt  }
0x62: {  	_ =	shalt  }
0x63: {  	_ =	shalt  }
0x64: {  	_ =	shalt  }
0x65: {  	_ =	shalt  }
0x66: {  	_ =	shalt  }
0x67: {  	_ =	shalt  }
0x68: {  	_ =	shalt  }
0x69: {  	_ =	shalt  }
0x6a: {  	_ =	shalt  }
0x6b: {  	_ =	shalt  }
0x6c: {  	_ =	shalt  }
0x6d: {  	_ =	shalt  }
0x6e: {  	_ =	shalt  }
0x6f: {  	_ =	shalt  }
0x70: {  	_ =	shalt  }
0x71: {  	_ =	shalt  }
0x72: {  	_ =	shalt  }
0x73: {  	_ =	shalt  }
0x74: {  	_ =	shalt  }
0x75: {  	_ =	shalt  }
0x76: {  	_ =	shalt  }
0x77: {  	_ =	shalt  }
0x78: {  	_ =	shalt  }
0x79: {  	_ =	shalt  }
0x7a: {  	_ =	shalt  }
0x7b: {  	_ =	shalt  }
0x7c: {  	_ =	shalt  }
0x7d: {  	_ =	shalt  }
0x7e: {  	_ =	shalt  }
0x7f: {  	_ =	shalt  }
0x80: {  	_ =	shalt  }
0x81: {  	_ =	shalt  }
0x82: {  	_ =	shalt  }
0x83: {  	_ =	shalt  }
0x84: {  	_ =	shalt  }
0x85: {  	_ =	shalt  }
0x86: {  	_ =	shalt  }
0x87: {  	_ =	shalt  }
.Lfunc_end0:
.L_simem_size_0:
called_computation.1_lowered:
.L_overlay_start_0:
0x88: {  	s2 =	sld [smem:$0x3FD9]  }
0x89: {  	s3 =	sld [smem:$0x3FFE];
	_ =	sdelay $0x1  }
0x8a: {  	s1 =	srdreg.scid  }
0x8b: {  	s0 =	sand.u32 $0x1, s1  }
0x8c: {  	s16 =	sshll.u32 s0, $0xA;
	s2 =	sadd.s32 s3, s2  }
0x8d: {  	s2 =	sadd.s32 s2, s16  }
0x8e: {  	[smem:$0x3FBF] =	sst s2  }
0x8f: {  	_ = 	snop  }
0x90: {  	(tm) =	ssettm $0x1  }
0x91: {  	s17 =	sld [smem:$0x3FFB];
	_ =	sdelay $0x3  }
0x92: {  	_ =	strace s17  }
0x93: {  	s2 =	sld [smem:$0x3FFC];
	_ =	sdelay $0x3  }
0x94: {  	_ =	strace s2  }
0x95: {  	s2 =	sld [smem:$0x3FFD];
	_ =	sdelay $0x3  }
0x96: {  	_ =	strace s2  }
0x97: {  	_ =	strace $0x8FFFFFFF  }
0x98: {  	s18 =	sld [smem:$0x3FDB];
	_ =	sdelay $0x1  }
0x99: {  	s19 =	simm.s32 $_scs_section_size  }
0x9a: {  	s4 =	simm.s32 $_size__tile_overlayer_lowered;
	s5 =	simm.s32 $_tile_overlayer_lowered  }
0x9b: {  	s22 =	simm.s32 $0x1BFF;
	s21 =	sshll.u32 s5, $0x1;
	s2 =	sadd.s32 s19, s18  }
0x9c: {  	s6 =	simm.s32 $0x0;
	s20 =	sshll.u32 s4, $0x1;
	s4 =	sadd.s32 s21, s2  }
0x9d: {  	[timem:s6], [sflag:s22] =	dma.local [hbm:s4], s20  }
0x9e: {  	_ =	swait.ge [sflag:s22], s20  }
0x9f: {  	s3 =	ssub.s32 $0x0, s20;
	[sflag:s22] =	ssyncset.done $0x0  }
0xa0: {  	[sflag:s22] =	ssyncadd.s32 s3;
	_ =	sdelay $0x1  }
0xa1: {  	s23 =	simm.s32 $0x1B8B  }
0xa2: {  	_ =	swait.ge [sflag:s23], $0x1  }
0xa3: {  	[sflag:s23] =	ssyncset.done $0x0  }
0xa4: {  	s25 =	simm.s32 $0x1B8E;
	s24 =	sld [smem:$0x3FFE];
	[sflag:s23] =	ssyncadd.s32 $0xFFFFFFFF  }
0xa5: {  	s26 =	simm.s32 $execute0_lowered;
	[smem:$0x3FD2] =	sst s25  }
0xa6: {  	s4 =	sshll.u32 s26, $0x1;
	_ =	strace $0x80000049;
	[dreg:$0x1] =	wrdreg $0xFFFFFFFF  }
0xa7: {  	s28 =	simm.s32 $_size_execute0_lowered;
	s2 =	sadd.s32 s2, s4;
	[dreg:$0x0] =	wrdreg $0x0  }
0xa8: {  	s4 =	sshll.u32 s28, $0x1;
	[dreg:$0x2] =	wrdreg s2  }
0xa9: {  	[dreg:$0x3] =	wrdreg s4  }
0xaa: {  	[dreg:$0x4] =	wrdreg $0xC0  }
0xab: {  	_ =	task [dreg:s6], $0x5FFFF  }
0xac: {  	[dreg:$0x1] =	wrdreg $0xFFFFFFFF  }
0xad: {  	[dreg:$0x0] =	wrdreg $0x60  }
0xae: {  	[dreg:$0x2] =	wrdreg s24  }
0xaf: {  	[dreg:$0x3] =	wrdreg $0x0  }
0xb0: {  	[dreg:$0x4] =	wrdreg $0x9  }
0xb1: {  	_ =	task.clear_ibuf [dreg:s6], $0x5FFFF;
	_ =	strace $0x90000049  }
0xb2: {  	s29 =	simm.s32 $0x9;
	_ =	strace $0x8000004B  }
0xb3: {  	_ =	swait.ge [sflag:s29], $0x1  }
0xb4: {  	[sflag:s29] =	ssyncadd.s32 $0xFFFFFFFF  }
0xb5: {  	_ =	strace $0x9000004B  }
0xb6: {  	_ =	sfence  }
0xb7: {  	s30 =	sld [smem:$0x0];
	_ =	sdelay $0x2  }
0xb8: {  	s31 =	sshll.u32 s1, $0xD;
	s1 =	sshrl.u32 s1, $0x2  }
0xb9: {  	s3 =	sand.u32 $0x4000, s31;
	s1 =	sadd.s32 s1, s30  }
0xba: {  	s0 =	sor.u32 s3, s0;
	s1 =	sshll.u32 s1, $0x11  }
0xbb: {  	s0 =	sor.u32 s1, s0  }
0xbc: {  	s0 =	sadd.s32 $0x8F2B, s0  }
0xbd: {  	[sflag:s0] =	ssyncadd.remote.s32 $0x1  }
0xbe: {  	_ =	sfence.sel $0xFFFF  }
0xbf: {  	[dreg:$0x0] =	wrdreg $0xFFFFFFFF;
	(pc) =	sbr.abs _section_cstart, $3  }
0xc0: {  	[dreg:$0x1] =	wrdreg $0xFFFFFFFF  }
0xc1: {  	_ =	task.clear_ibuf [dreg:s6], $0x2FFFF;
	_ =	strace $0x9FFFFFFF  }
0xc2: {  	(tm) =	ssettm $0x7FFFFFFF  }
0xc3: {  	_ =	shalt  }
tec
execute0_lowered:
.L_overlay_start_1:
0x0: {  	(tag) =	ssettag $0x1  }
0x1: {  	s0 =	rddreg [dreg:$0x0]  }
0x2: {  	s1 =	rddreg [dreg:$0x1];
	s3 =	simm.s32 $0x0  }
0x3: {  	s2 =	srdreg.scid;
	s14 =	stileid.u32;
	s28 =	simm.s32 $0x1A080  }
0x4: {  	s29 =	simm.s32 $0x1;
	s30 =	simm.s32 $0x2;
	s5 =	smul.u32 $0x2700, s14  }
0x5: {  	s31 =	simm.s32 $0x14C00;
	[smem:$0x7FF] =	sst s3;
	s9 =	smul.u32 $0x4E000, s14  }
0x6: {  	s2 =	sand.u32 $0x1, s2;
	s4 =	sadd.s32 $0xCC00, s0;
	s21 =	smul.u32 $0x2800, s14  }
0x7: {  	s7 =	sadd.s32 $0x7C00, s0;
	s12 =	sadd.s32 $0x2000, s0;
	s23 =	smul.u32 $0x500, s14  }
0x8: {  	s19 =	sadd.s32 $0x124800, s1;
	s10 =	sadd.s32 $0x31500, s0;
	s26 =	sadd.s32 $0x7F700, s0  }
0x9: {  	s15 =	sadd.s32 $0x33D00, s0;
	p1 =	seq.s32 s14, $0xF;
	s16 =	sadd.s32 $0x81F00, s0  }
0xa: {  	_ =	strace $0x8000004A;
	s6 =	ssub.s32 $0x2, s2;
	[dreg:$0x4] =	wrdreg s10  }
0xb: {  	p0 =	seq.s32 s2, $0x1;
	[dreg:$0x6] =	wrdreg s26;
	s19 =	sshrl.u32 @p1 s19, $0x3  }
0xc: {  	s26 =	simm.s32 $0x16080;
	s2 =	simm.s32 $0x16000;
	s8 =	sshrl.u32 s6, $0x1  }
0xd: {  	s13 =	sadd.s32 s5, s0;
	s20 =	sshrl.u32 s9, $0x2;
	s22 =	sadd.s32 s4, s5  }
0xe: {  	s11 =	sshrl.u32 s21, $0x3;
	s9 =	sadd.s32 s7, s23;
	s10 =	sadd.s32 s12, s23  }
0xf: {  	s0 =	sadd.s32 @p1 $0x24900, s15;
	s23 =	simm.s32 $0x3;
	s8 =	ssub.s32 s6, s8  }
0x10: {  	s6 =	sadd.s32 s20, s1;
	[dreg:$0x3] =	wrdreg s22;
	s24 =	sadd.s32 $0x280, s11  }
.Ltmp0:
0x11: {  	s25 =	sadd.s32 $0x5AE00, s13;
	[dreg:$0x7] =	wrdreg s0;
	(pc) =	sbr.rel .LBB2_1-.Ltmp0, $4  }
0x12: {  	s0 =	sadd.s32 @!p1 s5, s15;
	s22 =	simm.s32 $0x13880;
	s11 =	sadd.s32 s7, s24  }
0x13: {  	s12 =	sadd.s32 s12, s24;
	[dreg:$0x5] =	wrdreg s25;
	s17 =	smax.u32 s8, $0x1  }
0x14: {  	[dreg:$0x8] =	wrdreg s0;
	s0 =	sshll.u32 @!p1 s14, $0x6;
	s24 =	simm.s32 $0x14C80  }
0x15: {  	s25 =	simm.s32 $0x7D;
	s21 =	sor.u32 @!p1 $0x1C03, s0;
	s0 =	simm.s32 $0x15F80  }
.LBB2_11:
0x16: {  	s13 =	sadd.s32 $0x13900, s8;
	[sflag:s23] =	ssyncadd.s32 $0xFFFFC180  }
0x17: {  	[tilespmem:s28], [sflag:$0x2] =	stream.indirect.gather [hbm4b:s15+s25], $0x80, s13, s25, $0xb8;
	[tilespmem:$0x1E080] =	vst v63  }
0x18: {  	_ =	swait.ge [sflag:s29], $0x3E80  }
0x19: {  	[sflag:s29] =	ssyncset.done $0x0  }
0x1a: {  	s14 =	sadd.s32 $0x14C80, s8;
	[sflag:s29] =	ssyncadd.s32 $0xFFFFC180  }
0x1b: {  	[spmem:s1] =	stream.indirect.scatter.add.f32 [tilespmem:s26], [sflag:$0x3], $0x80, s14, s25, $0xb8;
	[tilespmem:$0x1E080] =	vst v63  }
0x1c: {  	_ =	swait.ge [sflag:s23], $0x3E80  }
0x1d: {  	[sflag:s23] =	ssyncset.done $0x0  }
0x1e: {  	s18 =	sadd.s32 $0x13980, s8;
	[sflag:s23] =	ssyncadd.s32 $0xFFFFC180  }
0x1f: {  	[tilespmem:s26], [sflag:$0x1] =	stream.indirect.gather [hbm4b:s15+s25], $0x80, s18, s25, $0xb8;
	[tilespmem:$0x1E080] =	vst v63  }
0x20: {  	_ =	swait.ge [sflag:s30], $0x3E80  }
0x21: {  	[sflag:s30] =	ssyncset.done $0x0  }
0x22: {  	s20 =	sadd.s32 $0x14D00, s8;
	[sflag:s30] =	ssyncadd.s32 $0xFFFFC180  }
0x23: {  	[spmem:s1] =	stream.indirect.scatter.add.f32 [tilespmem:s28], [sflag:$0x3], $0x80, s20, s25, $0xb8;
	[tilespmem:$0x1E080] =	vst v63  }
0x24: {  	_ =	swait.ge [sflag:s23], $0x3E80  }
0x25: {  	[sflag:s23] =	ssyncset.done $0x0  }
0x26: {  	[sflag:s23] =	ssyncadd.s32 $0xFFFFC180  }
0x27: {  	[tilespmem:s28], [sflag:$0x2] =	stream.indirect.gather [hbm4b:s15+s25], $0x80, s31, s25, $0xb8;
	[tilespmem:$0x1E080] =	vst v63  }
0x28: {  	_ =	swait.ge [sflag:s29], $0x3E80  }
0x29: {  	[sflag:s29] =	ssyncset.done $0x0  }
0x2a: {  	[sflag:s29] =	ssyncadd.s32 $0xFFFFC180  }
0x2b: {  	[spmem:s1] =	stream.indirect.scatter.add.f32 [tilespmem:s26], [sflag:$0x3], $0x80, s0, s25, $0xb8;
	[tilespmem:$0x1E080] =	vst v63  }
0x2c: {  	_ =	swait.ge [sflag:s23], $0x3E80  }
0x2d: {  	[sflag:s23] =	ssyncset.done $0x0  }
0x2e: {  	[sflag:s23] =	ssyncadd.s32 $0xFFFFC180  }
0x2f: {  	_ =	swait.ge [sflag:s30], $0x3E80  }
0x30: {  	[sflag:s30] =	ssyncset.done $0x0  }
0x31: {  	[sflag:s30] =	ssyncadd.s32 $0xFFFFC180  }
0x32: {  	[spmem:s1] =	stream.indirect.scatter.add.f32 [tilespmem:s28], [sflag:$0x3], $0x80, s2, s25, $0xb8;
	[tilespmem:$0x1E080] =	vst v63  }
0x33: {  	_ =	swait.ge [sflag:s23], $0x3E80  }
0x34: {  	[sflag:s23] =	ssyncset.done $0x0  }
0x35: {  	[sflag:s23] =	ssyncadd.s32 $0xFFFFC180  }
0x36: {  	s8 =	sadd.s32 @p1 $0x24900, s16;
	s13 =	simm.s32 @p1 $0x1FC3;
	[bflag:$0x0] =	sbarrier.arrive $0xFFFF  }
0x37: {  	[hbm:s8], [sflag:s13] =	dma.local @p1 [spmem:s19], $0x2800  }
0x38: {  	s8 =	simm.s32 @p1 $0x3  }
0x39: {  	_ =	swait.ge @p1 [sflag:s8], $0x2800  }
0x3a: {  	[sflag:s8] =	ssyncset.done @p1 $0x0  }
0x3b: {  	[sflag:s8] =	ssyncadd.s32 @p1 $0xFFFFD800;
	s8 =	sadd.s32 @!p1 s5, s16  }
0x3c: {  	[hbm:s8], [sflag:s21] =	dma.local @!p1 [spmem:s7], $0x2700  }
0x3d: {  	s7 =	simm.s32 @!p1 $0x3  }
0x3e: {  	_ =	swait.ge @!p1 [sflag:s7], $0x2700  }
0x3f: {  	[sflag:s7] =	ssyncset.done @!p1 $0x0  }
0x40: {  	[sflag:s7] =	ssyncadd.s32 @!p1 $0xFFFFD900  }
.LBB2_12:
0x41: {  	s3 =	sadd.s32 $0x1, s3  }
0x42: {  	p2 =	sne.s32 s3, s17  }
.Ltmp1:
0x43: {  	_ = 	snop;
	(pc) =	sbr.rel @!p2 .LBB2_13-.Ltmp1, $1  }
0x44: {  	_ =	sdelay $0x3  }
.LBB2_1:
.Ltmp2:
0x45: {  	(pc) =	sbr.rel @!p0 .LBB2_2-.Ltmp2, $2  }
0x46: {  	_ =	sdelay $0x2  }
0x47: {  	s7 =	sshrl.u32 @!p1 s6, $0x3  }
0x48: {  	s8 =	simm.s32 @p1 $0x1FC3;
	s13 =	rddreg [dreg:$0x7]  }
0x49: {  	[spmem:s19], [sflag:s8] =	dma.local @p1 [hbm:s13], $0x2800  }
0x4a: {  	s8 =	simm.s32 @p1 $0x3  }
0x4b: {  	_ =	swait.ge @p1 [sflag:s8], $0x2800  }
0x4c: {  	[sflag:s8] =	ssyncset.done @p1 $0x0  }
0x4d: {  	[sflag:s8] =	ssyncadd.s32 @p1 $0xFFFFD800;
	s8 =	rddreg [dreg:$0x8]  }
0x4e: {  	[spmem:s7], [sflag:s21] =	dma.local @!p1 [hbm:s8], $0x2700  }
0x4f: {  	s8 =	simm.s32 @!p1 $0x3  }
0x50: {  	_ =	swait.ge @!p1 [sflag:s8], $0x2700  }
0x51: {  	[sflag:s8] =	ssyncset.done @!p1 $0x0  }
0x52: {  	[sflag:s8] =	ssyncadd.s32 @!p1 $0xFFFFD900  }
0x53: {  	s20 =	simm.s32 $0x0;
	[bflag:$0x0] =	sbarrier.arrive $0xFFFF  }
0x54: {  	[tilespmem:s22], [sflag:$0x3] =	stream.linear.gather [hbm4b:s9+s20], $0x1400, $0x38;
	[tilespmem:$0x1E080] =	vst v63  }
0x55: {  	_ =	swait.ge [sflag:s23], $0x1400  }
0x56: {  	[sflag:s23] =	ssyncset.done $0x0  }
0x57: {  	[sflag:s23] =	ssyncadd.s32 $0xFFFFEC00  }
0x58: {  	[tilespmem:s24], [sflag:$0x3] =	stream.linear.gather [hbm4b:s10+s20], $0x1400, $0x38;
	[tilespmem:$0x1E080] =	vst v63  }
0x59: {  	_ =	swait.ge [sflag:s23], $0x1400  }
0x5a: {  	[sflag:s23] =	ssyncset.done $0x0  }
0x5b: {  	[sflag:s23] =	ssyncadd.s32 $0xFFFFEC00  }
0x5c: {  	[tilespmem:s26], [sflag:$0x1] =	stream.indirect.gather [hbm4b:s15+s25], $0x80, s22, s25, $0xb8;
	[tilespmem:$0x1E080] =	vst v63  }
0x5d: {  	s13 =	simm.s32 $0x13900  }
0x5e: {  	[tilespmem:s28], [sflag:$0x2] =	stream.indirect.gather [hbm4b:s15+s25], $0x80, s13, s25, $0xb8;
	[tilespmem:$0x1E080] =	vst v63  }
0x5f: {  	_ =	swait.ge [sflag:s29], $0x3E80  }
0x60: {  	[sflag:s29] =	ssyncset.done $0x0  }
0x61: {  	s14 =	simm.s32 $0x14C80;
	[sflag:s29] =	ssyncadd.s32 $0xFFFFC180  }
0x62: {  	[spmem:s1] =	stream.indirect.scatter.add.f32 [tilespmem:s26], [sflag:$0x3], $0x80, s14, s25, $0xb8;
	[tilespmem:$0x1E080] =	vst v63  }
0x63: {  	_ =	swait.ge [sflag:s23], $0x3E80  }
0x64: {  	[sflag:s23] =	ssyncset.done $0x0  }
0x65: {  	s18 =	simm.s32 $0x13980;
	[sflag:s23] =	ssyncadd.s32 $0xFFFFC180  }
0x66: {  	[tilespmem:s26], [sflag:$0x1] =	stream.indirect.gather [hbm4b:s15+s25], $0x80, s18, s25, $0xb8;
	[tilespmem:$0x1E080] =	vst v63  }
0x67: {  	_ =	swait.ge [sflag:s30], $0x3E80  }
0x68: {  	[sflag:s30] =	ssyncset.done $0x0  }
0x69: {  	s20 =	simm.s32 $0x14D00;
	[sflag:s30] =	ssyncadd.s32 $0xFFFFC180  }
0x6a: {  	[spmem:s1] =	stream.indirect.scatter.add.f32 [tilespmem:s28], [sflag:$0x3], $0x80, s20, s25, $0xb8;
	[tilespmem:$0x1E080] =	vst v63  }
0x6b: {  	_ =	swait.ge [sflag:s23], $0x3E80  }
0x6c: {  	s8 =	simm.s32 $0x100;
	s13 =	simm.s32 $0x800;
	[sflag:s23] =	ssyncset.done $0x0  }
.LBB2_8:
0x6d: {  	s14 =	sadd.s32 $0x13900, s8  }
0x6e: {  	[sflag:s23] =	ssyncadd.s32 $0xFFFFC180;
	s18 =	smov.u32 s13;
	s20 =	sadd.s32 $0x400, s13  }
0x6f: {  	[tilespmem:s28], [sflag:$0x2] =	stream.indirect.gather [hbm4b:s15+s25], $0x80, s14, s25, $0xb8;
	[tilespmem:$0x1E080] =	vst v63  }
0x70: {  	p2 =	sne.s32 s13, $0x4800;
	_ =	swait.ge [sflag:s29], $0x3E80  }
0x71: {  	[sflag:s29] =	ssyncset.done $0x0  }
0x72: {  	s13 =	sadd.s32 $0x14C80, s8;
	[sflag:s29] =	ssyncadd.s32 $0xFFFFC180  }
0x73: {  	[spmem:s1] =	stream.indirect.scatter.add.f32 [tilespmem:s26], [sflag:$0x3], $0x80, s13, s25, $0xb8;
	[tilespmem:$0x1E080] =	vst v63  }
0x74: {  	_ =	swait.ge [sflag:s23], $0x3E80  }
0x75: {  	[sflag:s23] =	ssyncset.done $0x0  }
0x76: {  	s13 =	sadd.s32 $0x13980, s8;
	[sflag:s23] =	ssyncadd.s32 $0xFFFFC180  }
0x77: {  	[tilespmem:s26], [sflag:$0x1] =	stream.indirect.gather [hbm4b:s15+s25], $0x80, s13, s25, $0xb8;
	[tilespmem:$0x1E080] =	vst v63  }
0x78: {  	_ =	swait.ge [sflag:s30], $0x3E80  }
.Ltmp3:
0x79: {  	[sflag:s30] =	ssyncset.done $0x0;
	(pc) =	sbr.rel @p2 .LBB2_8-.Ltmp3, $4  }
0x7a: {  	s8 =	sadd.s32 $0x14D00, s8;
	[sflag:s30] =	ssyncadd.s32 $0xFFFFC180  }
0x7b: {  	[spmem:s1] =	stream.indirect.scatter.add.f32 [tilespmem:s28], [sflag:$0x3], $0x80, s8, s25, $0xb8;
	[tilespmem:$0x1E080] =	vst v63  }
0x7c: {  	_ =	swait.ge [sflag:s23], $0x3E80  }
0x7d: {  	s13 =	smov.u32 s20;
	s8 =	sshra.s32 s18, $0x2;
	[sflag:s23] =	ssyncset.done $0x0  }
0x7e: {  	s13 =	sadd.s32 $0x13900, s8;
	[sflag:s23] =	ssyncadd.s32 $0xFFFFC180  }
0x7f: {  	[tilespmem:s28], [sflag:$0x2] =	stream.indirect.gather [hbm4b:s15+s25], $0x80, s13, s25, $0xb8;
	[tilespmem:$0x1E080] =	vst v63  }
0x80: {  	_ =	swait.ge [sflag:s29], $0x3E80  }
0x81: {  	[sflag:s29] =	ssyncset.done $0x0  }
0x82: {  	s20 =	sadd.s32 $0x14C80, s8;
	[sflag:s29] =	ssyncadd.s32 $0xFFFFC180  }
0x83: {  	[spmem:s1] =	stream.indirect.scatter.add.f32 [tilespmem:s26], [sflag:$0x3], $0x80, s20, s25, $0xb8;
	[tilespmem:$0x1E080] =	vst v63  }
0x84: {  	_ =	swait.ge [sflag:s23], $0x3E80  }
0x85: {  	[sflag:s23] =	ssyncset.done $0x0  }
0x86: {  	s14 =	sadd.s32 $0x13980, s8;
	[sflag:s23] =	ssyncadd.s32 $0xFFFFC180  }
0x87: {  	[tilespmem:s26], [sflag:$0x1] =	stream.indirect.gather [hbm4b:s15+s25], $0x80, s14, s25, $0xb8;
	[tilespmem:$0x1E080] =	vst v63  }
0x88: {  	_ =	swait.ge [sflag:s30], $0x3E80  }
0x89: {  	[sflag:s30] =	ssyncset.done $0x0  }
0x8a: {  	s18 =	sadd.s32 $0x14D00, s8;
	[sflag:s30] =	ssyncadd.s32 $0xFFFFC180  }
0x8b: {  	[spmem:s1] =	stream.indirect.scatter.add.f32 [tilespmem:s28], [sflag:$0x3], $0x80, s18, s25, $0xb8;
	[tilespmem:$0x1E080] =	vst v63  }
0x8c: {  	_ =	swait.ge [sflag:s23], $0x3E80  }
0x8d: {  	[sflag:s23] =	ssyncset.done $0x0  }
0x8e: {  	[sflag:s23] =	ssyncadd.s32 $0xFFFFC180  }
0x8f: {  	[tilespmem:s28], [sflag:$0x2] =	stream.indirect.gather [hbm4b:s15+s25], $0x80, s31, s25, $0xb8;
	[tilespmem:$0x1E080] =	vst v63  }
0x90: {  	_ =	swait.ge [sflag:s29], $0x3E80  }
0x91: {  	[sflag:s29] =	ssyncset.done $0x0  }
0x92: {  	[sflag:s29] =	ssyncadd.s32 $0xFFFFC180  }
0x93: {  	[spmem:s1] =	stream.indirect.scatter.add.f32 [tilespmem:s26], [sflag:$0x3], $0x80, s0, s25, $0xb8;
	[tilespmem:$0x1E080] =	vst v63  }
0x94: {  	_ =	swait.ge [sflag:s23], $0x3E80  }
0x95: {  	[sflag:s23] =	ssyncset.done $0x0  }
0x96: {  	[sflag:s23] =	ssyncadd.s32 $0xFFFFC180  }
0x97: {  	_ =	swait.ge [sflag:s30], $0x3E80  }
0x98: {  	[sflag:s30] =	ssyncset.done $0x0  }
0x99: {  	[sflag:s30] =	ssyncadd.s32 $0xFFFFC180  }
0x9a: {  	[spmem:s1] =	stream.indirect.scatter.add.f32 [tilespmem:s28], [sflag:$0x3], $0x80, s2, s25, $0xb8;
	[tilespmem:$0x1E080] =	vst v63  }
0x9b: {  	_ =	swait.ge [sflag:s23], $0x3E80  }
0x9c: {  	[sflag:s23] =	ssyncset.done $0x0  }
0x9d: {  	s20 =	simm.s32 $0x0;
	[sflag:s23] =	ssyncadd.s32 $0xFFFFC180  }
0x9e: {  	[tilespmem:s22], [sflag:$0x3] =	stream.linear.gather [hbm4b:s11+s20], $0x1400, $0x38;
	[tilespmem:$0x1E080] =	vst v63  }
0x9f: {  	_ =	swait.ge [sflag:s23], $0x1400  }
0xa0: {  	[sflag:s23] =	ssyncset.done $0x0  }
0xa1: {  	[sflag:s23] =	ssyncadd.s32 $0xFFFFEC00  }
0xa2: {  	[tilespmem:s24], [sflag:$0x3] =	stream.linear.gather [hbm4b:s12+s20], $0x1400, $0x38;
	[tilespmem:$0x1E080] =	vst v63  }
0xa3: {  	_ =	swait.ge [sflag:s23], $0x1400  }
0xa4: {  	[sflag:s23] =	ssyncset.done $0x0  }
0xa5: {  	[sflag:s23] =	ssyncadd.s32 $0xFFFFEC00  }
0xa6: {  	[tilespmem:s26], [sflag:$0x1] =	stream.indirect.gather [hbm4b:s15+s25], $0x80, s22, s25, $0xb8;
	[tilespmem:$0x1E080] =	vst v63  }
0xa7: {  	s13 =	simm.s32 $0x13900  }
0xa8: {  	[tilespmem:s28], [sflag:$0x2] =	stream.indirect.gather [hbm4b:s15+s25], $0x80, s13, s25, $0xb8;
	[tilespmem:$0x1E080] =	vst v63  }
0xa9: {  	_ =	swait.ge [sflag:s29], $0x3E80  }
0xaa: {  	[sflag:s29] =	ssyncset.done $0x0  }
0xab: {  	s14 =	simm.s32 $0x14C80;
	[sflag:s29] =	ssyncadd.s32 $0xFFFFC180  }
0xac: {  	[spmem:s1] =	stream.indirect.scatter.add.f32 [tilespmem:s26], [sflag:$0x3], $0x80, s14, s25, $0xb8;
	[tilespmem:$0x1E080] =	vst v63  }
0xad: {  	_ =	swait.ge [sflag:s23], $0x3E80  }
0xae: {  	[sflag:s23] =	ssyncset.done $0x0  }
0xaf: {  	s18 =	simm.s32 $0x13980;
	[sflag:s23] =	ssyncadd.s32 $0xFFFFC180  }
0xb0: {  	[tilespmem:s26], [sflag:$0x1] =	stream.indirect.gather [hbm4b:s15+s25], $0x80, s18, s25, $0xb8;
	[tilespmem:$0x1E080] =	vst v63  }
0xb1: {  	_ =	swait.ge [sflag:s30], $0x3E80  }
0xb2: {  	[sflag:s30] =	ssyncset.done $0x0  }
0xb3: {  	s20 =	simm.s32 $0x14D00;
	[sflag:s30] =	ssyncadd.s32 $0xFFFFC180  }
0xb4: {  	[spmem:s1] =	stream.indirect.scatter.add.f32 [tilespmem:s28], [sflag:$0x3], $0x80, s20, s25, $0xb8;
	[tilespmem:$0x1E080] =	vst v63  }
0xb5: {  	_ =	swait.ge [sflag:s23], $0x3E80  }
0xb6: {  	s8 =	simm.s32 $0x100;
	s13 =	simm.s32 $0x800;
	[sflag:s23] =	ssyncset.done $0x0  }
.LBB2_10:
0xb7: {  	s14 =	sadd.s32 $0x13900, s8  }
0xb8: {  	[sflag:s23] =	ssyncadd.s32 $0xFFFFC180;
	s18 =	smov.u32 s13;
	s20 =	sadd.s32 $0x400, s13  }
0xb9: {  	[tilespmem:s28], [sflag:$0x2] =	stream.indirect.gather [hbm4b:s15+s25], $0x80, s14, s25, $0xb8;
	[tilespmem:$0x1E080] =	vst v63  }
0xba: {  	p2 =	sne.s32 s13, $0x4800;
	_ =	swait.ge [sflag:s29], $0x3E80  }
0xbb: {  	[sflag:s29] =	ssyncset.done $0x0  }
0xbc: {  	s13 =	sadd.s32 $0x14C80, s8;
	[sflag:s29] =	ssyncadd.s32 $0xFFFFC180  }
0xbd: {  	[spmem:s1] =	stream.indirect.scatter.add.f32 [tilespmem:s26], [sflag:$0x3], $0x80, s13, s25, $0xb8;
	[tilespmem:$0x1E080] =	vst v63  }
0xbe: {  	_ =	swait.ge [sflag:s23], $0x3E80  }
0xbf: {  	[sflag:s23] =	ssyncset.done $0x0  }
0xc0: {  	s13 =	sadd.s32 $0x13980, s8;
	[sflag:s23] =	ssyncadd.s32 $0xFFFFC180  }
0xc1: {  	[tilespmem:s26], [sflag:$0x1] =	stream.indirect.gather [hbm4b:s15+s25], $0x80, s13, s25, $0xb8;
	[tilespmem:$0x1E080] =	vst v63  }
0xc2: {  	_ =	swait.ge [sflag:s30], $0x3E80  }
.Ltmp4:
0xc3: {  	[sflag:s30] =	ssyncset.done $0x0;
	(pc) =	sbr.rel @p2 .LBB2_10-.Ltmp4, $4  }
0xc4: {  	s8 =	sadd.s32 $0x14D00, s8;
	[sflag:s30] =	ssyncadd.s32 $0xFFFFC180  }
0xc5: {  	[spmem:s1] =	stream.indirect.scatter.add.f32 [tilespmem:s28], [sflag:$0x3], $0x80, s8, s25, $0xb8;
	[tilespmem:$0x1E080] =	vst v63  }
0xc6: {  	_ =	swait.ge [sflag:s23], $0x3E80  }
0xc7: {  	s13 =	smov.u32 s20;
	s8 =	sshra.s32 s18, $0x2;
	[sflag:s23] =	ssyncset.done $0x0  }
.Ltmp5:
0xc8: {  	_ = 	snop;
	(pc) =	sbr.rel .LBB2_11-.Ltmp5, $1  }
0xc9: {  	_ =	sdelay $0x3  }
.LBB2_2:
0xca: {  	s8 =	simm.s32 @p1 $0x1FC3;
	s13 =	rddreg [dreg:$0x4]  }
0xcb: {  	[spmem:s19], [sflag:s8] =	dma.local @p1 [hbm:s13], $0x2800  }
0xcc: {  	s8 =	simm.s32 @p1 $0x3  }
0xcd: {  	_ =	swait.ge @p1 [sflag:s8], $0x2800  }
0xce: {  	[sflag:s8] =	ssyncset.done @p1 $0x0  }
0xcf: {  	[sflag:s8] =	ssyncadd.s32 @p1 $0xFFFFD800;
	s8 =	rddreg [dreg:$0x3]  }
0xd0: {  	[spmem:s7], [sflag:s21] =	dma.local @!p1 [hbm:s8], $0x2700  }
0xd1: {  	s8 =	simm.s32 @!p1 $0x3  }
0xd2: {  	_ =	swait.ge @!p1 [sflag:s8], $0x2700  }
0xd3: {  	[sflag:s8] =	ssyncset.done @!p1 $0x0  }
0xd4: {  	[sflag:s8] =	ssyncadd.s32 @!p1 $0xFFFFD900  }
0xd5: {  	s20 =	simm.s32 $0x0;
	[bflag:$0x0] =	sbarrier.arrive $0xFFFF  }
0xd6: {  	[tilespmem:s22], [sflag:$0x3] =	stream.linear.gather [hbm4b:s9+s20], $0x1400, $0x38;
	[tilespmem:$0x1E080] =	vst v63  }
0xd7: {  	_ =	swait.ge [sflag:s23], $0x1400  }
0xd8: {  	[sflag:s23] =	ssyncset.done $0x0  }
0xd9: {  	[sflag:s23] =	ssyncadd.s32 $0xFFFFEC00  }
0xda: {  	[tilespmem:s24], [sflag:$0x3] =	stream.linear.gather [hbm4b:s10+s20], $0x1400, $0x38;
	[tilespmem:$0x1E080] =	vst v63  }
0xdb: {  	_ =	swait.ge [sflag:s23], $0x1400  }
0xdc: {  	[sflag:s23] =	ssyncset.done $0x0  }
0xdd: {  	[sflag:s23] =	ssyncadd.s32 $0xFFFFEC00  }
0xde: {  	[tilespmem:s26], [sflag:$0x1] =	stream.indirect.gather [hbm4b:s4+s25], $0x80, s22, s25, $0xb8;
	[tilespmem:$0x1E080] =	vst v63  }
0xdf: {  	s13 =	simm.s32 $0x13900  }
0xe0: {  	[tilespmem:s28], [sflag:$0x2] =	stream.indirect.gather [hbm4b:s4+s25], $0x80, s13, s25, $0xb8;
	[tilespmem:$0x1E080] =	vst v63  }
0xe1: {  	_ =	swait.ge [sflag:s29], $0x3E80  }
0xe2: {  	[sflag:s29] =	ssyncset.done $0x0  }
0xe3: {  	s14 =	simm.s32 $0x14C80;
	[sflag:s29] =	ssyncadd.s32 $0xFFFFC180  }
0xe4: {  	[spmem:s1] =	stream.indirect.scatter.add.f32 [tilespmem:s26], [sflag:$0x3], $0x80, s14, s25, $0xb8;
	[tilespmem:$0x1E080] =	vst v63  }
0xe5: {  	_ =	swait.ge [sflag:s23], $0x3E80  }
0xe6: {  	[sflag:s23] =	ssyncset.done $0x0  }
0xe7: {  	s18 =	simm.s32 $0x13980;
	[sflag:s23] =	ssyncadd.s32 $0xFFFFC180  }
0xe8: {  	[tilespmem:s26], [sflag:$0x1] =	stream.indirect.gather [hbm4b:s4+s25], $0x80, s18, s25, $0xb8;
	[tilespmem:$0x1E080] =	vst v63  }
0xe9: {  	_ =	swait.ge [sflag:s30], $0x3E80  }
0xea: {  	[sflag:s30] =	ssyncset.done $0x0  }
0xeb: {  	s20 =	simm.s32 $0x14D00;
	[sflag:s30] =	ssyncadd.s32 $0xFFFFC180  }
0xec: {  	[spmem:s1] =	stream.indirect.scatter.add.f32 [tilespmem:s28], [sflag:$0x3], $0x80, s20, s25, $0xb8;
	[tilespmem:$0x1E080] =	vst v63  }
0xed: {  	_ =	swait.ge [sflag:s23], $0x3E80  }
0xee: {  	s8 =	simm.s32 $0x100;
	s13 =	simm.s32 $0x800;
	[sflag:s23] =	ssyncset.done $0x0  }
.LBB2_3:
0xef: {  	s14 =	sadd.s32 $0x13900, s8  }
0xf0: {  	[sflag:s23] =	ssyncadd.s32 $0xFFFFC180;
	s18 =	smov.u32 s13;
	s20 =	sadd.s32 $0x400, s13  }
0xf1: {  	[tilespmem:s28], [sflag:$0x2] =	stream.indirect.gather [hbm4b:s4+s25], $0x80, s14, s25, $0xb8;
	[tilespmem:$0x1E080] =	vst v63  }
0xf2: {  	p2 =	sne.s32 s13, $0x4800;
	_ =	swait.ge [sflag:s29], $0x3E80  }
0xf3: {  	[sflag:s29] =	ssyncset.done $0x0  }
0xf4: {  	s13 =	sadd.s32 $0x14C80, s8;
	[sflag:s29] =	ssyncadd.s32 $0xFFFFC180  }
0xf5: {  	[spmem:s1] =	stream.indirect.scatter.add.f32 [tilespmem:s26], [sflag:$0x3], $0x80, s13, s25, $0xb8;
	[tilespmem:$0x1E080] =	vst v63  }
0xf6: {  	_ =	swait.ge [sflag:s23], $0x3E80  }
0xf7: {  	[sflag:s23] =	ssyncset.done $0x0  }
0xf8: {  	s13 =	sadd.s32 $0x13980, s8;
	[sflag:s23] =	ssyncadd.s32 $0xFFFFC180  }
0xf9: {  	[tilespmem:s26], [sflag:$0x1] =	stream.indirect.gather [hbm4b:s4+s25], $0x80, s13, s25, $0xb8;
	[tilespmem:$0x1E080] =	vst v63  }
0xfa: {  	_ =	swait.ge [sflag:s30], $0x3E80  }
.Ltmp6:
0xfb: {  	[sflag:s30] =	ssyncset.done $0x0;
	(pc) =	sbr.rel @p2 .LBB2_3-.Ltmp6, $4  }
0xfc: {  	s8 =	sadd.s32 $0x14D00, s8;
	[sflag:s30] =	ssyncadd.s32 $0xFFFFC180  }
0xfd: {  	[spmem:s1] =	stream.indirect.scatter.add.f32 [tilespmem:s28], [sflag:$0x3], $0x80, s8, s25, $0xb8;
	[tilespmem:$0x1E080] =	vst v63  }
0xfe: {  	_ =	swait.ge [sflag:s23], $0x3E80  }
0xff: {  	s13 =	smov.u32 s20;
	s8 =	sshra.s32 s18, $0x2;
	[sflag:s23] =	ssyncset.done $0x0  }
0x100: {  	s13 =	sadd.s32 $0x13900, s8;
	[sflag:s23] =	ssyncadd.s32 $0xFFFFC180  }
0x101: {  	[tilespmem:s28], [sflag:$0x2] =	stream.indirect.gather [hbm4b:s4+s25], $0x80, s13, s25, $0xb8;
	[tilespmem:$0x1E080] =	vst v63  }
0x102: {  	_ =	swait.ge [sflag:s29], $0x3E80  }
0x103: {  	[sflag:s29] =	ssyncset.done $0x0  }
0x104: {  	s20 =	sadd.s32 $0x14C80, s8;
	[sflag:s29] =	ssyncadd.s32 $0xFFFFC180  }
0x105: {  	[spmem:s1] =	stream.indirect.scatter.add.f32 [tilespmem:s26], [sflag:$0x3], $0x80, s20, s25, $0xb8;
	[tilespmem:$0x1E080] =	vst v63  }
0x106: {  	_ =	swait.ge [sflag:s23], $0x3E80  }
0x107: {  	[sflag:s23] =	ssyncset.done $0x0  }
0x108: {  	s14 =	sadd.s32 $0x13980, s8;
	[sflag:s23] =	ssyncadd.s32 $0xFFFFC180  }
0x109: {  	[tilespmem:s26], [sflag:$0x1] =	stream.indirect.gather [hbm4b:s4+s25], $0x80, s14, s25, $0xb8;
	[tilespmem:$0x1E080] =	vst v63  }
0x10a: {  	_ =	swait.ge [sflag:s30], $0x3E80  }
0x10b: {  	[sflag:s30] =	ssyncset.done $0x0  }
0x10c: {  	s18 =	sadd.s32 $0x14D00, s8;
	[sflag:s30] =	ssyncadd.s32 $0xFFFFC180  }
0x10d: {  	[spmem:s1] =	stream.indirect.scatter.add.f32 [tilespmem:s28], [sflag:$0x3], $0x80, s18, s25, $0xb8;
	[tilespmem:$0x1E080] =	vst v63  }
0x10e: {  	_ =	swait.ge [sflag:s23], $0x3E80  }
0x10f: {  	[sflag:s23] =	ssyncset.done $0x0  }
0x110: {  	[sflag:s23] =	ssyncadd.s32 $0xFFFFC180  }
0x111: {  	[tilespmem:s28], [sflag:$0x2] =	stream.indirect.gather [hbm4b:s4+s25], $0x80, s31, s25, $0xb8;
	[tilespmem:$0x1E080] =	vst v63  }
0x112: {  	_ =	swait.ge [sflag:s29], $0x3E80  }
0x113: {  	[sflag:s29] =	ssyncset.done $0x0  }
0x114: {  	[sflag:s29] =	ssyncadd.s32 $0xFFFFC180  }
0x115: {  	[spmem:s1] =	stream.indirect.scatter.add.f32 [tilespmem:s26], [sflag:$0x3], $0x80, s0, s25, $0xb8;
	[tilespmem:$0x1E080] =	vst v63  }
0x116: {  	_ =	swait.ge [sflag:s23], $0x3E80  }
0x117: {  	[sflag:s23] =	ssyncset.done $0x0  }
0x118: {  	[sflag:s23] =	ssyncadd.s32 $0xFFFFC180  }
0x119: {  	_ =	swait.ge [sflag:s30], $0x3E80  }
0x11a: {  	[sflag:s30] =	ssyncset.done $0x0  }
0x11b: {  	[sflag:s30] =	ssyncadd.s32 $0xFFFFC180  }
0x11c: {  	[spmem:s1] =	stream.indirect.scatter.add.f32 [tilespmem:s28], [sflag:$0x3], $0x80, s2, s25, $0xb8;
	[tilespmem:$0x1E080] =	vst v63  }
0x11d: {  	_ =	swait.ge [sflag:s23], $0x3E80  }
0x11e: {  	[sflag:s23] =	ssyncset.done $0x0  }
0x11f: {  	s20 =	simm.s32 $0x0;
	[sflag:s23] =	ssyncadd.s32 $0xFFFFC180  }
0x120: {  	[tilespmem:s22], [sflag:$0x3] =	stream.linear.gather [hbm4b:s11+s20], $0x1400, $0x38;
	[tilespmem:$0x1E080] =	vst v63  }
0x121: {  	_ =	swait.ge [sflag:s23], $0x1400  }
0x122: {  	[sflag:s23] =	ssyncset.done $0x0  }
0x123: {  	[sflag:s23] =	ssyncadd.s32 $0xFFFFEC00  }
0x124: {  	[tilespmem:s24], [sflag:$0x3] =	stream.linear.gather [hbm4b:s12+s20], $0x1400, $0x38;
	[tilespmem:$0x1E080] =	vst v63  }
0x125: {  	_ =	swait.ge [sflag:s23], $0x1400  }
0x126: {  	[sflag:s23] =	ssyncset.done $0x0  }
0x127: {  	[sflag:s23] =	ssyncadd.s32 $0xFFFFEC00  }
0x128: {  	[tilespmem:s26], [sflag:$0x1] =	stream.indirect.gather [hbm4b:s4+s25], $0x80, s22, s25, $0xb8;
	[tilespmem:$0x1E080] =	vst v63  }
0x129: {  	s13 =	simm.s32 $0x13900  }
0x12a: {  	[tilespmem:s28], [sflag:$0x2] =	stream.indirect.gather [hbm4b:s4+s25], $0x80, s13, s25, $0xb8;
	[tilespmem:$0x1E080] =	vst v63  }
0x12b: {  	_ =	swait.ge [sflag:s29], $0x3E80  }
0x12c: {  	[sflag:s29] =	ssyncset.done $0x0  }
0x12d: {  	s14 =	simm.s32 $0x14C80;
	[sflag:s29] =	ssyncadd.s32 $0xFFFFC180  }
0x12e: {  	[spmem:s1] =	stream.indirect.scatter.add.f32 [tilespmem:s26], [sflag:$0x3], $0x80, s14, s25, $0xb8;
	[tilespmem:$0x1E080] =	vst v63  }
0x12f: {  	_ =	swait.ge [sflag:s23], $0x3E80  }
0x130: {  	[sflag:s23] =	ssyncset.done $0x0  }
0x131: {  	s18 =	simm.s32 $0x13980;
	[sflag:s23] =	ssyncadd.s32 $0xFFFFC180  }
0x132: {  	[tilespmem:s26], [sflag:$0x1] =	stream.indirect.gather [hbm4b:s4+s25], $0x80, s18, s25, $0xb8;
	[tilespmem:$0x1E080] =	vst v63  }
0x133: {  	_ =	swait.ge [sflag:s30], $0x3E80  }
0x134: {  	[sflag:s30] =	ssyncset.done $0x0  }
0x135: {  	s20 =	simm.s32 $0x14D00;
	[sflag:s30] =	ssyncadd.s32 $0xFFFFC180  }
0x136: {  	[spmem:s1] =	stream.indirect.scatter.add.f32 [tilespmem:s28], [sflag:$0x3], $0x80, s20, s25, $0xb8;
	[tilespmem:$0x1E080] =	vst v63  }
0x137: {  	_ =	swait.ge [sflag:s23], $0x3E80  }
0x138: {  	s8 =	simm.s32 $0x100;
	s13 =	simm.s32 $0x800;
	[sflag:s23] =	ssyncset.done $0x0  }
.LBB2_5:
0x139: {  	s14 =	sadd.s32 $0x13900, s8  }
0x13a: {  	[sflag:s23] =	ssyncadd.s32 $0xFFFFC180;
	s18 =	smov.u32 s13;
	s20 =	sadd.s32 $0x400, s13  }
0x13b: {  	[tilespmem:s28], [sflag:$0x2] =	stream.indirect.gather [hbm4b:s4+s25], $0x80, s14, s25, $0xb8;
	[tilespmem:$0x1E080] =	vst v63  }
0x13c: {  	p2 =	sne.s32 s13, $0x4800;
	_ =	swait.ge [sflag:s29], $0x3E80  }
0x13d: {  	[sflag:s29] =	ssyncset.done $0x0  }
0x13e: {  	s13 =	sadd.s32 $0x14C80, s8;
	[sflag:s29] =	ssyncadd.s32 $0xFFFFC180  }
0x13f: {  	[spmem:s1] =	stream.indirect.scatter.add.f32 [tilespmem:s26], [sflag:$0x3], $0x80, s13, s25, $0xb8;
	[tilespmem:$0x1E080] =	vst v63  }
0x140: {  	_ =	swait.ge [sflag:s23], $0x3E80  }
0x141: {  	[sflag:s23] =	ssyncset.done $0x0  }
0x142: {  	s13 =	sadd.s32 $0x13980, s8;
	[sflag:s23] =	ssyncadd.s32 $0xFFFFC180  }
0x143: {  	[tilespmem:s26], [sflag:$0x1] =	stream.indirect.gather [hbm4b:s4+s25], $0x80, s13, s25, $0xb8;
	[tilespmem:$0x1E080] =	vst v63  }
0x144: {  	_ =	swait.ge [sflag:s30], $0x3E80  }
.Ltmp7:
0x145: {  	[sflag:s30] =	ssyncset.done $0x0;
	(pc) =	sbr.rel @p2 .LBB2_5-.Ltmp7, $4  }
0x146: {  	s8 =	sadd.s32 $0x14D00, s8;
	[sflag:s30] =	ssyncadd.s32 $0xFFFFC180  }
0x147: {  	[spmem:s1] =	stream.indirect.scatter.add.f32 [tilespmem:s28], [sflag:$0x3], $0x80, s8, s25, $0xb8;
	[tilespmem:$0x1E080] =	vst v63  }
0x148: {  	_ =	swait.ge [sflag:s23], $0x3E80  }
0x149: {  	s13 =	smov.u32 s20;
	s8 =	sshra.s32 s18, $0x2;
	[sflag:s23] =	ssyncset.done $0x0  }
0x14a: {  	s13 =	sadd.s32 $0x13900, s8;
	[sflag:s23] =	ssyncadd.s32 $0xFFFFC180  }
0x14b: {  	[tilespmem:s28], [sflag:$0x2] =	stream.indirect.gather [hbm4b:s4+s25], $0x80, s13, s25, $0xb8;
	[tilespmem:$0x1E080] =	vst v63  }
0x14c: {  	_ =	swait.ge [sflag:s29], $0x3E80  }
0x14d: {  	[sflag:s29] =	ssyncset.done $0x0  }
0x14e: {  	s14 =	sadd.s32 $0x14C80, s8;
	[sflag:s29] =	ssyncadd.s32 $0xFFFFC180  }
0x14f: {  	[spmem:s1] =	stream.indirect.scatter.add.f32 [tilespmem:s26], [sflag:$0x3], $0x80, s14, s25, $0xb8;
	[tilespmem:$0x1E080] =	vst v63  }
0x150: {  	_ =	swait.ge [sflag:s23], $0x3E80  }
0x151: {  	[sflag:s23] =	ssyncset.done $0x0  }
0x152: {  	s18 =	sadd.s32 $0x13980, s8;
	[sflag:s23] =	ssyncadd.s32 $0xFFFFC180  }
0x153: {  	[tilespmem:s26], [sflag:$0x1] =	stream.indirect.gather [hbm4b:s4+s25], $0x80, s18, s25, $0xb8;
	[tilespmem:$0x1E080] =	vst v63  }
0x154: {  	_ =	swait.ge [sflag:s30], $0x3E80  }
0x155: {  	[sflag:s30] =	ssyncset.done $0x0  }
0x156: {  	s20 =	sadd.s32 $0x14D00, s8;
	[sflag:s30] =	ssyncadd.s32 $0xFFFFC180  }
0x157: {  	[spmem:s1] =	stream.indirect.scatter.add.f32 [tilespmem:s28], [sflag:$0x3], $0x80, s20, s25, $0xb8;
	[tilespmem:$0x1E080] =	vst v63  }
0x158: {  	_ =	swait.ge [sflag:s23], $0x3E80  }
0x159: {  	[sflag:s23] =	ssyncset.done $0x0  }
0x15a: {  	[sflag:s23] =	ssyncadd.s32 $0xFFFFC180  }
0x15b: {  	[tilespmem:s28], [sflag:$0x2] =	stream.indirect.gather [hbm4b:s4+s25], $0x80, s31, s25, $0xb8;
	[tilespmem:$0x1E080] =	vst v63  }
0x15c: {  	_ =	swait.ge [sflag:s29], $0x3E80  }
0x15d: {  	[sflag:s29] =	ssyncset.done $0x0  }
0x15e: {  	[sflag:s29] =	ssyncadd.s32 $0xFFFFC180  }
0x15f: {  	[spmem:s1] =	stream.indirect.scatter.add.f32 [tilespmem:s26], [sflag:$0x3], $0x80, s0, s25, $0xb8;
	[tilespmem:$0x1E080] =	vst v63  }
0x160: {  	_ =	swait.ge [sflag:s23], $0x3E80  }
0x161: {  	[sflag:s23] =	ssyncset.done $0x0  }
0x162: {  	[sflag:s23] =	ssyncadd.s32 $0xFFFFC180  }
0x163: {  	_ =	swait.ge [sflag:s30], $0x3E80  }
0x164: {  	[sflag:s30] =	ssyncset.done $0x0  }
0x165: {  	[sflag:s30] =	ssyncadd.s32 $0xFFFFC180  }
0x166: {  	[spmem:s1] =	stream.indirect.scatter.add.f32 [tilespmem:s28], [sflag:$0x3], $0x80, s2, s25, $0xb8;
	[tilespmem:$0x1E080] =	vst v63  }
0x167: {  	_ =	swait.ge [sflag:s23], $0x3E80  }
0x168: {  	[sflag:s23] =	ssyncset.done $0x0  }
0x169: {  	[sflag:s23] =	ssyncadd.s32 $0xFFFFC180  }
0x16a: {  	[bflag:$0x0] =	sbarrier.arrive $0xFFFF  }
0x16b: {  	s8 =	simm.s32 @p1 $0x1FC3;
	s13 =	rddreg [dreg:$0x6]  }
0x16c: {  	[hbm:s13], [sflag:s8] =	dma.local @p1 [spmem:s19], $0x2800  }
0x16d: {  	s8 =	simm.s32 @p1 $0x3  }
0x16e: {  	_ =	swait.ge @p1 [sflag:s8], $0x2800  }
0x16f: {  	[sflag:s8] =	ssyncset.done @p1 $0x0  }
0x170: {  	[sflag:s8] =	ssyncadd.s32 @p1 $0xFFFFD800;
	s8 =	rddreg [dreg:$0x5]  }
0x171: {  	[hbm:s8], [sflag:s21] =	dma.local @!p1 [spmem:s7], $0x2700  }
.Ltmp8:
0x172: {  	_ = 	snop;
	(pc) =	sbr.rel .LBB2_12-.Ltmp8, $4  }
0x173: {  	s7 =	simm.s32 @!p1 $0x3  }
0x174: {  	_ =	swait.ge @!p1 [sflag:s7], $0x2700  }
0x175: {  	[sflag:s7] =	ssyncset.done @!p1 $0x0  }
0x176: {  	[sflag:s7] =	ssyncadd.s32 @!p1 $0xFFFFD900  }
.LBB2_13:
0x177: {  	_ =	sfence.sel $0x180000  }
0x178: {  	[bflag:$0x0] =	sbarrier.arrive $0xFFFF  }
0x179: {  	_ =	strace $0x9000004A  }
0x17a: {  	s0 =	stileid.u32;
	[bflag:$0x2] =	sbarrier.arrive $0xFFFF  }
0x17b: {  	p0 =	sne.s32 s0, $0x0;
	s0 =	rddreg [dreg:$0x2]  }
0x17c: {  	s0 =	sadd.s32 @!p0 $0x100000, s0  }
0x17d: {  	[sflag:s0] =	ssyncadd.tile.s32 @!p0 $0x1;
	_ =	shalt  }
.Lfunc_end2:
_tile_overlayer_lowered:
.L_overlay_start_2:
0x17e: {  	(tag) =	ssettag $0x2  }
0x17f: {  	s0 =	rddreg [dreg:$0x0];
	s2 =	stileid.u32  }
0x180: {  	s1 =	rddreg [dreg:$0x1];
	p0 =	sne.s32 s2, $0x0  }
0x181: {  	s3 =	rddreg [dreg:$0x2];
	[bflag:$0x3] =	sbarrier.arrive $0xFFFF;
	s2 =	simm.s32 @!p0 $0x1C03  }
0x182: {  	[timem:s3], [sflag:s2] =	dma.local @!p0 [hbm:s0], s1  }
0x183: {  	s0 =	simm.s32 @!p0 $0x3  }
0x184: {  	_ =	swait.ge @!p0 [sflag:s0], s1  }
0x185: {  	s1 =	ssub.s32 @!p0 $0x0, s1;
	[sflag:s0] =	ssyncset.done @!p0 $0x0  }
0x186: {  	[sflag:s0] =	ssyncadd.s32 @!p0 s1  }
0x187: {  	[bflag:$0x3] =	sbarrier.arrive $0xFFFF  }
0x188: {  	_ =	shalt  }

// kernel: kernel.14.cloned.1.call-start
scs
__scs_entry_jumppad:
0x0: {  	(pc) =	sbr.rel $0x88, $3  }
0x1: {  	(tag) =	ssettag $0x0;
	lr =	simm.s32 $0x1  }
0x2: {  	[smem:$0x3F98] =	sst lr;
	_ =	strace $0xD0000000  }
0x3: {  	_ = 	snop  }
0x4: {  	_ = 	snop  }
0x5: {  	_ = 	snop  }
0x6: {  	_ = 	snop  }
0x7: {  	_ = 	snop  }
__scs_overlays_trampoline_lowered:
0x8: {  	[smem:$0x3FA7] =	sst s0  }
0x9: {  	[smem:$0x3FA8] =	sst s1  }
0xa: {  	[smem:$0x3FA9] =	sst s2  }
0xb: {  	[smem:$0x3FAA] =	sst s3  }
0xc: {  	[smem:$0x3FAB] =	sst s4  }
0xd: {  	[smem:$0x3FAC] =	sst s5  }
0xe: {  	[smem:$0x3FAD] =	sst s6  }
0xf: {  	[smem:$0x3FAE] =	sst s7  }
0x10: {  	[smem:$0x3FAF] =	sst s8  }
0x11: {  	[smem:$0x3FB0] =	sst s9;
	s0 =	simm.s32 @!p0 $0x0  }
0x12: {  	s1 =	sld [smem:$0x3F96];
	s0 =	simm.s32 @p0 $0x1  }
0x13: {  	[smem:$0x3FB1] =	sst s0;
	s0 =	simm.s32 @!p1 $0x0  }
0x14: {  	s2 =	sld [smem:$0x3F95];
	s0 =	simm.s32 @p1 $0x1  }
0x15: {  	[smem:$0x3FB2] =	sst s0;
	s0 =	simm.s32 @!p2 $0x0  }
0x16: {  	s3 =	sld [smem:$0x3FDB];
	s0 =	simm.s32 @p2 $0x1  }
0x17: {  	s4 =	simm.s32 $0x1BF5;
	[smem:$0x3FB4] =	sst s0  }
0x18: {  	s0 =	sld [smem:$0x3F97];
	_ =	swait.ge [sflag:s4], $0x0  }
0x19: {  	s7 =	sld [smem:$0x3F98]  }
0x1a: {  	s8 =	sadd.s32 $0xFFFFE003, lr  }
0x1b: {  	s9 =	sadd.s32 $0xFFFFFEF7, lr;
	s5 =	simm.s32 $0xFFFFFFFF;
	p2 =	slt.u32 s8, $0xFFFFF086  }
0x1c: {  	p1 =	slt.u32 s9, $0xF7A;
	s5 =	simm.s32 @!p2 $0x0  }
0x1d: {  	s5 =	simm.s32 @p1 $0x1;
	p0 =	seq.s32 s7, s2  }
0x1e: {  	s7 =	smul.u32 @!p0 $0xF7A, s2;
	p2 =	seq.s32 @!p0 s5, $0x0  }
0x1f: {  	s9 =	smul.u32 $0xF7A, s1;
	s8 =	simm.s32 @!p0 $0x1BF5;
	p2 =	por !p2, p0  }
0x20: {  	[sflag:s8] =	ssyncset.s32 @!p0 $0xFFFFF086;
	s6 =	sadd.s32 @!p0 s3, s7;
	s7 =	simm.s32 @!p0 $0x108  }
0x21: {  	s3 =	sadd.s32 s3, s9;
	s6 =	sadd.s32 @!p0 $0x88, s6;
	s7 =	simm.s32 @p2 $0x1082  }
0x22: {  	[simem:s7], [sflag:s8] =	dma.local @!p0 [hbm:s6], $0xF7A  }
0x23: {  	s9 =	sor.u32 $0xD0000000, s2;
	s6 =	simm.s32 $0x108;
	_ =	swait.ge @!p0 [sflag:s8], $0x0  }
0x24: {  	s3 =	sadd.s32 $0x88, s3;
	s6 =	simm.s32 @!p1 $0x1082;
	[sflag:s4] =	ssyncset.s32 $0xFFFFF086  }
0x25: {  	[simem:s6], [sflag:s4] =	dma.local [hbm:s3], $0xF7A  }
0x26: {  	[smem:$0x3F98] =	sst s1;
	(tag) =	ssettag s2;
	_ =	strace s9  }
0x27: {  	s1 =	sld [smem:$0x3FA8]  }
0x28: {  	s2 =	sld [smem:$0x3FA9]  }
0x29: {  	s4 =	sld [smem:$0x3FAB]  }
0x2a: {  	p0 =	seq.s32 s5, $0x0;
	s5 =	sld [smem:$0x3FAC]  }
0x2b: {  	s6 =	sld [smem:$0x3FAD]  }
0x2c: {  	s7 =	sld [smem:$0x3FAE]  }
0x2d: {  	s3 =	simm.s32 $0x108;
	s8 =	sld [smem:$0x3FAF]  }
0x2e: {  	s3 =	simm.s32 @!p0 $0x1082;
	s9 =	sld [smem:$0x3FB0]  }
0x2f: {  	lr =	sadd.s32 s0, s3;
	s0 =	sld [smem:$0x3FA7]  }
0x30: {  	s3 =	sld [smem:$0x3FAA]  }
0x31: {  	[smem:$0x3FB3] =	sst s10  }
0x32: {  	s10 =	sld [smem:$0x3FB1];
	_ =	sdelay $0x3  }
0x33: {  	p0 =	seq.s32 s10, $0x1;
	s10 =	sld [smem:$0x3FB3];
	_ =	sdelay $0x3  }
0x34: {  	[smem:$0x3FB3] =	sst s10  }
0x35: {  	s10 =	sld [smem:$0x3FB2];
	_ =	sdelay $0x3  }
0x36: {  	p1 =	seq.s32 s10, $0x1;
	s10 =	sld [smem:$0x3FB3];
	_ =	sdelay $0x3  }
0x37: {  	[smem:$0x3FB3] =	sst s10  }
0x38: {  	s10 =	sld [smem:$0x3FB4]  }
0x39: {  	_ = 	snop;
	(pc) =	sbr.ind lr, $3  }
0x3a: {  	_ = 	snop  }
0x3b: {  	_ = 	snop  }
0x3c: {  	p2 =	seq.s32 s10, $0x1;
	s10 =	sld [smem:$0x3FB3]  }
0x3d: {  	_ =	shalt  }
0x3e: {  	_ =	shalt  }
0x3f: {  	_ =	shalt  }
0x40: {  	_ =	shalt  }
0x41: {  	_ =	shalt  }
0x42: {  	_ =	shalt  }
0x43: {  	_ =	shalt  }
0x44: {  	_ =	shalt  }
0x45: {  	_ =	shalt  }
0x46: {  	_ =	shalt  }
0x47: {  	_ =	shalt  }
0x48: {  	_ =	shalt  }
0x49: {  	_ =	shalt  }
0x4a: {  	_ =	shalt  }
0x4b: {  	_ =	shalt  }
0x4c: {  	_ =	shalt  }
0x4d: {  	_ =	shalt  }
0x4e: {  	_ =	shalt  }
0x4f: {  	_ =	shalt  }
0x50: {  	_ =	shalt  }
0x51: {  	_ =	shalt  }
0x52: {  	_ =	shalt  }
0x53: {  	_ =	shalt  }
0x54: {  	_ =	shalt  }
0x55: {  	_ =	shalt  }
0x56: {  	_ =	shalt  }
0x57: {  	_ =	shalt  }
0x58: {  	_ =	shalt  }
0x59: {  	_ =	shalt  }
0x5a: {  	_ =	shalt  }
0x5b: {  	_ =	shalt  }
0x5c: {  	_ =	shalt  }
0x5d: {  	_ =	shalt  }
0x5e: {  	_ =	shalt  }
0x5f: {  	_ =	shalt  }
0x60: {  	_ =	shalt  }
0x61: {  	_ =	shalt  }
0x62: {  	_ =	shalt  }
0x63: {  	_ =	shalt  }
0x64: {  	_ =	shalt  }
0x65: {  	_ =	shalt  }
0x66: {  	_ =	shalt  }
0x67: {  	_ =	shalt  }
0x68: {  	_ =	shalt  }
0x69: {  	_ =	shalt  }
0x6a: {  	_ =	shalt  }
0x6b: {  	_ =	shalt  }
0x6c: {  	_ =	shalt  }
0x6d: {  	_ =	shalt  }
0x6e: {  	_ =	shalt  }
0x6f: {  	_ =	shalt  }
0x70: {  	_ =	shalt  }
0x71: {  	_ =	shalt  }
0x72: {  	_ =	shalt  }
0x73: {  	_ =	shalt  }
0x74: {  	_ =	shalt  }
0x75: {  	_ =	shalt  }
0x76: {  	_ =	shalt  }
0x77: {  	_ =	shalt  }
0x78: {  	_ =	shalt  }
0x79: {  	_ =	shalt  }
0x7a: {  	_ =	shalt  }
0x7b: {  	_ =	shalt  }
0x7c: {  	_ =	shalt  }
0x7d: {  	_ =	shalt  }
0x7e: {  	_ =	shalt  }
0x7f: {  	_ =	shalt  }
0x80: {  	_ =	shalt  }
0x81: {  	_ =	shalt  }
0x82: {  	_ =	shalt  }
0x83: {  	_ =	shalt  }
0x84: {  	_ =	shalt  }
0x85: {  	_ =	shalt  }
0x86: {  	_ =	shalt  }
0x87: {  	_ =	shalt  }
.Lfunc_end0:
.L_simem_size_0:
called_computation.2_lowered:
.L_overlay_start_0:
0x88: {  	s2 =	sld [smem:$0x3FD9]  }
0x89: {  	s3 =	sld [smem:$0x3FFE];
	_ =	sdelay $0x1  }
0x8a: {  	s1 =	srdreg.scid  }
0x8b: {  	s0 =	sand.u32 $0x1, s1  }
0x8c: {  	s16 =	sshll.u32 s0, $0xA;
	s2 =	sadd.s32 s3, s2  }
0x8d: {  	s2 =	sadd.s32 s2, s16  }
0x8e: {  	[smem:$0x3FBF] =	sst s2  }
0x8f: {  	_ = 	snop  }
0x90: {  	(tm) =	ssettm $0x1  }
0x91: {  	s17 =	sld [smem:$0x3FFB];
	_ =	sdelay $0x3  }
0x92: {  	_ =	strace s17  }
0x93: {  	s2 =	sld [smem:$0x3FFC];
	_ =	sdelay $0x3  }
0x94: {  	_ =	strace s2  }
0x95: {  	s2 =	sld [smem:$0x3FFD];
	_ =	sdelay $0x3  }
0x96: {  	_ =	strace s2  }
0x97: {  	_ =	strace $0x8FFFFFFF  }
0x98: {  	s18 =	sld [smem:$0x3FDB];
	_ =	sdelay $0x1  }
0x99: {  	s19 =	simm.s32 $_scs_section_size  }
0x9a: {  	s4 =	simm.s32 $_size__tile_overlayer_lowered;
	s5 =	simm.s32 $_tile_overlayer_lowered  }
0x9b: {  	s22 =	simm.s32 $0x1BFF;
	s21 =	sshll.u32 s5, $0x1;
	s2 =	sadd.s32 s19, s18  }
0x9c: {  	s6 =	simm.s32 $0x0;
	s20 =	sshll.u32 s4, $0x1;
	s4 =	sadd.s32 s21, s2  }
0x9d: {  	[timem:s6], [sflag:s22] =	dma.local [hbm:s4], s20  }
0x9e: {  	_ =	swait.ge [sflag:s22], s20  }
0x9f: {  	s3 =	ssub.s32 $0x0, s20;
	[sflag:s22] =	ssyncset.done $0x0  }
0xa0: {  	[sflag:s22] =	ssyncadd.s32 s3;
	_ =	sdelay $0x1  }
0xa1: {  	s23 =	simm.s32 $0x1B8B  }
0xa2: {  	_ =	swait.ge [sflag:s23], $0x1  }
0xa3: {  	[sflag:s23] =	ssyncset.done $0x0  }
0xa4: {  	s25 =	simm.s32 $0x1B8E;
	s24 =	sld [smem:$0x3FFE];
	[sflag:s23] =	ssyncadd.s32 $0xFFFFFFFF  }
0xa5: {  	s26 =	simm.s32 $execute0_lowered;
	[smem:$0x3FD2] =	sst s25  }
0xa6: {  	s4 =	sshll.u32 s26, $0x1;
	_ =	strace $0x8000004C;
	[dreg:$0x1] =	wrdreg $0xFFFFFFFF  }
0xa7: {  	s28 =	simm.s32 $_size_execute0_lowered;
	s2 =	sadd.s32 s2, s4;
	[dreg:$0x0] =	wrdreg $0x0  }
0xa8: {  	s4 =	sshll.u32 s28, $0x1;
	[dreg:$0x2] =	wrdreg s2  }
0xa9: {  	[dreg:$0x3] =	wrdreg s4  }
0xaa: {  	[dreg:$0x4] =	wrdreg $0xC0  }
0xab: {  	_ =	task [dreg:s6], $0x5FFFF  }
0xac: {  	[dreg:$0x1] =	wrdreg $0xFFFFFFFF  }
0xad: {  	[dreg:$0x0] =	wrdreg $0x60  }
0xae: {  	[dreg:$0x2] =	wrdreg s24  }
0xaf: {  	[dreg:$0x3] =	wrdreg $0x0  }
0xb0: {  	[dreg:$0x4] =	wrdreg $0x9  }
0xb1: {  	_ =	task.clear_ibuf [dreg:s6], $0x5FFFF;
	_ =	strace $0x9000004C  }
0xb2: {  	s29 =	simm.s32 $0x9;
	_ =	strace $0x8000004E  }
0xb3: {  	_ =	swait.ge [sflag:s29], $0x1  }
0xb4: {  	[sflag:s29] =	ssyncadd.s32 $0xFFFFFFFF  }
0xb5: {  	_ =	strace $0x9000004E  }
0xb6: {  	_ =	sfence  }
0xb7: {  	s30 =	sld [smem:$0x0];
	_ =	sdelay $0x2  }
0xb8: {  	s31 =	sshll.u32 s1, $0xD;
	s1 =	sshrl.u32 s1, $0x2  }
0xb9: {  	s3 =	sand.u32 $0x4000, s31;
	s1 =	sadd.s32 s1, s30  }
0xba: {  	s0 =	sor.u32 s3, s0;
	s1 =	sshll.u32 s1, $0x11  }
0xbb: {  	s0 =	sor.u32 s1, s0  }
0xbc: {  	s0 =	sadd.s32 $0x8F2B, s0  }
0xbd: {  	[sflag:s0] =	ssyncadd.remote.s32 $0x1  }
0xbe: {  	_ =	sfence.sel $0xFFFF  }
0xbf: {  	[dreg:$0x0] =	wrdreg $0xFFFFFFFF;
	(pc) =	sbr.abs _section_cstart, $3  }
0xc0: {  	[dreg:$0x1] =	wrdreg $0xFFFFFFFF  }
0xc1: {  	_ =	task.clear_ibuf [dreg:s6], $0x2FFFF;
	_ =	strace $0x9FFFFFFF  }
0xc2: {  	(tm) =	ssettm $0x7FFFFFFF  }
0xc3: {  	_ =	shalt  }
tec
execute0_lowered:
.L_overlay_start_1:
0x0: {  	(tag) =	ssettag $0x1  }
0x1: {  	s0 =	rddreg [dreg:$0x0]  }
0x2: {  	s1 =	rddreg [dreg:$0x1]  }
0x3: {  	s3 =	simm.s32 $0x0;
	s16 =	stileid.u32;
	s2 =	srdreg.scid  }
0x4: {  	s28 =	simm.s32 $0x16080;
	s29 =	simm.s32 $0x1A080;
	s30 =	simm.s32 $0x1  }
0x5: {  	s31 =	simm.s32 $0x2;
	[smem:$0x7FF] =	sst s3;
	s4 =	sadd.s32 $0xCC00, s0  }
0x6: {  	s5 =	smul.u32 $0x2700, s16;
	s2 =	sand.u32 $0x1, s2;
	s6 =	sadd.s32 $0x7C00, s0  }
0x7: {  	s8 =	smul.u32 $0x4E000, s16;
	s9 =	sadd.s32 $0x2000, s0;
	s20 =	sadd.s32 $0x124800, s1  }
0x8: {  	s22 =	sadd.s32 $0x31500, s0;
	_ =	strace $0x8000004D;
	[dreg:$0x5] =	wrdreg s20  }
0x9: {  	s15 =	smul.u32 $0x2800, s16;
	s24 =	sadd.s32 $0xCD900, s0;
	[dreg:$0x6] =	wrdreg s22  }
0xa: {  	s18 =	smul.u32 $0x500, s16;
	s25 =	sadd.s32 $0xD0100, s0;
	[dreg:$0x8] =	wrdreg s24  }
0xb: {  	s26 =	sadd.s32 $0xF7200, s0;
	p1 =	seq.s32 s16, $0xF;
	[dreg:$0x9] =	wrdreg s25  }
0xc: {  	s7 =	ssub.s32 $0x2, s2;
	p0 =	seq.s32 s2, $0x1;
	[dreg:$0xa] =	wrdreg s26  }
0xd: {  	s20 =	sadd.s32 $0x81F00, s0;
	s24 =	simm.s32 $0x3;
	s25 =	simm.s32 $0x14C80  }
0xe: {  	s26 =	simm.s32 $0x7D;
	s14 =	sadd.s32 s5, s0;
	s10 =	sshrl.u32 s7, $0x1  }
0xf: {  	s8 =	sshrl.u32 s8, $0x2;
	s19 =	sadd.s32 s4, s5;
	s21 =	sshrl.u32 s15, $0x3  }
0x10: {  	s11 =	sadd.s32 s9, s18;
	s15 =	sadd.s32 $0x33D00, s0;
	s7 =	ssub.s32 s7, s10  }
0x11: {  	s17 =	sadd.s32 s8, s1;
	[dreg:$0x4] =	wrdreg s19;
	s10 =	sadd.s32 s6, s18  }
.Ltmp0:
0x12: {  	s8 =	sadd.s32 $0x280, s21;
	s23 =	sadd.s32 $0xA9000, s14;
	(pc) =	sbr.rel .LBB2_1-.Ltmp0, $4  }
0x13: {  	s18 =	sadd.s32 $0x5AE00, s0;
	s0 =	sadd.s32 $0x11E300, s0;
	[dreg:$0x3] =	wrdreg s17  }
0x14: {  	s12 =	sadd.s32 s6, s8;
	s13 =	sadd.s32 s9, s8;
	[dreg:$0x7] =	wrdreg s23  }
0x15: {  	[dreg:$0xb] =	wrdreg s0;
	s22 =	smax.u32 s7, $0x1;
	s23 =	simm.s32 $0x13880  }
0x16: {  	s0 =	simm.s32 $0x14C00;
	s7 =	simm.s32 $0x15F80;
	s9 =	simm.s32 $0x16000  }
.LBB2_19:
0x17: {  	s8 =	sadd.s32 $0x13900, s6;
	[sflag:s24] =	ssyncadd.s32 $0xFFFFC180  }
0x18: {  	[tilespmem:s29], [sflag:$0x2] =	stream.indirect.gather [hbm4b:s20+s26], $0x80, s8, s26, $0xb8;
	[tilespmem:$0x1E080] =	vst v63  }
0x19: {  	_ =	swait.ge [sflag:s30], $0x3E80  }
0x1a: {  	[sflag:s30] =	ssyncset.done $0x0  }
0x1b: {  	s17 =	sadd.s32 $0x14C80, s6;
	[sflag:s30] =	ssyncadd.s32 $0xFFFFC180  }
0x1c: {  	[spmem:s1] =	stream.indirect.scatter.add.f32 [tilespmem:s28], [sflag:$0x3], $0x80, s17, s26, $0xb8;
	[tilespmem:$0x1E080] =	vst v63  }
0x1d: {  	_ =	swait.ge [sflag:s24], $0x3E80  }
0x1e: {  	[sflag:s24] =	ssyncset.done $0x0  }
0x1f: {  	s19 =	sadd.s32 $0x13980, s6;
	[sflag:s24] =	ssyncadd.s32 $0xFFFFC180  }
0x20: {  	[tilespmem:s28], [sflag:$0x1] =	stream.indirect.gather [hbm4b:s20+s26], $0x80, s19, s26, $0xb8;
	[tilespmem:$0x1E080] =	vst v63  }
0x21: {  	_ =	swait.ge [sflag:s31], $0x3E80  }
0x22: {  	[sflag:s31] =	ssyncset.done $0x0  }
0x23: {  	s21 =	sadd.s32 $0x14D00, s6;
	[sflag:s31] =	ssyncadd.s32 $0xFFFFC180  }
0x24: {  	[spmem:s1] =	stream.indirect.scatter.add.f32 [tilespmem:s29], [sflag:$0x3], $0x80, s21, s26, $0xb8;
	[tilespmem:$0x1E080] =	vst v63  }
0x25: {  	_ =	swait.ge [sflag:s24], $0x3E80  }
0x26: {  	[sflag:s24] =	ssyncset.done $0x0  }
0x27: {  	[sflag:s24] =	ssyncadd.s32 $0xFFFFC180  }
0x28: {  	[tilespmem:s29], [sflag:$0x2] =	stream.indirect.gather [hbm4b:s20+s26], $0x80, s0, s26, $0xb8;
	[tilespmem:$0x1E080] =	vst v63  }
0x29: {  	_ =	swait.ge [sflag:s30], $0x3E80  }
0x2a: {  	[sflag:s30] =	ssyncset.done $0x0  }
0x2b: {  	[sflag:s30] =	ssyncadd.s32 $0xFFFFC180  }
0x2c: {  	[spmem:s1] =	stream.indirect.scatter.add.f32 [tilespmem:s28], [sflag:$0x3], $0x80, s7, s26, $0xb8;
	[tilespmem:$0x1E080] =	vst v63  }
0x2d: {  	_ =	swait.ge [sflag:s24], $0x3E80  }
0x2e: {  	[sflag:s24] =	ssyncset.done $0x0  }
0x2f: {  	[sflag:s24] =	ssyncadd.s32 $0xFFFFC180  }
0x30: {  	_ =	swait.ge [sflag:s31], $0x3E80  }
0x31: {  	[sflag:s31] =	ssyncset.done $0x0  }
0x32: {  	[sflag:s31] =	ssyncadd.s32 $0xFFFFC180  }
0x33: {  	[spmem:s1] =	stream.indirect.scatter.add.f32 [tilespmem:s29], [sflag:$0x3], $0x80, s9, s26, $0xb8;
	[tilespmem:$0x1E080] =	vst v63  }
0x34: {  	_ =	swait.ge [sflag:s24], $0x3E80  }
0x35: {  	[sflag:s24] =	ssyncset.done $0x0  }
0x36: {  	[sflag:s24] =	ssyncadd.s32 $0xFFFFC180  }
0x37: {  	[bflag:$0x0] =	sbarrier.arrive $0xFFFF  }
0x38: {  	s17 =	rddreg [dreg:$0xb]  }
0x39: {  	s8 =	simm.s32 @p1 $0x1FC3;
	s6 =	sadd.s32 @p1 $0x24900, s17  }
0x3a: {  	[hbm:s6], [sflag:s8] =	dma.local @p1 [spmem:s2], $0x2800  }
0x3b: {  	s2 =	simm.s32 @p1 $0x3  }
0x3c: {  	_ =	swait.ge @p1 [sflag:s2], $0x2800  }
0x3d: {  	[sflag:s2] =	ssyncset.done @p1 $0x0  }
0x3e: {  	[sflag:s2] =	ssyncadd.s32 @p1 $0xFFFFD800;
	s2 =	sadd.s32 @!p1 s5, s17  }
0x3f: {  	[hbm:s2], [sflag:s16] =	dma.local @!p1 [spmem:s14], $0x2700  }
0x40: {  	s2 =	simm.s32 @!p1 $0x3  }
0x41: {  	_ =	swait.ge @!p1 [sflag:s2], $0x2700  }
0x42: {  	[sflag:s2] =	ssyncset.done @!p1 $0x0  }
0x43: {  	[sflag:s2] =	ssyncadd.s32 @!p1 $0xFFFFD900  }
.LBB2_20:
0x44: {  	s3 =	sadd.s32 $0x1, s3  }
0x45: {  	p2 =	sne.s32 s3, s22  }
.Ltmp1:
0x46: {  	_ = 	snop;
	(pc) =	sbr.rel @!p2 .LBB2_21-.Ltmp1, $1  }
0x47: {  	_ =	sdelay $0x3  }
.LBB2_1:
.Ltmp2:
0x48: {  	(pc) =	sbr.rel @!p0 .LBB2_2-.Ltmp2, $4  }
0x49: {  	_ = 	snop  }
0x4a: {  	s2 =	stileid.u32;
	s8 =	rddreg [dreg:$0x3]  }
0x4b: {  	s6 =	sshll.u32 @!p1 s2, $0x6;
	s2 =	rddreg [dreg:$0x5]  }
0x4c: {  	s14 =	sshrl.u32 @!p1 s8, $0x3;
	s2 =	sshrl.u32 @p1 s2, $0x3;
	s16 =	sor.u32 @!p1 $0x1C03, s6  }
0x4d: {  	s6 =	sadd.s32 @p1 $0x24900, s18;
	s8 =	simm.s32 @p1 $0x1FC3  }
0x4e: {  	[spmem:s2], [sflag:s8] =	dma.local @p1 [hbm:s6], $0x2800  }
0x4f: {  	s6 =	simm.s32 @p1 $0x3  }
0x50: {  	_ =	swait.ge @p1 [sflag:s6], $0x2800  }
0x51: {  	[sflag:s6] =	ssyncset.done @p1 $0x0  }
0x52: {  	[sflag:s6] =	ssyncadd.s32 @p1 $0xFFFFD800;
	s6 =	sadd.s32 @!p1 s5, s18  }
0x53: {  	[spmem:s14], [sflag:s16] =	dma.local @!p1 [hbm:s6], $0x2700  }
0x54: {  	s6 =	simm.s32 @!p1 $0x3  }
0x55: {  	_ =	swait.ge @!p1 [sflag:s6], $0x2700  }
0x56: {  	[sflag:s6] =	ssyncset.done @!p1 $0x0  }
0x57: {  	[sflag:s6] =	ssyncadd.s32 @!p1 $0xFFFFD900  }
0x58: {  	s21 =	simm.s32 $0x0;
	[bflag:$0x0] =	sbarrier.arrive $0xFFFF  }
0x59: {  	[tilespmem:s23], [sflag:$0x3] =	stream.linear.gather [hbm4b:s10+s21], $0x1400, $0x38;
	[tilespmem:$0x1E080] =	vst v63  }
0x5a: {  	_ =	swait.ge [sflag:s24], $0x1400  }
0x5b: {  	[sflag:s24] =	ssyncset.done $0x0  }
0x5c: {  	[sflag:s24] =	ssyncadd.s32 $0xFFFFEC00  }
0x5d: {  	[tilespmem:s25], [sflag:$0x3] =	stream.linear.gather [hbm4b:s11+s21], $0x1400, $0x38;
	[tilespmem:$0x1E080] =	vst v63  }
0x5e: {  	_ =	swait.ge [sflag:s24], $0x1400  }
0x5f: {  	[sflag:s24] =	ssyncset.done $0x0  }
0x60: {  	[sflag:s24] =	ssyncadd.s32 $0xFFFFEC00  }
0x61: {  	[tilespmem:s28], [sflag:$0x1] =	stream.indirect.gather [hbm4b:s18+s26], $0x80, s23, s26, $0xb8;
	[tilespmem:$0x1E080] =	vst v63  }
0x62: {  	s8 =	simm.s32 $0x13900  }
0x63: {  	[tilespmem:s29], [sflag:$0x2] =	stream.indirect.gather [hbm4b:s18+s26], $0x80, s8, s26, $0xb8;
	[tilespmem:$0x1E080] =	vst v63  }
0x64: {  	_ =	swait.ge [sflag:s30], $0x3E80  }
0x65: {  	[sflag:s30] =	ssyncset.done $0x0  }
0x66: {  	s17 =	simm.s32 $0x14C80;
	[sflag:s30] =	ssyncadd.s32 $0xFFFFC180  }
0x67: {  	[spmem:s1] =	stream.indirect.scatter.add.f32 [tilespmem:s28], [sflag:$0x3], $0x80, s17, s26, $0xb8;
	[tilespmem:$0x1E080] =	vst v63  }
0x68: {  	_ =	swait.ge [sflag:s24], $0x3E80  }
0x69: {  	[sflag:s24] =	ssyncset.done $0x0  }
0x6a: {  	s19 =	simm.s32 $0x13980;
	[sflag:s24] =	ssyncadd.s32 $0xFFFFC180  }
0x6b: {  	[tilespmem:s28], [sflag:$0x1] =	stream.indirect.gather [hbm4b:s18+s26], $0x80, s19, s26, $0xb8;
	[tilespmem:$0x1E080] =	vst v63  }
0x6c: {  	_ =	swait.ge [sflag:s31], $0x3E80  }
0x6d: {  	[sflag:s31] =	ssyncset.done $0x0  }
0x6e: {  	s21 =	simm.s32 $0x14D00;
	[sflag:s31] =	ssyncadd.s32 $0xFFFFC180  }
0x6f: {  	[spmem:s1] =	stream.indirect.scatter.add.f32 [tilespmem:s29], [sflag:$0x3], $0x80, s21, s26, $0xb8;
	[tilespmem:$0x1E080] =	vst v63  }
0x70: {  	_ =	swait.ge [sflag:s24], $0x3E80  }
0x71: {  	s6 =	simm.s32 $0x100;
	s8 =	simm.s32 $0x800;
	[sflag:s24] =	ssyncset.done $0x0  }
.LBB2_12:
0x72: {  	s17 =	sadd.s32 $0x13900, s6  }
0x73: {  	[sflag:s24] =	ssyncadd.s32 $0xFFFFC180;
	s19 =	smov.u32 s8;
	s21 =	sadd.s32 $0x400, s8  }
0x74: {  	[tilespmem:s29], [sflag:$0x2] =	stream.indirect.gather [hbm4b:s18+s26], $0x80, s17, s26, $0xb8;
	[tilespmem:$0x1E080] =	vst v63  }
0x75: {  	p2 =	sne.s32 s8, $0x4800;
	_ =	swait.ge [sflag:s30], $0x3E80  }
0x76: {  	[sflag:s30] =	ssyncset.done $0x0  }
0x77: {  	s8 =	sadd.s32 $0x14C80, s6;
	[sflag:s30] =	ssyncadd.s32 $0xFFFFC180  }
0x78: {  	[spmem:s1] =	stream.indirect.scatter.add.f32 [tilespmem:s28], [sflag:$0x3], $0x80, s8, s26, $0xb8;
	[tilespmem:$0x1E080] =	vst v63  }
0x79: {  	_ =	swait.ge [sflag:s24], $0x3E80  }
0x7a: {  	[sflag:s24] =	ssyncset.done $0x0  }
0x7b: {  	s8 =	sadd.s32 $0x13980, s6;
	[sflag:s24] =	ssyncadd.s32 $0xFFFFC180  }
0x7c: {  	[tilespmem:s28], [sflag:$0x1] =	stream.indirect.gather [hbm4b:s18+s26], $0x80, s8, s26, $0xb8;
	[tilespmem:$0x1E080] =	vst v63  }
0x7d: {  	_ =	swait.ge [sflag:s31], $0x3E80  }
.Ltmp3:
0x7e: {  	[sflag:s31] =	ssyncset.done $0x0;
	(pc) =	sbr.rel @p2 .LBB2_12-.Ltmp3, $4  }
0x7f: {  	s6 =	sadd.s32 $0x14D00, s6;
	[sflag:s31] =	ssyncadd.s32 $0xFFFFC180  }
0x80: {  	[spmem:s1] =	stream.indirect.scatter.add.f32 [tilespmem:s29], [sflag:$0x3], $0x80, s6, s26, $0xb8;
	[tilespmem:$0x1E080] =	vst v63  }
0x81: {  	_ =	swait.ge [sflag:s24], $0x3E80  }
0x82: {  	s8 =	smov.u32 s21;
	s6 =	sshra.s32 s19, $0x2;
	[sflag:s24] =	ssyncset.done $0x0  }
0x83: {  	s8 =	sadd.s32 $0x13900, s6;
	[sflag:s24] =	ssyncadd.s32 $0xFFFFC180  }
0x84: {  	[tilespmem:s29], [sflag:$0x2] =	stream.indirect.gather [hbm4b:s18+s26], $0x80, s8, s26, $0xb8;
	[tilespmem:$0x1E080] =	vst v63  }
0x85: {  	_ =	swait.ge [sflag:s30], $0x3E80  }
0x86: {  	[sflag:s30] =	ssyncset.done $0x0  }
0x87: {  	s21 =	sadd.s32 $0x14C80, s6;
	[sflag:s30] =	ssyncadd.s32 $0xFFFFC180  }
0x88: {  	[spmem:s1] =	stream.indirect.scatter.add.f32 [tilespmem:s28], [sflag:$0x3], $0x80, s21, s26, $0xb8;
	[tilespmem:$0x1E080] =	vst v63  }
0x89: {  	_ =	swait.ge [sflag:s24], $0x3E80  }
0x8a: {  	[sflag:s24] =	ssyncset.done $0x0  }
0x8b: {  	s17 =	sadd.s32 $0x13980, s6;
	[sflag:s24] =	ssyncadd.s32 $0xFFFFC180  }
0x8c: {  	[tilespmem:s28], [sflag:$0x1] =	stream.indirect.gather [hbm4b:s18+s26], $0x80, s17, s26, $0xb8;
	[tilespmem:$0x1E080] =	vst v63  }
0x8d: {  	_ =	swait.ge [sflag:s31], $0x3E80  }
0x8e: {  	[sflag:s31] =	ssyncset.done $0x0  }
0x8f: {  	s19 =	sadd.s32 $0x14D00, s6;
	[sflag:s31] =	ssyncadd.s32 $0xFFFFC180  }
0x90: {  	[spmem:s1] =	stream.indirect.scatter.add.f32 [tilespmem:s29], [sflag:$0x3], $0x80, s19, s26, $0xb8;
	[tilespmem:$0x1E080] =	vst v63  }
0x91: {  	_ =	swait.ge [sflag:s24], $0x3E80  }
0x92: {  	[sflag:s24] =	ssyncset.done $0x0  }
0x93: {  	[sflag:s24] =	ssyncadd.s32 $0xFFFFC180  }
0x94: {  	[tilespmem:s29], [sflag:$0x2] =	stream.indirect.gather [hbm4b:s18+s26], $0x80, s0, s26, $0xb8;
	[tilespmem:$0x1E080] =	vst v63  }
0x95: {  	_ =	swait.ge [sflag:s30], $0x3E80  }
0x96: {  	[sflag:s30] =	ssyncset.done $0x0  }
0x97: {  	[sflag:s30] =	ssyncadd.s32 $0xFFFFC180  }
0x98: {  	[spmem:s1] =	stream.indirect.scatter.add.f32 [tilespmem:s28], [sflag:$0x3], $0x80, s7, s26, $0xb8;
	[tilespmem:$0x1E080] =	vst v63  }
0x99: {  	_ =	swait.ge [sflag:s24], $0x3E80  }
0x9a: {  	[sflag:s24] =	ssyncset.done $0x0  }
0x9b: {  	[sflag:s24] =	ssyncadd.s32 $0xFFFFC180  }
0x9c: {  	_ =	swait.ge [sflag:s31], $0x3E80  }
0x9d: {  	[sflag:s31] =	ssyncset.done $0x0  }
0x9e: {  	[sflag:s31] =	ssyncadd.s32 $0xFFFFC180  }
0x9f: {  	[spmem:s1] =	stream.indirect.scatter.add.f32 [tilespmem:s29], [sflag:$0x3], $0x80, s9, s26, $0xb8;
	[tilespmem:$0x1E080] =	vst v63  }
0xa0: {  	_ =	swait.ge [sflag:s24], $0x3E80  }
0xa1: {  	[sflag:s24] =	ssyncset.done $0x0  }
0xa2: {  	s21 =	simm.s32 $0x0;
	[sflag:s24] =	ssyncadd.s32 $0xFFFFC180  }
0xa3: {  	[tilespmem:s23], [sflag:$0x3] =	stream.linear.gather [hbm4b:s12+s21], $0x1400, $0x38;
	[tilespmem:$0x1E080] =	vst v63  }
0xa4: {  	_ =	swait.ge [sflag:s24], $0x1400  }
0xa5: {  	[sflag:s24] =	ssyncset.done $0x0  }
0xa6: {  	[sflag:s24] =	ssyncadd.s32 $0xFFFFEC00  }
0xa7: {  	[tilespmem:s25], [sflag:$0x3] =	stream.linear.gather [hbm4b:s13+s21], $0x1400, $0x38;
	[tilespmem:$0x1E080] =	vst v63  }
0xa8: {  	_ =	swait.ge [sflag:s24], $0x1400  }
0xa9: {  	[sflag:s24] =	ssyncset.done $0x0  }
0xaa: {  	[sflag:s24] =	ssyncadd.s32 $0xFFFFEC00  }
0xab: {  	[tilespmem:s28], [sflag:$0x1] =	stream.indirect.gather [hbm4b:s18+s26], $0x80, s23, s26, $0xb8;
	[tilespmem:$0x1E080] =	vst v63  }
0xac: {  	s8 =	simm.s32 $0x13900  }
0xad: {  	[tilespmem:s29], [sflag:$0x2] =	stream.indirect.gather [hbm4b:s18+s26], $0x80, s8, s26, $0xb8;
	[tilespmem:$0x1E080] =	vst v63  }
0xae: {  	_ =	swait.ge [sflag:s30], $0x3E80  }
0xaf: {  	[sflag:s30] =	ssyncset.done $0x0  }
0xb0: {  	s17 =	simm.s32 $0x14C80;
	[sflag:s30] =	ssyncadd.s32 $0xFFFFC180  }
0xb1: {  	[spmem:s1] =	stream.indirect.scatter.add.f32 [tilespmem:s28], [sflag:$0x3], $0x80, s17, s26, $0xb8;
	[tilespmem:$0x1E080] =	vst v63  }
0xb2: {  	_ =	swait.ge [sflag:s24], $0x3E80  }
0xb3: {  	[sflag:s24] =	ssyncset.done $0x0  }
0xb4: {  	s19 =	simm.s32 $0x13980;
	[sflag:s24] =	ssyncadd.s32 $0xFFFFC180  }
0xb5: {  	[tilespmem:s28], [sflag:$0x1] =	stream.indirect.gather [hbm4b:s18+s26], $0x80, s19, s26, $0xb8;
	[tilespmem:$0x1E080] =	vst v63  }
0xb6: {  	_ =	swait.ge [sflag:s31], $0x3E80  }
0xb7: {  	[sflag:s31] =	ssyncset.done $0x0  }
0xb8: {  	s21 =	simm.s32 $0x14D00;
	[sflag:s31] =	ssyncadd.s32 $0xFFFFC180  }
0xb9: {  	[spmem:s1] =	stream.indirect.scatter.add.f32 [tilespmem:s29], [sflag:$0x3], $0x80, s21, s26, $0xb8;
	[tilespmem:$0x1E080] =	vst v63  }
0xba: {  	_ =	swait.ge [sflag:s24], $0x3E80  }
0xbb: {  	s6 =	simm.s32 $0x100;
	s8 =	simm.s32 $0x800;
	[sflag:s24] =	ssyncset.done $0x0  }
.LBB2_14:
0xbc: {  	s17 =	sadd.s32 $0x13900, s6  }
0xbd: {  	[sflag:s24] =	ssyncadd.s32 $0xFFFFC180;
	s19 =	smov.u32 s8;
	s21 =	sadd.s32 $0x400, s8  }
0xbe: {  	[tilespmem:s29], [sflag:$0x2] =	stream.indirect.gather [hbm4b:s18+s26], $0x80, s17, s26, $0xb8;
	[tilespmem:$0x1E080] =	vst v63  }
0xbf: {  	p2 =	sne.s32 s8, $0x4800;
	_ =	swait.ge [sflag:s30], $0x3E80  }
0xc0: {  	[sflag:s30] =	ssyncset.done $0x0  }
0xc1: {  	s8 =	sadd.s32 $0x14C80, s6;
	[sflag:s30] =	ssyncadd.s32 $0xFFFFC180  }
0xc2: {  	[spmem:s1] =	stream.indirect.scatter.add.f32 [tilespmem:s28], [sflag:$0x3], $0x80, s8, s26, $0xb8;
	[tilespmem:$0x1E080] =	vst v63  }
0xc3: {  	_ =	swait.ge [sflag:s24], $0x3E80  }
0xc4: {  	[sflag:s24] =	ssyncset.done $0x0  }
0xc5: {  	s8 =	sadd.s32 $0x13980, s6;
	[sflag:s24] =	ssyncadd.s32 $0xFFFFC180  }
0xc6: {  	[tilespmem:s28], [sflag:$0x1] =	stream.indirect.gather [hbm4b:s18+s26], $0x80, s8, s26, $0xb8;
	[tilespmem:$0x1E080] =	vst v63  }
0xc7: {  	_ =	swait.ge [sflag:s31], $0x3E80  }
.Ltmp4:
0xc8: {  	[sflag:s31] =	ssyncset.done $0x0;
	(pc) =	sbr.rel @p2 .LBB2_14-.Ltmp4, $4  }
0xc9: {  	s6 =	sadd.s32 $0x14D00, s6;
	[sflag:s31] =	ssyncadd.s32 $0xFFFFC180  }
0xca: {  	[spmem:s1] =	stream.indirect.scatter.add.f32 [tilespmem:s29], [sflag:$0x3], $0x80, s6, s26, $0xb8;
	[tilespmem:$0x1E080] =	vst v63  }
0xcb: {  	_ =	swait.ge [sflag:s24], $0x3E80  }
0xcc: {  	s8 =	smov.u32 s21;
	s6 =	sshra.s32 s19, $0x2;
	[sflag:s24] =	ssyncset.done $0x0  }
0xcd: {  	s8 =	sadd.s32 $0x13900, s6;
	[sflag:s24] =	ssyncadd.s32 $0xFFFFC180  }
0xce: {  	[tilespmem:s29], [sflag:$0x2] =	stream.indirect.gather [hbm4b:s18+s26], $0x80, s8, s26, $0xb8;
	[tilespmem:$0x1E080] =	vst v63  }
0xcf: {  	_ =	swait.ge [sflag:s30], $0x3E80  }
0xd0: {  	[sflag:s30] =	ssyncset.done $0x0  }
0xd1: {  	s21 =	sadd.s32 $0x14C80, s6;
	[sflag:s30] =	ssyncadd.s32 $0xFFFFC180  }
0xd2: {  	[spmem:s1] =	stream.indirect.scatter.add.f32 [tilespmem:s28], [sflag:$0x3], $0x80, s21, s26, $0xb8;
	[tilespmem:$0x1E080] =	vst v63  }
0xd3: {  	_ =	swait.ge [sflag:s24], $0x3E80  }
0xd4: {  	[sflag:s24] =	ssyncset.done $0x0  }
0xd5: {  	s17 =	sadd.s32 $0x13980, s6;
	[sflag:s24] =	ssyncadd.s32 $0xFFFFC180  }
0xd6: {  	[tilespmem:s28], [sflag:$0x1] =	stream.indirect.gather [hbm4b:s18+s26], $0x80, s17, s26, $0xb8;
	[tilespmem:$0x1E080] =	vst v63  }
0xd7: {  	_ =	swait.ge [sflag:s31], $0x3E80  }
0xd8: {  	[sflag:s31] =	ssyncset.done $0x0  }
0xd9: {  	s19 =	sadd.s32 $0x14D00, s6;
	[sflag:s31] =	ssyncadd.s32 $0xFFFFC180  }
0xda: {  	[spmem:s1] =	stream.indirect.scatter.add.f32 [tilespmem:s29], [sflag:$0x3], $0x80, s19, s26, $0xb8;
	[tilespmem:$0x1E080] =	vst v63  }
0xdb: {  	_ =	swait.ge [sflag:s24], $0x3E80  }
0xdc: {  	[sflag:s24] =	ssyncset.done $0x0  }
0xdd: {  	[sflag:s24] =	ssyncadd.s32 $0xFFFFC180  }
0xde: {  	[tilespmem:s29], [sflag:$0x2] =	stream.indirect.gather [hbm4b:s18+s26], $0x80, s0, s26, $0xb8;
	[tilespmem:$0x1E080] =	vst v63  }
0xdf: {  	_ =	swait.ge [sflag:s30], $0x3E80  }
0xe0: {  	[sflag:s30] =	ssyncset.done $0x0  }
0xe1: {  	[sflag:s30] =	ssyncadd.s32 $0xFFFFC180  }
0xe2: {  	[spmem:s1] =	stream.indirect.scatter.add.f32 [tilespmem:s28], [sflag:$0x3], $0x80, s7, s26, $0xb8;
	[tilespmem:$0x1E080] =	vst v63  }
0xe3: {  	_ =	swait.ge [sflag:s24], $0x3E80  }
0xe4: {  	[sflag:s24] =	ssyncset.done $0x0  }
0xe5: {  	[sflag:s24] =	ssyncadd.s32 $0xFFFFC180  }
0xe6: {  	_ =	swait.ge [sflag:s31], $0x3E80  }
0xe7: {  	[sflag:s31] =	ssyncset.done $0x0  }
0xe8: {  	[sflag:s31] =	ssyncadd.s32 $0xFFFFC180  }
0xe9: {  	[spmem:s1] =	stream.indirect.scatter.add.f32 [tilespmem:s29], [sflag:$0x3], $0x80, s9, s26, $0xb8;
	[tilespmem:$0x1E080] =	vst v63  }
0xea: {  	_ =	swait.ge [sflag:s24], $0x3E80  }
0xeb: {  	[sflag:s24] =	ssyncset.done $0x0  }
0xec: {  	[sflag:s24] =	ssyncadd.s32 $0xFFFFC180  }
0xed: {  	[bflag:$0x0] =	sbarrier.arrive $0xFFFF  }
0xee: {  	s19 =	rddreg [dreg:$0xa]  }
0xef: {  	s8 =	simm.s32 @p1 $0x1FC3;
	s6 =	sadd.s32 @p1 $0x24900, s19  }
0xf0: {  	[hbm:s6], [sflag:s8] =	dma.local @p1 [spmem:s2], $0x2800  }
0xf1: {  	s6 =	simm.s32 @p1 $0x3  }
0xf2: {  	_ =	swait.ge @p1 [sflag:s6], $0x2800  }
0xf3: {  	[sflag:s6] =	ssyncset.done @p1 $0x0  }
0xf4: {  	s17 =	sadd.s32 @p1 $0x24900, s20;
	[sflag:s6] =	ssyncadd.s32 @p1 $0xFFFFD800  }
0xf5: {  	[spmem:s2], [sflag:s8] =	dma.local @p1 [hbm:s17], $0x2800  }
0xf6: {  	_ =	swait.ge @p1 [sflag:s6], $0x2800  }
0xf7: {  	[sflag:s6] =	ssyncset.done @p1 $0x0  }
0xf8: {  	[sflag:s6] =	ssyncadd.s32 @p1 $0xFFFFD800;
	s6 =	sadd.s32 @!p1 s5, s19  }
0xf9: {  	[hbm:s6], [sflag:s16] =	dma.local @!p1 [spmem:s14], $0x2700  }
0xfa: {  	s6 =	simm.s32 @!p1 $0x3  }
0xfb: {  	_ =	swait.ge @!p1 [sflag:s6], $0x2700  }
0xfc: {  	[sflag:s6] =	ssyncset.done @!p1 $0x0  }
0xfd: {  	s8 =	sadd.s32 @!p1 s5, s20;
	[sflag:s6] =	ssyncadd.s32 @!p1 $0xFFFFD900  }
0xfe: {  	[spmem:s14], [sflag:s16] =	dma.local @!p1 [hbm:s8], $0x2700  }
0xff: {  	_ =	swait.ge @!p1 [sflag:s6], $0x2700  }
0x100: {  	[sflag:s6] =	ssyncset.done @!p1 $0x0  }
0x101: {  	[sflag:s6] =	ssyncadd.s32 @!p1 $0xFFFFD900  }
0x102: {  	s21 =	simm.s32 $0x0;
	[bflag:$0x0] =	sbarrier.arrive $0xFFFF  }
0x103: {  	[tilespmem:s23], [sflag:$0x3] =	stream.linear.gather [hbm4b:s10+s21], $0x1400, $0x38;
	[tilespmem:$0x1E080] =	vst v63  }
0x104: {  	_ =	swait.ge [sflag:s24], $0x1400  }
0x105: {  	[sflag:s24] =	ssyncset.done $0x0  }
0x106: {  	[sflag:s24] =	ssyncadd.s32 $0xFFFFEC00  }
0x107: {  	[tilespmem:s25], [sflag:$0x3] =	stream.linear.gather [hbm4b:s11+s21], $0x1400, $0x38;
	[tilespmem:$0x1E080] =	vst v63  }
0x108: {  	_ =	swait.ge [sflag:s24], $0x1400  }
0x109: {  	[sflag:s24] =	ssyncset.done $0x0  }
0x10a: {  	[sflag:s24] =	ssyncadd.s32 $0xFFFFEC00  }
0x10b: {  	[tilespmem:s28], [sflag:$0x1] =	stream.indirect.gather [hbm4b:s20+s26], $0x80, s23, s26, $0xb8;
	[tilespmem:$0x1E080] =	vst v63  }
0x10c: {  	s8 =	simm.s32 $0x13900  }
0x10d: {  	[tilespmem:s29], [sflag:$0x2] =	stream.indirect.gather [hbm4b:s20+s26], $0x80, s8, s26, $0xb8;
	[tilespmem:$0x1E080] =	vst v63  }
0x10e: {  	_ =	swait.ge [sflag:s30], $0x3E80  }
0x10f: {  	[sflag:s30] =	ssyncset.done $0x0  }
0x110: {  	s17 =	simm.s32 $0x14C80;
	[sflag:s30] =	ssyncadd.s32 $0xFFFFC180  }
0x111: {  	[spmem:s1] =	stream.indirect.scatter.add.f32 [tilespmem:s28], [sflag:$0x3], $0x80, s17, s26, $0xb8;
	[tilespmem:$0x1E080] =	vst v63  }
0x112: {  	_ =	swait.ge [sflag:s24], $0x3E80  }
0x113: {  	[sflag:s24] =	ssyncset.done $0x0  }
0x114: {  	s19 =	simm.s32 $0x13980;
	[sflag:s24] =	ssyncadd.s32 $0xFFFFC180  }
0x115: {  	[tilespmem:s28], [sflag:$0x1] =	stream.indirect.gather [hbm4b:s20+s26], $0x80, s19, s26, $0xb8;
	[tilespmem:$0x1E080] =	vst v63  }
0x116: {  	_ =	swait.ge [sflag:s31], $0x3E80  }
0x117: {  	[sflag:s31] =	ssyncset.done $0x0  }
0x118: {  	s21 =	simm.s32 $0x14D00;
	[sflag:s31] =	ssyncadd.s32 $0xFFFFC180  }
0x119: {  	[spmem:s1] =	stream.indirect.scatter.add.f32 [tilespmem:s29], [sflag:$0x3], $0x80, s21, s26, $0xb8;
	[tilespmem:$0x1E080] =	vst v63  }
0x11a: {  	_ =	swait.ge [sflag:s24], $0x3E80  }
0x11b: {  	s6 =	simm.s32 $0x100;
	s8 =	simm.s32 $0x800;
	[sflag:s24] =	ssyncset.done $0x0  }
.LBB2_16:
0x11c: {  	s17 =	sadd.s32 $0x13900, s6  }
0x11d: {  	[sflag:s24] =	ssyncadd.s32 $0xFFFFC180;
	s19 =	smov.u32 s8;
	s21 =	sadd.s32 $0x400, s8  }
0x11e: {  	[tilespmem:s29], [sflag:$0x2] =	stream.indirect.gather [hbm4b:s20+s26], $0x80, s17, s26, $0xb8;
	[tilespmem:$0x1E080] =	vst v63  }
0x11f: {  	p2 =	sne.s32 s8, $0x4800;
	_ =	swait.ge [sflag:s30], $0x3E80  }
0x120: {  	[sflag:s30] =	ssyncset.done $0x0  }
0x121: {  	s8 =	sadd.s32 $0x14C80, s6;
	[sflag:s30] =	ssyncadd.s32 $0xFFFFC180  }
0x122: {  	[spmem:s1] =	stream.indirect.scatter.add.f32 [tilespmem:s28], [sflag:$0x3], $0x80, s8, s26, $0xb8;
	[tilespmem:$0x1E080] =	vst v63  }
0x123: {  	_ =	swait.ge [sflag:s24], $0x3E80  }
0x124: {  	[sflag:s24] =	ssyncset.done $0x0  }
0x125: {  	s8 =	sadd.s32 $0x13980, s6;
	[sflag:s24] =	ssyncadd.s32 $0xFFFFC180  }
0x126: {  	[tilespmem:s28], [sflag:$0x1] =	stream.indirect.gather [hbm4b:s20+s26], $0x80, s8, s26, $0xb8;
	[tilespmem:$0x1E080] =	vst v63  }
0x127: {  	_ =	swait.ge [sflag:s31], $0x3E80  }
.Ltmp5:
0x128: {  	[sflag:s31] =	ssyncset.done $0x0;
	(pc) =	sbr.rel @p2 .LBB2_16-.Ltmp5, $4  }
0x129: {  	s6 =	sadd.s32 $0x14D00, s6;
	[sflag:s31] =	ssyncadd.s32 $0xFFFFC180  }
0x12a: {  	[spmem:s1] =	stream.indirect.scatter.add.f32 [tilespmem:s29], [sflag:$0x3], $0x80, s6, s26, $0xb8;
	[tilespmem:$0x1E080] =	vst v63  }
0x12b: {  	_ =	swait.ge [sflag:s24], $0x3E80  }
0x12c: {  	s8 =	smov.u32 s21;
	s6 =	sshra.s32 s19, $0x2;
	[sflag:s24] =	ssyncset.done $0x0  }
0x12d: {  	s8 =	sadd.s32 $0x13900, s6;
	[sflag:s24] =	ssyncadd.s32 $0xFFFFC180  }
0x12e: {  	[tilespmem:s29], [sflag:$0x2] =	stream.indirect.gather [hbm4b:s20+s26], $0x80, s8, s26, $0xb8;
	[tilespmem:$0x1E080] =	vst v63  }
0x12f: {  	_ =	swait.ge [sflag:s30], $0x3E80  }
0x130: {  	[sflag:s30] =	ssyncset.done $0x0  }
0x131: {  	s21 =	sadd.s32 $0x14C80, s6;
	[sflag:s30] =	ssyncadd.s32 $0xFFFFC180  }
0x132: {  	[spmem:s1] =	stream.indirect.scatter.add.f32 [tilespmem:s28], [sflag:$0x3], $0x80, s21, s26, $0xb8;
	[tilespmem:$0x1E080] =	vst v63  }
0x133: {  	_ =	swait.ge [sflag:s24], $0x3E80  }
0x134: {  	[sflag:s24] =	ssyncset.done $0x0  }
0x135: {  	s17 =	sadd.s32 $0x13980, s6;
	[sflag:s24] =	ssyncadd.s32 $0xFFFFC180  }
0x136: {  	[tilespmem:s28], [sflag:$0x1] =	stream.indirect.gather [hbm4b:s20+s26], $0x80, s17, s26, $0xb8;
	[tilespmem:$0x1E080] =	vst v63  }
0x137: {  	_ =	swait.ge [sflag:s31], $0x3E80  }
0x138: {  	[sflag:s31] =	ssyncset.done $0x0  }
0x139: {  	s19 =	sadd.s32 $0x14D00, s6;
	[sflag:s31] =	ssyncadd.s32 $0xFFFFC180  }
0x13a: {  	[spmem:s1] =	stream.indirect.scatter.add.f32 [tilespmem:s29], [sflag:$0x3], $0x80, s19, s26, $0xb8;
	[tilespmem:$0x1E080] =	vst v63  }
0x13b: {  	_ =	swait.ge [sflag:s24], $0x3E80  }
0x13c: {  	[sflag:s24] =	ssyncset.done $0x0  }
0x13d: {  	[sflag:s24] =	ssyncadd.s32 $0xFFFFC180  }
0x13e: {  	[tilespmem:s29], [sflag:$0x2] =	stream.indirect.gather [hbm4b:s20+s26], $0x80, s0, s26, $0xb8;
	[tilespmem:$0x1E080] =	vst v63  }
0x13f: {  	_ =	swait.ge [sflag:s30], $0x3E80  }
0x140: {  	[sflag:s30] =	ssyncset.done $0x0  }
0x141: {  	[sflag:s30] =	ssyncadd.s32 $0xFFFFC180  }
0x142: {  	[spmem:s1] =	stream.indirect.scatter.add.f32 [tilespmem:s28], [sflag:$0x3], $0x80, s7, s26, $0xb8;
	[tilespmem:$0x1E080] =	vst v63  }
0x143: {  	_ =	swait.ge [sflag:s24], $0x3E80  }
0x144: {  	[sflag:s24] =	ssyncset.done $0x0  }
0x145: {  	[sflag:s24] =	ssyncadd.s32 $0xFFFFC180  }
0x146: {  	_ =	swait.ge [sflag:s31], $0x3E80  }
0x147: {  	[sflag:s31] =	ssyncset.done $0x0  }
0x148: {  	[sflag:s31] =	ssyncadd.s32 $0xFFFFC180  }
0x149: {  	[spmem:s1] =	stream.indirect.scatter.add.f32 [tilespmem:s29], [sflag:$0x3], $0x80, s9, s26, $0xb8;
	[tilespmem:$0x1E080] =	vst v63  }
0x14a: {  	_ =	swait.ge [sflag:s24], $0x3E80  }
0x14b: {  	[sflag:s24] =	ssyncset.done $0x0  }
0x14c: {  	s21 =	simm.s32 $0x0;
	[sflag:s24] =	ssyncadd.s32 $0xFFFFC180  }
0x14d: {  	[tilespmem:s23], [sflag:$0x3] =	stream.linear.gather [hbm4b:s12+s21], $0x1400, $0x38;
	[tilespmem:$0x1E080] =	vst v63  }
0x14e: {  	_ =	swait.ge [sflag:s24], $0x1400  }
0x14f: {  	[sflag:s24] =	ssyncset.done $0x0  }
0x150: {  	[sflag:s24] =	ssyncadd.s32 $0xFFFFEC00  }
0x151: {  	[tilespmem:s25], [sflag:$0x3] =	stream.linear.gather [hbm4b:s13+s21], $0x1400, $0x38;
	[tilespmem:$0x1E080] =	vst v63  }
0x152: {  	_ =	swait.ge [sflag:s24], $0x1400  }
0x153: {  	[sflag:s24] =	ssyncset.done $0x0  }
0x154: {  	[sflag:s24] =	ssyncadd.s32 $0xFFFFEC00  }
0x155: {  	[tilespmem:s28], [sflag:$0x1] =	stream.indirect.gather [hbm4b:s20+s26], $0x80, s23, s26, $0xb8;
	[tilespmem:$0x1E080] =	vst v63  }
0x156: {  	s8 =	simm.s32 $0x13900  }
0x157: {  	[tilespmem:s29], [sflag:$0x2] =	stream.indirect.gather [hbm4b:s20+s26], $0x80, s8, s26, $0xb8;
	[tilespmem:$0x1E080] =	vst v63  }
0x158: {  	_ =	swait.ge [sflag:s30], $0x3E80  }
0x159: {  	[sflag:s30] =	ssyncset.done $0x0  }
0x15a: {  	s17 =	simm.s32 $0x14C80;
	[sflag:s30] =	ssyncadd.s32 $0xFFFFC180  }
0x15b: {  	[spmem:s1] =	stream.indirect.scatter.add.f32 [tilespmem:s28], [sflag:$0x3], $0x80, s17, s26, $0xb8;
	[tilespmem:$0x1E080] =	vst v63  }
0x15c: {  	_ =	swait.ge [sflag:s24], $0x3E80  }
0x15d: {  	[sflag:s24] =	ssyncset.done $0x0  }
0x15e: {  	s19 =	simm.s32 $0x13980;
	[sflag:s24] =	ssyncadd.s32 $0xFFFFC180  }
0x15f: {  	[tilespmem:s28], [sflag:$0x1] =	stream.indirect.gather [hbm4b:s20+s26], $0x80, s19, s26, $0xb8;
	[tilespmem:$0x1E080] =	vst v63  }
0x160: {  	_ =	swait.ge [sflag:s31], $0x3E80  }
0x161: {  	[sflag:s31] =	ssyncset.done $0x0  }
0x162: {  	s21 =	simm.s32 $0x14D00;
	[sflag:s31] =	ssyncadd.s32 $0xFFFFC180  }
0x163: {  	[spmem:s1] =	stream.indirect.scatter.add.f32 [tilespmem:s29], [sflag:$0x3], $0x80, s21, s26, $0xb8;
	[tilespmem:$0x1E080] =	vst v63  }
0x164: {  	_ =	swait.ge [sflag:s24], $0x3E80  }
0x165: {  	s6 =	simm.s32 $0x100;
	s8 =	simm.s32 $0x800;
	[sflag:s24] =	ssyncset.done $0x0  }
.LBB2_18:
0x166: {  	s17 =	sadd.s32 $0x13900, s6  }
0x167: {  	[sflag:s24] =	ssyncadd.s32 $0xFFFFC180;
	s19 =	smov.u32 s8;
	s21 =	sadd.s32 $0x400, s8  }
0x168: {  	[tilespmem:s29], [sflag:$0x2] =	stream.indirect.gather [hbm4b:s20+s26], $0x80, s17, s26, $0xb8;
	[tilespmem:$0x1E080] =	vst v63  }
0x169: {  	p2 =	sne.s32 s8, $0x4800;
	_ =	swait.ge [sflag:s30], $0x3E80  }
0x16a: {  	[sflag:s30] =	ssyncset.done $0x0  }
0x16b: {  	s8 =	sadd.s32 $0x14C80, s6;
	[sflag:s30] =	ssyncadd.s32 $0xFFFFC180  }
0x16c: {  	[spmem:s1] =	stream.indirect.scatter.add.f32 [tilespmem:s28], [sflag:$0x3], $0x80, s8, s26, $0xb8;
	[tilespmem:$0x1E080] =	vst v63  }
0x16d: {  	_ =	swait.ge [sflag:s24], $0x3E80  }
0x16e: {  	[sflag:s24] =	ssyncset.done $0x0  }
0x16f: {  	s8 =	sadd.s32 $0x13980, s6;
	[sflag:s24] =	ssyncadd.s32 $0xFFFFC180  }
0x170: {  	[tilespmem:s28], [sflag:$0x1] =	stream.indirect.gather [hbm4b:s20+s26], $0x80, s8, s26, $0xb8;
	[tilespmem:$0x1E080] =	vst v63  }
0x171: {  	_ =	swait.ge [sflag:s31], $0x3E80  }
.Ltmp6:
0x172: {  	[sflag:s31] =	ssyncset.done $0x0;
	(pc) =	sbr.rel @p2 .LBB2_18-.Ltmp6, $4  }
0x173: {  	s6 =	sadd.s32 $0x14D00, s6;
	[sflag:s31] =	ssyncadd.s32 $0xFFFFC180  }
0x174: {  	[spmem:s1] =	stream.indirect.scatter.add.f32 [tilespmem:s29], [sflag:$0x3], $0x80, s6, s26, $0xb8;
	[tilespmem:$0x1E080] =	vst v63  }
0x175: {  	_ =	swait.ge [sflag:s24], $0x3E80  }
0x176: {  	s8 =	smov.u32 s21;
	s6 =	sshra.s32 s19, $0x2;
	[sflag:s24] =	ssyncset.done $0x0  }
.Ltmp7:
0x177: {  	_ = 	snop;
	(pc) =	sbr.rel .LBB2_19-.Ltmp7, $1  }
0x178: {  	_ =	sdelay $0x3  }
.LBB2_2:
0x179: {  	s6 =	simm.s32 @p1 $0x1FC3;
	s8 =	rddreg [dreg:$0x6]  }
0x17a: {  	[spmem:s2], [sflag:s6] =	dma.local @p1 [hbm:s8], $0x2800  }
0x17b: {  	s6 =	simm.s32 @p1 $0x3  }
0x17c: {  	_ =	swait.ge @p1 [sflag:s6], $0x2800  }
0x17d: {  	[sflag:s6] =	ssyncset.done @p1 $0x0  }
0x17e: {  	[sflag:s6] =	ssyncadd.s32 @p1 $0xFFFFD800;
	s6 =	rddreg [dreg:$0x4]  }
0x17f: {  	[spmem:s14], [sflag:s16] =	dma.local @!p1 [hbm:s6], $0x2700  }
0x180: {  	s6 =	simm.s32 @!p1 $0x3  }
0x181: {  	_ =	swait.ge @!p1 [sflag:s6], $0x2700  }
0x182: {  	[sflag:s6] =	ssyncset.done @!p1 $0x0  }
0x183: {  	[sflag:s6] =	ssyncadd.s32 @!p1 $0xFFFFD900  }
0x184: {  	s21 =	simm.s32 $0x0;
	[bflag:$0x0] =	sbarrier.arrive $0xFFFF  }
0x185: {  	[tilespmem:s23], [sflag:$0x3] =	stream.linear.gather [hbm4b:s10+s21], $0x1400, $0x38;
	[tilespmem:$0x1E080] =	vst v63  }
0x186: {  	_ =	swait.ge [sflag:s24], $0x1400  }
0x187: {  	[sflag:s24] =	ssyncset.done $0x0  }
0x188: {  	[sflag:s24] =	ssyncadd.s32 $0xFFFFEC00  }
0x189: {  	[tilespmem:s25], [sflag:$0x3] =	stream.linear.gather [hbm4b:s11+s21], $0x1400, $0x38;
	[tilespmem:$0x1E080] =	vst v63  }
0x18a: {  	_ =	swait.ge [sflag:s24], $0x1400  }
0x18b: {  	[sflag:s24] =	ssyncset.done $0x0  }
0x18c: {  	[sflag:s24] =	ssyncadd.s32 $0xFFFFEC00  }
0x18d: {  	[tilespmem:s28], [sflag:$0x1] =	stream.indirect.gather [hbm4b:s4+s26], $0x80, s23, s26, $0xb8;
	[tilespmem:$0x1E080] =	vst v63  }
0x18e: {  	s8 =	simm.s32 $0x13900  }
0x18f: {  	[tilespmem:s29], [sflag:$0x2] =	stream.indirect.gather [hbm4b:s4+s26], $0x80, s8, s26, $0xb8;
	[tilespmem:$0x1E080] =	vst v63  }
0x190: {  	_ =	swait.ge [sflag:s30], $0x3E80  }
0x191: {  	[sflag:s30] =	ssyncset.done $0x0  }
0x192: {  	s17 =	simm.s32 $0x14C80;
	[sflag:s30] =	ssyncadd.s32 $0xFFFFC180  }
0x193: {  	[spmem:s1] =	stream.indirect.scatter.add.f32 [tilespmem:s28], [sflag:$0x3], $0x80, s17, s26, $0xb8;
	[tilespmem:$0x1E080] =	vst v63  }
0x194: {  	_ =	swait.ge [sflag:s24], $0x3E80  }
0x195: {  	[sflag:s24] =	ssyncset.done $0x0  }
0x196: {  	s19 =	simm.s32 $0x13980;
	[sflag:s24] =	ssyncadd.s32 $0xFFFFC180  }
0x197: {  	[tilespmem:s28], [sflag:$0x1] =	stream.indirect.gather [hbm4b:s4+s26], $0x80, s19, s26, $0xb8;
	[tilespmem:$0x1E080] =	vst v63  }
0x198: {  	_ =	swait.ge [sflag:s31], $0x3E80  }
0x199: {  	[sflag:s31] =	ssyncset.done $0x0  }
0x19a: {  	s21 =	simm.s32 $0x14D00;
	[sflag:s31] =	ssyncadd.s32 $0xFFFFC180  }
0x19b: {  	[spmem:s1] =	stream.indirect.scatter.add.f32 [tilespmem:s29], [sflag:$0x3], $0x80, s21, s26, $0xb8;
	[tilespmem:$0x1E080] =	vst v63  }
0x19c: {  	_ =	swait.ge [sflag:s24], $0x3E80  }
0x19d: {  	s6 =	simm.s32 $0x100;
	s8 =	simm.s32 $0x800;
	[sflag:s24] =	ssyncset.done $0x0  }
.LBB2_3:
0x19e: {  	s17 =	sadd.s32 $0x13900, s6  }
0x19f: {  	[sflag:s24] =	ssyncadd.s32 $0xFFFFC180;
	s19 =	smov.u32 s8;
	s21 =	sadd.s32 $0x400, s8  }
0x1a0: {  	[tilespmem:s29], [sflag:$0x2] =	stream.indirect.gather [hbm4b:s4+s26], $0x80, s17, s26, $0xb8;
	[tilespmem:$0x1E080] =	vst v63  }
0x1a1: {  	p2 =	sne.s32 s8, $0x4800;
	_ =	swait.ge [sflag:s30], $0x3E80  }
0x1a2: {  	[sflag:s30] =	ssyncset.done $0x0  }
0x1a3: {  	s8 =	sadd.s32 $0x14C80, s6;
	[sflag:s30] =	ssyncadd.s32 $0xFFFFC180  }
0x1a4: {  	[spmem:s1] =	stream.indirect.scatter.add.f32 [tilespmem:s28], [sflag:$0x3], $0x80, s8, s26, $0xb8;
	[tilespmem:$0x1E080] =	vst v63  }
0x1a5: {  	_ =	swait.ge [sflag:s24], $0x3E80  }
0x1a6: {  	[sflag:s24] =	ssyncset.done $0x0  }
0x1a7: {  	s8 =	sadd.s32 $0x13980, s6;
	[sflag:s24] =	ssyncadd.s32 $0xFFFFC180  }
0x1a8: {  	[tilespmem:s28], [sflag:$0x1] =	stream.indirect.gather [hbm4b:s4+s26], $0x80, s8, s26, $0xb8;
	[tilespmem:$0x1E080] =	vst v63  }
0x1a9: {  	_ =	swait.ge [sflag:s31], $0x3E80  }
.Ltmp8:
0x1aa: {  	[sflag:s31] =	ssyncset.done $0x0;
	(pc) =	sbr.rel @p2 .LBB2_3-.Ltmp8, $4  }
0x1ab: {  	s6 =	sadd.s32 $0x14D00, s6;
	[sflag:s31] =	ssyncadd.s32 $0xFFFFC180  }
0x1ac: {  	[spmem:s1] =	stream.indirect.scatter.add.f32 [tilespmem:s29], [sflag:$0x3], $0x80, s6, s26, $0xb8;
	[tilespmem:$0x1E080] =	vst v63  }
0x1ad: {  	_ =	swait.ge [sflag:s24], $0x3E80  }
0x1ae: {  	s8 =	smov.u32 s21;
	s6 =	sshra.s32 s19, $0x2;
	[sflag:s24] =	ssyncset.done $0x0  }
0x1af: {  	s8 =	sadd.s32 $0x13900, s6;
	[sflag:s24] =	ssyncadd.s32 $0xFFFFC180  }
0x1b0: {  	[tilespmem:s29], [sflag:$0x2] =	stream.indirect.gather [hbm4b:s4+s26], $0x80, s8, s26, $0xb8;
	[tilespmem:$0x1E080] =	vst v63  }
0x1b1: {  	_ =	swait.ge [sflag:s30], $0x3E80  }
0x1b2: {  	[sflag:s30] =	ssyncset.done $0x0  }
0x1b3: {  	s21 =	sadd.s32 $0x14C80, s6;
	[sflag:s30] =	ssyncadd.s32 $0xFFFFC180  }
0x1b4: {  	[spmem:s1] =	stream.indirect.scatter.add.f32 [tilespmem:s28], [sflag:$0x3], $0x80, s21, s26, $0xb8;
	[tilespmem:$0x1E080] =	vst v63  }
0x1b5: {  	_ =	swait.ge [sflag:s24], $0x3E80  }
0x1b6: {  	[sflag:s24] =	ssyncset.done $0x0  }
0x1b7: {  	s17 =	sadd.s32 $0x13980, s6;
	[sflag:s24] =	ssyncadd.s32 $0xFFFFC180  }
0x1b8: {  	[tilespmem:s28], [sflag:$0x1] =	stream.indirect.gather [hbm4b:s4+s26], $0x80, s17, s26, $0xb8;
	[tilespmem:$0x1E080] =	vst v63  }
0x1b9: {  	_ =	swait.ge [sflag:s31], $0x3E80  }
0x1ba: {  	[sflag:s31] =	ssyncset.done $0x0  }
0x1bb: {  	s19 =	sadd.s32 $0x14D00, s6;
	[sflag:s31] =	ssyncadd.s32 $0xFFFFC180  }
0x1bc: {  	[spmem:s1] =	stream.indirect.scatter.add.f32 [tilespmem:s29], [sflag:$0x3], $0x80, s19, s26, $0xb8;
	[tilespmem:$0x1E080] =	vst v63  }
0x1bd: {  	_ =	swait.ge [sflag:s24], $0x3E80  }
0x1be: {  	[sflag:s24] =	ssyncset.done $0x0  }
0x1bf: {  	[sflag:s24] =	ssyncadd.s32 $0xFFFFC180  }
0x1c0: {  	[tilespmem:s29], [sflag:$0x2] =	stream.indirect.gather [hbm4b:s4+s26], $0x80, s0, s26, $0xb8;
	[tilespmem:$0x1E080] =	vst v63  }
0x1c1: {  	_ =	swait.ge [sflag:s30], $0x3E80  }
0x1c2: {  	[sflag:s30] =	ssyncset.done $0x0  }
0x1c3: {  	[sflag:s30] =	ssyncadd.s32 $0xFFFFC180  }
0x1c4: {  	[spmem:s1] =	stream.indirect.scatter.add.f32 [tilespmem:s28], [sflag:$0x3], $0x80, s7, s26, $0xb8;
	[tilespmem:$0x1E080] =	vst v63  }
0x1c5: {  	_ =	swait.ge [sflag:s24], $0x3E80  }
0x1c6: {  	[sflag:s24] =	ssyncset.done $0x0  }
0x1c7: {  	[sflag:s24] =	ssyncadd.s32 $0xFFFFC180  }
0x1c8: {  	_ =	swait.ge [sflag:s31], $0x3E80  }
0x1c9: {  	[sflag:s31] =	ssyncset.done $0x0  }
0x1ca: {  	[sflag:s31] =	ssyncadd.s32 $0xFFFFC180  }
0x1cb: {  	[spmem:s1] =	stream.indirect.scatter.add.f32 [tilespmem:s29], [sflag:$0x3], $0x80, s9, s26, $0xb8;
	[tilespmem:$0x1E080] =	vst v63  }
0x1cc: {  	_ =	swait.ge [sflag:s24], $0x3E80  }
0x1cd: {  	[sflag:s24] =	ssyncset.done $0x0  }
0x1ce: {  	s21 =	simm.s32 $0x0;
	[sflag:s24] =	ssyncadd.s32 $0xFFFFC180  }
0x1cf: {  	[tilespmem:s23], [sflag:$0x3] =	stream.linear.gather [hbm4b:s12+s21], $0x1400, $0x38;
	[tilespmem:$0x1E080] =	vst v63  }
0x1d0: {  	_ =	swait.ge [sflag:s24], $0x1400  }
0x1d1: {  	[sflag:s24] =	ssyncset.done $0x0  }
0x1d2: {  	[sflag:s24] =	ssyncadd.s32 $0xFFFFEC00  }
0x1d3: {  	[tilespmem:s25], [sflag:$0x3] =	stream.linear.gather [hbm4b:s13+s21], $0x1400, $0x38;
	[tilespmem:$0x1E080] =	vst v63  }
0x1d4: {  	_ =	swait.ge [sflag:s24], $0x1400  }
0x1d5: {  	[sflag:s24] =	ssyncset.done $0x0  }
0x1d6: {  	[sflag:s24] =	ssyncadd.s32 $0xFFFFEC00  }
0x1d7: {  	[tilespmem:s28], [sflag:$0x1] =	stream.indirect.gather [hbm4b:s4+s26], $0x80, s23, s26, $0xb8;
	[tilespmem:$0x1E080] =	vst v63  }
0x1d8: {  	s8 =	simm.s32 $0x13900  }
0x1d9: {  	[tilespmem:s29], [sflag:$0x2] =	stream.indirect.gather [hbm4b:s4+s26], $0x80, s8, s26, $0xb8;
	[tilespmem:$0x1E080] =	vst v63  }
0x1da: {  	_ =	swait.ge [sflag:s30], $0x3E80  }
0x1db: {  	[sflag:s30] =	ssyncset.done $0x0  }
0x1dc: {  	s17 =	simm.s32 $0x14C80;
	[sflag:s30] =	ssyncadd.s32 $0xFFFFC180  }
0x1dd: {  	[spmem:s1] =	stream.indirect.scatter.add.f32 [tilespmem:s28], [sflag:$0x3], $0x80, s17, s26, $0xb8;
	[tilespmem:$0x1E080] =	vst v63  }
0x1de: {  	_ =	swait.ge [sflag:s24], $0x3E80  }
0x1df: {  	[sflag:s24] =	ssyncset.done $0x0  }
0x1e0: {  	s19 =	simm.s32 $0x13980;
	[sflag:s24] =	ssyncadd.s32 $0xFFFFC180  }
0x1e1: {  	[tilespmem:s28], [sflag:$0x1] =	stream.indirect.gather [hbm4b:s4+s26], $0x80, s19, s26, $0xb8;
	[tilespmem:$0x1E080] =	vst v63  }
0x1e2: {  	_ =	swait.ge [sflag:s31], $0x3E80  }
0x1e3: {  	[sflag:s31] =	ssyncset.done $0x0  }
0x1e4: {  	s21 =	simm.s32 $0x14D00;
	[sflag:s31] =	ssyncadd.s32 $0xFFFFC180  }
0x1e5: {  	[spmem:s1] =	stream.indirect.scatter.add.f32 [tilespmem:s29], [sflag:$0x3], $0x80, s21, s26, $0xb8;
	[tilespmem:$0x1E080] =	vst v63  }
0x1e6: {  	_ =	swait.ge [sflag:s24], $0x3E80  }
0x1e7: {  	s6 =	simm.s32 $0x100;
	s8 =	simm.s32 $0x800;
	[sflag:s24] =	ssyncset.done $0x0  }
.LBB2_5:
0x1e8: {  	s17 =	sadd.s32 $0x13900, s6  }
0x1e9: {  	[sflag:s24] =	ssyncadd.s32 $0xFFFFC180;
	s19 =	smov.u32 s8;
	s21 =	sadd.s32 $0x400, s8  }
0x1ea: {  	[tilespmem:s29], [sflag:$0x2] =	stream.indirect.gather [hbm4b:s4+s26], $0x80, s17, s26, $0xb8;
	[tilespmem:$0x1E080] =	vst v63  }
0x1eb: {  	p2 =	sne.s32 s8, $0x4800;
	_ =	swait.ge [sflag:s30], $0x3E80  }
0x1ec: {  	[sflag:s30] =	ssyncset.done $0x0  }
0x1ed: {  	s8 =	sadd.s32 $0x14C80, s6;
	[sflag:s30] =	ssyncadd.s32 $0xFFFFC180  }
0x1ee: {  	[spmem:s1] =	stream.indirect.scatter.add.f32 [tilespmem:s28], [sflag:$0x3], $0x80, s8, s26, $0xb8;
	[tilespmem:$0x1E080] =	vst v63  }
0x1ef: {  	_ =	swait.ge [sflag:s24], $0x3E80  }
0x1f0: {  	[sflag:s24] =	ssyncset.done $0x0  }
0x1f1: {  	s8 =	sadd.s32 $0x13980, s6;
	[sflag:s24] =	ssyncadd.s32 $0xFFFFC180  }
0x1f2: {  	[tilespmem:s28], [sflag:$0x1] =	stream.indirect.gather [hbm4b:s4+s26], $0x80, s8, s26, $0xb8;
	[tilespmem:$0x1E080] =	vst v63  }
0x1f3: {  	_ =	swait.ge [sflag:s31], $0x3E80  }
.Ltmp9:
0x1f4: {  	[sflag:s31] =	ssyncset.done $0x0;
	(pc) =	sbr.rel @p2 .LBB2_5-.Ltmp9, $4  }
0x1f5: {  	s6 =	sadd.s32 $0x14D00, s6;
	[sflag:s31] =	ssyncadd.s32 $0xFFFFC180  }
0x1f6: {  	[spmem:s1] =	stream.indirect.scatter.add.f32 [tilespmem:s29], [sflag:$0x3], $0x80, s6, s26, $0xb8;
	[tilespmem:$0x1E080] =	vst v63  }
0x1f7: {  	_ =	swait.ge [sflag:s24], $0x3E80  }
0x1f8: {  	s8 =	smov.u32 s21;
	s6 =	sshra.s32 s19, $0x2;
	[sflag:s24] =	ssyncset.done $0x0  }
0x1f9: {  	s8 =	sadd.s32 $0x13900, s6;
	[sflag:s24] =	ssyncadd.s32 $0xFFFFC180  }
0x1fa: {  	[tilespmem:s29], [sflag:$0x2] =	stream.indirect.gather [hbm4b:s4+s26], $0x80, s8, s26, $0xb8;
	[tilespmem:$0x1E080] =	vst v63  }
0x1fb: {  	_ =	swait.ge [sflag:s30], $0x3E80  }
0x1fc: {  	[sflag:s30] =	ssyncset.done $0x0  }
0x1fd: {  	s21 =	sadd.s32 $0x14C80, s6;
	[sflag:s30] =	ssyncadd.s32 $0xFFFFC180  }
0x1fe: {  	[spmem:s1] =	stream.indirect.scatter.add.f32 [tilespmem:s28], [sflag:$0x3], $0x80, s21, s26, $0xb8;
	[tilespmem:$0x1E080] =	vst v63  }
0x1ff: {  	_ =	swait.ge [sflag:s24], $0x3E80  }
0x200: {  	[sflag:s24] =	ssyncset.done $0x0  }
0x201: {  	s17 =	sadd.s32 $0x13980, s6;
	[sflag:s24] =	ssyncadd.s32 $0xFFFFC180  }
0x202: {  	[tilespmem:s28], [sflag:$0x1] =	stream.indirect.gather [hbm4b:s4+s26], $0x80, s17, s26, $0xb8;
	[tilespmem:$0x1E080] =	vst v63  }
0x203: {  	_ =	swait.ge [sflag:s31], $0x3E80  }
0x204: {  	[sflag:s31] =	ssyncset.done $0x0  }
0x205: {  	s19 =	sadd.s32 $0x14D00, s6;
	[sflag:s31] =	ssyncadd.s32 $0xFFFFC180  }
0x206: {  	[spmem:s1] =	stream.indirect.scatter.add.f32 [tilespmem:s29], [sflag:$0x3], $0x80, s19, s26, $0xb8;
	[tilespmem:$0x1E080] =	vst v63  }
0x207: {  	_ =	swait.ge [sflag:s24], $0x3E80  }
0x208: {  	[sflag:s24] =	ssyncset.done $0x0  }
0x209: {  	[sflag:s24] =	ssyncadd.s32 $0xFFFFC180  }
0x20a: {  	[tilespmem:s29], [sflag:$0x2] =	stream.indirect.gather [hbm4b:s4+s26], $0x80, s0, s26, $0xb8;
	[tilespmem:$0x1E080] =	vst v63  }
0x20b: {  	_ =	swait.ge [sflag:s30], $0x3E80  }
0x20c: {  	[sflag:s30] =	ssyncset.done $0x0  }
0x20d: {  	[sflag:s30] =	ssyncadd.s32 $0xFFFFC180  }
0x20e: {  	[spmem:s1] =	stream.indirect.scatter.add.f32 [tilespmem:s28], [sflag:$0x3], $0x80, s7, s26, $0xb8;
	[tilespmem:$0x1E080] =	vst v63  }
0x20f: {  	_ =	swait.ge [sflag:s24], $0x3E80  }
0x210: {  	[sflag:s24] =	ssyncset.done $0x0  }
0x211: {  	[sflag:s24] =	ssyncadd.s32 $0xFFFFC180  }
0x212: {  	_ =	swait.ge [sflag:s31], $0x3E80  }
0x213: {  	[sflag:s31] =	ssyncset.done $0x0  }
0x214: {  	[sflag:s31] =	ssyncadd.s32 $0xFFFFC180  }
0x215: {  	[spmem:s1] =	stream.indirect.scatter.add.f32 [tilespmem:s29], [sflag:$0x3], $0x80, s9, s26, $0xb8;
	[tilespmem:$0x1E080] =	vst v63  }
0x216: {  	_ =	swait.ge [sflag:s24], $0x3E80  }
0x217: {  	[sflag:s24] =	ssyncset.done $0x0  }
0x218: {  	[sflag:s24] =	ssyncadd.s32 $0xFFFFC180  }
0x219: {  	[bflag:$0x0] =	sbarrier.arrive $0xFFFF  }
0x21a: {  	s6 =	simm.s32 @p1 $0x1FC3;
	s8 =	rddreg [dreg:$0x8]  }
0x21b: {  	[hbm:s8], [sflag:s6] =	dma.local @p1 [spmem:s2], $0x2800  }
0x21c: {  	s8 =	simm.s32 @p1 $0x3  }
0x21d: {  	_ =	swait.ge @p1 [sflag:s8], $0x2800  }
0x21e: {  	[sflag:s8] =	ssyncset.done @p1 $0x0  }
0x21f: {  	s17 =	sadd.s32 @p1 $0x24900, s15;
	[sflag:s8] =	ssyncadd.s32 @p1 $0xFFFFD800  }
0x220: {  	[spmem:s2], [sflag:s6] =	dma.local @p1 [hbm:s17], $0x2800  }
0x221: {  	_ =	swait.ge @p1 [sflag:s8], $0x2800  }
0x222: {  	[sflag:s8] =	ssyncset.done @p1 $0x0  }
0x223: {  	s6 =	rddreg [dreg:$0x7];
	[sflag:s8] =	ssyncadd.s32 @p1 $0xFFFFD800  }
0x224: {  	[hbm:s6], [sflag:s16] =	dma.local @!p1 [spmem:s14], $0x2700  }
0x225: {  	s6 =	simm.s32 @!p1 $0x3  }
0x226: {  	_ =	swait.ge @!p1 [sflag:s6], $0x2700  }
0x227: {  	[sflag:s6] =	ssyncset.done @!p1 $0x0  }
0x228: {  	s8 =	sadd.s32 @!p1 s5, s15;
	[sflag:s6] =	ssyncadd.s32 @!p1 $0xFFFFD900  }
0x229: {  	[spmem:s14], [sflag:s16] =	dma.local @!p1 [hbm:s8], $0x2700  }
0x22a: {  	_ =	swait.ge @!p1 [sflag:s6], $0x2700  }
0x22b: {  	[sflag:s6] =	ssyncset.done @!p1 $0x0  }
0x22c: {  	[sflag:s6] =	ssyncadd.s32 @!p1 $0xFFFFD900  }
0x22d: {  	s21 =	simm.s32 $0x0;
	[bflag:$0x0] =	sbarrier.arrive $0xFFFF  }
0x22e: {  	[tilespmem:s23], [sflag:$0x3] =	stream.linear.gather [hbm4b:s10+s21], $0x1400, $0x38;
	[tilespmem:$0x1E080] =	vst v63  }
0x22f: {  	_ =	swait.ge [sflag:s24], $0x1400  }
0x230: {  	[sflag:s24] =	ssyncset.done $0x0  }
0x231: {  	[sflag:s24] =	ssyncadd.s32 $0xFFFFEC00  }
0x232: {  	[tilespmem:s25], [sflag:$0x3] =	stream.linear.gather [hbm4b:s11+s21], $0x1400, $0x38;
	[tilespmem:$0x1E080] =	vst v63  }
0x233: {  	_ =	swait.ge [sflag:s24], $0x1400  }
0x234: {  	[sflag:s24] =	ssyncset.done $0x0  }
0x235: {  	[sflag:s24] =	ssyncadd.s32 $0xFFFFEC00  }
0x236: {  	[tilespmem:s28], [sflag:$0x1] =	stream.indirect.gather [hbm4b:s15+s26], $0x80, s23, s26, $0xb8;
	[tilespmem:$0x1E080] =	vst v63  }
0x237: {  	s8 =	simm.s32 $0x13900  }
0x238: {  	[tilespmem:s29], [sflag:$0x2] =	stream.indirect.gather [hbm4b:s15+s26], $0x80, s8, s26, $0xb8;
	[tilespmem:$0x1E080] =	vst v63  }
0x239: {  	_ =	swait.ge [sflag:s30], $0x3E80  }
0x23a: {  	[sflag:s30] =	ssyncset.done $0x0  }
0x23b: {  	s17 =	simm.s32 $0x14C80;
	[sflag:s30] =	ssyncadd.s32 $0xFFFFC180  }
0x23c: {  	[spmem:s1] =	stream.indirect.scatter.add.f32 [tilespmem:s28], [sflag:$0x3], $0x80, s17, s26, $0xb8;
	[tilespmem:$0x1E080] =	vst v63  }
0x23d: {  	_ =	swait.ge [sflag:s24], $0x3E80  }
0x23e: {  	[sflag:s24] =	ssyncset.done $0x0  }
0x23f: {  	s19 =	simm.s32 $0x13980;
	[sflag:s24] =	ssyncadd.s32 $0xFFFFC180  }
0x240: {  	[tilespmem:s28], [sflag:$0x1] =	stream.indirect.gather [hbm4b:s15+s26], $0x80, s19, s26, $0xb8;
	[tilespmem:$0x1E080] =	vst v63  }
0x241: {  	_ =	swait.ge [sflag:s31], $0x3E80  }
0x242: {  	[sflag:s31] =	ssyncset.done $0x0  }
0x243: {  	s21 =	simm.s32 $0x14D00;
	[sflag:s31] =	ssyncadd.s32 $0xFFFFC180  }
0x244: {  	[spmem:s1] =	stream.indirect.scatter.add.f32 [tilespmem:s29], [sflag:$0x3], $0x80, s21, s26, $0xb8;
	[tilespmem:$0x1E080] =	vst v63  }
0x245: {  	_ =	swait.ge [sflag:s24], $0x3E80  }
0x246: {  	s6 =	simm.s32 $0x100;
	s8 =	simm.s32 $0x800;
	[sflag:s24] =	ssyncset.done $0x0  }
.LBB2_7:
0x247: {  	s17 =	sadd.s32 $0x13900, s6  }
0x248: {  	[sflag:s24] =	ssyncadd.s32 $0xFFFFC180;
	s19 =	smov.u32 s8;
	s21 =	sadd.s32 $0x400, s8  }
0x249: {  	[tilespmem:s29], [sflag:$0x2] =	stream.indirect.gather [hbm4b:s15+s26], $0x80, s17, s26, $0xb8;
	[tilespmem:$0x1E080] =	vst v63  }
0x24a: {  	p2 =	sne.s32 s8, $0x4800;
	_ =	swait.ge [sflag:s30], $0x3E80  }
0x24b: {  	[sflag:s30] =	ssyncset.done $0x0  }
0x24c: {  	s8 =	sadd.s32 $0x14C80, s6;
	[sflag:s30] =	ssyncadd.s32 $0xFFFFC180  }
0x24d: {  	[spmem:s1] =	stream.indirect.scatter.add.f32 [tilespmem:s28], [sflag:$0x3], $0x80, s8, s26, $0xb8;
	[tilespmem:$0x1E080] =	vst v63  }
0x24e: {  	_ =	swait.ge [sflag:s24], $0x3E80  }
0x24f: {  	[sflag:s24] =	ssyncset.done $0x0  }
0x250: {  	s8 =	sadd.s32 $0x13980, s6;
	[sflag:s24] =	ssyncadd.s32 $0xFFFFC180  }
0x251: {  	[tilespmem:s28], [sflag:$0x1] =	stream.indirect.gather [hbm4b:s15+s26], $0x80, s8, s26, $0xb8;
	[tilespmem:$0x1E080] =	vst v63  }
0x252: {  	_ =	swait.ge [sflag:s31], $0x3E80  }
.Ltmp10:
0x253: {  	[sflag:s31] =	ssyncset.done $0x0;
	(pc) =	sbr.rel @p2 .LBB2_7-.Ltmp10, $4  }
0x254: {  	s6 =	sadd.s32 $0x14D00, s6;
	[sflag:s31] =	ssyncadd.s32 $0xFFFFC180  }
0x255: {  	[spmem:s1] =	stream.indirect.scatter.add.f32 [tilespmem:s29], [sflag:$0x3], $0x80, s6, s26, $0xb8;
	[tilespmem:$0x1E080] =	vst v63  }
0x256: {  	_ =	swait.ge [sflag:s24], $0x3E80  }
0x257: {  	s8 =	smov.u32 s21;
	s6 =	sshra.s32 s19, $0x2;
	[sflag:s24] =	ssyncset.done $0x0  }
0x258: {  	s8 =	sadd.s32 $0x13900, s6;
	[sflag:s24] =	ssyncadd.s32 $0xFFFFC180  }
0x259: {  	[tilespmem:s29], [sflag:$0x2] =	stream.indirect.gather [hbm4b:s15+s26], $0x80, s8, s26, $0xb8;
	[tilespmem:$0x1E080] =	vst v63  }
0x25a: {  	_ =	swait.ge [sflag:s30], $0x3E80  }
0x25b: {  	[sflag:s30] =	ssyncset.done $0x0  }
0x25c: {  	s21 =	sadd.s32 $0x14C80, s6;
	[sflag:s30] =	ssyncadd.s32 $0xFFFFC180  }
0x25d: {  	[spmem:s1] =	stream.indirect.scatter.add.f32 [tilespmem:s28], [sflag:$0x3], $0x80, s21, s26, $0xb8;
	[tilespmem:$0x1E080] =	vst v63  }
0x25e: {  	_ =	swait.ge [sflag:s24], $0x3E80  }
0x25f: {  	[sflag:s24] =	ssyncset.done $0x0  }
0x260: {  	s17 =	sadd.s32 $0x13980, s6;
	[sflag:s24] =	ssyncadd.s32 $0xFFFFC180  }
0x261: {  	[tilespmem:s28], [sflag:$0x1] =	stream.indirect.gather [hbm4b:s15+s26], $0x80, s17, s26, $0xb8;
	[tilespmem:$0x1E080] =	vst v63  }
0x262: {  	_ =	swait.ge [sflag:s31], $0x3E80  }
0x263: {  	[sflag:s31] =	ssyncset.done $0x0  }
0x264: {  	s19 =	sadd.s32 $0x14D00, s6;
	[sflag:s31] =	ssyncadd.s32 $0xFFFFC180  }
0x265: {  	[spmem:s1] =	stream.indirect.scatter.add.f32 [tilespmem:s29], [sflag:$0x3], $0x80, s19, s26, $0xb8;
	[tilespmem:$0x1E080] =	vst v63  }
0x266: {  	_ =	swait.ge [sflag:s24], $0x3E80  }
0x267: {  	[sflag:s24] =	ssyncset.done $0x0  }
0x268: {  	[sflag:s24] =	ssyncadd.s32 $0xFFFFC180  }
0x269: {  	[tilespmem:s29], [sflag:$0x2] =	stream.indirect.gather [hbm4b:s15+s26], $0x80, s0, s26, $0xb8;
	[tilespmem:$0x1E080] =	vst v63  }
0x26a: {  	_ =	swait.ge [sflag:s30], $0x3E80  }
0x26b: {  	[sflag:s30] =	ssyncset.done $0x0  }
0x26c: {  	[sflag:s30] =	ssyncadd.s32 $0xFFFFC180  }
0x26d: {  	[spmem:s1] =	stream.indirect.scatter.add.f32 [tilespmem:s28], [sflag:$0x3], $0x80, s7, s26, $0xb8;
	[tilespmem:$0x1E080] =	vst v63  }
0x26e: {  	_ =	swait.ge [sflag:s24], $0x3E80  }
0x26f: {  	[sflag:s24] =	ssyncset.done $0x0  }
0x270: {  	[sflag:s24] =	ssyncadd.s32 $0xFFFFC180  }
0x271: {  	_ =	swait.ge [sflag:s31], $0x3E80  }
0x272: {  	[sflag:s31] =	ssyncset.done $0x0  }
0x273: {  	[sflag:s31] =	ssyncadd.s32 $0xFFFFC180  }
0x274: {  	[spmem:s1] =	stream.indirect.scatter.add.f32 [tilespmem:s29], [sflag:$0x3], $0x80, s9, s26, $0xb8;
	[tilespmem:$0x1E080] =	vst v63  }
0x275: {  	_ =	swait.ge [sflag:s24], $0x3E80  }
0x276: {  	[sflag:s24] =	ssyncset.done $0x0  }
0x277: {  	s21 =	simm.s32 $0x0;
	[sflag:s24] =	ssyncadd.s32 $0xFFFFC180  }
0x278: {  	[tilespmem:s23], [sflag:$0x3] =	stream.linear.gather [hbm4b:s12+s21], $0x1400, $0x38;
	[tilespmem:$0x1E080] =	vst v63  }
0x279: {  	_ =	swait.ge [sflag:s24], $0x1400  }
0x27a: {  	[sflag:s24] =	ssyncset.done $0x0  }
0x27b: {  	[sflag:s24] =	ssyncadd.s32 $0xFFFFEC00  }
0x27c: {  	[tilespmem:s25], [sflag:$0x3] =	stream.linear.gather [hbm4b:s13+s21], $0x1400, $0x38;
	[tilespmem:$0x1E080] =	vst v63  }
0x27d: {  	_ =	swait.ge [sflag:s24], $0x1400  }
0x27e: {  	[sflag:s24] =	ssyncset.done $0x0  }
0x27f: {  	[sflag:s24] =	ssyncadd.s32 $0xFFFFEC00  }
0x280: {  	[tilespmem:s28], [sflag:$0x1] =	stream.indirect.gather [hbm4b:s15+s26], $0x80, s23, s26, $0xb8;
	[tilespmem:$0x1E080] =	vst v63  }
0x281: {  	s8 =	simm.s32 $0x13900  }
0x282: {  	[tilespmem:s29], [sflag:$0x2] =	stream.indirect.gather [hbm4b:s15+s26], $0x80, s8, s26, $0xb8;
	[tilespmem:$0x1E080] =	vst v63  }
0x283: {  	_ =	swait.ge [sflag:s30], $0x3E80  }
0x284: {  	[sflag:s30] =	ssyncset.done $0x0  }
0x285: {  	s17 =	simm.s32 $0x14C80;
	[sflag:s30] =	ssyncadd.s32 $0xFFFFC180  }
0x286: {  	[spmem:s1] =	stream.indirect.scatter.add.f32 [tilespmem:s28], [sflag:$0x3], $0x80, s17, s26, $0xb8;
	[tilespmem:$0x1E080] =	vst v63  }
0x287: {  	_ =	swait.ge [sflag:s24], $0x3E80  }
0x288: {  	[sflag:s24] =	ssyncset.done $0x0  }
0x289: {  	s19 =	simm.s32 $0x13980;
	[sflag:s24] =	ssyncadd.s32 $0xFFFFC180  }
0x28a: {  	[tilespmem:s28], [sflag:$0x1] =	stream.indirect.gather [hbm4b:s15+s26], $0x80, s19, s26, $0xb8;
	[tilespmem:$0x1E080] =	vst v63  }
0x28b: {  	_ =	swait.ge [sflag:s31], $0x3E80  }
0x28c: {  	[sflag:s31] =	ssyncset.done $0x0  }
0x28d: {  	s21 =	simm.s32 $0x14D00;
	[sflag:s31] =	ssyncadd.s32 $0xFFFFC180  }
0x28e: {  	[spmem:s1] =	stream.indirect.scatter.add.f32 [tilespmem:s29], [sflag:$0x3], $0x80, s21, s26, $0xb8;
	[tilespmem:$0x1E080] =	vst v63  }
0x28f: {  	_ =	swait.ge [sflag:s24], $0x3E80  }
0x290: {  	s6 =	simm.s32 $0x100;
	s8 =	simm.s32 $0x800;
	[sflag:s24] =	ssyncset.done $0x0  }
.LBB2_9:
0x291: {  	s17 =	sadd.s32 $0x13900, s6  }
0x292: {  	[sflag:s24] =	ssyncadd.s32 $0xFFFFC180;
	s19 =	smov.u32 s8;
	s21 =	sadd.s32 $0x400, s8  }
0x293: {  	[tilespmem:s29], [sflag:$0x2] =	stream.indirect.gather [hbm4b:s15+s26], $0x80, s17, s26, $0xb8;
	[tilespmem:$0x1E080] =	vst v63  }
0x294: {  	p2 =	sne.s32 s8, $0x4800;
	_ =	swait.ge [sflag:s30], $0x3E80  }
0x295: {  	[sflag:s30] =	ssyncset.done $0x0  }
0x296: {  	s8 =	sadd.s32 $0x14C80, s6;
	[sflag:s30] =	ssyncadd.s32 $0xFFFFC180  }
0x297: {  	[spmem:s1] =	stream.indirect.scatter.add.f32 [tilespmem:s28], [sflag:$0x3], $0x80, s8, s26, $0xb8;
	[tilespmem:$0x1E080] =	vst v63  }
0x298: {  	_ =	swait.ge [sflag:s24], $0x3E80  }
0x299: {  	[sflag:s24] =	ssyncset.done $0x0  }
0x29a: {  	s8 =	sadd.s32 $0x13980, s6;
	[sflag:s24] =	ssyncadd.s32 $0xFFFFC180  }
0x29b: {  	[tilespmem:s28], [sflag:$0x1] =	stream.indirect.gather [hbm4b:s15+s26], $0x80, s8, s26, $0xb8;
	[tilespmem:$0x1E080] =	vst v63  }
0x29c: {  	_ =	swait.ge [sflag:s31], $0x3E80  }
.Ltmp11:
0x29d: {  	[sflag:s31] =	ssyncset.done $0x0;
	(pc) =	sbr.rel @p2 .LBB2_9-.Ltmp11, $4  }
0x29e: {  	s6 =	sadd.s32 $0x14D00, s6;
	[sflag:s31] =	ssyncadd.s32 $0xFFFFC180  }
0x29f: {  	[spmem:s1] =	stream.indirect.scatter.add.f32 [tilespmem:s29], [sflag:$0x3], $0x80, s6, s26, $0xb8;
	[tilespmem:$0x1E080] =	vst v63  }
0x2a0: {  	_ =	swait.ge [sflag:s24], $0x3E80  }
0x2a1: {  	s8 =	smov.u32 s21;
	s6 =	sshra.s32 s19, $0x2;
	[sflag:s24] =	ssyncset.done $0x0  }
0x2a2: {  	s8 =	sadd.s32 $0x13900, s6;
	[sflag:s24] =	ssyncadd.s32 $0xFFFFC180  }
0x2a3: {  	[tilespmem:s29], [sflag:$0x2] =	stream.indirect.gather [hbm4b:s15+s26], $0x80, s8, s26, $0xb8;
	[tilespmem:$0x1E080] =	vst v63  }
0x2a4: {  	_ =	swait.ge [sflag:s30], $0x3E80  }
0x2a5: {  	[sflag:s30] =	ssyncset.done $0x0  }
0x2a6: {  	s17 =	sadd.s32 $0x14C80, s6;
	[sflag:s30] =	ssyncadd.s32 $0xFFFFC180  }
0x2a7: {  	[spmem:s1] =	stream.indirect.scatter.add.f32 [tilespmem:s28], [sflag:$0x3], $0x80, s17, s26, $0xb8;
	[tilespmem:$0x1E080] =	vst v63  }
0x2a8: {  	_ =	swait.ge [sflag:s24], $0x3E80  }
0x2a9: {  	[sflag:s24] =	ssyncset.done $0x0  }
0x2aa: {  	s19 =	sadd.s32 $0x13980, s6;
	[sflag:s24] =	ssyncadd.s32 $0xFFFFC180  }
0x2ab: {  	[tilespmem:s28], [sflag:$0x1] =	stream.indirect.gather [hbm4b:s15+s26], $0x80, s19, s26, $0xb8;
	[tilespmem:$0x1E080] =	vst v63  }
0x2ac: {  	_ =	swait.ge [sflag:s31], $0x3E80  }
0x2ad: {  	[sflag:s31] =	ssyncset.done $0x0  }
0x2ae: {  	s21 =	sadd.s32 $0x14D00, s6;
	[sflag:s31] =	ssyncadd.s32 $0xFFFFC180  }
0x2af: {  	[spmem:s1] =	stream.indirect.scatter.add.f32 [tilespmem:s29], [sflag:$0x3], $0x80, s21, s26, $0xb8;
	[tilespmem:$0x1E080] =	vst v63  }
0x2b0: {  	_ =	swait.ge [sflag:s24], $0x3E80  }
0x2b1: {  	[sflag:s24] =	ssyncset.done $0x0  }
0x2b2: {  	[sflag:s24] =	ssyncadd.s32 $0xFFFFC180  }
0x2b3: {  	[tilespmem:s29], [sflag:$0x2] =	stream.indirect.gather [hbm4b:s15+s26], $0x80, s0, s26, $0xb8;
	[tilespmem:$0x1E080] =	vst v63  }
0x2b4: {  	_ =	swait.ge [sflag:s30], $0x3E80  }
0x2b5: {  	[sflag:s30] =	ssyncset.done $0x0  }
0x2b6: {  	[sflag:s30] =	ssyncadd.s32 $0xFFFFC180  }
0x2b7: {  	[spmem:s1] =	stream.indirect.scatter.add.f32 [tilespmem:s28], [sflag:$0x3], $0x80, s7, s26, $0xb8;
	[tilespmem:$0x1E080] =	vst v63  }
0x2b8: {  	_ =	swait.ge [sflag:s24], $0x3E80  }
0x2b9: {  	[sflag:s24] =	ssyncset.done $0x0  }
0x2ba: {  	[sflag:s24] =	ssyncadd.s32 $0xFFFFC180  }
0x2bb: {  	_ =	swait.ge [sflag:s31], $0x3E80  }
0x2bc: {  	[sflag:s31] =	ssyncset.done $0x0  }
0x2bd: {  	[sflag:s31] =	ssyncadd.s32 $0xFFFFC180  }
0x2be: {  	[spmem:s1] =	stream.indirect.scatter.add.f32 [tilespmem:s29], [sflag:$0x3], $0x80, s9, s26, $0xb8;
	[tilespmem:$0x1E080] =	vst v63  }
0x2bf: {  	_ =	swait.ge [sflag:s24], $0x3E80  }
0x2c0: {  	[sflag:s24] =	ssyncset.done $0x0  }
0x2c1: {  	[sflag:s24] =	ssyncadd.s32 $0xFFFFC180  }
0x2c2: {  	[bflag:$0x0] =	sbarrier.arrive $0xFFFF  }
0x2c3: {  	s17 =	rddreg [dreg:$0x9]  }
0x2c4: {  	s8 =	simm.s32 @p1 $0x1FC3;
	s6 =	sadd.s32 @p1 $0x24900, s17  }
0x2c5: {  	[hbm:s6], [sflag:s8] =	dma.local @p1 [spmem:s2], $0x2800  }
0x2c6: {  	s2 =	simm.s32 @p1 $0x3  }
0x2c7: {  	_ =	swait.ge @p1 [sflag:s2], $0x2800  }
0x2c8: {  	[sflag:s2] =	ssyncset.done @p1 $0x0  }
0x2c9: {  	[sflag:s2] =	ssyncadd.s32 @p1 $0xFFFFD800;
	s2 =	sadd.s32 @!p1 s5, s17  }
0x2ca: {  	[hbm:s2], [sflag:s16] =	dma.local @!p1 [spmem:s14], $0x2700  }
.Ltmp12:
0x2cb: {  	_ = 	snop;
	(pc) =	sbr.rel .LBB2_20-.Ltmp12, $4  }
0x2cc: {  	s2 =	simm.s32 @!p1 $0x3  }
0x2cd: {  	_ =	swait.ge @!p1 [sflag:s2], $0x2700  }
0x2ce: {  	[sflag:s2] =	ssyncset.done @!p1 $0x0  }
0x2cf: {  	[sflag:s2] =	ssyncadd.s32 @!p1 $0xFFFFD900  }
.LBB2_21:
0x2d0: {  	_ =	sfence.sel $0x180000  }
0x2d1: {  	[bflag:$0x0] =	sbarrier.arrive $0xFFFF  }
0x2d2: {  	_ =	strace $0x9000004D  }
0x2d3: {  	s0 =	stileid.u32;
	[bflag:$0x2] =	sbarrier.arrive $0xFFFF  }
0x2d4: {  	p0 =	sne.s32 s0, $0x0;
	s0 =	rddreg [dreg:$0x2]  }
0x2d5: {  	s0 =	sadd.s32 @!p0 $0x100000, s0  }
0x2d6: {  	[sflag:s0] =	ssyncadd.tile.s32 @!p0 $0x1;
	_ =	shalt  }
.Lfunc_end2:
_tile_overlayer_lowered:
.L_overlay_start_2:
0x2d7: {  	(tag) =	ssettag $0x2  }
0x2d8: {  	s0 =	rddreg [dreg:$0x0];
	s2 =	stileid.u32  }
0x2d9: {  	s1 =	rddreg [dreg:$0x1];
	p0 =	sne.s32 s2, $0x0  }
0x2da: {  	s3 =	rddreg [dreg:$0x2];
	[bflag:$0x3] =	sbarrier.arrive $0xFFFF;
	s2 =	simm.s32 @!p0 $0x1C03  }
0x2db: {  	[timem:s3], [sflag:s2] =	dma.local @!p0 [hbm:s0], s1  }
0x2dc: {  	s0 =	simm.s32 @!p0 $0x3  }
0x2dd: {  	_ =	swait.ge @!p0 [sflag:s0], s1  }
0x2de: {  	s1 =	ssub.s32 @!p0 $0x0, s1;
	[sflag:s0] =	ssyncset.done @!p0 $0x0  }
0x2df: {  	[sflag:s0] =	ssyncadd.s32 @!p0 s1  }
0x2e0: {  	[bflag:$0x3] =	sbarrier.arrive $0xFFFF  }
0x2e1: {  	_ =	shalt  }

// kernel: kernel.8.cloned.1.call-start
scs
__scs_entry_jumppad:
0x0: {  	(pc) =	sbr.rel $0x88, $3  }
0x1: {  	(tag) =	ssettag $0x0;
	lr =	simm.s32 $0x1  }
0x2: {  	[smem:$0x3F98] =	sst lr;
	_ =	strace $0xD0000000  }
0x3: {  	_ = 	snop  }
0x4: {  	_ = 	snop  }
0x5: {  	_ = 	snop  }
0x6: {  	_ = 	snop  }
0x7: {  	_ = 	snop  }
__scs_overlays_trampoline_lowered:
0x8: {  	[smem:$0x3FA7] =	sst s0  }
0x9: {  	[smem:$0x3FA8] =	sst s1  }
0xa: {  	[smem:$0x3FA9] =	sst s2  }
0xb: {  	[smem:$0x3FAA] =	sst s3  }
0xc: {  	[smem:$0x3FAB] =	sst s4  }
0xd: {  	[smem:$0x3FAC] =	sst s5  }
0xe: {  	[smem:$0x3FAD] =	sst s6  }
0xf: {  	[smem:$0x3FAE] =	sst s7  }
0x10: {  	[smem:$0x3FAF] =	sst s8  }
0x11: {  	[smem:$0x3FB0] =	sst s9;
	s0 =	simm.s32 @!p0 $0x0  }
0x12: {  	s1 =	sld [smem:$0x3F96];
	s0 =	simm.s32 @p0 $0x1  }
0x13: {  	[smem:$0x3FB1] =	sst s0;
	s0 =	simm.s32 @!p1 $0x0  }
0x14: {  	s2 =	sld [smem:$0x3F95];
	s0 =	simm.s32 @p1 $0x1  }
0x15: {  	[smem:$0x3FB2] =	sst s0;
	s0 =	simm.s32 @!p2 $0x0  }
0x16: {  	s3 =	sld [smem:$0x3FDB];
	s0 =	simm.s32 @p2 $0x1  }
0x17: {  	s4 =	simm.s32 $0x1BF5;
	[smem:$0x3FB4] =	sst s0  }
0x18: {  	s0 =	sld [smem:$0x3F97];
	_ =	swait.ge [sflag:s4], $0x0  }
0x19: {  	s7 =	sld [smem:$0x3F98]  }
0x1a: {  	s8 =	sadd.s32 $0xFFFFE003, lr  }
0x1b: {  	s9 =	sadd.s32 $0xFFFFFEF7, lr;
	s5 =	simm.s32 $0xFFFFFFFF;
	p2 =	slt.u32 s8, $0xFFFFF086  }
0x1c: {  	p1 =	slt.u32 s9, $0xF7A;
	s5 =	simm.s32 @!p2 $0x0  }
0x1d: {  	s5 =	simm.s32 @p1 $0x1;
	p0 =	seq.s32 s7, s2  }
0x1e: {  	s7 =	smul.u32 @!p0 $0xF7A, s2;
	p2 =	seq.s32 @!p0 s5, $0x0  }
0x1f: {  	s9 =	smul.u32 $0xF7A, s1;
	s8 =	simm.s32 @!p0 $0x1BF5;
	p2 =	por !p2, p0  }
0x20: {  	[sflag:s8] =	ssyncset.s32 @!p0 $0xFFFFF086;
	s6 =	sadd.s32 @!p0 s3, s7;
	s7 =	simm.s32 @!p0 $0x108  }
0x21: {  	s3 =	sadd.s32 s3, s9;
	s6 =	sadd.s32 @!p0 $0x88, s6;
	s7 =	simm.s32 @p2 $0x1082  }
0x22: {  	[simem:s7], [sflag:s8] =	dma.local @!p0 [hbm:s6], $0xF7A  }
0x23: {  	s9 =	sor.u32 $0xD0000000, s2;
	s6 =	simm.s32 $0x108;
	_ =	swait.ge @!p0 [sflag:s8], $0x0  }
0x24: {  	s3 =	sadd.s32 $0x88, s3;
	s6 =	simm.s32 @!p1 $0x1082;
	[sflag:s4] =	ssyncset.s32 $0xFFFFF086  }
0x25: {  	[simem:s6], [sflag:s4] =	dma.local [hbm:s3], $0xF7A  }
0x26: {  	[smem:$0x3F98] =	sst s1;
	(tag) =	ssettag s2;
	_ =	strace s9  }
0x27: {  	s1 =	sld [smem:$0x3FA8]  }
0x28: {  	s2 =	sld [smem:$0x3FA9]  }
0x29: {  	s4 =	sld [smem:$0x3FAB]  }
0x2a: {  	p0 =	seq.s32 s5, $0x0;
	s5 =	sld [smem:$0x3FAC]  }
0x2b: {  	s6 =	sld [smem:$0x3FAD]  }
0x2c: {  	s7 =	sld [smem:$0x3FAE]  }
0x2d: {  	s3 =	simm.s32 $0x108;
	s8 =	sld [smem:$0x3FAF]  }
0x2e: {  	s3 =	simm.s32 @!p0 $0x1082;
	s9 =	sld [smem:$0x3FB0]  }
0x2f: {  	lr =	sadd.s32 s0, s3;
	s0 =	sld [smem:$0x3FA7]  }
0x30: {  	s3 =	sld [smem:$0x3FAA]  }
0x31: {  	[smem:$0x3FB3] =	sst s10  }
0x32: {  	s10 =	sld [smem:$0x3FB1];
	_ =	sdelay $0x3  }
0x33: {  	p0 =	seq.s32 s10, $0x1;
	s10 =	sld [smem:$0x3FB3];
	_ =	sdelay $0x3  }
0x34: {  	[smem:$0x3FB3] =	sst s10  }
0x35: {  	s10 =	sld [smem:$0x3FB2];
	_ =	sdelay $0x3  }
0x36: {  	p1 =	seq.s32 s10, $0x1;
	s10 =	sld [smem:$0x3FB3];
	_ =	sdelay $0x3  }
0x37: {  	[smem:$0x3FB3] =	sst s10  }
0x38: {  	s10 =	sld [smem:$0x3FB4]  }
0x39: {  	_ = 	snop;
	(pc) =	sbr.ind lr, $3  }
0x3a: {  	_ = 	snop  }
0x3b: {  	_ = 	snop  }
0x3c: {  	p2 =	seq.s32 s10, $0x1;
	s10 =	sld [smem:$0x3FB3]  }
0x3d: {  	_ =	shalt  }
0x3e: {  	_ =	shalt  }
0x3f: {  	_ =	shalt  }
0x40: {  	_ =	shalt  }
0x41: {  	_ =	shalt  }
0x42: {  	_ =	shalt  }
0x43: {  	_ =	shalt  }
0x44: {  	_ =	shalt  }
0x45: {  	_ =	shalt  }
0x46: {  	_ =	shalt  }
0x47: {  	_ =	shalt  }
0x48: {  	_ =	shalt  }
0x49: {  	_ =	shalt  }
0x4a: {  	_ =	shalt  }
0x4b: {  	_ =	shalt  }
0x4c: {  	_ =	shalt  }
0x4d: {  	_ =	shalt  }
0x4e: {  	_ =	shalt  }
0x4f: {  	_ =	shalt  }
0x50: {  	_ =	shalt  }
0x51: {  	_ =	shalt  }
0x52: {  	_ =	shalt  }
0x53: {  	_ =	shalt  }
0x54: {  	_ =	shalt  }
0x55: {  	_ =	shalt  }
0x56: {  	_ =	shalt  }
0x57: {  	_ =	shalt  }
0x58: {  	_ =	shalt  }
0x59: {  	_ =	shalt  }
0x5a: {  	_ =	shalt  }
0x5b: {  	_ =	shalt  }
0x5c: {  	_ =	shalt  }
0x5d: {  	_ =	shalt  }
0x5e: {  	_ =	shalt  }
0x5f: {  	_ =	shalt  }
0x60: {  	_ =	shalt  }
0x61: {  	_ =	shalt  }
0x62: {  	_ =	shalt  }
0x63: {  	_ =	shalt  }
0x64: {  	_ =	shalt  }
0x65: {  	_ =	shalt  }
0x66: {  	_ =	shalt  }
0x67: {  	_ =	shalt  }
0x68: {  	_ =	shalt  }
0x69: {  	_ =	shalt  }
0x6a: {  	_ =	shalt  }
0x6b: {  	_ =	shalt  }
0x6c: {  	_ =	shalt  }
0x6d: {  	_ =	shalt  }
0x6e: {  	_ =	shalt  }
0x6f: {  	_ =	shalt  }
0x70: {  	_ =	shalt  }
0x71: {  	_ =	shalt  }
0x72: {  	_ =	shalt  }
0x73: {  	_ =	shalt  }
0x74: {  	_ =	shalt  }
0x75: {  	_ =	shalt  }
0x76: {  	_ =	shalt  }
0x77: {  	_ =	shalt  }
0x78: {  	_ =	shalt  }
0x79: {  	_ =	shalt  }
0x7a: {  	_ =	shalt  }
0x7b: {  	_ =	shalt  }
0x7c: {  	_ =	shalt  }
0x7d: {  	_ =	shalt  }
0x7e: {  	_ =	shalt  }
0x7f: {  	_ =	shalt  }
0x80: {  	_ =	shalt  }
0x81: {  	_ =	shalt  }
0x82: {  	_ =	shalt  }
0x83: {  	_ =	shalt  }
0x84: {  	_ =	shalt  }
0x85: {  	_ =	shalt  }
0x86: {  	_ =	shalt  }
0x87: {  	_ =	shalt  }
.Lfunc_end0:
.L_simem_size_0:
called_computation_lowered:
.L_overlay_start_0:
0x88: {  	s2 =	sld [smem:$0x3FD9]  }
0x89: {  	s3 =	sld [smem:$0x3FFE];
	_ =	sdelay $0x1  }
0x8a: {  	s1 =	srdreg.scid  }
0x8b: {  	s0 =	sand.u32 $0x1, s1  }
0x8c: {  	s16 =	sshll.u32 s0, $0xA;
	s2 =	sadd.s32 s3, s2  }
0x8d: {  	s2 =	sadd.s32 s2, s16  }
0x8e: {  	[smem:$0x3FBF] =	sst s2  }
0x8f: {  	_ = 	snop  }
0x90: {  	(tm) =	ssettm $0x1  }
0x91: {  	s17 =	sld [smem:$0x3FFB];
	_ =	sdelay $0x3  }
0x92: {  	_ =	strace s17  }
0x93: {  	s2 =	sld [smem:$0x3FFC];
	_ =	sdelay $0x3  }
0x94: {  	_ =	strace s2  }
0x95: {  	s2 =	sld [smem:$0x3FFD];
	_ =	sdelay $0x3  }
0x96: {  	_ =	strace s2  }
0x97: {  	_ =	strace $0x8FFFFFFF  }
0x98: {  	s18 =	sld [smem:$0x3FDB];
	_ =	sdelay $0x1  }
0x99: {  	s19 =	simm.s32 $_scs_section_size  }
0x9a: {  	s4 =	simm.s32 $_size__tile_overlayer_lowered;
	s5 =	simm.s32 $_tile_overlayer_lowered  }
0x9b: {  	s22 =	simm.s32 $0x1BFF;
	s21 =	sshll.u32 s5, $0x1;
	s2 =	sadd.s32 s19, s18  }
0x9c: {  	s6 =	simm.s32 $0x0;
	s20 =	sshll.u32 s4, $0x1;
	s4 =	sadd.s32 s21, s2  }
0x9d: {  	[timem:s6], [sflag:s22] =	dma.local [hbm:s4], s20  }
0x9e: {  	_ =	swait.ge [sflag:s22], s20  }
0x9f: {  	s3 =	ssub.s32 $0x0, s20;
	[sflag:s22] =	ssyncset.done $0x0  }
0xa0: {  	[sflag:s22] =	ssyncadd.s32 s3;
	_ =	sdelay $0x1  }
0xa1: {  	s23 =	simm.s32 $0x1B8B  }
0xa2: {  	_ =	swait.ge [sflag:s23], $0x1  }
0xa3: {  	[sflag:s23] =	ssyncset.done $0x0  }
0xa4: {  	s25 =	simm.s32 $0x1B8E;
	s24 =	sld [smem:$0x3FFE];
	[sflag:s23] =	ssyncadd.s32 $0xFFFFFFFF  }
0xa5: {  	s26 =	simm.s32 $execute0_lowered;
	[smem:$0x3FD2] =	sst s25  }
0xa6: {  	s4 =	sshll.u32 s26, $0x1;
	_ =	strace $0x80000046;
	[dreg:$0x1] =	wrdreg $0xFFFFFFFF  }
0xa7: {  	s28 =	simm.s32 $_size_execute0_lowered;
	s2 =	sadd.s32 s2, s4;
	[dreg:$0x0] =	wrdreg $0x0  }
0xa8: {  	s4 =	sshll.u32 s28, $0x1;
	[dreg:$0x2] =	wrdreg s2  }
0xa9: {  	[dreg:$0x3] =	wrdreg s4  }
0xaa: {  	[dreg:$0x4] =	wrdreg $0xC0  }
0xab: {  	_ =	task [dreg:s6], $0x5FFFF  }
0xac: {  	[dreg:$0x1] =	wrdreg $0xFFFFFFFF  }
0xad: {  	[dreg:$0x0] =	wrdreg $0x60  }
0xae: {  	[dreg:$0x2] =	wrdreg s24  }
0xaf: {  	[dreg:$0x3] =	wrdreg $0x0  }
0xb0: {  	[dreg:$0x4] =	wrdreg $0x9  }
0xb1: {  	_ =	task.clear_ibuf [dreg:s6], $0x5FFFF;
	_ =	strace $0x90000046  }
0xb2: {  	s29 =	simm.s32 $0x9;
	_ =	strace $0x80000048  }
0xb3: {  	_ =	swait.ge [sflag:s29], $0x1  }
0xb4: {  	[sflag:s29] =	ssyncadd.s32 $0xFFFFFFFF  }
0xb5: {  	_ =	strace $0x90000048  }
0xb6: {  	_ =	sfence  }
0xb7: {  	s30 =	sld [smem:$0x0];
	_ =	sdelay $0x2  }
0xb8: {  	s31 =	sshll.u32 s1, $0xD;
	s1 =	sshrl.u32 s1, $0x2  }
0xb9: {  	s3 =	sand.u32 $0x4000, s31;
	s1 =	sadd.s32 s1, s30  }
0xba: {  	s0 =	sor.u32 s3, s0;
	s1 =	sshll.u32 s1, $0x11  }
0xbb: {  	s0 =	sor.u32 s1, s0  }
0xbc: {  	s0 =	sadd.s32 $0x8F2B, s0  }
0xbd: {  	[sflag:s0] =	ssyncadd.remote.s32 $0x1  }
0xbe: {  	_ =	sfence.sel $0xFFFF  }
0xbf: {  	[dreg:$0x0] =	wrdreg $0xFFFFFFFF;
	(pc) =	sbr.abs _section_cstart, $3  }
0xc0: {  	[dreg:$0x1] =	wrdreg $0xFFFFFFFF  }
0xc1: {  	_ =	task.clear_ibuf [dreg:s6], $0x2FFFF;
	_ =	strace $0x9FFFFFFF  }
0xc2: {  	(tm) =	ssettm $0x7FFFFFFF  }
0xc3: {  	_ =	shalt  }
tec
execute0_lowered:
.L_overlay_start_1:
0x0: {  	(tag) =	ssettag $0x1  }
0x1: {  	s11 =	rddreg [dreg:$0x0]  }
0x2: {  	s0 =	srdreg.scid;
	s2 =	rddreg [dreg:$0x1];
	s3 =	simm.s32 $0x0  }
0x3: {  	s14 =	simm.s32 $0x1;
	s15 =	simm.s32 $0x7D;
	s16 =	simm.s32 $0x4F8  }
0x4: {  	s17 =	simm.s32 $0x0;
	s7 =	sand.u32 $0x1, s0;
	s0 =	stileid.u32  }
0x5: {  	[smem:$0x7FF] =	sst s3;
	s1 =	sshll.u32 s7, $0x4;
	s8 =	smul.u32 $0x270, s0  }
0x6: {  	s5 =	smul.u32 $0x9C0, s0;
	s31 =	ssub.s32 $0x2, s7;
	p4 =	seq.s32 s7, $0x1  }
0x7: {  	p0 =	seq.s32 s0, $0xF;
	s1 =	sor.u32 s0, s1;
	s10 =	sshrl.u32 s31, $0x1  }
0x8: {  	p2 =	seq.s32 @p4 s0, $0xF;
	p5 =	seq.s32 @!p4 s0, $0xF;
	s4 =	smul.u32 $0x280, s1  }
0x9: {  	s1 =	rddreg [dreg:$0x2];
	_ =	strace $0x80000047;
	s9 =	sshrl.u32 s8, $0x3  }
0xa: {  	s5 =	sshrl.u32 s5, $0x2;
	s13 =	ssub.s32 s31, s10;
	s7 =	sadd.s32 s8, s2  }
0xb: {  	p1 =	por !p2, !p4;
	p2 =	por p2, !p4;
	p3 =	por !p5, p4  }
0xc: {  	p4 =	por p5, p4;
	s12 =	sadd.s32 s9, s11;
	s9 =	sadd.s32 $0x7492, s11  }
0xd: {  	s6 =	sadd.s32 s4, s11;
	s4 =	sadd.s32 s5, s2;
	s5 =	sadd.s32 $0x2490, s2  }
0xe: {  	s8 =	sadd.s32 $0x7000, s12;
	s10 =	sadd.s32 $0x7600, s12;
	s11 =	sadd.s32 $0x7A92, s11  }
0xf: {  	v0 =	vimm.f32 $0.0e+00;
	v1 =	vimm.f32 $1.000000000e+00;
	s12 =	smax.u32 s13, $0x1;
	s13 =	simm.s32 $0x578;
	s6 =	sadd.s32 $0x2000, s6  }
.LBB2_1:
0x10: {  	[tilespmem:$0x278] =	vst v0  }
0x11: {  	[tilespmem:$0x288] =	vst v0  }
0x12: {  	[tilespmem:$0x298] =	vst v0  }
0x13: {  	[tilespmem:$0x2A8] =	vst v0  }
0x14: {  	[tilespmem:$0x2B8] =	vst v0  }
0x15: {  	[tilespmem:$0x2C8] =	vst v0  }
0x16: {  	[tilespmem:$0x2D8] =	vst v0  }
0x17: {  	[tilespmem:$0x2E8] =	vst v0  }
0x18: {  	[tilespmem:$0x2F8] =	vst v0  }
0x19: {  	[tilespmem:$0x308] =	vst v0  }
0x1a: {  	[tilespmem:$0x318] =	vst v0  }
0x1b: {  	[tilespmem:$0x328] =	vst v0  }
0x1c: {  	[tilespmem:$0x338] =	vst v0  }
0x1d: {  	[tilespmem:$0x348] =	vst v0  }
0x1e: {  	[tilespmem:$0x358] =	vst v0  }
0x1f: {  	[tilespmem:$0x368] =	vst v0  }
0x20: {  	[tilespmem:$0x378] =	vst v0  }
0x21: {  	[tilespmem:$0x388] =	vst v0  }
0x22: {  	[tilespmem:$0x398] =	vst v0  }
0x23: {  	[tilespmem:$0x3A8] =	vst v0  }
0x24: {  	[tilespmem:$0x3B8] =	vst v0  }
0x25: {  	[tilespmem:$0x3C8] =	vst v0  }
0x26: {  	[tilespmem:$0x3D8] =	vst v0  }
0x27: {  	[tilespmem:$0x3E8] =	vst v0  }
0x28: {  	[tilespmem:$0x3F8] =	vst v0  }
0x29: {  	[tilespmem:$0x408] =	vst v0  }
0x2a: {  	[tilespmem:$0x418] =	vst v0  }
0x2b: {  	[tilespmem:$0x428] =	vst v0  }
0x2c: {  	[tilespmem:$0x438] =	vst v0  }
0x2d: {  	[tilespmem:$0x448] =	vst v0  }
0x2e: {  	[tilespmem:$0x458] =	vst v0  }
0x2f: {  	[tilespmem:$0x468] =	vst v0  }
0x30: {  	[tilespmem:$0x478] =	vst v0  }
0x31: {  	[tilespmem:$0x488] =	vst v0  }
0x32: {  	[tilespmem:$0x498] =	vst v0  }
0x33: {  	[tilespmem:$0x4A8] =	vst v0  }
0x34: {  	[tilespmem:$0x4B8] =	vst v0  }
0x35: {  	[tilespmem:$0x4C8] =	vst v0  }
0x36: {  	[tilespmem:$0x4D8] =	vst v0  }
0x37: {  	[tilespmem:$0x4E8] =	vst v0  }
0x38: {  	[tilespmem:$0x4F8] =	vst v1  }
0x39: {  	[tilespmem:$0x508] =	vst v1  }
0x3a: {  	[tilespmem:$0x518] =	vst v1  }
0x3b: {  	[tilespmem:$0x528] =	vst v1  }
0x3c: {  	[tilespmem:$0x538] =	vst v1  }
0x3d: {  	[tilespmem:$0x548] =	vst v1  }
0x3e: {  	[tilespmem:$0x558] =	vst v1  }
0x3f: {  	[tilespmem:$0x568] =	vst v1;
	s18 =	simm.s32 @p0 $0x278  }
0x40: {  	[spmem:s5] =	stream.linear.scatter @p0 [tilespmem:s18], [sflag:$0x1], $0x280, $0x38;
	[tilespmem:$0x1978] =	vst v63  }
0x41: {  	s18 =	simm.s32 @p0 $0x1  }
0x42: {  	_ =	swait.ge @p0 [sflag:s18], $0x280  }
0x43: {  	[sflag:s18] =	ssyncset.done @p0 $0x0  }
0x44: {  	[sflag:s18] =	ssyncadd.s32 @p0 $0xFFFFFD80;
	s18 =	simm.s32 @!p0 $0x278  }
0x45: {  	[spmem:s4] =	stream.linear.scatter @!p0 [tilespmem:s18], [sflag:$0x1], $0x270, $0x38;
	[tilespmem:$0x1978] =	vst v63  }
0x46: {  	s18 =	simm.s32 @!p0 $0x1  }
0x47: {  	_ =	swait.ge @!p0 [sflag:s18], $0x270  }
0x48: {  	[sflag:s18] =	ssyncset.done @!p0 $0x0  }
0x49: {  	[sflag:s18] =	ssyncadd.s32 @!p0 $0xFFFFFD90  }
0x4a: {  	[bflag:$0x0] =	sbarrier.arrive $0xFFFF  }
0x4b: {  	[tilespmem:s13], [sflag:$0x1] =	stream.linear.gather [hbm4b:s6+s3], $0x1400, $0x38;
	[tilespmem:$0x1978] =	vst v63  }
0x4c: {  	_ =	swait.ge [sflag:s14], $0x1400  }
0x4d: {  	[sflag:s14] =	ssyncset.done $0x0  }
0x4e: {  	s31 =	simm.s32 $0x578;
	[sflag:s14] =	ssyncadd.s32 $0xFFFFEC00  }
0x4f: {  	[spmem:s2] =	stream.indirect.scatter.add.f32 [tilespmem:s16], [sflag:$0x1], $0x1, s31, s15, $0xb8;
	[tilespmem:$0x1978] =	vst v63  }
0x50: {  	s18 =	simm.s32 $0x200;
	_ =	swait.ge [sflag:s14], $0x7D  }
.LBB2_2:
0x51: {  	s19 =	sshra.s32 s18, $0x2;
	[sflag:s14] =	ssyncset.done $0x0;
	p5 =	sne.s32 s18, $0x4E00  }
.Ltmp0:
0x52: {  	s19 =	sadd.s32 $0x578, s19;
	[sflag:s14] =	ssyncadd.s32 $0xFFFFFF83;
	(pc) =	sbr.rel @p5 .LBB2_2-.Ltmp0, $3  }
0x53: {  	[spmem:s2] =	stream.indirect.scatter.add.f32 [tilespmem:s16], [sflag:$0x1], $0x1, s19, s15, $0xb8;
	[tilespmem:$0x1978] =	vst v63  }
0x54: {  	s18 =	sadd.s32 $0x200, s18;
	_ =	sdelay $0x1  }
0x55: {  	_ =	swait.ge [sflag:s14], $0x7D  }
0x56: {  	[sflag:s14] =	ssyncset.done $0x0  }
0x57: {  	[sflag:s14] =	ssyncadd.s32 $0xFFFFFF83  }
0x58: {  	s18 =	simm.s32 @!p1 $0x278;
	s19 =	simm.s32 @!p1 $0x1;
	[bflag:$0x0] =	sbarrier.arrive $0xFFFF  }
0x59: {  	[tilespmem:s18], [sflag:$0x1] =	stream.linear.gather @!p1 [spmem:s5], $0x280, $0x38;
	[tilespmem:$0x1978] =	vst v63  }
0x5a: {  	_ =	swait.ge @!p1 [sflag:s19], $0x280  }
0x5b: {  	[sflag:s19] =	ssyncset.done @!p1 $0x0  }
0x5c: {  	s20 =	simm.s32 @!p1 $0x0;
	[sflag:s19] =	ssyncadd.s32 @!p1 $0xFFFFFD80  }
0x5d: {  	[hbm4b:s11+s20] =	stream.linear.scatter @!p1 [tilespmem:s18], [sflag:$0x1], $0x280, $0x38;
	[tilespmem:$0x1978] =	vst v63  }
0x5e: {  	_ =	swait.ge @!p1 [sflag:s19], $0x280  }
0x5f: {  	[sflag:s19] =	ssyncset.done @!p1 $0x0  }
0x60: {  	s18 =	simm.s32 @!p2 $0x278;
	[sflag:s19] =	ssyncadd.s32 @!p1 $0xFFFFFD80;
	s19 =	simm.s32 @!p2 $0x1  }
0x61: {  	[tilespmem:s18], [sflag:$0x1] =	stream.linear.gather @!p2 [spmem:s7], $0x270, $0x38;
	[tilespmem:$0x1978] =	vst v63  }
0x62: {  	_ =	swait.ge @!p2 [sflag:s19], $0x270  }
0x63: {  	[sflag:s19] =	ssyncset.done @!p2 $0x0  }
0x64: {  	s20 =	simm.s32 @!p2 $0x0;
	[sflag:s19] =	ssyncadd.s32 @!p2 $0xFFFFFD90  }
0x65: {  	[hbm4b:s10+s20] =	stream.linear.scatter @!p2 [tilespmem:s18], [sflag:$0x1], $0x270, $0x38;
	[tilespmem:$0x1978] =	vst v63  }
0x66: {  	_ =	swait.ge @!p2 [sflag:s19], $0x270  }
0x67: {  	[sflag:s19] =	ssyncset.done @!p2 $0x0  }
0x68: {  	s18 =	simm.s32 @!p3 $0x278;
	[sflag:s19] =	ssyncadd.s32 @!p2 $0xFFFFFD90;
	s19 =	simm.s32 @!p3 $0x1  }
0x69: {  	[tilespmem:s18], [sflag:$0x1] =	stream.linear.gather @!p3 [spmem:s5], $0x280, $0x38;
	[tilespmem:$0x1978] =	vst v63  }
0x6a: {  	_ =	swait.ge @!p3 [sflag:s19], $0x280  }
0x6b: {  	[sflag:s19] =	ssyncset.done @!p3 $0x0  }
0x6c: {  	s20 =	simm.s32 @!p3 $0x0;
	[sflag:s19] =	ssyncadd.s32 @!p3 $0xFFFFFD80  }
0x6d: {  	[hbm4b:s9+s20] =	stream.linear.scatter @!p3 [tilespmem:s18], [sflag:$0x1], $0x280, $0x38;
	[tilespmem:$0x1978] =	vst v63  }
0x6e: {  	_ =	swait.ge @!p3 [sflag:s19], $0x280  }
0x6f: {  	[sflag:s19] =	ssyncset.done @!p3 $0x0  }
0x70: {  	s18 =	simm.s32 @!p4 $0x278;
	[sflag:s19] =	ssyncadd.s32 @!p3 $0xFFFFFD80;
	s19 =	simm.s32 @!p4 $0x1  }
0x71: {  	[tilespmem:s18], [sflag:$0x1] =	stream.linear.gather @!p4 [spmem:s7], $0x270, $0x38;
	[tilespmem:$0x1978] =	vst v63  }
0x72: {  	s17 =	sadd.s32 $0x1, s17;
	_ =	swait.ge @!p4 [sflag:s19], $0x270  }
0x73: {  	p5 =	sne.s32 s17, s12;
	[sflag:s19] =	ssyncset.done @!p4 $0x0  }
.Ltmp1:
0x74: {  	s20 =	simm.s32 @!p4 $0x0;
	[sflag:s19] =	ssyncadd.s32 @!p4 $0xFFFFFD90;
	(pc) =	sbr.rel @p5 .LBB2_1-.Ltmp1, $4  }
0x75: {  	[hbm4b:s8+s20] =	stream.linear.scatter @!p4 [tilespmem:s18], [sflag:$0x1], $0x270, $0x38;
	[tilespmem:$0x1978] =	vst v63  }
0x76: {  	_ =	swait.ge @!p4 [sflag:s19], $0x270  }
0x77: {  	[sflag:s19] =	ssyncset.done @!p4 $0x0  }
0x78: {  	[sflag:s19] =	ssyncadd.s32 @!p4 $0xFFFFFD90  }
0x79: {  	_ =	sfence.sel $0x180000  }
0x7a: {  	[bflag:$0x0] =	sbarrier.arrive $0xFFFF  }
0x7b: {  	p0 =	sne.s32 s0, $0x0;
	_ =	strace $0x90000047  }
0x7c: {  	s0 =	sadd.s32 @!p0 $0x100000, s1;
	[bflag:$0x2] =	sbarrier.arrive $0xFFFF  }
0x7d: {  	[sflag:s0] =	ssyncadd.tile.s32 @!p0 $0x1;
	_ =	shalt  }
.Lfunc_end2:
_tile_overlayer_lowered:
.L_overlay_start_2:
0x7e: {  	(tag) =	ssettag $0x2  }
0x7f: {  	s0 =	rddreg [dreg:$0x0];
	s2 =	stileid.u32  }
0x80: {  	s1 =	rddreg [dreg:$0x1];
	p0 =	sne.s32 s2, $0x0  }
0x81: {  	s3 =	rddreg [dreg:$0x2];
	[bflag:$0x3] =	sbarrier.arrive $0xFFFF;
	s2 =	simm.s32 @!p0 $0x1C01  }
0x82: {  	[timem:s3], [sflag:s2] =	dma.local @!p0 [hbm:s0], s1  }
0x83: {  	s0 =	simm.s32 @!p0 $0x1  }
0x84: {  	_ =	swait.ge @!p0 [sflag:s0], s1  }
0x85: {  	s1 =	ssub.s32 @!p0 $0x0, s1;
	[sflag:s0] =	ssyncset.done @!p0 $0x0  }
0x86: {  	[sflag:s0] =	ssyncadd.s32 @!p0 s1  }
0x87: {  	[bflag:$0x3] =	sbarrier.arrive $0xFFFF  }
0x88: {  	_ =	shalt  }

</sc_bundles>
